<compile_context>
chip_gen: v7x
topology: tpu7x:2x2x1
jax: 0.10.2.dev20260603
libtpu: 0.0.44.dev20260713+nightly
codegen_flags: <defaults>
</compile_context>

<pallas_src>
import functools

import jax
import jax.numpy as jnp
import numpy as np
from jax import lax
from jax.experimental import pallas as pl
from jax.experimental.pallas import tpu as pltpu
from jax.experimental.pallas import tpu_sc as plsc

N_SCALARS = 8
NUM_REP = 4
L_MAX = 2
ROW = 24
NB_E = 4
LW = ROW * NB_E
DIST = 16
HID = 72

_MESH = dict(core_axis_name="c", subcore_axis_name="s", num_cores=2,
             num_subcores=16)
NW = 32
IDXB = 80
CR = 200
CHE = CR * NB_E
NBURST = CHE // IDXB


def _sc_gather(table, idx, n_edges):
    q = n_edges // NB_E
    rows_per_w = q // NW
    n_chunks = rows_per_w // CR

    @functools.partial(
        pl.kernel,
        mesh=plsc.VectorSubcoreMesh(**_MESH),
        compiler_params=pltpu.CompilerParams(use_tc_tiling_on_sc=False),
        out_type=jax.ShapeDtypeStruct((q, LW), jnp.float32),
        scratch_types=[
            pltpu.VMEM((CHE,), jnp.int32),
            pltpu.VMEM((CHE, ROW), jnp.float32),
            pltpu.SemaphoreType.DMA,
        ],
    )
    def gk(table_hbm, idx_hbm, out_hbm, idx_v, rows_v, sem):
        wid = lax.axis_index("s") * 2 + lax.axis_index("c")
        base = wid * rows_per_w

        def body(i, carry):
            row0 = pl.multiple_of(base + i * CR, CR)
            for j in range(NB_E):
                pltpu.sync_copy(idx_hbm.at[pl.ds(j * q + row0, CR)],
                                idx_v.at[pl.ds(j * CR, CR)])
            handles = []
            for b in range(NBURST):
                handles.append(pltpu.async_copy(
                    table_hbm.at[idx_v.at[pl.ds(b * IDXB, IDXB)]],
                    rows_v.at[pl.ds(b * IDXB, IDXB)], sem))
            for h in handles:
                h.wait()
            for j in range(NB_E):
                pltpu.sync_copy(
                    rows_v.at[pl.ds(j * CR, CR)],
                    out_hbm.at[pl.ds(row0, CR), pl.ds(j * ROW, ROW)])
            return carry

        lax.fori_loop(0, n_chunks, body, 0)

    return gk(table, idx)


def _make_consts():
    pa = np.zeros((32, LW), np.float32)
    pb = np.zeros((32, LW), np.float32)
    pc = np.zeros((32, LW), np.float32)
    for e in range(NB_E):
        for p in range(8):
            k = p >> 2
            pa[e * 8 + k * 4 + 0, e * ROW + 8 + p] = 1.0
            pa[e * 8 + k * 4 + 3, e * ROW + 16 + p] = 1.0
            pb[e * 8 + k * 4 + 1, e * ROW + 8 + p] = 1.0
            pc[e * 8 + k * 4 + 2, e * ROW + 16 + p] = 1.0
    ones8 = np.zeros((LW,), np.float32)
    for e in range(NB_E):
        ones8[e * ROW:e * ROW + 8] = 1.0
    return pa, pb, pc, ones8


_PA, _PB, _PC, _ONES8 = _make_consts()


def _dense_body(g_ref, de_ref, rot_ref,
                pa_ref, pb_ref, pc_ref, ones_ref,
                w1_ref, b1_ref, w2_ref, b2_ref, out_ref):
    f32 = jnp.float32
    rot_b = rot_ref[...]
    a = jnp.dot(rot_b, pa_ref[...], preferred_element_type=f32) + ones_ref[...]
    bco = jnp.dot(rot_b, pb_ref[...], preferred_element_type=f32)
    cco = jnp.dot(rot_b, pc_ref[...], preferred_element_type=f32)

    g = g_ref[...]
    u = (g * a + pltpu.roll(g, LW - 8, 1) * bco
         + pltpu.roll(g, 8, 1) * cco)

    x_in = jnp.concatenate([de_ref[...], u], axis=1)
    h = jnp.dot(x_in, w1_ref[...], preferred_element_type=f32) + b1_ref[...]
    h = jnp.maximum(h, 0.0)
    o = jnp.dot(h, w2_ref[...], preferred_element_type=f32) + b2_ref[...]

    bo = pltpu.roll(cco, LW - 8, 1)
    co = pltpu.roll(bco, 8, 1)
    out_ref[...] = (o * a + pltpu.roll(o, LW - 8, 1) * bo
                    + pltpu.roll(o, 8, 1) * co)


def _dense_stage(gathered, de, rot_flat, w1bd, b1t, w2bd, b2t, blk=4000):
    n_rows = gathered.shape[0]
    q = n_rows
    de_p = jnp.concatenate([de[j * q:(j + 1) * q] for j in range(NB_E)],
                           axis=1)
    rot_p = jnp.concatenate(
        [rot_flat[j * q:(j + 1) * q] for j in range(NB_E)], axis=1)
    return pl.pallas_call(
        _dense_body,
        grid=(n_rows // blk,),
        in_specs=[
            pl.BlockSpec((blk, LW), lambda i: (i, 0)),
            pl.BlockSpec((blk, NB_E * DIST), lambda i: (i, 0)),
            pl.BlockSpec((blk, NB_E * 8), lambda i: (i, 0)),
            pl.BlockSpec((NB_E * 8, LW), lambda i: (0, 0)),
            pl.BlockSpec((NB_E * 8, LW), lambda i: (0, 0)),
            pl.BlockSpec((NB_E * 8, LW), lambda i: (0, 0)),
            pl.BlockSpec((1, LW), lambda i: (0, 0)),
            pl.BlockSpec((NB_E * DIST + LW, NB_E * HID), lambda i: (0, 0)),
            pl.BlockSpec((1, NB_E * HID), lambda i: (0, 0)),
            pl.BlockSpec((NB_E * HID, LW), lambda i: (0, 0)),
            pl.BlockSpec((1, LW), lambda i: (0, 0)),
        ],
        out_specs=pl.BlockSpec((blk, LW), lambda i: (i, 0)),
        out_shape=jax.ShapeDtypeStruct((n_rows, LW), jnp.float32),
    )(gathered, de_p, rot_p,
      jnp.asarray(_PA), jnp.asarray(_PB), jnp.asarray(_PC),
      jnp.asarray(_ONES8).reshape(1, LW), w1bd, b1t, w2bd, b2t)


def _make_weights(W1, b1, W2, b2):
    yrow = lambda p, l: 24 + (p & 3) * 4 + (p >> 2) * 2 + l
    in_rows = ([16 + r for r in range(8)]
               + [yrow(p, 0) for p in range(8)]
               + [yrow(p, 1) for p in range(8)])
    mcol = lambda p, m: 8 + (p & 3) * 4 + (p >> 2) * 2 + m
    out_cols = (list(range(8)) + [mcol(p, 0) for p in range(8)]
                + [mcol(p, 1) for p in range(8)])
    out_cols = np.array(out_cols)

    w1bd = jnp.zeros((NB_E * DIST + LW, NB_E * HID), jnp.float32)
    w2bd = jnp.zeros((NB_E * HID, LW), jnp.float32)
    for e in range(NB_E):
        w1bd = w1bd.at[e * DIST:(e + 1) * DIST,
                       e * HID:(e + 1) * HID].set(W1[:DIST])
        w1bd = w1bd.at[NB_E * DIST + e * ROW:NB_E * DIST + (e + 1) * ROW,
                       e * HID:(e + 1) * HID].set(W1[np.array(in_rows)])
        w2bd = w2bd.at[e * HID:(e + 1) * HID,
                       e * ROW:(e + 1) * ROW].set(W2[:, out_cols])
    b1t = jnp.tile(b1, NB_E).reshape(1, NB_E * HID)
    b2t = jnp.tile(b2[out_cols], NB_E).reshape(1, LW)
    return w1bd, b1t, w2bd, b2t


def _sc_scatter(msgs, col, n_edges, n_nodes):
    q = n_edges // NB_E
    half = n_nodes // 2
    acc_rows = 51200
    rows_per_tec = q // 16
    n_chunks = rows_per_tec // CR
    zero_rows_per_tec = acc_rows // 16
    drain_a = 3128
    drain_b = half - 15 * drain_a

    @functools.partial(
        pl.kernel,
        mesh=plsc.VectorSubcoreMesh(**_MESH),
        compiler_params=pltpu.CompilerParams(use_tc_tiling_on_sc=False),
        out_type=jax.ShapeDtypeStruct((n_nodes, ROW), jnp.float32),
        scratch_types=[
            pltpu.VMEM((2, CHE), jnp.int32),
            pltpu.VMEM((NBURST, IDXB), jnp.int32),
            pltpu.VMEM((2 * CHE, ROW), jnp.float32),
            pltpu.VMEM_SHARED((acc_rows, ROW), jnp.float32),
            pltpu.SemaphoreType.DMA,
            pltpu.SemaphoreType.DMA,
            pltpu.SemaphoreType.DMA,
        ],
    )
    def sk(msg_hbm, col_hbm, out_hbm, col_v, loc_v, msg_v, acc,
           lsem0, lsem1, ssem):
        c = lax.axis_index("c")
        t = lax.axis_index("s")
        node_base = c * half

        zeros16 = jnp.zeros((16,), jnp.float32)

        def zbody(i, carry):
            msg_v[i // 2, pl.ds((i % 2) * 8, 16)] = zeros16
            return carry
        lax.fori_loop(0, CHE * 2, zbody, 0)
        for qq in range(zero_rows_per_tec // CHE):
            pltpu.sync_copy(
                msg_v.at[pl.ds(0, CHE)],
                acc.at[pl.ds(t * zero_rows_per_tec + qq * CHE, CHE)])
        plsc.subcore_barrier()

        def row0_of(ci):
            return pl.multiple_of(t * rows_per_tec + ci * CR, CR)

        def issue_loads(ci, buf, lsem):
            row0 = row0_of(ci)
            for j in range(NB_E):
                pltpu.async_copy(col_hbm.at[pl.ds(j * q + row0, CR)],
                                 col_v.at[buf, pl.ds(j * CR, CR)], lsem)
                pltpu.async_copy(
                    msg_hbm.at[pl.ds(row0, CR), pl.ds(j * ROW, ROW)],
                    msg_v.at[pl.ds(buf * CHE + j * CR, CR)], lsem)

        def wait_loads(ci, buf, lsem):
            row0 = row0_of(ci)
            for j in range(NB_E):
                pltpu.make_async_copy(
                    col_hbm.at[pl.ds(j * q + row0, CR)],
                    col_v.at[buf, pl.ds(j * CR, CR)], lsem).wait()
                pltpu.make_async_copy(
                    msg_hbm.at[pl.ds(row0, CR), pl.ds(j * ROW, ROW)],
                    msg_v.at[pl.ds(buf * CHE + j * CR, CR)], lsem).wait()

        def process(buf):
            for b in range(NBURST):
                for gs in range(IDXB // 16):
                    v = col_v[buf, pl.ds(b * IDXB + gs * 16, 16)]
                    li = v - node_base
                    ok = (li >= 0) & (li < half)
                    loc_v[b, pl.ds(gs * 16, 16)] = jnp.where(ok, li, half)
            handles = []
            for b in range(NBURST):
                handles.append(pltpu.async_copy(
                    msg_v.at[pl.ds(buf * CHE + b * IDXB, IDXB)],
                    acc.at[loc_v.at[b]], ssem, add=True))
            for h in handles:
                h.wait()

        issue_loads(0, 0, lsem0)

        def body(i, carry):
            ci0 = i * 2
            wait_loads(ci0, 0, lsem0)

            @pl.when(ci0 + 1 < n_chunks)
            def _():
                issue_loads(ci0 + 1, 1, lsem1)
            process(0)

            @pl.when(ci0 + 1 < n_chunks)
            def _():
                wait_loads(ci0 + 1, 1, lsem1)

                @pl.when(ci0 + 2 < n_chunks)
                def _():
                    issue_loads(ci0 + 2, 0, lsem0)
                process(1)
            return carry

        lax.fori_loop(0, (n_chunks + 1) // 2, body, 0)
        plsc.subcore_barrier()
        off = pl.multiple_of(t * drain_a, 8)

        @pl.when(t < 15)
        def _():
            pltpu.sync_copy(
                acc.at[pl.ds(off, drain_a)],
                out_hbm.at[pl.ds(pl.multiple_of(node_base + off, 8),
                                 drain_a)])

        @pl.when(t == 15)
        def _():
            pltpu.sync_copy(
                acc.at[pl.ds(15 * drain_a, drain_b)],
                out_hbm.at[pl.ds(pl.multiple_of(node_base + 15 * drain_a, 8),
                                 drain_b)])

    return sk(msgs, col)


def kernel(x_scalar, x_rot, edge_index, distance_embedding, rot, W1, b1, W2,
           b2):
    n_nodes = x_rot.shape[0]
    n_edges = edge_index.shape[1]

    row = edge_index[0].astype(jnp.int32)
    col = edge_index[1].astype(jnp.int32)

    xr = x_rot.reshape(n_nodes, NUM_REP, L_MAX, 2)
    xr_m = jnp.transpose(xr, (0, 3, 2, 1)).reshape(n_nodes, 16)
    table = jnp.concatenate([x_scalar, xr_m], axis=1)

    w1bd, b1t, w2bd, b2t = _make_weights(W1, b1, W2, b2)

    gathered = _sc_gather(table, row, n_edges)
    msgs = _dense_stage(gathered, distance_embedding,
                        rot.reshape(n_edges, 8), w1bd, b1t, w2bd, b2t)
    acc = _sc_scatter(msgs, col, n_edges, n_nodes)

    mess_scalar = acc[:, :N_SCALARS]
    zm = acc[:, 8:24].reshape(n_nodes, 2, 2, NUM_REP)
    mess_rot = jnp.transpose(zm, (0, 3, 2, 1)).reshape(
        n_nodes, NUM_REP, L_MAX * 2)
    return (mess_scalar, mess_rot)

# --- scband reference (transcript-rebuilt; emitter-appended) ---
"""Pipeline reference for scband-eq-layer-simple-88656714925231 (READ-ONLY COPY).

The authoritative reference and input builder live on the scoring server;
editing this copy changes nothing except your own understanding.
"""

import jax, jax.numpy as jnp
import numpy as np

N = 100000
E = 3200000
N_SCALARS = 8
NUM_REP = 4
L_MAX = 2
DIST_EMB_DIM = 16
X_DIM = N_SCALARS + NUM_REP * L_MAX * 2  # 24
IN_DIM = X_DIM + DIST_EMB_DIM            # 40
HID_DIM = X_DIM * 3                      # 72


def setup_inputs(seed: int = 0) -> dict:
    key = jax.random.key(seed)
    ks = jax.random.split(key, 9)
    x_scalar = jax.random.normal(ks[0], (N, N_SCALARS), dtype=jnp.float32)
    x_rot = jax.random.normal(ks[1], (N, NUM_REP, L_MAX * 2), dtype=jnp.float32)
    edge_index = jax.random.randint(ks[2], (2, E), 0, N, dtype=jnp.int64)
    distance_embedding = jax.random.normal(ks[3], (E, DIST_EMB_DIM), dtype=jnp.float32)
    rot = jax.random.normal(ks[4], (E, L_MAX, 2, 2), dtype=jnp.float32)
    W1 = jax.random.normal(ks[5], (IN_DIM, HID_DIM), dtype=jnp.float32) / np.sqrt(IN_DIM)
    b1 = jnp.zeros((HID_DIM,), dtype=jnp.float32)
    W2 = jax.random.normal(ks[6], (HID_DIM, X_DIM), dtype=jnp.float32) / np.sqrt(HID_DIM)
    b2 = jnp.zeros((X_DIM,), dtype=jnp.float32)
    return {"x_scalar": x_scalar, "x_rot": x_rot, "edge_index": edge_index,
            "distance_embedding": distance_embedding, "rot": rot,
            "W1": W1, "b1": b1, "W2": W2, "b2": b2}


def reference(x_scalar, x_rot, edge_index, distance_embedding, rot, W1, b1, W2, b2):
    row = edge_index[0]
    col = edge_index[1]
    n_nodes = x_rot.shape[0]
    n_edges = row.shape[0]
    n_chunks = 32
    chunk = n_edges // n_chunks

    def body(i, carry):
        acc_scalar, acc_rot = carry
        start = i * chunk
        r = jax.lax.dynamic_slice_in_dim(row, start, chunk)
        c = jax.lax.dynamic_slice_in_dim(col, start, chunk)
        de = jax.lax.dynamic_slice_in_dim(distance_embedding, start, chunk)
        rot_c = jax.lax.dynamic_slice_in_dim(rot, start, chunk)
        # rotate gathered source node rot features into edge frame (rot^T)
        rot_inv = jnp.swapaxes(rot_c, 2, 3)
        x_scr_rot = jnp.take(x_rot, r, axis=0)                   # [chunk, num_rep, L_max*2]
        x_scr_rot = x_scr_rot.reshape(chunk, NUM_REP, L_MAX, 2)
        x_scr_rot = jnp.einsum('njkm,nkml->njkl', x_scr_rot, rot_inv)
        x_cat = jnp.concatenate([de,
                                 jnp.take(x_scalar, r, axis=0),
                                 x_scr_rot.reshape(chunk, -1)], axis=1)
        # MLP message function: Linear -> ReLU -> Linear
        h = jax.nn.relu(x_cat @ W1 + b1)
        x_out = h @ W2 + b2
        mess_scalar = x_out[:, :N_SCALARS]
        mess_rot = x_out[:, N_SCALARS:].reshape(chunk, NUM_REP, L_MAX, 2)
        mess_rot = jnp.einsum('njkm,nkml->njkl', mess_rot, rot_c).reshape(chunk, NUM_REP, L_MAX * 2)
        acc_scalar = acc_scalar.at[c].add(mess_scalar)
        acc_rot = acc_rot.at[c].add(mess_rot)
        return (acc_scalar, acc_rot)

    init = (jnp.zeros((n_nodes, N_SCALARS), dtype=x_scalar.dtype),
            jnp.zeros((n_nodes, NUM_REP, L_MAX * 2), dtype=x_scalar.dtype))
    mess_scalar, mess_rot = jax.lax.fori_loop(0, n_chunks, body, init)
    return (mess_scalar, mess_rot)

if __name__ == "__main__":
    import jax
    _d = setup_inputs()
    print(jax.jit(kernel)(*tuple(_d.values())))

</pallas_src>

<mosaic_0001>
#map = affine_map<(d0, d1) -> (0, 0)>
#map1 = affine_map<(d0, d1) -> (0)>
module attributes {stable_mosaic.version = 14 : i64} {
  func.func @gk(%arg0: i32, %arg1: i32, %arg2: memref<100000x24xf32, #tpu.memory_space<hbm>>, %arg3: memref<3200000xi32, #tpu.memory_space<hbm>>, %arg4: memref<800000x96xf32, #tpu.memory_space<hbm>>, %arg5: memref<800xi32, #tpu.memory_space<vmem>>, %arg6: memref<800x24xf32, #tpu.memory_space<vmem>>, %arg7: memref<!tpu.dma_semaphore, #tpu.memory_space<semaphore_mem>>) attributes {dimension_semantics = [#tpu.dimension_semantics<core_parallel>, #tpu.dimension_semantics<subcore_parallel>], iteration_bounds = array<i64: 2, 16>, scalar_prefetch = 0 : i64, scratch_operands = 3 : i64, tpu.core_type = #tpu.core_type<sc_vector_subcore>, window_params = [{transform_indices = #map}, {transform_indices = #map1}, {transform_indices = #map}]} {
    %mul3A = arith.constant 2 : i32
    %mul3A_0 = arith.muli %arg1, %mul3A : i32
    %add3A = arith.addi %mul3A_0, %arg0 : i32
    %mul3A_1 = arith.constant 25000 : i32
    %mul3A_2 = arith.muli %add3A, %mul3A_1 : i32
    %scan3A = arith.constant 0 : i32
    %scan3A_3 = arith.constant 0 : i32
    %scan3A_4 = arith.constant 125 : i32
    %scan3A_5 = arith.addi %scan3A_3, %scan3A_4 : i32
    %scan3A_6 = arith.constant 1 : i32
    scf.for %scan3A_8 = %scan3A_3 to %scan3A_5 step %scan3A_6  : i32 {
      %mul3A_9 = arith.constant 200 : i32
      %mul3A_10 = arith.muli %scan3A_8, %mul3A_9 : i32
      %add3A_11 = arith.addi %mul3A_2, %mul3A_10 : i32
      %multiple_of3A = tpu.assume_multiple %add3A_11, 200 : i32
      %add3A_12 = arith.constant 0 : i32
      %add3A_13 = arith.addi %add3A_12, %multiple_of3A : i32
      "tpu.region"() ({
        %run_scoped3A = tpu.sem_alloc : memref<!tpu.dma_semaphore, #tpu.memory_space<semaphore_mem>>
        %dma_start3A_178 = arith.constant 0 : i32
        %dma_start3A_179 = tpu.memref_slice %arg5[%dma_start3A_178] : memref<800xi32, #tpu.memory_space<vmem>> -> memref<200xi32, #tpu.memory_space<vmem>>
        %dma_start3A_180 = tpu.memref_slice %arg3[%add3A_13] : memref<3200000xi32, #tpu.memory_space<hbm>> -> memref<200xi32, #tpu.memory_space<hbm>>
        %dma_start3A_181 = arith.constant 0 : i32
        %dma_start3A_182 = tpu.memref_slice %arg5[%dma_start3A_181] : memref<800xi32, #tpu.memory_space<vmem>> -> memref<200xi32, #tpu.memory_space<vmem>>
        %dma_start3A_183 = tpu.memref_slice %arg3[%add3A_13] : memref<3200000xi32, #tpu.memory_space<hbm>> -> memref<200xi32, #tpu.memory_space<hbm>>
        tpu.enqueue_dma source(%dma_start3A_183 : memref<200xi32, #tpu.memory_space<hbm>>) target(%dma_start3A_182 : memref<200xi32, #tpu.memory_space<vmem>>) target_semaphore(%run_scoped3A : memref<!tpu.dma_semaphore, #tpu.memory_space<semaphore_mem>>)
        %dma_wait3A_184 = arith.constant 0 : i32
        %dma_wait3A_185 = tpu.memref_slice %arg5[%dma_wait3A_184] : memref<800xi32, #tpu.memory_space<vmem>> -> memref<200xi32, #tpu.memory_space<vmem>>
        %dma_wait3A_186 = tpu.memref_slice %arg3[%add3A_13] : memref<3200000xi32, #tpu.memory_space<hbm>> -> memref<200xi32, #tpu.memory_space<hbm>>
        %dma_wait3A_187 = arith.constant 0 : i32
        %dma_wait3A_188 = tpu.memref_slice %arg5[%dma_wait3A_187] : memref<800xi32, #tpu.memory_space<vmem>> -> memref<200xi32, #tpu.memory_space<vmem>>
        %dma_wait3A_189 = tpu.memref_slice %arg3[%add3A_13] : memref<3200000xi32, #tpu.memory_space<hbm>> -> memref<200xi32, #tpu.memory_space<hbm>>
        tpu.wait_dma2 semaphore(%run_scoped3A : memref<!tpu.dma_semaphore, #tpu.memory_space<semaphore_mem>>) src(%dma_wait3A_189 : memref<200xi32, #tpu.memory_space<hbm>>) dst(%dma_wait3A_188 : memref<200xi32, #tpu.memory_space<vmem>>)
        tpu.yield
      }) : () -> ()
      %add3A_14 = arith.constant 800000 : i32
      %add3A_15 = arith.addi %add3A_14, %multiple_of3A : i32
      "tpu.region"() ({
        %run_scoped3A = tpu.sem_alloc : memref<!tpu.dma_semaphore, #tpu.memory_space<semaphore_mem>>
        %dma_start3A_178 = arith.constant 200 : i32
        %dma_start3A_179 = tpu.memref_slice %arg5[%dma_start3A_178] : memref<800xi32, #tpu.memory_space<vmem>> -> memref<200xi32, #tpu.memory_space<vmem>>
        %dma_start3A_180 = tpu.memref_slice %arg3[%add3A_15] : memref<3200000xi32, #tpu.memory_space<hbm>> -> memref<200xi32, #tpu.memory_space<hbm>>
        %dma_start3A_181 = arith.constant 200 : i32
        %dma_start3A_182 = tpu.memref_slice %arg5[%dma_start3A_181] : memref<800xi32, #tpu.memory_space<vmem>> -> memref<200xi32, #tpu.memory_space<vmem>>
        %dma_start3A_183 = tpu.memref_slice %arg3[%add3A_15] : memref<3200000xi32, #tpu.memory_space<hbm>> -> memref<200xi32, #tpu.memory_space<hbm>>
        tpu.enqueue_dma source(%dma_start3A_183 : memref<200xi32, #tpu.memory_space<hbm>>) target(%dma_start3A_182 : memref<200xi32, #tpu.memory_space<vmem>>) target_semaphore(%run_scoped3A : memref<!tpu.dma_semaphore, #tpu.memory_space<semaphore_mem>>)
        %dma_wait3A_184 = arith.constant 200 : i32
        %dma_wait3A_185 = tpu.memref_slice %arg5[%dma_wait3A_184] : memref<800xi32, #tpu.memory_space<vmem>> -> memref<200xi32, #tpu.memory_space<vmem>>
        %dma_wait3A_186 = tpu.memref_slice %arg3[%add3A_15] : memref<3200000xi32, #tpu.memory_space<hbm>> -> memref<200xi32, #tpu.memory_space<hbm>>
        %dma_wait3A_187 = arith.constant 200 : i32
        %dma_wait3A_188 = tpu.memref_slice %arg5[%dma_wait3A_187] : memref<800xi32, #tpu.memory_space<vmem>> -> memref<200xi32, #tpu.memory_space<vmem>>
        %dma_wait3A_189 = tpu.memref_slice %arg3[%add3A_15] : memref<3200000xi32, #tpu.memory_space<hbm>> -> memref<200xi32, #tpu.memory_space<hbm>>
        tpu.wait_dma2 semaphore(%run_scoped3A : memref<!tpu.dma_semaphore, #tpu.memory_space<semaphore_mem>>) src(%dma_wait3A_189 : memref<200xi32, #tpu.memory_space<hbm>>) dst(%dma_wait3A_188 : memref<200xi32, #tpu.memory_space<vmem>>)
        tpu.yield
      }) : () -> ()
      %add3A_16 = arith.constant 1600000 : i32
      %add3A_17 = arith.addi %add3A_16, %multiple_of3A : i32
      "tpu.region"() ({
        %run_scoped3A = tpu.sem_alloc : memref<!tpu.dma_semaphore, #tpu.memory_space<semaphore_mem>>
        %dma_start3A_178 = arith.constant 400 : i32
        %dma_start3A_179 = tpu.memref_slice %arg5[%dma_start3A_178] : memref<800xi32, #tpu.memory_space<vmem>> -> memref<200xi32, #tpu.memory_space<vmem>>
        %dma_start3A_180 = tpu.memref_slice %arg3[%add3A_17] : memref<3200000xi32, #tpu.memory_space<hbm>> -> memref<200xi32, #tpu.memory_space<hbm>>
        %dma_start3A_181 = arith.constant 400 : i32
        %dma_start3A_182 = tpu.memref_slice %arg5[%dma_start3A_181] : memref<800xi32, #tpu.memory_space<vmem>> -> memref<200xi32, #tpu.memory_space<vmem>>
        %dma_start3A_183 = tpu.memref_slice %arg3[%add3A_17] : memref<3200000xi32, #tpu.memory_space<hbm>> -> memref<200xi32, #tpu.memory_space<hbm>>
        tpu.enqueue_dma source(%dma_start3A_183 : memref<200xi32, #tpu.memory_space<hbm>>) target(%dma_start3A_182 : memref<200xi32, #tpu.memory_space<vmem>>) target_semaphore(%run_scoped3A : memref<!tpu.dma_semaphore, #tpu.memory_space<semaphore_mem>>)
        %dma_wait3A_184 = arith.constant 400 : i32
        %dma_wait3A_185 = tpu.memref_slice %arg5[%dma_wait3A_184] : memref<800xi32, #tpu.memory_space<vmem>> -> memref<200xi32, #tpu.memory_space<vmem>>
        %dma_wait3A_186 = tpu.memref_slice %arg3[%add3A_17] : memref<3200000xi32, #tpu.memory_space<hbm>> -> memref<200xi32, #tpu.memory_space<hbm>>
        %dma_wait3A_187 = arith.constant 400 : i32
        %dma_wait3A_188 = tpu.memref_slice %arg5[%dma_wait3A_187] : memref<800xi32, #tpu.memory_space<vmem>> -> memref<200xi32, #tpu.memory_space<vmem>>
        %dma_wait3A_189 = tpu.memref_slice %arg3[%add3A_17] : memref<3200000xi32, #tpu.memory_space<hbm>> -> memref<200xi32, #tpu.memory_space<hbm>>
        tpu.wait_dma2 semaphore(%run_scoped3A : memref<!tpu.dma_semaphore, #tpu.memory_space<semaphore_mem>>) src(%dma_wait3A_189 : memref<200xi32, #tpu.memory_space<hbm>>) dst(%dma_wait3A_188 : memref<200xi32, #tpu.memory_space<vmem>>)
        tpu.yield
      }) : () -> ()
      %add3A_18 = arith.constant 2400000 : i32
      %add3A_19 = arith.addi %add3A_18, %multiple_of3A : i32
      "tpu.region"() ({
        %run_scoped3A = tpu.sem_alloc : memref<!tpu.dma_semaphore, #tpu.memory_space<semaphore_mem>>
        %dma_start3A_178 = arith.constant 600 : i32
        %dma_start3A_179 = tpu.memref_slice %arg5[%dma_start3A_178] : memref<800xi32, #tpu.memory_space<vmem>> -> memref<200xi32, #tpu.memory_space<vmem>>
        %dma_start3A_180 = tpu.memref_slice %arg3[%add3A_19] : memref<3200000xi32, #tpu.memory_space<hbm>> -> memref<200xi32, #tpu.memory_space<hbm>>
        %dma_start3A_181 = arith.constant 600 : i32
        %dma_start3A_182 = tpu.memref_slice %arg5[%dma_start3A_181] : memref<800xi32, #tpu.memory_space<vmem>> -> memref<200xi32, #tpu.memory_space<vmem>>
        %dma_start3A_183 = tpu.memref_slice %arg3[%add3A_19] : memref<3200000xi32, #tpu.memory_space<hbm>> -> memref<200xi32, #tpu.memory_space<hbm>>
        tpu.enqueue_dma source(%dma_start3A_183 : memref<200xi32, #tpu.memory_space<hbm>>) target(%dma_start3A_182 : memref<200xi32, #tpu.memory_space<vmem>>) target_semaphore(%run_scoped3A : memref<!tpu.dma_semaphore, #tpu.memory_space<semaphore_mem>>)
        %dma_wait3A_184 = arith.constant 600 : i32
        %dma_wait3A_185 = tpu.memref_slice %arg5[%dma_wait3A_184] : memref<800xi32, #tpu.memory_space<vmem>> -> memref<200xi32, #tpu.memory_space<vmem>>
        %dma_wait3A_186 = tpu.memref_slice %arg3[%add3A_19] : memref<3200000xi32, #tpu.memory_space<hbm>> -> memref<200xi32, #tpu.memory_space<hbm>>
        %dma_wait3A_187 = arith.constant 600 : i32
        %dma_wait3A_188 = tpu.memref_slice %arg5[%dma_wait3A_187] : memref<800xi32, #tpu.memory_space<vmem>> -> memref<200xi32, #tpu.memory_space<vmem>>
        %dma_wait3A_189 = tpu.memref_slice %arg3[%add3A_19] : memref<3200000xi32, #tpu.memory_space<hbm>> -> memref<200xi32, #tpu.memory_space<hbm>>
        tpu.wait_dma2 semaphore(%run_scoped3A : memref<!tpu.dma_semaphore, #tpu.memory_space<semaphore_mem>>) src(%dma_wait3A_189 : memref<200xi32, #tpu.memory_space<hbm>>) dst(%dma_wait3A_188 : memref<200xi32, #tpu.memory_space<vmem>>)
        tpu.yield
      }) : () -> ()
      %dma_start3A = arith.constant 0 : i32
      %dma_start3A_20 = arith.constant 0 : i32
      %dma_start3A_21 = tpu.memref_slice %arg6[%dma_start3A, %dma_start3A_20] : memref<800x24xf32, #tpu.memory_space<vmem>> -> memref<80x24xf32, #tpu.memory_space<vmem>>
      %dma_start3A_22 = arith.constant 0 : i32
      %dma_start3A_23 = tpu.memref_slice %arg5[%dma_start3A_22] : memref<800xi32, #tpu.memory_space<vmem>> -> memref<80xi32, #tpu.memory_space<vmem>>
      %dma_start3A_24 = arith.constant 0 : i32
      %dma_start3A_25 = arith.constant 0 : i32
      %dma_start3A_26 = tpu.memref_slice %arg2[%dma_start3A_24, %dma_start3A_25] : memref<100000x24xf32, #tpu.memory_space<hbm>> -> memref<100000x24xf32, #tpu.memory_space<hbm>>
      tpu.enqueue_indirect_dma source(%dma_start3A_26 : memref<100000x24xf32, #tpu.memory_space<hbm>>) target(%dma_start3A_21 : memref<80x24xf32, #tpu.memory_space<vmem>>) offsets(%dma_start3A_23 : memref<80xi32, #tpu.memory_space<vmem>>) semaphore(%arg7 : memref<!tpu.dma_semaphore, #tpu.memory_space<semaphore_mem>>)
      %dma_start3A_27 = arith.constant 80 : i32
      %dma_start3A_28 = arith.constant 0 : i32
      %dma_start3A_29 = tpu.memref_slice %arg6[%dma_start3A_27, %dma_start3A_28] : memref<800x24xf32, #tpu.memory_space<vmem>> -> memref<80x24xf32, #tpu.memory_space<vmem>>
      %dma_start3A_30 = arith.constant 80 : i32
      %dma_start3A_31 = tpu.memref_slice %arg5[%dma_start3A_30] : memref<800xi32, #tpu.memory_space<vmem>> -> memref<80xi32, #tpu.memory_space<vmem>>
      %dma_start3A_32 = arith.constant 0 : i32
      %dma_start3A_33 = arith.constant 0 : i32
      %dma_start3A_34 = tpu.memref_slice %arg2[%dma_start3A_32, %dma_start3A_33] : memref<100000x24xf32, #tpu.memory_space<hbm>> -> memref<100000x24xf32, #tpu.memory_space<hbm>>
      tpu.enqueue_indirect_dma source(%dma_start3A_34 : memref<100000x24xf32, #tpu.memory_space<hbm>>) target(%dma_start3A_29 : memref<80x24xf32, #tpu.memory_space<vmem>>) offsets(%dma_start3A_31 : memref<80xi32, #tpu.memory_space<vmem>>) semaphore(%arg7 : memref<!tpu.dma_semaphore, #tpu.memory_space<semaphore_mem>>)
      %dma_start3A_35 = arith.constant 160 : i32
      %dma_start3A_36 = arith.constant 0 : i32
      %dma_start3A_37 = tpu.memref_slice %arg6[%dma_start3A_35, %dma_start3A_36] : memref<800x24xf32, #tpu.memory_space<vmem>> -> memref<80x24xf32, #tpu.memory_space<vmem>>
      %dma_start3A_38 = arith.constant 160 : i32
      %dma_start3A_39 = tpu.memref_slice %arg5[%dma_start3A_38] : memref<800xi32, #tpu.memory_space<vmem>> -> memref<80xi32, #tpu.memory_space<vmem>>
      %dma_start3A_40 = arith.constant 0 : i32
      %dma_start3A_41 = arith.constant 0 : i32
      %dma_start3A_42 = tpu.memref_slice %arg2[%dma_start3A_40, %dma_start3A_41] : memref<100000x24xf32, #tpu.memory_space<hbm>> -> memref<100000x24xf32, #tpu.memory_space<hbm>>
      tpu.enqueue_indirect_dma source(%dma_start3A_42 : memref<100000x24xf32, #tpu.memory_space<hbm>>) target(%dma_start3A_37 : memref<80x24xf32, #tpu.memory_space<vmem>>) offsets(%dma_start3A_39 : memref<80xi32, #tpu.memory_space<vmem>>) semaphore(%arg7 : memref<!tpu.dma_semaphore, #tpu.memory_space<semaphore_mem>>)
      %dma_start3A_43 = arith.constant 240 : i32
      %dma_start3A_44 = arith.constant 0 : i32
      %dma_start3A_45 = tpu.memref_slice %arg6[%dma_start3A_43, %dma_start3A_44] : memref<800x24xf32, #tpu.memory_space<vmem>> -> memref<80x24xf32, #tpu.memory_space<vmem>>
      %dma_start3A_46 = arith.constant 240 : i32
      %dma_start3A_47 = tpu.memref_slice %arg5[%dma_start3A_46] : memref<800xi32, #tpu.memory_space<vmem>> -> memref<80xi32, #tpu.memory_space<vmem>>
      %dma_start3A_48 = arith.constant 0 : i32
      %dma_start3A_49 = arith.constant 0 : i32
      %dma_start3A_50 = tpu.memref_slice %arg2[%dma_start3A_48, %dma_start3A_49] : memref<100000x24xf32, #tpu.memory_space<hbm>> -> memref<100000x24xf32, #tpu.memory_space<hbm>>
      tpu.enqueue_indirect_dma source(%dma_start3A_50 : memref<100000x24xf32, #tpu.memory_space<hbm>>) target(%dma_start3A_45 : memref<80x24xf32, #tpu.memory_space<vmem>>) offsets(%dma_start3A_47 : memref<80xi32, #tpu.memory_space<vmem>>) semaphore(%arg7 : memref<!tpu.dma_semaphore, #tpu.memory_space<semaphore_mem>>)
      %dma_start3A_51 = arith.constant 320 : i32
      %dma_start3A_52 = arith.constant 0 : i32
      %dma_start3A_53 = tpu.memref_slice %arg6[%dma_start3A_51, %dma_start3A_52] : memref<800x24xf32, #tpu.memory_space<vmem>> -> memref<80x24xf32, #tpu.memory_space<vmem>>
      %dma_start3A_54 = arith.constant 320 : i32
      %dma_start3A_55 = tpu.memref_slice %arg5[%dma_start3A_54] : memref<800xi32, #tpu.memory_space<vmem>> -> memref<80xi32, #tpu.memory_space<vmem>>
      %dma_start3A_56 = arith.constant 0 : i32
      %dma_start3A_57 = arith.constant 0 : i32
      %dma_start3A_58 = tpu.memref_slice %arg2[%dma_start3A_56, %dma_start3A_57] : memref<100000x24xf32, #tpu.memory_space<hbm>> -> memref<100000x24xf32, #tpu.memory_space<hbm>>
      tpu.enqueue_indirect_dma source(%dma_start3A_58 : memref<100000x24xf32, #tpu.memory_space<hbm>>) target(%dma_start3A_53 : memref<80x24xf32, #tpu.memory_space<vmem>>) offsets(%dma_start3A_55 : memref<80xi32, #tpu.memory_space<vmem>>) semaphore(%arg7 : memref<!tpu.dma_semaphore, #tpu.memory_space<semaphore_mem>>)
      %dma_start3A_59 = arith.constant 400 : i32
      %dma_start3A_60 = arith.constant 0 : i32
      %dma_start3A_61 = tpu.memref_slice %arg6[%dma_start3A_59, %dma_start3A_60] : memref<800x24xf32, #tpu.memory_space<vmem>> -> memref<80x24xf32, #tpu.memory_space<vmem>>
      %dma_start3A_62 = arith.constant 400 : i32
      %dma_start3A_63 = tpu.memref_slice %arg5[%dma_start3A_62] : memref<800xi32, #tpu.memory_space<vmem>> -> memref<80xi32, #tpu.memory_space<vmem>>
      %dma_start3A_64 = arith.constant 0 : i32
      %dma_start3A_65 = arith.constant 0 : i32
      %dma_start3A_66 = tpu.memref_slice %arg2[%dma_start3A_64, %dma_start3A_65] : memref<100000x24xf32, #tpu.memory_space<hbm>> -> memref<100000x24xf32, #tpu.memory_space<hbm>>
      tpu.enqueue_indirect_dma source(%dma_start3A_66 : memref<100000x24xf32, #tpu.memory_space<hbm>>) target(%dma_start3A_61 : memref<80x24xf32, #tpu.memory_space<vmem>>) offsets(%dma_start3A_63 : memref<80xi32, #tpu.memory_space<vmem>>) semaphore(%arg7 : memref<!tpu.dma_semaphore, #tpu.memory_space<semaphore_mem>>)
      %dma_start3A_67 = arith.constant 480 : i32
      %dma_start3A_68 = arith.constant 0 : i32
      %dma_start3A_69 = tpu.memref_slice %arg6[%dma_start3A_67, %dma_start3A_68] : memref<800x24xf32, #tpu.memory_space<vmem>> -> memref<80x24xf32, #tpu.memory_space<vmem>>
      %dma_start3A_70 = arith.constant 480 : i32
      %dma_start3A_71 = tpu.memref_slice %arg5[%dma_start3A_70] : memref<800xi32, #tpu.memory_space<vmem>> -> memref<80xi32, #tpu.memory_space<vmem>>
      %dma_start3A_72 = arith.constant 0 : i32
      %dma_start3A_73 = arith.constant 0 : i32
      %dma_start3A_74 = tpu.memref_slice %arg2[%dma_start3A_72, %dma_start3A_73] : memref<100000x24xf32, #tpu.memory_space<hbm>> -> memref<100000x24xf32, #tpu.memory_space<hbm>>
      tpu.enqueue_indirect_dma source(%dma_start3A_74 : memref<100000x24xf32, #tpu.memory_space<hbm>>) target(%dma_start3A_69 : memref<80x24xf32, #tpu.memory_space<vmem>>) offsets(%dma_start3A_71 : memref<80xi32, #tpu.memory_space<vmem>>) semaphore(%arg7 : memref<!tpu.dma_semaphore, #tpu.memory_space<semaphore_mem>>)
      %dma_start3A_75 = arith.constant 560 : i32
      %dma_start3A_76 = arith.constant 0 : i32
      %dma_start3A_77 = tpu.memref_slice %arg6[%dma_start3A_75, %dma_start3A_76] : memref<800x24xf32, #tpu.memory_space<vmem>> -> memref<80x24xf32, #tpu.memory_space<vmem>>
      %dma_start3A_78 = arith.constant 560 : i32
      %dma_start3A_79 = tpu.memref_slice %arg5[%dma_start3A_78] : memref<800xi32, #tpu.memory_space<vmem>> -> memref<80xi32, #tpu.memory_space<vmem>>
      %dma_start3A_80 = arith.constant 0 : i32
      %dma_start3A_81 = arith.constant 0 : i32
      %dma_start3A_82 = tpu.memref_slice %arg2[%dma_start3A_80, %dma_start3A_81] : memref<100000x24xf32, #tpu.memory_space<hbm>> -> memref<100000x24xf32, #tpu.memory_space<hbm>>
      tpu.enqueue_indirect_dma source(%dma_start3A_82 : memref<100000x24xf32, #tpu.memory_space<hbm>>) target(%dma_start3A_77 : memref<80x24xf32, #tpu.memory_space<vmem>>) offsets(%dma_start3A_79 : memref<80xi32, #tpu.memory_space<vmem>>) semaphore(%arg7 : memref<!tpu.dma_semaphore, #tpu.memory_space<semaphore_mem>>)
      %dma_start3A_83 = arith.constant 640 : i32
      %dma_start3A_84 = arith.constant 0 : i32
      %dma_start3A_85 = tpu.memref_slice %arg6[%dma_start3A_83, %dma_start3A_84] : memref<800x24xf32, #tpu.memory_space<vmem>> -> memref<80x24xf32, #tpu.memory_space<vmem>>
      %dma_start3A_86 = arith.constant 640 : i32
      %dma_start3A_87 = tpu.memref_slice %arg5[%dma_start3A_86] : memref<800xi32, #tpu.memory_space<vmem>> -> memref<80xi32, #tpu.memory_space<vmem>>
      %dma_start3A_88 = arith.constant 0 : i32
      %dma_start3A_89 = arith.constant 0 : i32
      %dma_start3A_90 = tpu.memref_slice %arg2[%dma_start3A_88, %dma_start3A_89] : memref<100000x24xf32, #tpu.memory_space<hbm>> -> memref<100000x24xf32, #tpu.memory_space<hbm>>
      tpu.enqueue_indirect_dma source(%dma_start3A_90 : memref<100000x24xf32, #tpu.memory_space<hbm>>) target(%dma_start3A_85 : memref<80x24xf32, #tpu.memory_space<vmem>>) offsets(%dma_start3A_87 : memref<80xi32, #tpu.memory_space<vmem>>) semaphore(%arg7 : memref<!tpu.dma_semaphore, #tpu.memory_space<semaphore_mem>>)
      %dma_start3A_91 = arith.constant 720 : i32
      %dma_start3A_92 = arith.constant 0 : i32
      %dma_start3A_93 = tpu.memref_slice %arg6[%dma_start3A_91, %dma_start3A_92] : memref<800x24xf32, #tpu.memory_space<vmem>> -> memref<80x24xf32, #tpu.memory_space<vmem>>
      %dma_start3A_94 = arith.constant 720 : i32
      %dma_start3A_95 = tpu.memref_slice %arg5[%dma_start3A_94] : memref<800xi32, #tpu.memory_space<vmem>> -> memref<80xi32, #tpu.memory_space<vmem>>
      %dma_start3A_96 = arith.constant 0 : i32
      %dma_start3A_97 = arith.constant 0 : i32
      %dma_start3A_98 = tpu.memref_slice %arg2[%dma_start3A_96, %dma_start3A_97] : memref<100000x24xf32, #tpu.memory_space<hbm>> -> memref<100000x24xf32, #tpu.memory_space<hbm>>
      tpu.enqueue_indirect_dma source(%dma_start3A_98 : memref<100000x24xf32, #tpu.memory_space<hbm>>) target(%dma_start3A_93 : memref<80x24xf32, #tpu.memory_space<vmem>>) offsets(%dma_start3A_95 : memref<80xi32, #tpu.memory_space<vmem>>) semaphore(%arg7 : memref<!tpu.dma_semaphore, #tpu.memory_space<semaphore_mem>>)
      %dma_wait3A = arith.constant 0 : i32
      %dma_wait3A_99 = arith.constant 0 : i32
      %dma_wait3A_100 = tpu.memref_slice %arg6[%dma_wait3A, %dma_wait3A_99] : memref<800x24xf32, #tpu.memory_space<vmem>> -> memref<80x24xf32, #tpu.memory_space<vmem>>
      %dma_wait3A_101 = arith.constant 0 : i32
      %dma_wait3A_102 = tpu.memref_slice %arg5[%dma_wait3A_101] : memref<800xi32, #tpu.memory_space<vmem>> -> memref<80xi32, #tpu.memory_space<vmem>>
      %dma_wait3A_103 = arith.constant 0 : i32
      %dma_wait3A_104 = arith.constant 0 : i32
      %dma_wait3A_105 = tpu.memref_slice %arg2[%dma_wait3A_103, %dma_wait3A_104] : memref<100000x24xf32, #tpu.memory_space<hbm>> -> memref<100000x24xf32, #tpu.memory_space<hbm>>
      tpu.wait_indirect_dma semaphore(%arg7 : memref<!tpu.dma_semaphore, #tpu.memory_space<semaphore_mem>>) src(%dma_wait3A_105 : memref<100000x24xf32, #tpu.memory_space<hbm>>) dst(%dma_wait3A_100 : memref<80x24xf32, #tpu.memory_space<vmem>>)
      %dma_wait3A_106 = arith.constant 80 : i32
      %dma_wait3A_107 = arith.constant 0 : i32
      %dma_wait3A_108 = tpu.memref_slice %arg6[%dma_wait3A_106, %dma_wait3A_107] : memref<800x24xf32, #tpu.memory_space<vmem>> -> memref<80x24xf32, #tpu.memory_space<vmem>>
      %dma_wait3A_109 = arith.constant 80 : i32
      %dma_wait3A_110 = tpu.memref_slice %arg5[%dma_wait3A_109] : memref<800xi32, #tpu.memory_space<vmem>> -> memref<80xi32, #tpu.memory_space<vmem>>
      %dma_wait3A_111 = arith.constant 0 : i32
      %dma_wait3A_112 = arith.constant 0 : i32
      %dma_wait3A_113 = tpu.memref_slice %arg2[%dma_wait3A_111, %dma_wait3A_112] : memref<100000x24xf32, #tpu.memory_space<hbm>> -> memref<100000x24xf32, #tpu.memory_space<hbm>>
      tpu.wait_indirect_dma semaphore(%arg7 : memref<!tpu.dma_semaphore, #tpu.memory_space<semaphore_mem>>) src(%dma_wait3A_113 : memref<100000x24xf32, #tpu.memory_space<hbm>>) dst(%dma_wait3A_108 : memref<80x24xf32, #tpu.memory_space<vmem>>)
      %dma_wait3A_114 = arith.constant 160 : i32
      %dma_wait3A_115 = arith.constant 0 : i32
      %dma_wait3A_116 = tpu.memref_slice %arg6[%dma_wait3A_114, %dma_wait3A_115] : memref<800x24xf32, #tpu.memory_space<vmem>> -> memref<80x24xf32, #tpu.memory_space<vmem>>
      %dma_wait3A_117 = arith.constant 160 : i32
      %dma_wait3A_118 = tpu.memref_slice %arg5[%dma_wait3A_117] : memref<800xi32, #tpu.memory_space<vmem>> -> memref<80xi32, #tpu.memory_space<vmem>>
      %dma_wait3A_119 = arith.constant 0 : i32
      %dma_wait3A_120 = arith.constant 0 : i32
      %dma_wait3A_121 = tpu.memref_slice %arg2[%dma_wait3A_119, %dma_wait3A_120] : memref<100000x24xf32, #tpu.memory_space<hbm>> -> memref<100000x24xf32, #tpu.memory_space<hbm>>
      tpu.wait_indirect_dma semaphore(%arg7 : memref<!tpu.dma_semaphore, #tpu.memory_space<semaphore_mem>>) src(%dma_wait3A_121 : memref<100000x24xf32, #tpu.memory_space<hbm>>) dst(%dma_wait3A_116 : memref<80x24xf32, #tpu.memory_space<vmem>>)
      %dma_wait3A_122 = arith.constant 240 : i32
      %dma_wait3A_123 = arith.constant 0 : i32
      %dma_wait3A_124 = tpu.memref_slice %arg6[%dma_wait3A_122, %dma_wait3A_123] : memref<800x24xf32, #tpu.memory_space<vmem>> -> memref<80x24xf32, #tpu.memory_space<vmem>>
      %dma_wait3A_125 = arith.constant 240 : i32
      %dma_wait3A_126 = tpu.memref_slice %arg5[%dma_wait3A_125] : memref<800xi32, #tpu.memory_space<vmem>> -> memref<80xi32, #tpu.memory_space<vmem>>
      %dma_wait3A_127 = arith.constant 0 : i32
      %dma_wait3A_128 = arith.constant 0 : i32
      %dma_wait3A_129 = tpu.memref_slice %arg2[%dma_wait3A_127, %dma_wait3A_128] : memref<100000x24xf32, #tpu.memory_space<hbm>> -> memref<100000x24xf32, #tpu.memory_space<hbm>>
      tpu.wait_indirect_dma semaphore(%arg7 : memref<!tpu.dma_semaphore, #tpu.memory_space<semaphore_mem>>) src(%dma_wait3A_129 : memref<100000x24xf32, #tpu.memory_space<hbm>>) dst(%dma_wait3A_124 : memref<80x24xf32, #tpu.memory_space<vmem>>)
      %dma_wait3A_130 = arith.constant 320 : i32
      %dma_wait3A_131 = arith.constant 0 : i32
      %dma_wait3A_132 = tpu.memref_slice %arg6[%dma_wait3A_130, %dma_wait3A_131] : memref<800x24xf32, #tpu.memory_space<vmem>> -> memref<80x24xf32, #tpu.memory_space<vmem>>
      %dma_wait3A_133 = arith.constant 320 : i32
      %dma_wait3A_134 = tpu.memref_slice %arg5[%dma_wait3A_133] : memref<800xi32, #tpu.memory_space<vmem>> -> memref<80xi32, #tpu.memory_space<vmem>>
      %dma_wait3A_135 = arith.constant 0 : i32
      %dma_wait3A_136 = arith.constant 0 : i32
      %dma_wait3A_137 = tpu.memref_slice %arg2[%dma_wait3A_135, %dma_wait3A_136] : memref<100000x24xf32, #tpu.memory_space<hbm>> -> memref<100000x24xf32, #tpu.memory_space<hbm>>
      tpu.wait_indirect_dma semaphore(%arg7 : memref<!tpu.dma_semaphore, #tpu.memory_space<semaphore_mem>>) src(%dma_wait3A_137 : memref<100000x24xf32, #tpu.memory_space<hbm>>) dst(%dma_wait3A_132 : memref<80x24xf32, #tpu.memory_space<vmem>>)
      %dma_wait3A_138 = arith.constant 400 : i32
      %dma_wait3A_139 = arith.constant 0 : i32
      %dma_wait3A_140 = tpu.memref_slice %arg6[%dma_wait3A_138, %dma_wait3A_139] : memref<800x24xf32, #tpu.memory_space<vmem>> -> memref<80x24xf32, #tpu.memory_space<vmem>>
      %dma_wait3A_141 = arith.constant 400 : i32
      %dma_wait3A_142 = tpu.memref_slice %arg5[%dma_wait3A_141] : memref<800xi32, #tpu.memory_space<vmem>> -> memref<80xi32, #tpu.memory_space<vmem>>
      %dma_wait3A_143 = arith.constant 0 : i32
      %dma_wait3A_144 = arith.constant 0 : i32
      %dma_wait3A_145 = tpu.memref_slice %arg2[%dma_wait3A_143, %dma_wait3A_144] : memref<100000x24xf32, #tpu.memory_space<hbm>> -> memref<100000x24xf32, #tpu.memory_space<hbm>>
      tpu.wait_indirect_dma semaphore(%arg7 : memref<!tpu.dma_semaphore, #tpu.memory_space<semaphore_mem>>) src(%dma_wait3A_145 : memref<100000x24xf32, #tpu.memory_space<hbm>>) dst(%dma_wait3A_140 : memref<80x24xf32, #tpu.memory_space<vmem>>)
      %dma_wait3A_146 = arith.constant 480 : i32
      %dma_wait3A_147 = arith.constant 0 : i32
      %dma_wait3A_148 = tpu.memref_slice %arg6[%dma_wait3A_146, %dma_wait3A_147] : memref<800x24xf32, #tpu.memory_space<vmem>> -> memref<80x24xf32, #tpu.memory_space<vmem>>
      %dma_wait3A_149 = arith.constant 480 : i32
      %dma_wait3A_150 = tpu.memref_slice %arg5[%dma_wait3A_149] : memref<800xi32, #tpu.memory_space<vmem>> -> memref<80xi32, #tpu.memory_space<vmem>>
      %dma_wait3A_151 = arith.constant 0 : i32
      %dma_wait3A_152 = arith.constant 0 : i32
      %dma_wait3A_153 = tpu.memref_slice %arg2[%dma_wait3A_151, %dma_wait3A_152] : memref<100000x24xf32, #tpu.memory_space<hbm>> -> memref<100000x24xf32, #tpu.memory_space<hbm>>
      tpu.wait_indirect_dma semaphore(%arg7 : memref<!tpu.dma_semaphore, #tpu.memory_space<semaphore_mem>>) src(%dma_wait3A_153 : memref<100000x24xf32, #tpu.memory_space<hbm>>) dst(%dma_wait3A_148 : memref<80x24xf32, #tpu.memory_space<vmem>>)
      %dma_wait3A_154 = arith.constant 560 : i32
      %dma_wait3A_155 = arith.constant 0 : i32
      %dma_wait3A_156 = tpu.memref_slice %arg6[%dma_wait3A_154, %dma_wait3A_155] : memref<800x24xf32, #tpu.memory_space<vmem>> -> memref<80x24xf32, #tpu.memory_space<vmem>>
      %dma_wait3A_157 = arith.constant 560 : i32
      %dma_wait3A_158 = tpu.memref_slice %arg5[%dma_wait3A_157] : memref<800xi32, #tpu.memory_space<vmem>> -> memref<80xi32, #tpu.memory_space<vmem>>
      %dma_wait3A_159 = arith.constant 0 : i32
      %dma_wait3A_160 = arith.constant 0 : i32
      %dma_wait3A_161 = tpu.memref_slice %arg2[%dma_wait3A_159, %dma_wait3A_160] : memref<100000x24xf32, #tpu.memory_space<hbm>> -> memref<100000x24xf32, #tpu.memory_space<hbm>>
      tpu.wait_indirect_dma semaphore(%arg7 : memref<!tpu.dma_semaphore, #tpu.memory_space<semaphore_mem>>) src(%dma_wait3A_161 : memref<100000x24xf32, #tpu.memory_space<hbm>>) dst(%dma_wait3A_156 : memref<80x24xf32, #tpu.memory_space<vmem>>)
      %dma_wait3A_162 = arith.constant 640 : i32
      %dma_wait3A_163 = arith.constant 0 : i32
      %dma_wait3A_164 = tpu.memref_slice %arg6[%dma_wait3A_162, %dma_wait3A_163] : memref<800x24xf32, #tpu.memory_space<vmem>> -> memref<80x24xf32, #tpu.memory_space<vmem>>
      %dma_wait3A_165 = arith.constant 640 : i32
      %dma_wait3A_166 = tpu.memref_slice %arg5[%dma_wait3A_165] : memref<800xi32, #tpu.memory_space<vmem>> -> memref<80xi32, #tpu.memory_space<vmem>>
      %dma_wait3A_167 = arith.constant 0 : i32
      %dma_wait3A_168 = arith.constant 0 : i32
      %dma_wait3A_169 = tpu.memref_slice %arg2[%dma_wait3A_167, %dma_wait3A_168] : memref<100000x24xf32, #tpu.memory_space<hbm>> -> memref<100000x24xf32, #tpu.memory_space<hbm>>
      tpu.wait_indirect_dma semaphore(%arg7 : memref<!tpu.dma_semaphore, #tpu.memory_space<semaphore_mem>>) src(%dma_wait3A_169 : memref<100000x24xf32, #tpu.memory_space<hbm>>) dst(%dma_wait3A_164 : memref<80x24xf32, #tpu.memory_space<vmem>>)
      %dma_wait3A_170 = arith.constant 720 : i32
      %dma_wait3A_171 = arith.constant 0 : i32
      %dma_wait3A_172 = tpu.memref_slice %arg6[%dma_wait3A_170, %dma_wait3A_171] : memref<800x24xf32, #tpu.memory_space<vmem>> -> memref<80x24xf32, #tpu.memory_space<vmem>>
      %dma_wait3A_173 = arith.constant 720 : i32
      %dma_wait3A_174 = tpu.memref_slice %arg5[%dma_wait3A_173] : memref<800xi32, #tpu.memory_space<vmem>> -> memref<80xi32, #tpu.memory_space<vmem>>
      %dma_wait3A_175 = arith.constant 0 : i32
      %dma_wait3A_176 = arith.constant 0 : i32
      %dma_wait3A_177 = tpu.memref_slice %arg2[%dma_wait3A_175, %dma_wait3A_176] : memref<100000x24xf32, #tpu.memory_space<hbm>> -> memref<100000x24xf32, #tpu.memory_space<hbm>>
      tpu.wait_indirect_dma semaphore(%arg7 : memref<!tpu.dma_semaphore, #tpu.memory_space<semaphore_mem>>) src(%dma_wait3A_177 : memref<100000x24xf32, #tpu.memory_space<hbm>>) dst(%dma_wait3A_172 : memref<80x24xf32, #tpu.memory_space<vmem>>)
      "tpu.region"() ({
        %run_scoped3A = tpu.sem_alloc : memref<!tpu.dma_semaphore, #tpu.memory_space<semaphore_mem>>
        %dma_start3A_178 = arith.constant 0 : i32
        %dma_start3A_179 = arith.constant 0 : i32
        %dma_start3A_180 = tpu.memref_slice %arg6[%dma_start3A_178, %dma_start3A_179] : memref<800x24xf32, #tpu.memory_space<vmem>> -> memref<200x24xf32, #tpu.memory_space<vmem>>
        %dma_start3A_181 = arith.constant 0 : i32
        %dma_start3A_182 = tpu.memref_slice %arg4[%multiple_of3A, %dma_start3A_181] : memref<800000x96xf32, #tpu.memory_space<hbm>> -> memref<200x24xf32, #tpu.memory_space<hbm>>
        %dma_start3A_183 = arith.constant 0 : i32
        %dma_start3A_184 = tpu.memref_slice %arg4[%multiple_of3A, %dma_start3A_183] : memref<800000x96xf32, #tpu.memory_space<hbm>> -> memref<200x24xf32, #tpu.memory_space<hbm>>
        %dma_start3A_185 = arith.constant 0 : i32
        %dma_start3A_186 = arith.constant 0 : i32
        %dma_start3A_187 = tpu.memref_slice %arg6[%dma_start3A_185, %dma_start3A_186] : memref<800x24xf32, #tpu.memory_space<vmem>> -> memref<200x24xf32, #tpu.memory_space<vmem>>
        tpu.enqueue_dma source(%dma_start3A_187 : memref<200x24xf32, #tpu.memory_space<vmem>>) target(%dma_start3A_184 : memref<200x24xf32, #tpu.memory_space<hbm>>) target_semaphore(%run_scoped3A : memref<!tpu.dma_semaphore, #tpu.memory_space<semaphore_mem>>)
        %dma_wait3A_188 = arith.constant 0 : i32
        %dma_wait3A_189 = arith.constant 0 : i32
        %dma_wait3A_190 = tpu.memref_slice %arg6[%dma_wait3A_188, %dma_wait3A_189] : memref<800x24xf32, #tpu.memory_space<vmem>> -> memref<200x24xf32, #tpu.memory_space<vmem>>
        %dma_wait3A_191 = arith.constant 0 : i32
        %dma_wait3A_192 = tpu.memref_slice %arg4[%multiple_of3A, %dma_wait3A_191] : memref<800000x96xf32, #tpu.memory_space<hbm>> -> memref<200x24xf32, #tpu.memory_space<hbm>>
        %dma_wait3A_193 = arith.constant 0 : i32
        %dma_wait3A_194 = tpu.memref_slice %arg4[%multiple_of3A, %dma_wait3A_193] : memref<800000x96xf32, #tpu.memory_space<hbm>> -> memref<200x24xf32, #tpu.memory_space<hbm>>
        %dma_wait3A_195 = arith.constant 0 : i32
        %dma_wait3A_196 = arith.constant 0 : i32
        %dma_wait3A_197 = tpu.memref_slice %arg6[%dma_wait3A_195, %dma_wait3A_196] : memref<800x24xf32, #tpu.memory_space<vmem>> -> memref<200x24xf32, #tpu.memory_space<vmem>>
        tpu.wait_dma2 semaphore(%run_scoped3A : memref<!tpu.dma_semaphore, #tpu.memory_space<semaphore_mem>>) src(%dma_wait3A_197 : memref<200x24xf32, #tpu.memory_space<vmem>>) dst(%dma_wait3A_194 : memref<200x24xf32, #tpu.memory_space<hbm>>)
        tpu.yield
      }) : () -> ()
      "tpu.region"() ({
        %run_scoped3A = tpu.sem_alloc : memref<!tpu.dma_semaphore, #tpu.memory_space<semaphore_mem>>
        %dma_start3A_178 = arith.constant 200 : i32
        %dma_start3A_179 = arith.constant 0 : i32
        %dma_start3A_180 = tpu.memref_slice %arg6[%dma_start3A_178, %dma_start3A_179] : memref<800x24xf32, #tpu.memory_space<vmem>> -> memref<200x24xf32, #tpu.memory_space<vmem>>
        %dma_start3A_181 = arith.constant 24 : i32
        %dma_start3A_182 = tpu.memref_slice %arg4[%multiple_of3A, %dma_start3A_181] : memref<800000x96xf32, #tpu.memory_space<hbm>> -> memref<200x24xf32, #tpu.memory_space<hbm>>
        %dma_start3A_183 = arith.constant 24 : i32
        %dma_start3A_184 = tpu.memref_slice %arg4[%multiple_of3A, %dma_start3A_183] : memref<800000x96xf32, #tpu.memory_space<hbm>> -> memref<200x24xf32, #tpu.memory_space<hbm>>
        %dma_start3A_185 = arith.constant 200 : i32
        %dma_start3A_186 = arith.constant 0 : i32
        %dma_start3A_187 = tpu.memref_slice %arg6[%dma_start3A_185, %dma_start3A_186] : memref<800x24xf32, #tpu.memory_space<vmem>> -> memref<200x24xf32, #tpu.memory_space<vmem>>
        tpu.enqueue_dma source(%dma_start3A_187 : memref<200x24xf32, #tpu.memory_space<vmem>>) target(%dma_start3A_184 : memref<200x24xf32, #tpu.memory_space<hbm>>) target_semaphore(%run_scoped3A : memref<!tpu.dma_semaphore, #tpu.memory_space<semaphore_mem>>)
        %dma_wait3A_188 = arith.constant 200 : i32
        %dma_wait3A_189 = arith.constant 0 : i32
        %dma_wait3A_190 = tpu.memref_slice %arg6[%dma_wait3A_188, %dma_wait3A_189] : memref<800x24xf32, #tpu.memory_space<vmem>> -> memref<200x24xf32, #tpu.memory_space<vmem>>
        %dma_wait3A_191 = arith.constant 24 : i32
        %dma_wait3A_192 = tpu.memref_slice %arg4[%multiple_of3A, %dma_wait3A_191] : memref<800000x96xf32, #tpu.memory_space<hbm>> -> memref<200x24xf32, #tpu.memory_space<hbm>>
        %dma_wait3A_193 = arith.constant 24 : i32
        %dma_wait3A_194 = tpu.memref_slice %arg4[%multiple_of3A, %dma_wait3A_193] : memref<800000x96xf32, #tpu.memory_space<hbm>> -> memref<200x24xf32, #tpu.memory_space<hbm>>
        %dma_wait3A_195 = arith.constant 200 : i32
        %dma_wait3A_196 = arith.constant 0 : i32
        %dma_wait3A_197 = tpu.memref_slice %arg6[%dma_wait3A_195, %dma_wait3A_196] : memref<800x24xf32, #tpu.memory_space<vmem>> -> memref<200x24xf32, #tpu.memory_space<vmem>>
        tpu.wait_dma2 semaphore(%run_scoped3A : memref<!tpu.dma_semaphore, #tpu.memory_space<semaphore_mem>>) src(%dma_wait3A_197 : memref<200x24xf32, #tpu.memory_space<vmem>>) dst(%dma_wait3A_194 : memref<200x24xf32, #tpu.memory_space<hbm>>)
        tpu.yield
      }) : () -> ()
      "tpu.region"() ({
        %run_scoped3A = tpu.sem_alloc : memref<!tpu.dma_semaphore, #tpu.memory_space<semaphore_mem>>
        %dma_start3A_178 = arith.constant 400 : i32
        %dma_start3A_179 = arith.constant 0 : i32
        %dma_start3A_180 = tpu.memref_slice %arg6[%dma_start3A_178, %dma_start3A_179] : memref<800x24xf32, #tpu.memory_space<vmem>> -> memref<200x24xf32, #tpu.memory_space<vmem>>
        %dma_start3A_181 = arith.constant 48 : i32
        %dma_start3A_182 = tpu.memref_slice %arg4[%multiple_of3A, %dma_start3A_181] : memref<800000x96xf32, #tpu.memory_space<hbm>> -> memref<200x24xf32, #tpu.memory_space<hbm>>
        %dma_start3A_183 = arith.constant 48 : i32
        %dma_start3A_184 = tpu.memref_slice %arg4[%multiple_of3A, %dma_start3A_183] : memref<800000x96xf32, #tpu.memory_space<hbm>> -> memref<200x24xf32, #tpu.memory_space<hbm>>
        %dma_start3A_185 = arith.constant 400 : i32
        %dma_start3A_186 = arith.constant 0 : i32
        %dma_start3A_187 = tpu.memref_slice %arg6[%dma_start3A_185, %dma_start3A_186] : memref<800x24xf32, #tpu.memory_space<vmem>> -> memref<200x24xf32, #tpu.memory_space<vmem>>
        tpu.enqueue_dma source(%dma_start3A_187 : memref<200x24xf32, #tpu.memory_space<vmem>>) target(%dma_start3A_184 : memref<200x24xf32, #tpu.memory_space<hbm>>) target_semaphore(%run_scoped3A : memref<!tpu.dma_semaphore, #tpu.memory_space<semaphore_mem>>)
        %dma_wait3A_188 = arith.constant 400 : i32
        %dma_wait3A_189 = arith.constant 0 : i32
        %dma_wait3A_190 = tpu.memref_slice %arg6[%dma_wait3A_188, %dma_wait3A_189] : memref<800x24xf32, #tpu.memory_space<vmem>> -> memref<200x24xf32, #tpu.memory_space<vmem>>
        %dma_wait3A_191 = arith.constant 48 : i32
        %dma_wait3A_192 = tpu.memref_slice %arg4[%multiple_of3A, %dma_wait3A_191] : memref<800000x96xf32, #tpu.memory_space<hbm>> -> memref<200x24xf32, #tpu.memory_space<hbm>>
        %dma_wait3A_193 = arith.constant 48 : i32
        %dma_wait3A_194 = tpu.memref_slice %arg4[%multiple_of3A, %dma_wait3A_193] : memref<800000x96xf32, #tpu.memory_space<hbm>> -> memref<200x24xf32, #tpu.memory_space<hbm>>
        %dma_wait3A_195 = arith.constant 400 : i32
        %dma_wait3A_196 = arith.constant 0 : i32
        %dma_wait3A_197 = tpu.memref_slice %arg6[%dma_wait3A_195, %dma_wait3A_196] : memref<800x24xf32, #tpu.memory_space<vmem>> -> memref<200x24xf32, #tpu.memory_space<vmem>>
        tpu.wait_dma2 semaphore(%run_scoped3A : memref<!tpu.dma_semaphore, #tpu.memory_space<semaphore_mem>>) src(%dma_wait3A_197 : memref<200x24xf32, #tpu.memory_space<vmem>>) dst(%dma_wait3A_194 : memref<200x24xf32, #tpu.memory_space<hbm>>)
        tpu.yield
      }) : () -> ()
      "tpu.region"() ({
        %run_scoped3A = tpu.sem_alloc : memref<!tpu.dma_semaphore, #tpu.memory_space<semaphore_mem>>
        %dma_start3A_178 = arith.constant 600 : i32
        %dma_start3A_179 = arith.constant 0 : i32
        %dma_start3A_180 = tpu.memref_slice %arg6[%dma_start3A_178, %dma_start3A_179] : memref<800x24xf32, #tpu.memory_space<vmem>> -> memref<200x24xf32, #tpu.memory_space<vmem>>
        %dma_start3A_181 = arith.constant 72 : i32
        %dma_start3A_182 = tpu.memref_slice %arg4[%multiple_of3A, %dma_start3A_181] : memref<800000x96xf32, #tpu.memory_space<hbm>> -> memref<200x24xf32, #tpu.memory_space<hbm>>
        %dma_start3A_183 = arith.constant 72 : i32
        %dma_start3A_184 = tpu.memref_slice %arg4[%multiple_of3A, %dma_start3A_183] : memref<800000x96xf32, #tpu.memory_space<hbm>> -> memref<200x24xf32, #tpu.memory_space<hbm>>
        %dma_start3A_185 = arith.constant 600 : i32
        %dma_start3A_186 = arith.constant 0 : i32
        %dma_start3A_187 = tpu.memref_slice %arg6[%dma_start3A_185, %dma_start3A_186] : memref<800x24xf32, #tpu.memory_space<vmem>> -> memref<200x24xf32, #tpu.memory_space<vmem>>
        tpu.enqueue_dma source(%dma_start3A_187 : memref<200x24xf32, #tpu.memory_space<vmem>>) target(%dma_start3A_184 : memref<200x24xf32, #tpu.memory_space<hbm>>) target_semaphore(%run_scoped3A : memref<!tpu.dma_semaphore, #tpu.memory_space<semaphore_mem>>)
        %dma_wait3A_188 = arith.constant 600 : i32
        %dma_wait3A_189 = arith.constant 0 : i32
        %dma_wait3A_190 = tpu.memref_slice %arg6[%dma_wait3A_188, %dma_wait3A_189] : memref<800x24xf32, #tpu.memory_space<vmem>> -> memref<200x24xf32, #tpu.memory_space<vmem>>
        %dma_wait3A_191 = arith.constant 72 : i32
        %dma_wait3A_192 = tpu.memref_slice %arg4[%multiple_of3A, %dma_wait3A_191] : memref<800000x96xf32, #tpu.memory_space<hbm>> -> memref<200x24xf32, #tpu.memory_space<hbm>>
        %dma_wait3A_193 = arith.constant 72 : i32
        %dma_wait3A_194 = tpu.memref_slice %arg4[%multiple_of3A, %dma_wait3A_193] : memref<800000x96xf32, #tpu.memory_space<hbm>> -> memref<200x24xf32, #tpu.memory_space<hbm>>
        %dma_wait3A_195 = arith.constant 600 : i32
        %dma_wait3A_196 = arith.constant 0 : i32
        %dma_wait3A_197 = tpu.memref_slice %arg6[%dma_wait3A_195, %dma_wait3A_196] : memref<800x24xf32, #tpu.memory_space<vmem>> -> memref<200x24xf32, #tpu.memory_space<vmem>>
        tpu.wait_dma2 semaphore(%run_scoped3A : memref<!tpu.dma_semaphore, #tpu.memory_space<semaphore_mem>>) src(%dma_wait3A_197 : memref<200x24xf32, #tpu.memory_space<vmem>>) dst(%dma_wait3A_194 : memref<200x24xf32, #tpu.memory_space<hbm>>)
        tpu.yield
      }) : () -> ()
    }
    %scan3A_7 = arith.constant 125 : i32
    return
  }
}

#map = affine_map<(d0, d1) -> (0, 0)>
#map1 = affine_map<(d0, d1) -> (0)>
module attributes {stable_mosaic.version = 14 : i64} {
  func.func @sk(%arg0: i32, %arg1: i32, %arg2: memref<800000x96xf32, #tpu.memory_space<hbm>>, %arg3: memref<3200000xi32, #tpu.memory_space<hbm>>, %arg4: memref<100000x24xf32, #tpu.memory_space<hbm>>, %arg5: memref<2x800xi32, #tpu.memory_space<vmem>>, %arg6: memref<10x80xi32, #tpu.memory_space<vmem>>, %arg7: memref<1600x24xf32, #tpu.memory_space<vmem>>, %arg8: memref<51200x24xf32, #tpu.memory_space<vmem_shared>>, %arg9: memref<!tpu.dma_semaphore, #tpu.memory_space<semaphore_mem>>, %arg10: memref<!tpu.dma_semaphore, #tpu.memory_space<semaphore_mem>>, %arg11: memref<!tpu.dma_semaphore, #tpu.memory_space<semaphore_mem>>) attributes {dimension_semantics = [#tpu.dimension_semantics<core_parallel>, #tpu.dimension_semantics<subcore_parallel>], iteration_bounds = array<i64: 2, 16>, scalar_prefetch = 0 : i64, scratch_operands = 7 : i64, tpu.core_type = #tpu.core_type<sc_vector_subcore>, window_params = [{transform_indices = #map}, {transform_indices = #map1}, {transform_indices = #map}]} {
    %mul3A = arith.constant 50000 : i32
    %mul3A_0 = arith.muli %arg0, %mul3A : i32
    %broadcast_in_dim3A = arith.constant 0.000000e+00 : f32
    %broadcast_in_dim3A_1 = vector.broadcast %broadcast_in_dim3A : f32 to vector<16xf32>
    %scan3A = arith.constant 0 : i32
    %scan3A_2 = arith.constant 0 : i32
    %scan3A_3 = arith.constant 1600 : i32
    %scan3A_4 = arith.addi %scan3A_2, %scan3A_3 : i32
    %scan3A_5 = arith.constant 1 : i32
    scf.for %scan3A_125 = %scan3A_2 to %scan3A_4 step %scan3A_5  : i32 {
      %jit3A = arith.constant 2 : i32
      %div3A = arith.divsi %scan3A_125, %jit3A : i32
      %sign3A = arith.constant 0 : i32
      %sign3A_126 = arith.cmpi sgt, %scan3A_125, %sign3A : i32
      %sign3A_127 = arith.extui %sign3A_126 : i1 to i32
      %sign3A_128 = arith.constant 0 : i32
      %sign3A_129 = arith.cmpi slt, %scan3A_125, %sign3A_128 : i32
      %sign3A_130 = arith.extui %sign3A_129 : i1 to i32
      %sign3A_131 = arith.subi %sign3A_127, %sign3A_130 : i32
      %sign3A_132 = arith.constant 0 : i32
      %sign3A_133 = arith.cmpi sgt, %jit3A, %sign3A_132 : i32
      %sign3A_134 = arith.extui %sign3A_133 : i1 to i32
      %sign3A_135 = arith.constant 0 : i32
      %sign3A_136 = arith.cmpi slt, %jit3A, %sign3A_135 : i32
      %sign3A_137 = arith.extui %sign3A_136 : i1 to i32
      %sign3A_138 = arith.subi %sign3A_134, %sign3A_137 : i32
      %ne3A = arith.cmpi ne, %sign3A_131, %sign3A_138 : i32
      %rem3A = arith.remsi %scan3A_125, %jit3A : i32
      %ne3A_139 = arith.constant 0 : i32
      %ne3A_140 = arith.cmpi ne, %rem3A, %ne3A_139 : i32
      %and3A = arith.andi %ne3A, %ne3A_140 : i1
      %sub3A = arith.constant 1 : i32
      %sub3A_141 = arith.subi %div3A, %sub3A : i32
      %select_n3A = arith.select %and3A, %sub3A_141, %div3A : i32
      %jit3A_142 = arith.constant 2 : i32
      %eq3A_143 = arith.constant 0 : i32
      %eq3A_144 = arith.cmpi eq, %jit3A_142, %eq3A_143 : i32
      %jit3A_145 = arith.constant 1 : i32
      %select_n3A_146 = arith.select %eq3A_144, %jit3A_145, %jit3A_142 : i32
      %rem3A_147 = arith.remsi %scan3A_125, %select_n3A_146 : i32
      %ne3A_148 = arith.constant 0 : i32
      %ne3A_149 = arith.cmpi ne, %rem3A_147, %ne3A_148 : i32
      %lt3A_150 = arith.constant 0 : i32
      %lt3A_151 = arith.cmpi slt, %rem3A_147, %lt3A_150 : i32
      %lt3A_152 = arith.constant 0 : i32
      %lt3A_153 = arith.cmpi slt, %select_n3A_146, %lt3A_152 : i32
      %ne3A_154 = arith.xori %lt3A_151, %lt3A_153 : i1
      %and3A_155 = arith.andi %ne3A_154, %ne3A_149 : i1
      %add3A_156 = arith.addi %rem3A_147, %select_n3A_146 : i32
      %select_n3A_157 = arith.select %and3A_155, %add3A_156, %rem3A_147 : i32
      %mul3A_158 = arith.constant 8 : i32
      %mul3A_159 = arith.muli %select_n3A_157, %mul3A_158 : i32
      %swap3A = arith.index_cast %select_n3A : i32 to index
      %swap3A_160 = arith.index_cast %mul3A_159 : i32 to index
      %swap3A_161 = tpu.vector_load %arg7[%swap3A, %swap3A_160] {strides = array<i32>} : memref<1600x24xf32, #tpu.memory_space<vmem>>, vector<1x16xf32>,
      %swap3A_162 = vector.shape_cast %swap3A_161 : vector<1x16xf32> to vector<16xf32>
      %swap3A_163 = vector.shape_cast %broadcast_in_dim3A_1 : vector<16xf32> to vector<1x16xf32>
      tpu.vector_store %arg7[%swap3A, %swap3A_160], %swap3A_163 {strides = array<i32>} : memref<1600x24xf32, #tpu.memory_space<vmem>>, vector<1x16xf32>,
    }
    %scan3A_6 = arith.constant 1600 : i32
    %mul3A_7 = arith.constant 3200 : i32
    %mul3A_8 = arith.muli %arg1, %mul3A_7 : i32
    %add3A = arith.constant 0 : i32
    %add3A_9 = arith.addi %mul3A_8, %add3A : i32
    "tpu.region"() ({
      %run_scoped3A = tpu.sem_alloc : memref<!tpu.dma_semaphore, #tpu.memory_space<semaphore_mem>>
      %dma_start3A_125 = arith.constant 0 : i32
      %dma_start3A_126 = arith.constant 0 : i32
      %dma_start3A_127 = tpu.memref_slice %arg7[%dma_start3A_125, %dma_start3A_126] : memref<1600x24xf32, #tpu.memory_space<vmem>> -> memref<800x24xf32, #tpu.memory_space<vmem>>
      %dma_start3A_128 = arith.constant 0 : i32
      %dma_start3A_129 = tpu.memref_slice %arg8[%add3A_9, %dma_start3A_128] : memref<51200x24xf32, #tpu.memory_space<vmem_shared>> -> memref<800x24xf32, #tpu.memory_space<vmem_shared>>
      %dma_start3A_130 = arith.constant 0 : i32
      %dma_start3A_131 = tpu.memref_slice %arg8[%add3A_9, %dma_start3A_130] : memref<51200x24xf32, #tpu.memory_space<vmem_shared>> -> memref<800x24xf32, #tpu.memory_space<vmem_shared>>
      %dma_start3A_132 = arith.constant 0 : i32
      %dma_start3A_133 = arith.constant 0 : i32
      %dma_start3A_134 = tpu.memref_slice %arg7[%dma_start3A_132, %dma_start3A_133] : memref<1600x24xf32, #tpu.memory_space<vmem>> -> memref<800x24xf32, #tpu.memory_space<vmem>>
      tpu.enqueue_dma source(%dma_start3A_134 : memref<800x24xf32, #tpu.memory_space<vmem>>) target(%dma_start3A_131 : memref<800x24xf32, #tpu.memory_space<vmem_shared>>) target_semaphore(%run_scoped3A : memref<!tpu.dma_semaphore, #tpu.memory_space<semaphore_mem>>)
      %dma_wait3A = arith.constant 0 : i32
      %dma_wait3A_135 = arith.constant 0 : i32
      %dma_wait3A_136 = tpu.memref_slice %arg7[%dma_wait3A, %dma_wait3A_135] : memref<1600x24xf32, #tpu.memory_space<vmem>> -> memref<800x24xf32, #tpu.memory_space<vmem>>
      %dma_wait3A_137 = arith.constant 0 : i32
      %dma_wait3A_138 = tpu.memref_slice %arg8[%add3A_9, %dma_wait3A_137] : memref<51200x24xf32, #tpu.memory_space<vmem_shared>> -> memref<800x24xf32, #tpu.memory_space<vmem_shared>>
      %dma_wait3A_139 = arith.constant 0 : i32
      %dma_wait3A_140 = tpu.memref_slice %arg8[%add3A_9, %dma_wait3A_139] : memref<51200x24xf32, #tpu.memory_space<vmem_shared>> -> memref<800x24xf32, #tpu.memory_space<vmem_shared>>
      %dma_wait3A_141 = arith.constant 0 : i32
      %dma_wait3A_142 = arith.constant 0 : i32
      %dma_wait3A_143 = tpu.memref_slice %arg7[%dma_wait3A_141, %dma_wait3A_142] : memref<1600x24xf32, #tpu.memory_space<vmem>> -> memref<800x24xf32, #tpu.memory_space<vmem>>
      tpu.wait_dma2 semaphore(%run_scoped3A : memref<!tpu.dma_semaphore, #tpu.memory_space<semaphore_mem>>) src(%dma_wait3A_143 : memref<800x24xf32, #tpu.memory_space<vmem>>) dst(%dma_wait3A_140 : memref<800x24xf32, #tpu.memory_space<vmem_shared>>)
      tpu.yield
    }) : () -> ()
    %mul3A_10 = arith.constant 3200 : i32
    %mul3A_11 = arith.muli %arg1, %mul3A_10 : i32
    %add3A_12 = arith.constant 800 : i32
    %add3A_13 = arith.addi %mul3A_11, %add3A_12 : i32
    "tpu.region"() ({
      %run_scoped3A = tpu.sem_alloc : memref<!tpu.dma_semaphore, #tpu.memory_space<semaphore_mem>>
      %dma_start3A_125 = arith.constant 0 : i32
      %dma_start3A_126 = arith.constant 0 : i32
      %dma_start3A_127 = tpu.memref_slice %arg7[%dma_start3A_125, %dma_start3A_126] : memref<1600x24xf32, #tpu.memory_space<vmem>> -> memref<800x24xf32, #tpu.memory_space<vmem>>
      %dma_start3A_128 = arith.constant 0 : i32
      %dma_start3A_129 = tpu.memref_slice %arg8[%add3A_13, %dma_start3A_128] : memref<51200x24xf32, #tpu.memory_space<vmem_shared>> -> memref<800x24xf32, #tpu.memory_space<vmem_shared>>
      %dma_start3A_130 = arith.constant 0 : i32
      %dma_start3A_131 = tpu.memref_slice %arg8[%add3A_13, %dma_start3A_130] : memref<51200x24xf32, #tpu.memory_space<vmem_shared>> -> memref<800x24xf32, #tpu.memory_space<vmem_shared>>
      %dma_start3A_132 = arith.constant 0 : i32
      %dma_start3A_133 = arith.constant 0 : i32
      %dma_start3A_134 = tpu.memref_slice %arg7[%dma_start3A_132, %dma_start3A_133] : memref<1600x24xf32, #tpu.memory_space<vmem>> -> memref<800x24xf32, #tpu.memory_space<vmem>>
      tpu.enqueue_dma source(%dma_start3A_134 : memref<800x24xf32, #tpu.memory_space<vmem>>) target(%dma_start3A_131 : memref<800x24xf32, #tpu.memory_space<vmem_shared>>) target_semaphore(%run_scoped3A : memref<!tpu.dma_semaphore, #tpu.memory_space<semaphore_mem>>)
      %dma_wait3A = arith.constant 0 : i32
      %dma_wait3A_135 = arith.constant 0 : i32
      %dma_wait3A_136 = tpu.memref_slice %arg7[%dma_wait3A, %dma_wait3A_135] : memref<1600x24xf32, #tpu.memory_space<vmem>> -> memref<800x24xf32, #tpu.memory_space<vmem>>
      %dma_wait3A_137 = arith.constant 0 : i32
      %dma_wait3A_138 = tpu.memref_slice %arg8[%add3A_13, %dma_wait3A_137] : memref<51200x24xf32, #tpu.memory_space<vmem_shared>> -> memref<800x24xf32, #tpu.memory_space<vmem_shared>>
      %dma_wait3A_139 = arith.constant 0 : i32
      %dma_wait3A_140 = tpu.memref_slice %arg8[%add3A_13, %dma_wait3A_139] : memref<51200x24xf32, #tpu.memory_space<vmem_shared>> -> memref<800x24xf32, #tpu.memory_space<vmem_shared>>
      %dma_wait3A_141 = arith.constant 0 : i32
      %dma_wait3A_142 = arith.constant 0 : i32
      %dma_wait3A_143 = tpu.memref_slice %arg7[%dma_wait3A_141, %dma_wait3A_142] : memref<1600x24xf32, #tpu.memory_space<vmem>> -> memref<800x24xf32, #tpu.memory_space<vmem>>
      tpu.wait_dma2 semaphore(%run_scoped3A : memref<!tpu.dma_semaphore, #tpu.memory_space<semaphore_mem>>) src(%dma_wait3A_143 : memref<800x24xf32, #tpu.memory_space<vmem>>) dst(%dma_wait3A_140 : memref<800x24xf32, #tpu.memory_space<vmem_shared>>)
      tpu.yield
    }) : () -> ()
    %mul3A_14 = arith.constant 3200 : i32
    %mul3A_15 = arith.muli %arg1, %mul3A_14 : i32
    %add3A_16 = arith.constant 1600 : i32
    %add3A_17 = arith.addi %mul3A_15, %add3A_16 : i32
    "tpu.region"() ({
      %run_scoped3A = tpu.sem_alloc : memref<!tpu.dma_semaphore, #tpu.memory_space<semaphore_mem>>
      %dma_start3A_125 = arith.constant 0 : i32
      %dma_start3A_126 = arith.constant 0 : i32
      %dma_start3A_127 = tpu.memref_slice %arg7[%dma_start3A_125, %dma_start3A_126] : memref<1600x24xf32, #tpu.memory_space<vmem>> -> memref<800x24xf32, #tpu.memory_space<vmem>>
      %dma_start3A_128 = arith.constant 0 : i32
      %dma_start3A_129 = tpu.memref_slice %arg8[%add3A_17, %dma_start3A_128] : memref<51200x24xf32, #tpu.memory_space<vmem_shared>> -> memref<800x24xf32, #tpu.memory_space<vmem_shared>>
      %dma_start3A_130 = arith.constant 0 : i32
      %dma_start3A_131 = tpu.memref_slice %arg8[%add3A_17, %dma_start3A_130] : memref<51200x24xf32, #tpu.memory_space<vmem_shared>> -> memref<800x24xf32, #tpu.memory_space<vmem_shared>>
      %dma_start3A_132 = arith.constant 0 : i32
      %dma_start3A_133 = arith.constant 0 : i32
      %dma_start3A_134 = tpu.memref_slice %arg7[%dma_start3A_132, %dma_start3A_133] : memref<1600x24xf32, #tpu.memory_space<vmem>> -> memref<800x24xf32, #tpu.memory_space<vmem>>
      tpu.enqueue_dma source(%dma_start3A_134 : memref<800x24xf32, #tpu.memory_space<vmem>>) target(%dma_start3A_131 : memref<800x24xf32, #tpu.memory_space<vmem_shared>>) target_semaphore(%run_scoped3A : memref<!tpu.dma_semaphore, #tpu.memory_space<semaphore_mem>>)
      %dma_wait3A = arith.constant 0 : i32
      %dma_wait3A_135 = arith.constant 0 : i32
      %dma_wait3A_136 = tpu.memref_slice %arg7[%dma_wait3A, %dma_wait3A_135] : memref<1600x24xf32, #tpu.memory_space<vmem>> -> memref<800x24xf32, #tpu.memory_space<vmem>>
      %dma_wait3A_137 = arith.constant 0 : i32
      %dma_wait3A_138 = tpu.memref_slice %arg8[%add3A_17, %dma_wait3A_137] : memref<51200x24xf32, #tpu.memory_space<vmem_shared>> -> memref<800x24xf32, #tpu.memory_space<vmem_shared>>
      %dma_wait3A_139 = arith.constant 0 : i32
      %dma_wait3A_140 = tpu.memref_slice %arg8[%add3A_17, %dma_wait3A_139] : memref<51200x24xf32, #tpu.memory_space<vmem_shared>> -> memref<800x24xf32, #tpu.memory_space<vmem_shared>>
      %dma_wait3A_141 = arith.constant 0 : i32
      %dma_wait3A_142 = arith.constant 0 : i32
      %dma_wait3A_143 = tpu.memref_slice %arg7[%dma_wait3A_141, %dma_wait3A_142] : memref<1600x24xf32, #tpu.memory_space<vmem>> -> memref<800x24xf32, #tpu.memory_space<vmem>>
      tpu.wait_dma2 semaphore(%run_scoped3A : memref<!tpu.dma_semaphore, #tpu.memory_space<semaphore_mem>>) src(%dma_wait3A_143 : memref<800x24xf32, #tpu.memory_space<vmem>>) dst(%dma_wait3A_140 : memref<800x24xf32, #tpu.memory_space<vmem_shared>>)
      tpu.yield
    }) : () -> ()
    %mul3A_18 = arith.constant 3200 : i32
    %mul3A_19 = arith.muli %arg1, %mul3A_18 : i32
    %add3A_20 = arith.constant 2400 : i32
    %add3A_21 = arith.addi %mul3A_19, %add3A_20 : i32
    "tpu.region"() ({
      %run_scoped3A = tpu.sem_alloc : memref<!tpu.dma_semaphore, #tpu.memory_space<semaphore_mem>>
      %dma_start3A_125 = arith.constant 0 : i32
      %dma_start3A_126 = arith.constant 0 : i32
      %dma_start3A_127 = tpu.memref_slice %arg7[%dma_start3A_125, %dma_start3A_126] : memref<1600x24xf32, #tpu.memory_space<vmem>> -> memref<800x24xf32, #tpu.memory_space<vmem>>
      %dma_start3A_128 = arith.constant 0 : i32
      %dma_start3A_129 = tpu.memref_slice %arg8[%add3A_21, %dma_start3A_128] : memref<51200x24xf32, #tpu.memory_space<vmem_shared>> -> memref<800x24xf32, #tpu.memory_space<vmem_shared>>
      %dma_start3A_130 = arith.constant 0 : i32
      %dma_start3A_131 = tpu.memref_slice %arg8[%add3A_21, %dma_start3A_130] : memref<51200x24xf32, #tpu.memory_space<vmem_shared>> -> memref<800x24xf32, #tpu.memory_space<vmem_shared>>
      %dma_start3A_132 = arith.constant 0 : i32
      %dma_start3A_133 = arith.constant 0 : i32
      %dma_start3A_134 = tpu.memref_slice %arg7[%dma_start3A_132, %dma_start3A_133] : memref<1600x24xf32, #tpu.memory_space<vmem>> -> memref<800x24xf32, #tpu.memory_space<vmem>>
      tpu.enqueue_dma source(%dma_start3A_134 : memref<800x24xf32, #tpu.memory_space<vmem>>) target(%dma_start3A_131 : memref<800x24xf32, #tpu.memory_space<vmem_shared>>) target_semaphore(%run_scoped3A : memref<!tpu.dma_semaphore, #tpu.memory_space<semaphore_mem>>)
      %dma_wait3A = arith.constant 0 : i32
      %dma_wait3A_135 = arith.constant 0 : i32
      %dma_wait3A_136 = tpu.memref_slice %arg7[%dma_wait3A, %dma_wait3A_135] : memref<1600x24xf32, #tpu.memory_space<vmem>> -> memref<800x24xf32, #tpu.memory_space<vmem>>
      %dma_wait3A_137 = arith.constant 0 : i32
      %dma_wait3A_138 = tpu.memref_slice %arg8[%add3A_21, %dma_wait3A_137] : memref<51200x24xf32, #tpu.memory_space<vmem_shared>> -> memref<800x24xf32, #tpu.memory_space<vmem_shared>>
      %dma_wait3A_139 = arith.constant 0 : i32
      %dma_wait3A_140 = tpu.memref_slice %arg8[%add3A_21, %dma_wait3A_139] : memref<51200x24xf32, #tpu.memory_space<vmem_shared>> -> memref<800x24xf32, #tpu.memory_space<vmem_shared>>
      %dma_wait3A_141 = arith.constant 0 : i32
      %dma_wait3A_142 = arith.constant 0 : i32
      %dma_wait3A_143 = tpu.memref_slice %arg7[%dma_wait3A_141, %dma_wait3A_142] : memref<1600x24xf32, #tpu.memory_space<vmem>> -> memref<800x24xf32, #tpu.memory_space<vmem>>
      tpu.wait_dma2 semaphore(%run_scoped3A : memref<!tpu.dma_semaphore, #tpu.memory_space<semaphore_mem>>) src(%dma_wait3A_143 : memref<800x24xf32, #tpu.memory_space<vmem>>) dst(%dma_wait3A_140 : memref<800x24xf32, #tpu.memory_space<vmem_shared>>)
      tpu.yield
    }) : () -> ()
    %barrier3A = arith.constant 0 : index
    tpu.barrier barrier_id(%barrier3A)
    %mul3A_22 = arith.constant 50000 : i32
    %mul3A_23 = arith.muli %arg1, %mul3A_22 : i32
    %add3A_24 = arith.constant 0 : i32
    %add3A_25 = arith.addi %mul3A_23, %add3A_24 : i32
    %multiple_of3A = tpu.assume_multiple %add3A_25, 200 : i32
    %add3A_26 = arith.constant 0 : i32
    %add3A_27 = arith.addi %add3A_26, %multiple_of3A : i32
    %dma_start3A = arith.constant 0 : i32
    %dma_start3A_28 = arith.constant 0 : i32
    %dma_start3A_29 = tpu.memref_slice %arg5[%dma_start3A, %dma_start3A_28] : memref<2x800xi32, #tpu.memory_space<vmem>> -> memref<1x200xi32, #tpu.memory_space<vmem>>
    %dma_start3A_30 = tpu.memref_squeeze %dma_start3A_29 : memref<1x200xi32, #tpu.memory_space<vmem>> -> memref<200xi32, #tpu.memory_space<vmem>>
    %dma_start3A_31 = tpu.memref_slice %arg3[%add3A_27] : memref<3200000xi32, #tpu.memory_space<hbm>> -> memref<200xi32, #tpu.memory_space<hbm>>
    %dma_start3A_32 = arith.constant 0 : i32
    %dma_start3A_33 = tpu.memref_slice %arg5[%dma_start3A, %dma_start3A_32] : memref<2x800xi32, #tpu.memory_space<vmem>> -> memref<1x200xi32, #tpu.memory_space<vmem>>
    %dma_start3A_34 = tpu.memref_squeeze %dma_start3A_33 : memref<1x200xi32, #tpu.memory_space<vmem>> -> memref<200xi32, #tpu.memory_space<vmem>>
    %dma_start3A_35 = tpu.memref_slice %arg3[%add3A_27] : memref<3200000xi32, #tpu.memory_space<hbm>> -> memref<200xi32, #tpu.memory_space<hbm>>
    tpu.enqueue_dma source(%dma_start3A_35 : memref<200xi32, #tpu.memory_space<hbm>>) target(%dma_start3A_34 : memref<200xi32, #tpu.memory_space<vmem>>) target_semaphore(%arg9 : memref<!tpu.dma_semaphore, #tpu.memory_space<semaphore_mem>>)
    %dma_start3A_36 = arith.constant 0 : i32
    %dma_start3A_37 = arith.constant 0 : i32
    %dma_start3A_38 = tpu.memref_slice %arg7[%dma_start3A_36, %dma_start3A_37] : memref<1600x24xf32, #tpu.memory_space<vmem>> -> memref<200x24xf32, #tpu.memory_space<vmem>>
    %dma_start3A_39 = arith.constant 0 : i32
    %dma_start3A_40 = tpu.memref_slice %arg2[%multiple_of3A, %dma_start3A_39] : memref<800000x96xf32, #tpu.memory_space<hbm>> -> memref<200x24xf32, #tpu.memory_space<hbm>>
    %dma_start3A_41 = arith.constant 0 : i32
    %dma_start3A_42 = arith.constant 0 : i32
    %dma_start3A_43 = tpu.memref_slice %arg7[%dma_start3A_41, %dma_start3A_42] : memref<1600x24xf32, #tpu.memory_space<vmem>> -> memref<200x24xf32, #tpu.memory_space<vmem>>
    %dma_start3A_44 = arith.constant 0 : i32
    %dma_start3A_45 = tpu.memref_slice %arg2[%multiple_of3A, %dma_start3A_44] : memref<800000x96xf32, #tpu.memory_space<hbm>> -> memref<200x24xf32, #tpu.memory_space<hbm>>
    tpu.enqueue_dma source(%dma_start3A_45 : memref<200x24xf32, #tpu.memory_space<hbm>>) target(%dma_start3A_43 : memref<200x24xf32, #tpu.memory_space<vmem>>) target_semaphore(%arg9 : memref<!tpu.dma_semaphore, #tpu.memory_space<semaphore_mem>>)
    %add3A_46 = arith.constant 800000 : i32
    %add3A_47 = arith.addi %add3A_46, %multiple_of3A : i32
    %dma_start3A_48 = arith.constant 0 : i32
    %dma_start3A_49 = arith.constant 200 : i32
    %dma_start3A_50 = tpu.memref_slice %arg5[%dma_start3A_48, %dma_start3A_49] : memref<2x800xi32, #tpu.memory_space<vmem>> -> memref<1x200xi32, #tpu.memory_space<vmem>>
    %dma_start3A_51 = tpu.memref_squeeze %dma_start3A_50 : memref<1x200xi32, #tpu.memory_space<vmem>> -> memref<200xi32, #tpu.memory_space<vmem>>
    %dma_start3A_52 = tpu.memref_slice %arg3[%add3A_47] : memref<3200000xi32, #tpu.memory_space<hbm>> -> memref<200xi32, #tpu.memory_space<hbm>>
    %dma_start3A_53 = arith.constant 200 : i32
    %dma_start3A_54 = tpu.memref_slice %arg5[%dma_start3A_48, %dma_start3A_53] : memref<2x800xi32, #tpu.memory_space<vmem>> -> memref<1x200xi32, #tpu.memory_space<vmem>>
    %dma_start3A_55 = tpu.memref_squeeze %dma_start3A_54 : memref<1x200xi32, #tpu.memory_space<vmem>> -> memref<200xi32, #tpu.memory_space<vmem>>
    %dma_start3A_56 = tpu.memref_slice %arg3[%add3A_47] : memref<3200000xi32, #tpu.memory_space<hbm>> -> memref<200xi32, #tpu.memory_space<hbm>>
    tpu.enqueue_dma source(%dma_start3A_56 : memref<200xi32, #tpu.memory_space<hbm>>) target(%dma_start3A_55 : memref<200xi32, #tpu.memory_space<vmem>>) target_semaphore(%arg9 : memref<!tpu.dma_semaphore, #tpu.memory_space<semaphore_mem>>)
    %dma_start3A_57 = arith.constant 200 : i32
    %dma_start3A_58 = arith.constant 0 : i32
    %dma_start3A_59 = tpu.memref_slice %arg7[%dma_start3A_57, %dma_start3A_58] : memref<1600x24xf32, #tpu.memory_space<vmem>> -> memref<200x24xf32, #tpu.memory_space<vmem>>
    %dma_start3A_60 = arith.constant 24 : i32
    %dma_start3A_61 = tpu.memref_slice %arg2[%multiple_of3A, %dma_start3A_60] : memref<800000x96xf32, #tpu.memory_space<hbm>> -> memref<200x24xf32, #tpu.memory_space<hbm>>
    %dma_start3A_62 = arith.constant 200 : i32
    %dma_start3A_63 = arith.constant 0 : i32
    %dma_start3A_64 = tpu.memref_slice %arg7[%dma_start3A_62, %dma_start3A_63] : memref<1600x24xf32, #tpu.memory_space<vmem>> -> memref<200x24xf32, #tpu.memory_space<vmem>>
    %dma_start3A_65 = arith.constant 24 : i32
    %dma_start3A_66 = tpu.memref_slice %arg2[%multiple_of3A, %dma_start3A_65] : memref<800000x96xf32, #tpu.memory_space<hbm>> -> memref<200x24xf32, #tpu.memory_space<hbm>>
    tpu.enqueue_dma source(%dma_start3A_66 : memref<200x24xf32, #tpu.memory_space<hbm>>) target(%dma_start3A_64 : memref<200x24xf32, #tpu.memory_space<vmem>>) target_semaphore(%arg9 : memref<!tpu.dma_semaphore, #tpu.memory_space<semaphore_mem>>)
    %add3A_67 = arith.constant 1600000 : i32
    %add3A_68 = arith.addi %add3A_67, %multiple_of3A : i32
    %dma_start3A_69 = arith.constant 0 : i32
    %dma_start3A_70 = arith.constant 400 : i32
    %dma_start3A_71 = tpu.memref_slice %arg5[%dma_start3A_69, %dma_start3A_70] : memref<2x800xi32, #tpu.memory_space<vmem>> -> memref<1x200xi32, #tpu.memory_space<vmem>>
    %dma_start3A_72 = tpu.memref_squeeze %dma_start3A_71 : memref<1x200xi32, #tpu.memory_space<vmem>> -> memref<200xi32, #tpu.memory_space<vmem>>
    %dma_start3A_73 = tpu.memref_slice %arg3[%add3A_68] : memref<3200000xi32, #tpu.memory_space<hbm>> -> memref<200xi32, #tpu.memory_space<hbm>>
    %dma_start3A_74 = arith.constant 400 : i32
    %dma_start3A_75 = tpu.memref_slice %arg5[%dma_start3A_69, %dma_start3A_74] : memref<2x800xi32, #tpu.memory_space<vmem>> -> memref<1x200xi32, #tpu.memory_space<vmem>>
    %dma_start3A_76 = tpu.memref_squeeze %dma_start3A_75 : memref<1x200xi32, #tpu.memory_space<vmem>> -> memref<200xi32, #tpu.memory_space<vmem>>
    %dma_start3A_77 = tpu.memref_slice %arg3[%add3A_68] : memref<3200000xi32, #tpu.memory_space<hbm>> -> memref<200xi32, #tpu.memory_space<hbm>>
    tpu.enqueue_dma source(%dma_start3A_77 : memref<200xi32, #tpu.memory_space<hbm>>) target(%dma_start3A_76 : memref<200xi32, #tpu.memory_space<vmem>>) target_semaphore(%arg9 : memref<!tpu.dma_semaphore, #tpu.memory_space<semaphore_mem>>)
    %dma_start3A_78 = arith.constant 400 : i32
    %dma_start3A_79 = arith.constant 0 : i32
    %dma_start3A_80 = tpu.memref_slice %arg7[%dma_start3A_78, %dma_start3A_79] : memref<1600x24xf32, #tpu.memory_space<vmem>> -> memref<200x24xf32, #tpu.memory_space<vmem>>
    %dma_start3A_81 = arith.constant 48 : i32
    %dma_start3A_82 = tpu.memref_slice %arg2[%multiple_of3A, %dma_start3A_81] : memref<800000x96xf32, #tpu.memory_space<hbm>> -> memref<200x24xf32, #tpu.memory_space<hbm>>
    %dma_start3A_83 = arith.constant 400 : i32
    %dma_start3A_84 = arith.constant 0 : i32
    %dma_start3A_85 = tpu.memref_slice %arg7[%dma_start3A_83, %dma_start3A_84] : memref<1600x24xf32, #tpu.memory_space<vmem>> -> memref<200x24xf32, #tpu.memory_space<vmem>>
    %dma_start3A_86 = arith.constant 48 : i32
    %dma_start3A_87 = tpu.memref_slice %arg2[%multiple_of3A, %dma_start3A_86] : memref<800000x96xf32, #tpu.memory_space<hbm>> -> memref<200x24xf32, #tpu.memory_space<hbm>>
    tpu.enqueue_dma source(%dma_start3A_87 : memref<200x24xf32, #tpu.memory_space<hbm>>) target(%dma_start3A_85 : memref<200x24xf32, #tpu.memory_space<vmem>>) target_semaphore(%arg9 : memref<!tpu.dma_semaphore, #tpu.memory_space<semaphore_mem>>)
    %add3A_88 = arith.constant 2400000 : i32
    %add3A_89 = arith.addi %add3A_88, %multiple_of3A : i32
    %dma_start3A_90 = arith.constant 0 : i32
    %dma_start3A_91 = arith.constant 600 : i32
    %dma_start3A_92 = tpu.memref_slice %arg5[%dma_start3A_90, %dma_start3A_91] : memref<2x800xi32, #tpu.memory_space<vmem>> -> memref<1x200xi32, #tpu.memory_space<vmem>>
    %dma_start3A_93 = tpu.memref_squeeze %dma_start3A_92 : memref<1x200xi32, #tpu.memory_space<vmem>> -> memref<200xi32, #tpu.memory_space<vmem>>
    %dma_start3A_94 = tpu.memref_slice %arg3[%add3A_89] : memref<3200000xi32, #tpu.memory_space<hbm>> -> memref<200xi32, #tpu.memory_space<hbm>>
    %dma_start3A_95 = arith.constant 600 : i32
    %dma_start3A_96 = tpu.memref_slice %arg5[%dma_start3A_90, %dma_start3A_95] : memref<2x800xi32, #tpu.memory_space<vmem>> -> memref<1x200xi32, #tpu.memory_space<vmem>>
    %dma_start3A_97 = tpu.memref_squeeze %dma_start3A_96 : memref<1x200xi32, #tpu.memory_space<vmem>> -> memref<200xi32, #tpu.memory_space<vmem>>
    %dma_start3A_98 = tpu.memref_slice %arg3[%add3A_89] : memref<3200000xi32, #tpu.memory_space<hbm>> -> memref<200xi32, #tpu.memory_space<hbm>>
    tpu.enqueue_dma source(%dma_start3A_98 : memref<200xi32, #tpu.memory_space<hbm>>) target(%dma_start3A_97 : memref<200xi32, #tpu.memory_space<vmem>>) target_semaphore(%arg9 : memref<!tpu.dma_semaphore, #tpu.memory_space<semaphore_mem>>)
    %dma_start3A_99 = arith.constant 600 : i32
    %dma_start3A_100 = arith.constant 0 : i32
    %dma_start3A_101 = tpu.memref_slice %arg7[%dma_start3A_99, %dma_start3A_100] : memref<1600x24xf32, #tpu.memory_space<vmem>> -> memref<200x24xf32, #tpu.memory_space<vmem>>
    %dma_start3A_102 = arith.constant 72 : i32
    %dma_start3A_103 = tpu.memref_slice %arg2[%multiple_of3A, %dma_start3A_102] : memref<800000x96xf32, #tpu.memory_space<hbm>> -> memref<200x24xf32, #tpu.memory_space<hbm>>
    %dma_start3A_104 = arith.constant 600 : i32
    %dma_start3A_105 = arith.constant 0 : i32
    %dma_start3A_106 = tpu.memref_slice %arg7[%dma_start3A_104, %dma_start3A_105] : memref<1600x24xf32, #tpu.memory_space<vmem>> -> memref<200x24xf32, #tpu.memory_space<vmem>>
    %dma_start3A_107 = arith.constant 72 : i32
    %dma_start3A_108 = tpu.memref_slice %arg2[%multiple_of3A, %dma_start3A_107] : memref<800000x96xf32, #tpu.memory_space<hbm>> -> memref<200x24xf32, #tpu.memory_space<hbm>>
    tpu.enqueue_dma source(%dma_start3A_108 : memref<200x24xf32, #tpu.memory_space<hbm>>) target(%dma_start3A_106 : memref<200x24xf32, #tpu.memory_space<vmem>>) target_semaphore(%arg9 : memref<!tpu.dma_semaphore, #tpu.memory_space<semaphore_mem>>)
    %scan3A_109 = arith.constant 0 : i32
    %scan3A_110 = arith.constant 0 : i32
    %scan3A_111 = arith.constant 125 : i32
    %scan3A_112 = arith.addi %scan3A_110, %scan3A_111 : i32
    %scan3A_113 = arith.constant 1 : i32
    scf.for %scan3A_125 = %scan3A_110 to %scan3A_112 step %scan3A_113  : i32 {
      %mul3A_126 = arith.constant 2 : i32
      %mul3A_127 = arith.muli %scan3A_125, %mul3A_126 : i32
      %mul3A_128 = arith.constant 50000 : i32
      %mul3A_129 = arith.muli %arg1, %mul3A_128 : i32
      %mul3A_130 = arith.constant 200 : i32
      %mul3A_131 = arith.muli %mul3A_127, %mul3A_130 : i32
      %add3A_132 = arith.addi %mul3A_129, %mul3A_131 : i32
      %multiple_of3A_133 = tpu.assume_multiple %add3A_132, 200 : i32
      %add3A_134 = arith.constant 0 : i32
      %add3A_135 = arith.addi %add3A_134, %multiple_of3A_133 : i32
      %dma_wait3A = arith.constant 0 : i32
      %dma_wait3A_136 = arith.constant 0 : i32
      %dma_wait3A_137 = tpu.memref_slice %arg5[%dma_wait3A, %dma_wait3A_136] : memref<2x800xi32, #tpu.memory_space<vmem>> -> memref<1x200xi32, #tpu.memory_space<vmem>>
      %dma_wait3A_138 = tpu.memref_squeeze %dma_wait3A_137 : memref<1x200xi32, #tpu.memory_space<vmem>> -> memref<200xi32, #tpu.memory_space<vmem>>
      %dma_wait3A_139 = tpu.memref_slice %arg3[%add3A_135] : memref<3200000xi32, #tpu.memory_space<hbm>> -> memref<200xi32, #tpu.memory_space<hbm>>
      %dma_wait3A_140 = arith.constant 0 : i32
      %dma_wait3A_141 = tpu.memref_slice %arg5[%dma_wait3A, %dma_wait3A_140] : memref<2x800xi32, #tpu.memory_space<vmem>> -> memref<1x200xi32, #tpu.memory_space<vmem>>
      %dma_wait3A_142 = tpu.memref_squeeze %dma_wait3A_141 : memref<1x200xi32, #tpu.memory_space<vmem>> -> memref<200xi32, #tpu.memory_space<vmem>>
      %dma_wait3A_143 = tpu.memref_slice %arg3[%add3A_135] : memref<3200000xi32, #tpu.memory_space<hbm>> -> memref<200xi32, #tpu.memory_space<hbm>>
      tpu.wait_dma2 semaphore(%arg9 : memref<!tpu.dma_semaphore, #tpu.memory_space<semaphore_mem>>) src(%dma_wait3A_143 : memref<200xi32, #tpu.memory_space<hbm>>) dst(%dma_wait3A_142 : memref<200xi32, #tpu.memory_space<vmem>>)
      %dma_wait3A_144 = arith.constant 0 : i32
      %dma_wait3A_145 = arith.constant 0 : i32
      %dma_wait3A_146 = tpu.memref_slice %arg7[%dma_wait3A_144, %dma_wait3A_145] : memref<1600x24xf32, #tpu.memory_space<vmem>> -> memref<200x24xf32, #tpu.memory_space<vmem>>
      %dma_wait3A_147 = arith.constant 0 : i32
      %dma_wait3A_148 = tpu.memref_slice %arg2[%multiple_of3A_133, %dma_wait3A_147] : memref<800000x96xf32, #tpu.memory_space<hbm>> -> memref<200x24xf32, #tpu.memory_space<hbm>>
      %dma_wait3A_149 = arith.constant 0 : i32
      %dma_wait3A_150 = arith.constant 0 : i32
      %dma_wait3A_151 = tpu.memref_slice %arg7[%dma_wait3A_149, %dma_wait3A_150] : memref<1600x24xf32, #tpu.memory_space<vmem>> -> memref<200x24xf32, #tpu.memory_space<vmem>>
      %dma_wait3A_152 = arith.constant 0 : i32
      %dma_wait3A_153 = tpu.memref_slice %arg2[%multiple_of3A_133, %dma_wait3A_152] : memref<800000x96xf32, #tpu.memory_space<hbm>> -> memref<200x24xf32, #tpu.memory_space<hbm>>
      tpu.wait_dma2 semaphore(%arg9 : memref<!tpu.dma_semaphore, #tpu.memory_space<semaphore_mem>>) src(%dma_wait3A_153 : memref<200x24xf32, #tpu.memory_space<hbm>>) dst(%dma_wait3A_151 : memref<200x24xf32, #tpu.memory_space<vmem>>)
      %add3A_154 = arith.constant 800000 : i32
      %add3A_155 = arith.addi %add3A_154, %multiple_of3A_133 : i32
      %dma_wait3A_156 = arith.constant 0 : i32
      %dma_wait3A_157 = arith.constant 200 : i32
      %dma_wait3A_158 = tpu.memref_slice %arg5[%dma_wait3A_156, %dma_wait3A_157] : memref<2x800xi32, #tpu.memory_space<vmem>> -> memref<1x200xi32, #tpu.memory_space<vmem>>
      %dma_wait3A_159 = tpu.memref_squeeze %dma_wait3A_158 : memref<1x200xi32, #tpu.memory_space<vmem>> -> memref<200xi32, #tpu.memory_space<vmem>>
      %dma_wait3A_160 = tpu.memref_slice %arg3[%add3A_155] : memref<3200000xi32, #tpu.memory_space<hbm>> -> memref<200xi32, #tpu.memory_space<hbm>>
      %dma_wait3A_161 = arith.constant 200 : i32
      %dma_wait3A_162 = tpu.memref_slice %arg5[%dma_wait3A_156, %dma_wait3A_161] : memref<2x800xi32, #tpu.memory_space<vmem>> -> memref<1x200xi32, #tpu.memory_space<vmem>>
      %dma_wait3A_163 = tpu.memref_squeeze %dma_wait3A_162 : memref<1x200xi32, #tpu.memory_space<vmem>> -> memref<200xi32, #tpu.memory_space<vmem>>
      %dma_wait3A_164 = tpu.memref_slice %arg3[%add3A_155] : memref<3200000xi32, #tpu.memory_space<hbm>> -> memref<200xi32, #tpu.memory_space<hbm>>
      tpu.wait_dma2 semaphore(%arg9 : memref<!tpu.dma_semaphore, #tpu.memory_space<semaphore_mem>>) src(%dma_wait3A_164 : memref<200xi32, #tpu.memory_space<hbm>>) dst(%dma_wait3A_163 : memref<200xi32, #tpu.memory_space<vmem>>)
      %dma_wait3A_165 = arith.constant 200 : i32
      %dma_wait3A_166 = arith.constant 0 : i32
      %dma_wait3A_167 = tpu.memref_slice %arg7[%dma_wait3A_165, %dma_wait3A_166] : memref<1600x24xf32, #tpu.memory_space<vmem>> -> memref<200x24xf32, #tpu.memory_space<vmem>>
      %dma_wait3A_168 = arith.constant 24 : i32
      %dma_wait3A_169 = tpu.memref_slice %arg2[%multiple_of3A_133, %dma_wait3A_168] : memref<800000x96xf32, #tpu.memory_space<hbm>> -> memref<200x24xf32, #tpu.memory_space<hbm>>
      %dma_wait3A_170 = arith.constant 200 : i32
      %dma_wait3A_171 = arith.constant 0 : i32
      %dma_wait3A_172 = tpu.memref_slice %arg7[%dma_wait3A_170, %dma_wait3A_171] : memref<1600x24xf32, #tpu.memory_space<vmem>> -> memref<200x24xf32, #tpu.memory_space<vmem>>
      %dma_wait3A_173 = arith.constant 24 : i32
      %dma_wait3A_174 = tpu.memref_slice %arg2[%multiple_of3A_133, %dma_wait3A_173] : memref<800000x96xf32, #tpu.memory_space<hbm>> -> memref<200x24xf32, #tpu.memory_space<hbm>>
      tpu.wait_dma2 semaphore(%arg9 : memref<!tpu.dma_semaphore, #tpu.memory_space<semaphore_mem>>) src(%dma_wait3A_174 : memref<200x24xf32, #tpu.memory_space<hbm>>) dst(%dma_wait3A_172 : memref<200x24xf32, #tpu.memory_space<vmem>>)
      %add3A_175 = arith.constant 1600000 : i32
      %add3A_176 = arith.addi %add3A_175, %multiple_of3A_133 : i32
      %dma_wait3A_177 = arith.constant 0 : i32
      %dma_wait3A_178 = arith.constant 400 : i32
      %dma_wait3A_179 = tpu.memref_slice %arg5[%dma_wait3A_177, %dma_wait3A_178] : memref<2x800xi32, #tpu.memory_space<vmem>> -> memref<1x200xi32, #tpu.memory_space<vmem>>
      %dma_wait3A_180 = tpu.memref_squeeze %dma_wait3A_179 : memref<1x200xi32, #tpu.memory_space<vmem>> -> memref<200xi32, #tpu.memory_space<vmem>>
      %dma_wait3A_181 = tpu.memref_slice %arg3[%add3A_176] : memref<3200000xi32, #tpu.memory_space<hbm>> -> memref<200xi32, #tpu.memory_space<hbm>>
      %dma_wait3A_182 = arith.constant 400 : i32
      %dma_wait3A_183 = tpu.memref_slice %arg5[%dma_wait3A_177, %dma_wait3A_182] : memref<2x800xi32, #tpu.memory_space<vmem>> -> memref<1x200xi32, #tpu.memory_space<vmem>>
      %dma_wait3A_184 = tpu.memref_squeeze %dma_wait3A_183 : memref<1x200xi32, #tpu.memory_space<vmem>> -> memref<200xi32, #tpu.memory_space<vmem>>
      %dma_wait3A_185 = tpu.memref_slice %arg3[%add3A_176] : memref<3200000xi32, #tpu.memory_space<hbm>> -> memref<200xi32, #tpu.memory_space<hbm>>
      tpu.wait_dma2 semaphore(%arg9 : memref<!tpu.dma_semaphore, #tpu.memory_space<semaphore_mem>>) src(%dma_wait3A_185 : memref<200xi32, #tpu.memory_space<hbm>>) dst(%dma_wait3A_184 : memref<200xi32, #tpu.memory_space<vmem>>)
      %dma_wait3A_186 = arith.constant 400 : i32
      %dma_wait3A_187 = arith.constant 0 : i32
      %dma_wait3A_188 = tpu.memref_slice %arg7[%dma_wait3A_186, %dma_wait3A_187] : memref<1600x24xf32, #tpu.memory_space<vmem>> -> memref<200x24xf32, #tpu.memory_space<vmem>>
      %dma_wait3A_189 = arith.constant 48 : i32
      %dma_wait3A_190 = tpu.memref_slice %arg2[%multiple_of3A_133, %dma_wait3A_189] : memref<800000x96xf32, #tpu.memory_space<hbm>> -> memref<200x24xf32, #tpu.memory_space<hbm>>
      %dma_wait3A_191 = arith.constant 400 : i32
      %dma_wait3A_192 = arith.constant 0 : i32
      %dma_wait3A_193 = tpu.memref_slice %arg7[%dma_wait3A_191, %dma_wait3A_192] : memref<1600x24xf32, #tpu.memory_space<vmem>> -> memref<200x24xf32, #tpu.memory_space<vmem>>
      %dma_wait3A_194 = arith.constant 48 : i32
      %dma_wait3A_195 = tpu.memref_slice %arg2[%multiple_of3A_133, %dma_wait3A_194] : memref<800000x96xf32, #tpu.memory_space<hbm>> -> memref<200x24xf32, #tpu.memory_space<hbm>>
      tpu.wait_dma2 semaphore(%arg9 : memref<!tpu.dma_semaphore, #tpu.memory_space<semaphore_mem>>) src(%dma_wait3A_195 : memref<200x24xf32, #tpu.memory_space<hbm>>) dst(%dma_wait3A_193 : memref<200x24xf32, #tpu.memory_space<vmem>>)
      %add3A_196 = arith.constant 2400000 : i32
      %add3A_197 = arith.addi %add3A_196, %multiple_of3A_133 : i32
      %dma_wait3A_198 = arith.constant 0 : i32
      %dma_wait3A_199 = arith.constant 600 : i32
      %dma_wait3A_200 = tpu.memref_slice %arg5[%dma_wait3A_198, %dma_wait3A_199] : memref<2x800xi32, #tpu.memory_space<vmem>> -> memref<1x200xi32, #tpu.memory_space<vmem>>
      %dma_wait3A_201 = tpu.memref_squeeze %dma_wait3A_200 : memref<1x200xi32, #tpu.memory_space<vmem>> -> memref<200xi32, #tpu.memory_space<vmem>>
      %dma_wait3A_202 = tpu.memref_slice %arg3[%add3A_197] : memref<3200000xi32, #tpu.memory_space<hbm>> -> memref<200xi32, #tpu.memory_space<hbm>>
      %dma_wait3A_203 = arith.constant 600 : i32
      %dma_wait3A_204 = tpu.memref_slice %arg5[%dma_wait3A_198, %dma_wait3A_203] : memref<2x800xi32, #tpu.memory_space<vmem>> -> memref<1x200xi32, #tpu.memory_space<vmem>>
      %dma_wait3A_205 = tpu.memref_squeeze %dma_wait3A_204 : memref<1x200xi32, #tpu.memory_space<vmem>> -> memref<200xi32, #tpu.memory_space<vmem>>
      %dma_wait3A_206 = tpu.memref_slice %arg3[%add3A_197] : memref<3200000xi32, #tpu.memory_space<hbm>> -> memref<200xi32, #tpu.memory_space<hbm>>
      tpu.wait_dma2 semaphore(%arg9 : memref<!tpu.dma_semaphore, #tpu.memory_space<semaphore_mem>>) src(%dma_wait3A_206 : memref<200xi32, #tpu.memory_space<hbm>>) dst(%dma_wait3A_205 : memref<200xi32, #tpu.memory_space<vmem>>)
      %dma_wait3A_207 = arith.constant 600 : i32
      %dma_wait3A_208 = arith.constant 0 : i32
      %dma_wait3A_209 = tpu.memref_slice %arg7[%dma_wait3A_207, %dma_wait3A_208] : memref<1600x24xf32, #tpu.memory_space<vmem>> -> memref<200x24xf32, #tpu.memory_space<vmem>>
      %dma_wait3A_210 = arith.constant 72 : i32
      %dma_wait3A_211 = tpu.memref_slice %arg2[%multiple_of3A_133, %dma_wait3A_210] : memref<800000x96xf32, #tpu.memory_space<hbm>> -> memref<200x24xf32, #tpu.memory_space<hbm>>
      %dma_wait3A_212 = arith.constant 600 : i32
      %dma_wait3A_213 = arith.constant 0 : i32
      %dma_wait3A_214 = tpu.memref_slice %arg7[%dma_wait3A_212, %dma_wait3A_213] : memref<1600x24xf32, #tpu.memory_space<vmem>> -> memref<200x24xf32, #tpu.memory_space<vmem>>
      %dma_wait3A_215 = arith.constant 72 : i32
      %dma_wait3A_216 = tpu.memref_slice %arg2[%multiple_of3A_133, %dma_wait3A_215] : memref<800000x96xf32, #tpu.memory_space<hbm>> -> memref<200x24xf32, #tpu.memory_space<hbm>>
      tpu.wait_dma2 semaphore(%arg9 : memref<!tpu.dma_semaphore, #tpu.memory_space<semaphore_mem>>) src(%dma_wait3A_216 : memref<200x24xf32, #tpu.memory_space<hbm>>) dst(%dma_wait3A_214 : memref<200x24xf32, #tpu.memory_space<vmem>>)
      %add3A_217 = arith.constant 1 : i32
      %add3A_218 = arith.addi %mul3A_127, %add3A_217 : i32
      %lt3A_219 = arith.constant 250 : i32
      %lt3A_220 = arith.cmpi slt, %add3A_218, %lt3A_219 : i32
      %convert_element_type3A_221 = arith.extui %lt3A_220 : i1 to i32
      %cond3A_222 = arith.constant 0 : i32
      %cond3A_223 = arith.cmpi ne, %convert_element_type3A_221, %cond3A_222 : i32
      scf.if %cond3A_223 {
        %add3A_1574 = arith.constant 1 : i32
        %add3A_1575 = arith.addi %mul3A_127, %add3A_1574 : i32
        %mul3A_1576 = arith.constant 50000 : i32
        %mul3A_1577 = arith.muli %arg1, %mul3A_1576 : i32
        %mul3A_1578 = arith.constant 200 : i32
        %mul3A_1579 = arith.muli %add3A_1575, %mul3A_1578 : i32
        %add3A_1580 = arith.addi %mul3A_1577, %mul3A_1579 : i32
        %multiple_of3A_1581 = tpu.assume_multiple %add3A_1580, 200 : i32
        %add3A_1582 = arith.constant 0 : i32
        %add3A_1583 = arith.addi %add3A_1582, %multiple_of3A_1581 : i32
        %dma_start3A_1584 = arith.constant 1 : i32
        %dma_start3A_1585 = arith.constant 0 : i32
        %dma_start3A_1586 = tpu.memref_slice %arg5[%dma_start3A_1584, %dma_start3A_1585] : memref<2x800xi32, #tpu.memory_space<vmem>> -> memref<1x200xi32, #tpu.memory_space<vmem>>
        %dma_start3A_1587 = tpu.memref_squeeze %dma_start3A_1586 : memref<1x200xi32, #tpu.memory_space<vmem>> -> memref<200xi32, #tpu.memory_space<vmem>>
        %dma_start3A_1588 = tpu.memref_slice %arg3[%add3A_1583] : memref<3200000xi32, #tpu.memory_space<hbm>> -> memref<200xi32, #tpu.memory_space<hbm>>
        %dma_start3A_1589 = arith.constant 0 : i32
        %dma_start3A_1590 = tpu.memref_slice %arg5[%dma_start3A_1584, %dma_start3A_1589] : memref<2x800xi32, #tpu.memory_space<vmem>> -> memref<1x200xi32, #tpu.memory_space<vmem>>
        %dma_start3A_1591 = tpu.memref_squeeze %dma_start3A_1590 : memref<1x200xi32, #tpu.memory_space<vmem>> -> memref<200xi32, #tpu.memory_space<vmem>>
        %dma_start3A_1592 = tpu.memref_slice %arg3[%add3A_1583] : memref<3200000xi32, #tpu.memory_space<hbm>> -> memref<200xi32, #tpu.memory_space<hbm>>
        tpu.enqueue_dma source(%dma_start3A_1592 : memref<200xi32, #tpu.memory_space<hbm>>) target(%dma_start3A_1591 : memref<200xi32, #tpu.memory_space<vmem>>) target_semaphore(%arg10 : memref<!tpu.dma_semaphore, #tpu.memory_space<semaphore_mem>>)
        %dma_start3A_1593 = arith.constant 800 : i32
        %dma_start3A_1594 = arith.constant 0 : i32
        %dma_start3A_1595 = tpu.memref_slice %arg7[%dma_start3A_1593, %dma_start3A_1594] : memref<1600x24xf32, #tpu.memory_space<vmem>> -> memref<200x24xf32, #tpu.memory_space<vmem>>
        %dma_start3A_1596 = arith.constant 0 : i32
        %dma_start3A_1597 = tpu.memref_slice %arg2[%multiple_of3A_1581, %dma_start3A_1596] : memref<800000x96xf32, #tpu.memory_space<hbm>> -> memref<200x24xf32, #tpu.memory_space<hbm>>
        %dma_start3A_1598 = arith.constant 800 : i32
        %dma_start3A_1599 = arith.constant 0 : i32
        %dma_start3A_1600 = tpu.memref_slice %arg7[%dma_start3A_1598, %dma_start3A_1599] : memref<1600x24xf32, #tpu.memory_space<vmem>> -> memref<200x24xf32, #tpu.memory_space<vmem>>
        %dma_start3A_1601 = arith.constant 0 : i32
        %dma_start3A_1602 = tpu.memref_slice %arg2[%multiple_of3A_1581, %dma_start3A_1601] : memref<800000x96xf32, #tpu.memory_space<hbm>> -> memref<200x24xf32, #tpu.memory_space<hbm>>
        tpu.enqueue_dma source(%dma_start3A_1602 : memref<200x24xf32, #tpu.memory_space<hbm>>) target(%dma_start3A_1600 : memref<200x24xf32, #tpu.memory_space<vmem>>) target_semaphore(%arg10 : memref<!tpu.dma_semaphore, #tpu.memory_space<semaphore_mem>>)
        %add3A_1603 = arith.constant 800000 : i32
        %add3A_1604 = arith.addi %add3A_1603, %multiple_of3A_1581 : i32
        %dma_start3A_1605 = arith.constant 1 : i32
        %dma_start3A_1606 = arith.constant 200 : i32
        %dma_start3A_1607 = tpu.memref_slice %arg5[%dma_start3A_1605, %dma_start3A_1606] : memref<2x800xi32, #tpu.memory_space<vmem>> -> memref<1x200xi32, #tpu.memory_space<vmem>>
        %dma_start3A_1608 = tpu.memref_squeeze %dma_start3A_1607 : memref<1x200xi32, #tpu.memory_space<vmem>> -> memref<200xi32, #tpu.memory_space<vmem>>
        %dma_start3A_1609 = tpu.memref_slice %arg3[%add3A_1604] : memref<3200000xi32, #tpu.memory_space<hbm>> -> memref<200xi32, #tpu.memory_space<hbm>>
        %dma_start3A_1610 = arith.constant 200 : i32
        %dma_start3A_1611 = tpu.memref_slice %arg5[%dma_start3A_1605, %dma_start3A_1610] : memref<2x800xi32, #tpu.memory_space<vmem>> -> memref<1x200xi32, #tpu.memory_space<vmem>>
        %dma_start3A_1612 = tpu.memref_squeeze %dma_start3A_1611 : memref<1x200xi32, #tpu.memory_space<vmem>> -> memref<200xi32, #tpu.memory_space<vmem>>
        %dma_start3A_1613 = tpu.memref_slice %arg3[%add3A_1604] : memref<3200000xi32, #tpu.memory_space<hbm>> -> memref<200xi32, #tpu.memory_space<hbm>>
        tpu.enqueue_dma source(%dma_start3A_1613 : memref<200xi32, #tpu.memory_space<hbm>>) target(%dma_start3A_1612 : memref<200xi32, #tpu.memory_space<vmem>>) target_semaphore(%arg10 : memref<!tpu.dma_semaphore, #tpu.memory_space<semaphore_mem>>)
        %dma_start3A_1614 = arith.constant 1000 : i32
        %dma_start3A_1615 = arith.constant 0 : i32
        %dma_start3A_1616 = tpu.memref_slice %arg7[%dma_start3A_1614, %dma_start3A_1615] : memref<1600x24xf32, #tpu.memory_space<vmem>> -> memref<200x24xf32, #tpu.memory_space<vmem>>
        %dma_start3A_1617 = arith.constant 24 : i32
        %dma_start3A_1618 = tpu.memref_slice %arg2[%multiple_of3A_1581, %dma_start3A_1617] : memref<800000x96xf32, #tpu.memory_space<hbm>> -> memref<200x24xf32, #tpu.memory_space<hbm>>
        %dma_start3A_1619 = arith.constant 1000 : i32
        %dma_start3A_1620 = arith.constant 0 : i32
        %dma_start3A_1621 = tpu.memref_slice %arg7[%dma_start3A_1619, %dma_start3A_1620] : memref<1600x24xf32, #tpu.memory_space<vmem>> -> memref<200x24xf32, #tpu.memory_space<vmem>>
        %dma_start3A_1622 = arith.constant 24 : i32
        %dma_start3A_1623 = tpu.memref_slice %arg2[%multiple_of3A_1581, %dma_start3A_1622] : memref<800000x96xf32, #tpu.memory_space<hbm>> -> memref<200x24xf32, #tpu.memory_space<hbm>>
        tpu.enqueue_dma source(%dma_start3A_1623 : memref<200x24xf32, #tpu.memory_space<hbm>>) target(%dma_start3A_1621 : memref<200x24xf32, #tpu.memory_space<vmem>>) target_semaphore(%arg10 : memref<!tpu.dma_semaphore, #tpu.memory_space<semaphore_mem>>)
        %add3A_1624 = arith.constant 1600000 : i32
        %add3A_1625 = arith.addi %add3A_1624, %multiple_of3A_1581 : i32
        %dma_start3A_1626 = arith.constant 1 : i32
        %dma_start3A_1627 = arith.constant 400 : i32
        %dma_start3A_1628 = tpu.memref_slice %arg5[%dma_start3A_1626, %dma_start3A_1627] : memref<2x800xi32, #tpu.memory_space<vmem>> -> memref<1x200xi32, #tpu.memory_space<vmem>>
        %dma_start3A_1629 = tpu.memref_squeeze %dma_start3A_1628 : memref<1x200xi32, #tpu.memory_space<vmem>> -> memref<200xi32, #tpu.memory_space<vmem>>
        %dma_start3A_1630 = tpu.memref_slice %arg3[%add3A_1625] : memref<3200000xi32, #tpu.memory_space<hbm>> -> memref<200xi32, #tpu.memory_space<hbm>>
        %dma_start3A_1631 = arith.constant 400 : i32
        %dma_start3A_1632 = tpu.memref_slice %arg5[%dma_start3A_1626, %dma_start3A_1631] : memref<2x800xi32, #tpu.memory_space<vmem>> -> memref<1x200xi32, #tpu.memory_space<vmem>>
        %dma_start3A_1633 = tpu.memref_squeeze %dma_start3A_1632 : memref<1x200xi32, #tpu.memory_space<vmem>> -> memref<200xi32, #tpu.memory_space<vmem>>
        %dma_start3A_1634 = tpu.memref_slice %arg3[%add3A_1625] : memref<3200000xi32, #tpu.memory_space<hbm>> -> memref<200xi32, #tpu.memory_space<hbm>>
        tpu.enqueue_dma source(%dma_start3A_1634 : memref<200xi32, #tpu.memory_space<hbm>>) target(%dma_start3A_1633 : memref<200xi32, #tpu.memory_space<vmem>>) target_semaphore(%arg10 : memref<!tpu.dma_semaphore, #tpu.memory_space<semaphore_mem>>)
        %dma_start3A_1635 = arith.constant 1200 : i32
        %dma_start3A_1636 = arith.constant 0 : i32
        %dma_start3A_1637 = tpu.memref_slice %arg7[%dma_start3A_1635, %dma_start3A_1636] : memref<1600x24xf32, #tpu.memory_space<vmem>> -> memref<200x24xf32, #tpu.memory_space<vmem>>
        %dma_start3A_1638 = arith.constant 48 : i32
        %dma_start3A_1639 = tpu.memref_slice %arg2[%multiple_of3A_1581, %dma_start3A_1638] : memref<800000x96xf32, #tpu.memory_space<hbm>> -> memref<200x24xf32, #tpu.memory_space<hbm>>
        %dma_start3A_1640 = arith.constant 1200 : i32
        %dma_start3A_1641 = arith.constant 0 : i32
        %dma_start3A_1642 = tpu.memref_slice %arg7[%dma_start3A_1640, %dma_start3A_1641] : memref<1600x24xf32, #tpu.memory_space<vmem>> -> memref<200x24xf32, #tpu.memory_space<vmem>>
        %dma_start3A_1643 = arith.constant 48 : i32
        %dma_start3A_1644 = tpu.memref_slice %arg2[%multiple_of3A_1581, %dma_start3A_1643] : memref<800000x96xf32, #tpu.memory_space<hbm>> -> memref<200x24xf32, #tpu.memory_space<hbm>>
        tpu.enqueue_dma source(%dma_start3A_1644 : memref<200x24xf32, #tpu.memory_space<hbm>>) target(%dma_start3A_1642 : memref<200x24xf32, #tpu.memory_space<vmem>>) target_semaphore(%arg10 : memref<!tpu.dma_semaphore, #tpu.memory_space<semaphore_mem>>)
        %add3A_1645 = arith.constant 2400000 : i32
        %add3A_1646 = arith.addi %add3A_1645, %multiple_of3A_1581 : i32
        %dma_start3A_1647 = arith.constant 1 : i32
        %dma_start3A_1648 = arith.constant 600 : i32
        %dma_start3A_1649 = tpu.memref_slice %arg5[%dma_start3A_1647, %dma_start3A_1648] : memref<2x800xi32, #tpu.memory_space<vmem>> -> memref<1x200xi32, #tpu.memory_space<vmem>>
        %dma_start3A_1650 = tpu.memref_squeeze %dma_start3A_1649 : memref<1x200xi32, #tpu.memory_space<vmem>> -> memref<200xi32, #tpu.memory_space<vmem>>
        %dma_start3A_1651 = tpu.memref_slice %arg3[%add3A_1646] : memref<3200000xi32, #tpu.memory_space<hbm>> -> memref<200xi32, #tpu.memory_space<hbm>>
        %dma_start3A_1652 = arith.constant 600 : i32
        %dma_start3A_1653 = tpu.memref_slice %arg5[%dma_start3A_1647, %dma_start3A_1652] : memref<2x800xi32, #tpu.memory_space<vmem>> -> memref<1x200xi32, #tpu.memory_space<vmem>>
        %dma_start3A_1654 = tpu.memref_squeeze %dma_start3A_1653 : memref<1x200xi32, #tpu.memory_space<vmem>> -> memref<200xi32, #tpu.memory_space<vmem>>
        %dma_start3A_1655 = tpu.memref_slice %arg3[%add3A_1646] : memref<3200000xi32, #tpu.memory_space<hbm>> -> memref<200xi32, #tpu.memory_space<hbm>>
        tpu.enqueue_dma source(%dma_start3A_1655 : memref<200xi32, #tpu.memory_space<hbm>>) target(%dma_start3A_1654 : memref<200xi32, #tpu.memory_space<vmem>>) target_semaphore(%arg10 : memref<!tpu.dma_semaphore, #tpu.memory_space<semaphore_mem>>)
        %dma_start3A_1656 = arith.constant 1400 : i32
        %dma_start3A_1657 = arith.constant 0 : i32
        %dma_start3A_1658 = tpu.memref_slice %arg7[%dma_start3A_1656, %dma_start3A_1657] : memref<1600x24xf32, #tpu.memory_space<vmem>> -> memref<200x24xf32, #tpu.memory_space<vmem>>
        %dma_start3A_1659 = arith.constant 72 : i32
        %dma_start3A_1660 = tpu.memref_slice %arg2[%multiple_of3A_1581, %dma_start3A_1659] : memref<800000x96xf32, #tpu.memory_space<hbm>> -> memref<200x24xf32, #tpu.memory_space<hbm>>
        %dma_start3A_1661 = arith.constant 1400 : i32
        %dma_start3A_1662 = arith.constant 0 : i32
        %dma_start3A_1663 = tpu.memref_slice %arg7[%dma_start3A_1661, %dma_start3A_1662] : memref<1600x24xf32, #tpu.memory_space<vmem>> -> memref<200x24xf32, #tpu.memory_space<vmem>>
        %dma_start3A_1664 = arith.constant 72 : i32
        %dma_start3A_1665 = tpu.memref_slice %arg2[%multiple_of3A_1581, %dma_start3A_1664] : memref<800000x96xf32, #tpu.memory_space<hbm>> -> memref<200x24xf32, #tpu.memory_space<hbm>>
        tpu.enqueue_dma source(%dma_start3A_1665 : memref<200x24xf32, #tpu.memory_space<hbm>>) target(%dma_start3A_1663 : memref<200x24xf32, #tpu.memory_space<vmem>>) target_semaphore(%arg10 : memref<!tpu.dma_semaphore, #tpu.memory_space<semaphore_mem>>)
      } else {
      }
      %get3A = arith.constant 0 : i32
      %get3A_224 = arith.index_cast %get3A : i32 to index
      %get3A_225 = arith.constant 0 : index
      %get3A_226 = tpu.vector_load %arg5[%get3A_224, %get3A_225] {strides = array<i32>} : memref<2x800xi32, #tpu.memory_space<vmem>>, vector<1x16xi32>,
      %get3A_227 = vector.shape_cast %get3A_226 : vector<1x16xi32> to vector<16xi32>
      %sub3A = vector.broadcast %mul3A_0 : i32 to vector<16xi32>
      %sub3A_228 = arith.subi %get3A_227, %sub3A : vector<16xi32>
      %ge3A = arith.constant 0 : i32
      %ge3A_229 = vector.broadcast %ge3A : i32 to vector<16xi32>
      %ge3A_230 = arith.cmpi sge, %sub3A_228, %ge3A_229 : vector<16xi32>
      %lt3A_231 = arith.constant 50000 : i32
      %lt3A_232 = vector.broadcast %lt3A_231 : i32 to vector<16xi32>
      %lt3A_233 = arith.cmpi slt, %sub3A_228, %lt3A_232 : vector<16xi32>
      %and3A = arith.andi %ge3A_230, %lt3A_233 : vector<16xi1>
      %jit3A = arith.constant 50000 : i32
      %broadcast_in_dim3A_234 = vector.broadcast %jit3A : i32 to vector<16xi32>
      %select_n3A = arith.select %and3A, %sub3A_228, %broadcast_in_dim3A_234 : vector<16xi1>, vector<16xi32>
      %swap3A = arith.constant 0 : i32
      %swap3A_235 = arith.index_cast %swap3A : i32 to index
      %swap3A_236 = arith.constant 0 : index
      %swap3A_237 = tpu.vector_load %arg6[%swap3A_235, %swap3A_236] {strides = array<i32>} : memref<10x80xi32, #tpu.memory_space<vmem>>, vector<1x16xi32>,
      %swap3A_238 = vector.shape_cast %swap3A_237 : vector<1x16xi32> to vector<16xi32>
      %swap3A_239 = vector.shape_cast %select_n3A : vector<16xi32> to vector<1x16xi32>
      tpu.vector_store %arg6[%swap3A_235, %swap3A_236], %swap3A_239 {strides = array<i32>} : memref<10x80xi32, #tpu.memory_space<vmem>>, vector<1x16xi32>,
      %get3A_240 = arith.constant 0 : i32
      %get3A_241 = arith.index_cast %get3A_240 : i32 to index
      %get3A_242 = arith.constant 16 : index
      %get3A_243 = tpu.vector_load %arg5[%get3A_241, %get3A_242] {strides = array<i32>} : memref<2x800xi32, #tpu.memory_space<vmem>>, vector<1x16xi32>,
      %get3A_244 = vector.shape_cast %get3A_243 : vector<1x16xi32> to vector<16xi32>
      %sub3A_245 = vector.broadcast %mul3A_0 : i32 to vector<16xi32>
      %sub3A_246 = arith.subi %get3A_244, %sub3A_245 : vector<16xi32>
      %ge3A_247 = arith.constant 0 : i32
      %ge3A_248 = vector.broadcast %ge3A_247 : i32 to vector<16xi32>
      %ge3A_249 = arith.cmpi sge, %sub3A_246, %ge3A_248 : vector<16xi32>
      %lt3A_250 = arith.constant 50000 : i32
      %lt3A_251 = vector.broadcast %lt3A_250 : i32 to vector<16xi32>
      %lt3A_252 = arith.cmpi slt, %sub3A_246, %lt3A_251 : vector<16xi32>
      %and3A_253 = arith.andi %ge3A_249, %lt3A_252 : vector<16xi1>
      %jit3A_254 = arith.constant 50000 : i32
      %broadcast_in_dim3A_255 = vector.broadcast %jit3A_254 : i32 to vector<16xi32>
      %select_n3A_256 = arith.select %and3A_253, %sub3A_246, %broadcast_in_dim3A_255 : vector<16xi1>, vector<16xi32>
      %swap3A_257 = arith.constant 0 : i32
      %swap3A_258 = arith.index_cast %swap3A_257 : i32 to index
      %swap3A_259 = arith.constant 16 : index
      %swap3A_260 = tpu.vector_load %arg6[%swap3A_258, %swap3A_259] {strides = array<i32>} : memref<10x80xi32, #tpu.memory_space<vmem>>, vector<1x16xi32>,
      %swap3A_261 = vector.shape_cast %swap3A_260 : vector<1x16xi32> to vector<16xi32>
      %swap3A_262 = vector.shape_cast %select_n3A_256 : vector<16xi32> to vector<1x16xi32>
      tpu.vector_store %arg6[%swap3A_258, %swap3A_259], %swap3A_262 {strides = array<i32>} : memref<10x80xi32, #tpu.memory_space<vmem>>, vector<1x16xi32>,
      %get3A_263 = arith.constant 0 : i32
      %get3A_264 = arith.index_cast %get3A_263 : i32 to index
      %get3A_265 = arith.constant 32 : index
      %get3A_266 = tpu.vector_load %arg5[%get3A_264, %get3A_265] {strides = array<i32>} : memref<2x800xi32, #tpu.memory_space<vmem>>, vector<1x16xi32>,
      %get3A_267 = vector.shape_cast %get3A_266 : vector<1x16xi32> to vector<16xi32>
      %sub3A_268 = vector.broadcast %mul3A_0 : i32 to vector<16xi32>
      %sub3A_269 = arith.subi %get3A_267, %sub3A_268 : vector<16xi32>
      %ge3A_270 = arith.constant 0 : i32
      %ge3A_271 = vector.broadcast %ge3A_270 : i32 to vector<16xi32>
      %ge3A_272 = arith.cmpi sge, %sub3A_269, %ge3A_271 : vector<16xi32>
      %lt3A_273 = arith.constant 50000 : i32
      %lt3A_274 = vector.broadcast %lt3A_273 : i32 to vector<16xi32>
      %lt3A_275 = arith.cmpi slt, %sub3A_269, %lt3A_274 : vector<16xi32>
      %and3A_276 = arith.andi %ge3A_272, %lt3A_275 : vector<16xi1>
      %jit3A_277 = arith.constant 50000 : i32
      %broadcast_in_dim3A_278 = vector.broadcast %jit3A_277 : i32 to vector<16xi32>
      %select_n3A_279 = arith.select %and3A_276, %sub3A_269, %broadcast_in_dim3A_278 : vector<16xi1>, vector<16xi32>
      %swap3A_280 = arith.constant 0 : i32
      %swap3A_281 = arith.index_cast %swap3A_280 : i32 to index
      %swap3A_282 = arith.constant 32 : index
      %swap3A_283 = tpu.vector_load %arg6[%swap3A_281, %swap3A_282] {strides = array<i32>} : memref<10x80xi32, #tpu.memory_space<vmem>>, vector<1x16xi32>,
      %swap3A_284 = vector.shape_cast %swap3A_283 : vector<1x16xi32> to vector<16xi32>
      %swap3A_285 = vector.shape_cast %select_n3A_279 : vector<16xi32> to vector<1x16xi32>
      tpu.vector_store %arg6[%swap3A_281, %swap3A_282], %swap3A_285 {strides = array<i32>} : memref<10x80xi32, #tpu.memory_space<vmem>>, vector<1x16xi32>,
      %get3A_286 = arith.constant 0 : i32
      %get3A_287 = arith.index_cast %get3A_286 : i32 to index
      %get3A_288 = arith.constant 48 : index
      %get3A_289 = tpu.vector_load %arg5[%get3A_287, %get3A_288] {strides = array<i32>} : memref<2x800xi32, #tpu.memory_space<vmem>>, vector<1x16xi32>,
      %get3A_290 = vector.shape_cast %get3A_289 : vector<1x16xi32> to vector<16xi32>
      %sub3A_291 = vector.broadcast %mul3A_0 : i32 to vector<16xi32>
      %sub3A_292 = arith.subi %get3A_290, %sub3A_291 : vector<16xi32>
      %ge3A_293 = arith.constant 0 : i32
      %ge3A_294 = vector.broadcast %ge3A_293 : i32 to vector<16xi32>
      %ge3A_295 = arith.cmpi sge, %sub3A_292, %ge3A_294 : vector<16xi32>
      %lt3A_296 = arith.constant 50000 : i32
      %lt3A_297 = vector.broadcast %lt3A_296 : i32 to vector<16xi32>
      %lt3A_298 = arith.cmpi slt, %sub3A_292, %lt3A_297 : vector<16xi32>
      %and3A_299 = arith.andi %ge3A_295, %lt3A_298 : vector<16xi1>
      %jit3A_300 = arith.constant 50000 : i32
      %broadcast_in_dim3A_301 = vector.broadcast %jit3A_300 : i32 to vector<16xi32>
      %select_n3A_302 = arith.select %and3A_299, %sub3A_292, %broadcast_in_dim3A_301 : vector<16xi1>, vector<16xi32>
      %swap3A_303 = arith.constant 0 : i32
      %swap3A_304 = arith.index_cast %swap3A_303 : i32 to index
      %swap3A_305 = arith.constant 48 : index
      %swap3A_306 = tpu.vector_load %arg6[%swap3A_304, %swap3A_305] {strides = array<i32>} : memref<10x80xi32, #tpu.memory_space<vmem>>, vector<1x16xi32>,
      %swap3A_307 = vector.shape_cast %swap3A_306 : vector<1x16xi32> to vector<16xi32>
      %swap3A_308 = vector.shape_cast %select_n3A_302 : vector<16xi32> to vector<1x16xi32>
      tpu.vector_store %arg6[%swap3A_304, %swap3A_305], %swap3A_308 {strides = array<i32>} : memref<10x80xi32, #tpu.memory_space<vmem>>, vector<1x16xi32>,
      %get3A_309 = arith.constant 0 : i32
      %get3A_310 = arith.index_cast %get3A_309 : i32 to index
      %get3A_311 = arith.constant 64 : index
      %get3A_312 = tpu.vector_load %arg5[%get3A_310, %get3A_311] {strides = array<i32>} : memref<2x800xi32, #tpu.memory_space<vmem>>, vector<1x16xi32>,
      %get3A_313 = vector.shape_cast %get3A_312 : vector<1x16xi32> to vector<16xi32>
      %sub3A_314 = vector.broadcast %mul3A_0 : i32 to vector<16xi32>
      %sub3A_315 = arith.subi %get3A_313, %sub3A_314 : vector<16xi32>
      %ge3A_316 = arith.constant 0 : i32
      %ge3A_317 = vector.broadcast %ge3A_316 : i32 to vector<16xi32>
      %ge3A_318 = arith.cmpi sge, %sub3A_315, %ge3A_317 : vector<16xi32>
      %lt3A_319 = arith.constant 50000 : i32
      %lt3A_320 = vector.broadcast %lt3A_319 : i32 to vector<16xi32>
      %lt3A_321 = arith.cmpi slt, %sub3A_315, %lt3A_320 : vector<16xi32>
      %and3A_322 = arith.andi %ge3A_318, %lt3A_321 : vector<16xi1>
      %jit3A_323 = arith.constant 50000 : i32
      %broadcast_in_dim3A_324 = vector.broadcast %jit3A_323 : i32 to vector<16xi32>
      %select_n3A_325 = arith.select %and3A_322, %sub3A_315, %broadcast_in_dim3A_324 : vector<16xi1>, vector<16xi32>
      %swap3A_326 = arith.constant 0 : i32
      %swap3A_327 = arith.index_cast %swap3A_326 : i32 to index
      %swap3A_328 = arith.constant 64 : index
      %swap3A_329 = tpu.vector_load %arg6[%swap3A_327, %swap3A_328] {strides = array<i32>} : memref<10x80xi32, #tpu.memory_space<vmem>>, vector<1x16xi32>,
      %swap3A_330 = vector.shape_cast %swap3A_329 : vector<1x16xi32> to vector<16xi32>
      %swap3A_331 = vector.shape_cast %select_n3A_325 : vector<16xi32> to vector<1x16xi32>
      tpu.vector_store %arg6[%swap3A_327, %swap3A_328], %swap3A_331 {strides = array<i32>} : memref<10x80xi32, #tpu.memory_space<vmem>>, vector<1x16xi32>,
      %get3A_332 = arith.constant 0 : i32
      %get3A_333 = arith.index_cast %get3A_332 : i32 to index
      %get3A_334 = arith.constant 80 : index
      %get3A_335 = tpu.vector_load %arg5[%get3A_333, %get3A_334] {strides = array<i32>} : memref<2x800xi32, #tpu.memory_space<vmem>>, vector<1x16xi32>,
      %get3A_336 = vector.shape_cast %get3A_335 : vector<1x16xi32> to vector<16xi32>
      %sub3A_337 = vector.broadcast %mul3A_0 : i32 to vector<16xi32>
      %sub3A_338 = arith.subi %get3A_336, %sub3A_337 : vector<16xi32>
      %ge3A_339 = arith.constant 0 : i32
      %ge3A_340 = vector.broadcast %ge3A_339 : i32 to vector<16xi32>
      %ge3A_341 = arith.cmpi sge, %sub3A_338, %ge3A_340 : vector<16xi32>
      %lt3A_342 = arith.constant 50000 : i32
      %lt3A_343 = vector.broadcast %lt3A_342 : i32 to vector<16xi32>
      %lt3A_344 = arith.cmpi slt, %sub3A_338, %lt3A_343 : vector<16xi32>
      %and3A_345 = arith.andi %ge3A_341, %lt3A_344 : vector<16xi1>
      %jit3A_346 = arith.constant 50000 : i32
      %broadcast_in_dim3A_347 = vector.broadcast %jit3A_346 : i32 to vector<16xi32>
      %select_n3A_348 = arith.select %and3A_345, %sub3A_338, %broadcast_in_dim3A_347 : vector<16xi1>, vector<16xi32>
      %swap3A_349 = arith.constant 1 : i32
      %swap3A_350 = arith.index_cast %swap3A_349 : i32 to index
      %swap3A_351 = arith.constant 0 : index
      %swap3A_352 = tpu.vector_load %arg6[%swap3A_350, %swap3A_351] {strides = array<i32>} : memref<10x80xi32, #tpu.memory_space<vmem>>, vector<1x16xi32>,
      %swap3A_353 = vector.shape_cast %swap3A_352 : vector<1x16xi32> to vector<16xi32>
      %swap3A_354 = vector.shape_cast %select_n3A_348 : vector<16xi32> to vector<1x16xi32>
      tpu.vector_store %arg6[%swap3A_350, %swap3A_351], %swap3A_354 {strides = array<i32>} : memref<10x80xi32, #tpu.memory_space<vmem>>, vector<1x16xi32>,
      %get3A_355 = arith.constant 0 : i32
      %get3A_356 = arith.index_cast %get3A_355 : i32 to index
      %get3A_357 = arith.constant 96 : index
      %get3A_358 = tpu.vector_load %arg5[%get3A_356, %get3A_357] {strides = array<i32>} : memref<2x800xi32, #tpu.memory_space<vmem>>, vector<1x16xi32>,
      %get3A_359 = vector.shape_cast %get3A_358 : vector<1x16xi32> to vector<16xi32>
      %sub3A_360 = vector.broadcast %mul3A_0 : i32 to vector<16xi32>
      %sub3A_361 = arith.subi %get3A_359, %sub3A_360 : vector<16xi32>
      %ge3A_362 = arith.constant 0 : i32
      %ge3A_363 = vector.broadcast %ge3A_362 : i32 to vector<16xi32>
      %ge3A_364 = arith.cmpi sge, %sub3A_361, %ge3A_363 : vector<16xi32>
      %lt3A_365 = arith.constant 50000 : i32
      %lt3A_366 = vector.broadcast %lt3A_365 : i32 to vector<16xi32>
      %lt3A_367 = arith.cmpi slt, %sub3A_361, %lt3A_366 : vector<16xi32>
      %and3A_368 = arith.andi %ge3A_364, %lt3A_367 : vector<16xi1>
      %jit3A_369 = arith.constant 50000 : i32
      %broadcast_in_dim3A_370 = vector.broadcast %jit3A_369 : i32 to vector<16xi32>
      %select_n3A_371 = arith.select %and3A_368, %sub3A_361, %broadcast_in_dim3A_370 : vector<16xi1>, vector<16xi32>
      %swap3A_372 = arith.constant 1 : i32
      %swap3A_373 = arith.index_cast %swap3A_372 : i32 to index
      %swap3A_374 = arith.constant 16 : index
      %swap3A_375 = tpu.vector_load %arg6[%swap3A_373, %swap3A_374] {strides = array<i32>} : memref<10x80xi32, #tpu.memory_space<vmem>>, vector<1x16xi32>,
      %swap3A_376 = vector.shape_cast %swap3A_375 : vector<1x16xi32> to vector<16xi32>
      %swap3A_377 = vector.shape_cast %select_n3A_371 : vector<16xi32> to vector<1x16xi32>
      tpu.vector_store %arg6[%swap3A_373, %swap3A_374], %swap3A_377 {strides = array<i32>} : memref<10x80xi32, #tpu.memory_space<vmem>>, vector<1x16xi32>,
      %get3A_378 = arith.constant 0 : i32
      %get3A_379 = arith.index_cast %get3A_378 : i32 to index
      %get3A_380 = arith.constant 112 : index
      %get3A_381 = tpu.vector_load %arg5[%get3A_379, %get3A_380] {strides = array<i32>} : memref<2x800xi32, #tpu.memory_space<vmem>>, vector<1x16xi32>,
      %get3A_382 = vector.shape_cast %get3A_381 : vector<1x16xi32> to vector<16xi32>
      %sub3A_383 = vector.broadcast %mul3A_0 : i32 to vector<16xi32>
      %sub3A_384 = arith.subi %get3A_382, %sub3A_383 : vector<16xi32>
      %ge3A_385 = arith.constant 0 : i32
      %ge3A_386 = vector.broadcast %ge3A_385 : i32 to vector<16xi32>
      %ge3A_387 = arith.cmpi sge, %sub3A_384, %ge3A_386 : vector<16xi32>
      %lt3A_388 = arith.constant 50000 : i32
      %lt3A_389 = vector.broadcast %lt3A_388 : i32 to vector<16xi32>
      %lt3A_390 = arith.cmpi slt, %sub3A_384, %lt3A_389 : vector<16xi32>
      %and3A_391 = arith.andi %ge3A_387, %lt3A_390 : vector<16xi1>
      %jit3A_392 = arith.constant 50000 : i32
      %broadcast_in_dim3A_393 = vector.broadcast %jit3A_392 : i32 to vector<16xi32>
      %select_n3A_394 = arith.select %and3A_391, %sub3A_384, %broadcast_in_dim3A_393 : vector<16xi1>, vector<16xi32>
      %swap3A_395 = arith.constant 1 : i32
      %swap3A_396 = arith.index_cast %swap3A_395 : i32 to index
      %swap3A_397 = arith.constant 32 : index
      %swap3A_398 = tpu.vector_load %arg6[%swap3A_396, %swap3A_397] {strides = array<i32>} : memref<10x80xi32, #tpu.memory_space<vmem>>, vector<1x16xi32>,
      %swap3A_399 = vector.shape_cast %swap3A_398 : vector<1x16xi32> to vector<16xi32>
      %swap3A_400 = vector.shape_cast %select_n3A_394 : vector<16xi32> to vector<1x16xi32>
      tpu.vector_store %arg6[%swap3A_396, %swap3A_397], %swap3A_400 {strides = array<i32>} : memref<10x80xi32, #tpu.memory_space<vmem>>, vector<1x16xi32>,
      %get3A_401 = arith.constant 0 : i32
      %get3A_402 = arith.index_cast %get3A_401 : i32 to index
      %get3A_403 = arith.constant 128 : index
      %get3A_404 = tpu.vector_load %arg5[%get3A_402, %get3A_403] {strides = array<i32>} : memref<2x800xi32, #tpu.memory_space<vmem>>, vector<1x16xi32>,
      %get3A_405 = vector.shape_cast %get3A_404 : vector<1x16xi32> to vector<16xi32>
      %sub3A_406 = vector.broadcast %mul3A_0 : i32 to vector<16xi32>
      %sub3A_407 = arith.subi %get3A_405, %sub3A_406 : vector<16xi32>
      %ge3A_408 = arith.constant 0 : i32
      %ge3A_409 = vector.broadcast %ge3A_408 : i32 to vector<16xi32>
      %ge3A_410 = arith.cmpi sge, %sub3A_407, %ge3A_409 : vector<16xi32>
      %lt3A_411 = arith.constant 50000 : i32
      %lt3A_412 = vector.broadcast %lt3A_411 : i32 to vector<16xi32>
      %lt3A_413 = arith.cmpi slt, %sub3A_407, %lt3A_412 : vector<16xi32>
      %and3A_414 = arith.andi %ge3A_410, %lt3A_413 : vector<16xi1>
      %jit3A_415 = arith.constant 50000 : i32
      %broadcast_in_dim3A_416 = vector.broadcast %jit3A_415 : i32 to vector<16xi32>
      %select_n3A_417 = arith.select %and3A_414, %sub3A_407, %broadcast_in_dim3A_416 : vector<16xi1>, vector<16xi32>
      %swap3A_418 = arith.constant 1 : i32
      %swap3A_419 = arith.index_cast %swap3A_418 : i32 to index
      %swap3A_420 = arith.constant 48 : index
      %swap3A_421 = tpu.vector_load %arg6[%swap3A_419, %swap3A_420] {strides = array<i32>} : memref<10x80xi32, #tpu.memory_space<vmem>>, vector<1x16xi32>,
      %swap3A_422 = vector.shape_cast %swap3A_421 : vector<1x16xi32> to vector<16xi32>
      %swap3A_423 = vector.shape_cast %select_n3A_417 : vector<16xi32> to vector<1x16xi32>
      tpu.vector_store %arg6[%swap3A_419, %swap3A_420], %swap3A_423 {strides = array<i32>} : memref<10x80xi32, #tpu.memory_space<vmem>>, vector<1x16xi32>,
      %get3A_424 = arith.constant 0 : i32
      %get3A_425 = arith.index_cast %get3A_424 : i32 to index
      %get3A_426 = arith.constant 144 : index
      %get3A_427 = tpu.vector_load %arg5[%get3A_425, %get3A_426] {strides = array<i32>} : memref<2x800xi32, #tpu.memory_space<vmem>>, vector<1x16xi32>,
      %get3A_428 = vector.shape_cast %get3A_427 : vector<1x16xi32> to vector<16xi32>
      %sub3A_429 = vector.broadcast %mul3A_0 : i32 to vector<16xi32>
      %sub3A_430 = arith.subi %get3A_428, %sub3A_429 : vector<16xi32>
      %ge3A_431 = arith.constant 0 : i32
      %ge3A_432 = vector.broadcast %ge3A_431 : i32 to vector<16xi32>
      %ge3A_433 = arith.cmpi sge, %sub3A_430, %ge3A_432 : vector<16xi32>
      %lt3A_434 = arith.constant 50000 : i32
      %lt3A_435 = vector.broadcast %lt3A_434 : i32 to vector<16xi32>
      %lt3A_436 = arith.cmpi slt, %sub3A_430, %lt3A_435 : vector<16xi32>
      %and3A_437 = arith.andi %ge3A_433, %lt3A_436 : vector<16xi1>
      %jit3A_438 = arith.constant 50000 : i32
      %broadcast_in_dim3A_439 = vector.broadcast %jit3A_438 : i32 to vector<16xi32>
      %select_n3A_440 = arith.select %and3A_437, %sub3A_430, %broadcast_in_dim3A_439 : vector<16xi1>, vector<16xi32>
      %swap3A_441 = arith.constant 1 : i32
      %swap3A_442 = arith.index_cast %swap3A_441 : i32 to index
      %swap3A_443 = arith.constant 64 : index
      %swap3A_444 = tpu.vector_load %arg6[%swap3A_442, %swap3A_443] {strides = array<i32>} : memref<10x80xi32, #tpu.memory_space<vmem>>, vector<1x16xi32>,
      %swap3A_445 = vector.shape_cast %swap3A_444 : vector<1x16xi32> to vector<16xi32>
      %swap3A_446 = vector.shape_cast %select_n3A_440 : vector<16xi32> to vector<1x16xi32>
      tpu.vector_store %arg6[%swap3A_442, %swap3A_443], %swap3A_446 {strides = array<i32>} : memref<10x80xi32, #tpu.memory_space<vmem>>, vector<1x16xi32>,
      %get3A_447 = arith.constant 0 : i32
      %get3A_448 = arith.index_cast %get3A_447 : i32 to index
      %get3A_449 = arith.constant 160 : index
      %get3A_450 = tpu.vector_load %arg5[%get3A_448, %get3A_449] {strides = array<i32>} : memref<2x800xi32, #tpu.memory_space<vmem>>, vector<1x16xi32>,
      %get3A_451 = vector.shape_cast %get3A_450 : vector<1x16xi32> to vector<16xi32>
      %sub3A_452 = vector.broadcast %mul3A_0 : i32 to vector<16xi32>
      %sub3A_453 = arith.subi %get3A_451, %sub3A_452 : vector<16xi32>
      %ge3A_454 = arith.constant 0 : i32
      %ge3A_455 = vector.broadcast %ge3A_454 : i32 to vector<16xi32>
      %ge3A_456 = arith.cmpi sge, %sub3A_453, %ge3A_455 : vector<16xi32>
      %lt3A_457 = arith.constant 50000 : i32
      %lt3A_458 = vector.broadcast %lt3A_457 : i32 to vector<16xi32>
      %lt3A_459 = arith.cmpi slt, %sub3A_453, %lt3A_458 : vector<16xi32>
      %and3A_460 = arith.andi %ge3A_456, %lt3A_459 : vector<16xi1>
      %jit3A_461 = arith.constant 50000 : i32
      %broadcast_in_dim3A_462 = vector.broadcast %jit3A_461 : i32 to vector<16xi32>
      %select_n3A_463 = arith.select %and3A_460, %sub3A_453, %broadcast_in_dim3A_462 : vector<16xi1>, vector<16xi32>
      %swap3A_464 = arith.constant 2 : i32
      %swap3A_465 = arith.index_cast %swap3A_464 : i32 to index
      %swap3A_466 = arith.constant 0 : index
      %swap3A_467 = tpu.vector_load %arg6[%swap3A_465, %swap3A_466] {strides = array<i32>} : memref<10x80xi32, #tpu.memory_space<vmem>>, vector<1x16xi32>,
      %swap3A_468 = vector.shape_cast %swap3A_467 : vector<1x16xi32> to vector<16xi32>
      %swap3A_469 = vector.shape_cast %select_n3A_463 : vector<16xi32> to vector<1x16xi32>
      tpu.vector_store %arg6[%swap3A_465, %swap3A_466], %swap3A_469 {strides = array<i32>} : memref<10x80xi32, #tpu.memory_space<vmem>>, vector<1x16xi32>,
      %get3A_470 = arith.constant 0 : i32
      %get3A_471 = arith.index_cast %get3A_470 : i32 to index
      %get3A_472 = arith.constant 176 : index
      %get3A_473 = tpu.vector_load %arg5[%get3A_471, %get3A_472] {strides = array<i32>} : memref<2x800xi32, #tpu.memory_space<vmem>>, vector<1x16xi32>,
      %get3A_474 = vector.shape_cast %get3A_473 : vector<1x16xi32> to vector<16xi32>
      %sub3A_475 = vector.broadcast %mul3A_0 : i32 to vector<16xi32>
      %sub3A_476 = arith.subi %get3A_474, %sub3A_475 : vector<16xi32>
      %ge3A_477 = arith.constant 0 : i32
      %ge3A_478 = vector.broadcast %ge3A_477 : i32 to vector<16xi32>
      %ge3A_479 = arith.cmpi sge, %sub3A_476, %ge3A_478 : vector<16xi32>
      %lt3A_480 = arith.constant 50000 : i32
      %lt3A_481 = vector.broadcast %lt3A_480 : i32 to vector<16xi32>
      %lt3A_482 = arith.cmpi slt, %sub3A_476, %lt3A_481 : vector<16xi32>
      %and3A_483 = arith.andi %ge3A_479, %lt3A_482 : vector<16xi1>
      %jit3A_484 = arith.constant 50000 : i32
      %broadcast_in_dim3A_485 = vector.broadcast %jit3A_484 : i32 to vector<16xi32>
      %select_n3A_486 = arith.select %and3A_483, %sub3A_476, %broadcast_in_dim3A_485 : vector<16xi1>, vector<16xi32>
      %swap3A_487 = arith.constant 2 : i32
      %swap3A_488 = arith.index_cast %swap3A_487 : i32 to index
      %swap3A_489 = arith.constant 16 : index
      %swap3A_490 = tpu.vector_load %arg6[%swap3A_488, %swap3A_489] {strides = array<i32>} : memref<10x80xi32, #tpu.memory_space<vmem>>, vector<1x16xi32>,
      %swap3A_491 = vector.shape_cast %swap3A_490 : vector<1x16xi32> to vector<16xi32>
      %swap3A_492 = vector.shape_cast %select_n3A_486 : vector<16xi32> to vector<1x16xi32>
      tpu.vector_store %arg6[%swap3A_488, %swap3A_489], %swap3A_492 {strides = array<i32>} : memref<10x80xi32, #tpu.memory_space<vmem>>, vector<1x16xi32>,
      %get3A_493 = arith.constant 0 : i32
      %get3A_494 = arith.index_cast %get3A_493 : i32 to index
      %get3A_495 = arith.constant 192 : index
      %get3A_496 = tpu.vector_load %arg5[%get3A_494, %get3A_495] {strides = array<i32>} : memref<2x800xi32, #tpu.memory_space<vmem>>, vector<1x16xi32>,
      %get3A_497 = vector.shape_cast %get3A_496 : vector<1x16xi32> to vector<16xi32>
      %sub3A_498 = vector.broadcast %mul3A_0 : i32 to vector<16xi32>
      %sub3A_499 = arith.subi %get3A_497, %sub3A_498 : vector<16xi32>
      %ge3A_500 = arith.constant 0 : i32
      %ge3A_501 = vector.broadcast %ge3A_500 : i32 to vector<16xi32>
      %ge3A_502 = arith.cmpi sge, %sub3A_499, %ge3A_501 : vector<16xi32>
      %lt3A_503 = arith.constant 50000 : i32
      %lt3A_504 = vector.broadcast %lt3A_503 : i32 to vector<16xi32>
      %lt3A_505 = arith.cmpi slt, %sub3A_499, %lt3A_504 : vector<16xi32>
      %and3A_506 = arith.andi %ge3A_502, %lt3A_505 : vector<16xi1>
      %jit3A_507 = arith.constant 50000 : i32
      %broadcast_in_dim3A_508 = vector.broadcast %jit3A_507 : i32 to vector<16xi32>
      %select_n3A_509 = arith.select %and3A_506, %sub3A_499, %broadcast_in_dim3A_508 : vector<16xi1>, vector<16xi32>
      %swap3A_510 = arith.constant 2 : i32
      %swap3A_511 = arith.index_cast %swap3A_510 : i32 to index
      %swap3A_512 = arith.constant 32 : index
      %swap3A_513 = tpu.vector_load %arg6[%swap3A_511, %swap3A_512] {strides = array<i32>} : memref<10x80xi32, #tpu.memory_space<vmem>>, vector<1x16xi32>,
      %swap3A_514 = vector.shape_cast %swap3A_513 : vector<1x16xi32> to vector<16xi32>
      %swap3A_515 = vector.shape_cast %select_n3A_509 : vector<16xi32> to vector<1x16xi32>
      tpu.vector_store %arg6[%swap3A_511, %swap3A_512], %swap3A_515 {strides = array<i32>} : memref<10x80xi32, #tpu.memory_space<vmem>>, vector<1x16xi32>,
      %get3A_516 = arith.constant 0 : i32
      %get3A_517 = arith.index_cast %get3A_516 : i32 to index
      %get3A_518 = arith.constant 208 : index
      %get3A_519 = tpu.vector_load %arg5[%get3A_517, %get3A_518] {strides = array<i32>} : memref<2x800xi32, #tpu.memory_space<vmem>>, vector<1x16xi32>,
      %get3A_520 = vector.shape_cast %get3A_519 : vector<1x16xi32> to vector<16xi32>
      %sub3A_521 = vector.broadcast %mul3A_0 : i32 to vector<16xi32>
      %sub3A_522 = arith.subi %get3A_520, %sub3A_521 : vector<16xi32>
      %ge3A_523 = arith.constant 0 : i32
      %ge3A_524 = vector.broadcast %ge3A_523 : i32 to vector<16xi32>
      %ge3A_525 = arith.cmpi sge, %sub3A_522, %ge3A_524 : vector<16xi32>
      %lt3A_526 = arith.constant 50000 : i32
      %lt3A_527 = vector.broadcast %lt3A_526 : i32 to vector<16xi32>
      %lt3A_528 = arith.cmpi slt, %sub3A_522, %lt3A_527 : vector<16xi32>
      %and3A_529 = arith.andi %ge3A_525, %lt3A_528 : vector<16xi1>
      %jit3A_530 = arith.constant 50000 : i32
      %broadcast_in_dim3A_531 = vector.broadcast %jit3A_530 : i32 to vector<16xi32>
      %select_n3A_532 = arith.select %and3A_529, %sub3A_522, %broadcast_in_dim3A_531 : vector<16xi1>, vector<16xi32>
      %swap3A_533 = arith.constant 2 : i32
      %swap3A_534 = arith.index_cast %swap3A_533 : i32 to index
      %swap3A_535 = arith.constant 48 : index
      %swap3A_536 = tpu.vector_load %arg6[%swap3A_534, %swap3A_535] {strides = array<i32>} : memref<10x80xi32, #tpu.memory_space<vmem>>, vector<1x16xi32>,
      %swap3A_537 = vector.shape_cast %swap3A_536 : vector<1x16xi32> to vector<16xi32>
      %swap3A_538 = vector.shape_cast %select_n3A_532 : vector<16xi32> to vector<1x16xi32>
      tpu.vector_store %arg6[%swap3A_534, %swap3A_535], %swap3A_538 {strides = array<i32>} : memref<10x80xi32, #tpu.memory_space<vmem>>, vector<1x16xi32>,
      %get3A_539 = arith.constant 0 : i32
      %get3A_540 = arith.index_cast %get3A_539 : i32 to index
      %get3A_541 = arith.constant 224 : index
      %get3A_542 = tpu.vector_load %arg5[%get3A_540, %get3A_541] {strides = array<i32>} : memref<2x800xi32, #tpu.memory_space<vmem>>, vector<1x16xi32>,
      %get3A_543 = vector.shape_cast %get3A_542 : vector<1x16xi32> to vector<16xi32>
      %sub3A_544 = vector.broadcast %mul3A_0 : i32 to vector<16xi32>
      %sub3A_545 = arith.subi %get3A_543, %sub3A_544 : vector<16xi32>
      %ge3A_546 = arith.constant 0 : i32
      %ge3A_547 = vector.broadcast %ge3A_546 : i32 to vector<16xi32>
      %ge3A_548 = arith.cmpi sge, %sub3A_545, %ge3A_547 : vector<16xi32>
      %lt3A_549 = arith.constant 50000 : i32
      %lt3A_550 = vector.broadcast %lt3A_549 : i32 to vector<16xi32>
      %lt3A_551 = arith.cmpi slt, %sub3A_545, %lt3A_550 : vector<16xi32>
      %and3A_552 = arith.andi %ge3A_548, %lt3A_551 : vector<16xi1>
      %jit3A_553 = arith.constant 50000 : i32
      %broadcast_in_dim3A_554 = vector.broadcast %jit3A_553 : i32 to vector<16xi32>
      %select_n3A_555 = arith.select %and3A_552, %sub3A_545, %broadcast_in_dim3A_554 : vector<16xi1>, vector<16xi32>
      %swap3A_556 = arith.constant 2 : i32
      %swap3A_557 = arith.index_cast %swap3A_556 : i32 to index
      %swap3A_558 = arith.constant 64 : index
      %swap3A_559 = tpu.vector_load %arg6[%swap3A_557, %swap3A_558] {strides = array<i32>} : memref<10x80xi32, #tpu.memory_space<vmem>>, vector<1x16xi32>,
      %swap3A_560 = vector.shape_cast %swap3A_559 : vector<1x16xi32> to vector<16xi32>
      %swap3A_561 = vector.shape_cast %select_n3A_555 : vector<16xi32> to vector<1x16xi32>
      tpu.vector_store %arg6[%swap3A_557, %swap3A_558], %swap3A_561 {strides = array<i32>} : memref<10x80xi32, #tpu.memory_space<vmem>>, vector<1x16xi32>,
      %get3A_562 = arith.constant 0 : i32
      %get3A_563 = arith.index_cast %get3A_562 : i32 to index
      %get3A_564 = arith.constant 240 : index
      %get3A_565 = tpu.vector_load %arg5[%get3A_563, %get3A_564] {strides = array<i32>} : memref<2x800xi32, #tpu.memory_space<vmem>>, vector<1x16xi32>,
      %get3A_566 = vector.shape_cast %get3A_565 : vector<1x16xi32> to vector<16xi32>
      %sub3A_567 = vector.broadcast %mul3A_0 : i32 to vector<16xi32>
      %sub3A_568 = arith.subi %get3A_566, %sub3A_567 : vector<16xi32>
      %ge3A_569 = arith.constant 0 : i32
      %ge3A_570 = vector.broadcast %ge3A_569 : i32 to vector<16xi32>
      %ge3A_571 = arith.cmpi sge, %sub3A_568, %ge3A_570 : vector<16xi32>
      %lt3A_572 = arith.constant 50000 : i32
      %lt3A_573 = vector.broadcast %lt3A_572 : i32 to vector<16xi32>
      %lt3A_574 = arith.cmpi slt, %sub3A_568, %lt3A_573 : vector<16xi32>
      %and3A_575 = arith.andi %ge3A_571, %lt3A_574 : vector<16xi1>
      %jit3A_576 = arith.constant 50000 : i32
      %broadcast_in_dim3A_577 = vector.broadcast %jit3A_576 : i32 to vector<16xi32>
      %select_n3A_578 = arith.select %and3A_575, %sub3A_568, %broadcast_in_dim3A_577 : vector<16xi1>, vector<16xi32>
      %swap3A_579 = arith.constant 3 : i32
      %swap3A_580 = arith.index_cast %swap3A_579 : i32 to index
      %swap3A_581 = arith.constant 0 : index
      %swap3A_582 = tpu.vector_load %arg6[%swap3A_580, %swap3A_581] {strides = array<i32>} : memref<10x80xi32, #tpu.memory_space<vmem>>, vector<1x16xi32>,
      %swap3A_583 = vector.shape_cast %swap3A_582 : vector<1x16xi32> to vector<16xi32>
      %swap3A_584 = vector.shape_cast %select_n3A_578 : vector<16xi32> to vector<1x16xi32>
      tpu.vector_store %arg6[%swap3A_580, %swap3A_581], %swap3A_584 {strides = array<i32>} : memref<10x80xi32, #tpu.memory_space<vmem>>, vector<1x16xi32>,
      %get3A_585 = arith.constant 0 : i32
      %get3A_586 = arith.index_cast %get3A_585 : i32 to index
      %get3A_587 = arith.constant 256 : index
      %get3A_588 = tpu.vector_load %arg5[%get3A_586, %get3A_587] {strides = array<i32>} : memref<2x800xi32, #tpu.memory_space<vmem>>, vector<1x16xi32>,
      %get3A_589 = vector.shape_cast %get3A_588 : vector<1x16xi32> to vector<16xi32>
      %sub3A_590 = vector.broadcast %mul3A_0 : i32 to vector<16xi32>
      %sub3A_591 = arith.subi %get3A_589, %sub3A_590 : vector<16xi32>
      %ge3A_592 = arith.constant 0 : i32
      %ge3A_593 = vector.broadcast %ge3A_592 : i32 to vector<16xi32>
      %ge3A_594 = arith.cmpi sge, %sub3A_591, %ge3A_593 : vector<16xi32>
      %lt3A_595 = arith.constant 50000 : i32
      %lt3A_596 = vector.broadcast %lt3A_595 : i32 to vector<16xi32>
      %lt3A_597 = arith.cmpi slt, %sub3A_591, %lt3A_596 : vector<16xi32>
      %and3A_598 = arith.andi %ge3A_594, %lt3A_597 : vector<16xi1>
      %jit3A_599 = arith.constant 50000 : i32
      %broadcast_in_dim3A_600 = vector.broadcast %jit3A_599 : i32 to vector<16xi32>
      %select_n3A_601 = arith.select %and3A_598, %sub3A_591, %broadcast_in_dim3A_600 : vector<16xi1>, vector<16xi32>
      %swap3A_602 = arith.constant 3 : i32
      %swap3A_603 = arith.index_cast %swap3A_602 : i32 to index
      %swap3A_604 = arith.constant 16 : index
      %swap3A_605 = tpu.vector_load %arg6[%swap3A_603, %swap3A_604] {strides = array<i32>} : memref<10x80xi32, #tpu.memory_space<vmem>>, vector<1x16xi32>,
      %swap3A_606 = vector.shape_cast %swap3A_605 : vector<1x16xi32> to vector<16xi32>
      %swap3A_607 = vector.shape_cast %select_n3A_601 : vector<16xi32> to vector<1x16xi32>
      tpu.vector_store %arg6[%swap3A_603, %swap3A_604], %swap3A_607 {strides = array<i32>} : memref<10x80xi32, #tpu.memory_space<vmem>>, vector<1x16xi32>,
      %get3A_608 = arith.constant 0 : i32
      %get3A_609 = arith.index_cast %get3A_608 : i32 to index
      %get3A_610 = arith.constant 272 : index
      %get3A_611 = tpu.vector_load %arg5[%get3A_609, %get3A_610] {strides = array<i32>} : memref<2x800xi32, #tpu.memory_space<vmem>>, vector<1x16xi32>,
      %get3A_612 = vector.shape_cast %get3A_611 : vector<1x16xi32> to vector<16xi32>
      %sub3A_613 = vector.broadcast %mul3A_0 : i32 to vector<16xi32>
      %sub3A_614 = arith.subi %get3A_612, %sub3A_613 : vector<16xi32>
      %ge3A_615 = arith.constant 0 : i32
      %ge3A_616 = vector.broadcast %ge3A_615 : i32 to vector<16xi32>
      %ge3A_617 = arith.cmpi sge, %sub3A_614, %ge3A_616 : vector<16xi32>
      %lt3A_618 = arith.constant 50000 : i32
      %lt3A_619 = vector.broadcast %lt3A_618 : i32 to vector<16xi32>
      %lt3A_620 = arith.cmpi slt, %sub3A_614, %lt3A_619 : vector<16xi32>
      %and3A_621 = arith.andi %ge3A_617, %lt3A_620 : vector<16xi1>
      %jit3A_622 = arith.constant 50000 : i32
      %broadcast_in_dim3A_623 = vector.broadcast %jit3A_622 : i32 to vector<16xi32>
      %select_n3A_624 = arith.select %and3A_621, %sub3A_614, %broadcast_in_dim3A_623 : vector<16xi1>, vector<16xi32>
      %swap3A_625 = arith.constant 3 : i32
      %swap3A_626 = arith.index_cast %swap3A_625 : i32 to index
      %swap3A_627 = arith.constant 32 : index
      %swap3A_628 = tpu.vector_load %arg6[%swap3A_626, %swap3A_627] {strides = array<i32>} : memref<10x80xi32, #tpu.memory_space<vmem>>, vector<1x16xi32>,
      %swap3A_629 = vector.shape_cast %swap3A_628 : vector<1x16xi32> to vector<16xi32>
      %swap3A_630 = vector.shape_cast %select_n3A_624 : vector<16xi32> to vector<1x16xi32>
      tpu.vector_store %arg6[%swap3A_626, %swap3A_627], %swap3A_630 {strides = array<i32>} : memref<10x80xi32, #tpu.memory_space<vmem>>, vector<1x16xi32>,
      %get3A_631 = arith.constant 0 : i32
      %get3A_632 = arith.index_cast %get3A_631 : i32 to index
      %get3A_633 = arith.constant 288 : index
      %get3A_634 = tpu.vector_load %arg5[%get3A_632, %get3A_633] {strides = array<i32>} : memref<2x800xi32, #tpu.memory_space<vmem>>, vector<1x16xi32>,
      %get3A_635 = vector.shape_cast %get3A_634 : vector<1x16xi32> to vector<16xi32>
      %sub3A_636 = vector.broadcast %mul3A_0 : i32 to vector<16xi32>
      %sub3A_637 = arith.subi %get3A_635, %sub3A_636 : vector<16xi32>
      %ge3A_638 = arith.constant 0 : i32
      %ge3A_639 = vector.broadcast %ge3A_638 : i32 to vector<16xi32>
      %ge3A_640 = arith.cmpi sge, %sub3A_637, %ge3A_639 : vector<16xi32>
      %lt3A_641 = arith.constant 50000 : i32
      %lt3A_642 = vector.broadcast %lt3A_641 : i32 to vector<16xi32>
      %lt3A_643 = arith.cmpi slt, %sub3A_637, %lt3A_642 : vector<16xi32>
      %and3A_644 = arith.andi %ge3A_640, %lt3A_643 : vector<16xi1>
      %jit3A_645 = arith.constant 50000 : i32
      %broadcast_in_dim3A_646 = vector.broadcast %jit3A_645 : i32 to vector<16xi32>
      %select_n3A_647 = arith.select %and3A_644, %sub3A_637, %broadcast_in_dim3A_646 : vector<16xi1>, vector<16xi32>
      %swap3A_648 = arith.constant 3 : i32
      %swap3A_649 = arith.index_cast %swap3A_648 : i32 to index
      %swap3A_650 = arith.constant 48 : index
      %swap3A_651 = tpu.vector_load %arg6[%swap3A_649, %swap3A_650] {strides = array<i32>} : memref<10x80xi32, #tpu.memory_space<vmem>>, vector<1x16xi32>,
      %swap3A_652 = vector.shape_cast %swap3A_651 : vector<1x16xi32> to vector<16xi32>
      %swap3A_653 = vector.shape_cast %select_n3A_647 : vector<16xi32> to vector<1x16xi32>
      tpu.vector_store %arg6[%swap3A_649, %swap3A_650], %swap3A_653 {strides = array<i32>} : memref<10x80xi32, #tpu.memory_space<vmem>>, vector<1x16xi32>,
      %get3A_654 = arith.constant 0 : i32
      %get3A_655 = arith.index_cast %get3A_654 : i32 to index
      %get3A_656 = arith.constant 304 : index
      %get3A_657 = tpu.vector_load %arg5[%get3A_655, %get3A_656] {strides = array<i32>} : memref<2x800xi32, #tpu.memory_space<vmem>>, vector<1x16xi32>,
      %get3A_658 = vector.shape_cast %get3A_657 : vector<1x16xi32> to vector<16xi32>
      %sub3A_659 = vector.broadcast %mul3A_0 : i32 to vector<16xi32>
      %sub3A_660 = arith.subi %get3A_658, %sub3A_659 : vector<16xi32>
      %ge3A_661 = arith.constant 0 : i32
      %ge3A_662 = vector.broadcast %ge3A_661 : i32 to vector<16xi32>
      %ge3A_663 = arith.cmpi sge, %sub3A_660, %ge3A_662 : vector<16xi32>
      %lt3A_664 = arith.constant 50000 : i32
      %lt3A_665 = vector.broadcast %lt3A_664 : i32 to vector<16xi32>
      %lt3A_666 = arith.cmpi slt, %sub3A_660, %lt3A_665 : vector<16xi32>
      %and3A_667 = arith.andi %ge3A_663, %lt3A_666 : vector<16xi1>
      %jit3A_668 = arith.constant 50000 : i32
      %broadcast_in_dim3A_669 = vector.broadcast %jit3A_668 : i32 to vector<16xi32>
      %select_n3A_670 = arith.select %and3A_667, %sub3A_660, %broadcast_in_dim3A_669 : vector<16xi1>, vector<16xi32>
      %swap3A_671 = arith.constant 3 : i32
      %swap3A_672 = arith.index_cast %swap3A_671 : i32 to index
      %swap3A_673 = arith.constant 64 : index
      %swap3A_674 = tpu.vector_load %arg6[%swap3A_672, %swap3A_673] {strides = array<i32>} : memref<10x80xi32, #tpu.memory_space<vmem>>, vector<1x16xi32>,
      %swap3A_675 = vector.shape_cast %swap3A_674 : vector<1x16xi32> to vector<16xi32>
      %swap3A_676 = vector.shape_cast %select_n3A_670 : vector<16xi32> to vector<1x16xi32>
      tpu.vector_store %arg6[%swap3A_672, %swap3A_673], %swap3A_676 {strides = array<i32>} : memref<10x80xi32, #tpu.memory_space<vmem>>, vector<1x16xi32>,
      %get3A_677 = arith.constant 0 : i32
      %get3A_678 = arith.index_cast %get3A_677 : i32 to index
      %get3A_679 = arith.constant 320 : index
      %get3A_680 = tpu.vector_load %arg5[%get3A_678, %get3A_679] {strides = array<i32>} : memref<2x800xi32, #tpu.memory_space<vmem>>, vector<1x16xi32>,
      %get3A_681 = vector.shape_cast %get3A_680 : vector<1x16xi32> to vector<16xi32>
      %sub3A_682 = vector.broadcast %mul3A_0 : i32 to vector<16xi32>
      %sub3A_683 = arith.subi %get3A_681, %sub3A_682 : vector<16xi32>
      %ge3A_684 = arith.constant 0 : i32
      %ge3A_685 = vector.broadcast %ge3A_684 : i32 to vector<16xi32>
      %ge3A_686 = arith.cmpi sge, %sub3A_683, %ge3A_685 : vector<16xi32>
      %lt3A_687 = arith.constant 50000 : i32
      %lt3A_688 = vector.broadcast %lt3A_687 : i32 to vector<16xi32>
      %lt3A_689 = arith.cmpi slt, %sub3A_683, %lt3A_688 : vector<16xi32>
      %and3A_690 = arith.andi %ge3A_686, %lt3A_689 : vector<16xi1>
      %jit3A_691 = arith.constant 50000 : i32
      %broadcast_in_dim3A_692 = vector.broadcast %jit3A_691 : i32 to vector<16xi32>
      %select_n3A_693 = arith.select %and3A_690, %sub3A_683, %broadcast_in_dim3A_692 : vector<16xi1>, vector<16xi32>
      %swap3A_694 = arith.constant 4 : i32
      %swap3A_695 = arith.index_cast %swap3A_694 : i32 to index
      %swap3A_696 = arith.constant 0 : index
      %swap3A_697 = tpu.vector_load %arg6[%swap3A_695, %swap3A_696] {strides = array<i32>} : memref<10x80xi32, #tpu.memory_space<vmem>>, vector<1x16xi32>,
      %swap3A_698 = vector.shape_cast %swap3A_697 : vector<1x16xi32> to vector<16xi32>
      %swap3A_699 = vector.shape_cast %select_n3A_693 : vector<16xi32> to vector<1x16xi32>
      tpu.vector_store %arg6[%swap3A_695, %swap3A_696], %swap3A_699 {strides = array<i32>} : memref<10x80xi32, #tpu.memory_space<vmem>>, vector<1x16xi32>,
      %get3A_700 = arith.constant 0 : i32
      %get3A_701 = arith.index_cast %get3A_700 : i32 to index
      %get3A_702 = arith.constant 336 : index
      %get3A_703 = tpu.vector_load %arg5[%get3A_701, %get3A_702] {strides = array<i32>} : memref<2x800xi32, #tpu.memory_space<vmem>>, vector<1x16xi32>,
      %get3A_704 = vector.shape_cast %get3A_703 : vector<1x16xi32> to vector<16xi32>
      %sub3A_705 = vector.broadcast %mul3A_0 : i32 to vector<16xi32>
      %sub3A_706 = arith.subi %get3A_704, %sub3A_705 : vector<16xi32>
      %ge3A_707 = arith.constant 0 : i32
      %ge3A_708 = vector.broadcast %ge3A_707 : i32 to vector<16xi32>
      %ge3A_709 = arith.cmpi sge, %sub3A_706, %ge3A_708 : vector<16xi32>
      %lt3A_710 = arith.constant 50000 : i32
      %lt3A_711 = vector.broadcast %lt3A_710 : i32 to vector<16xi32>
      %lt3A_712 = arith.cmpi slt, %sub3A_706, %lt3A_711 : vector<16xi32>
      %and3A_713 = arith.andi %ge3A_709, %lt3A_712 : vector<16xi1>
      %jit3A_714 = arith.constant 50000 : i32
      %broadcast_in_dim3A_715 = vector.broadcast %jit3A_714 : i32 to vector<16xi32>
      %select_n3A_716 = arith.select %and3A_713, %sub3A_706, %broadcast_in_dim3A_715 : vector<16xi1>, vector<16xi32>
      %swap3A_717 = arith.constant 4 : i32
      %swap3A_718 = arith.index_cast %swap3A_717 : i32 to index
      %swap3A_719 = arith.constant 16 : index
      %swap3A_720 = tpu.vector_load %arg6[%swap3A_718, %swap3A_719] {strides = array<i32>} : memref<10x80xi32, #tpu.memory_space<vmem>>, vector<1x16xi32>,
      %swap3A_721 = vector.shape_cast %swap3A_720 : vector<1x16xi32> to vector<16xi32>
      %swap3A_722 = vector.shape_cast %select_n3A_716 : vector<16xi32> to vector<1x16xi32>
      tpu.vector_store %arg6[%swap3A_718, %swap3A_719], %swap3A_722 {strides = array<i32>} : memref<10x80xi32, #tpu.memory_space<vmem>>, vector<1x16xi32>,
      %get3A_723 = arith.constant 0 : i32
      %get3A_724 = arith.index_cast %get3A_723 : i32 to index
      %get3A_725 = arith.constant 352 : index
      %get3A_726 = tpu.vector_load %arg5[%get3A_724, %get3A_725] {strides = array<i32>} : memref<2x800xi32, #tpu.memory_space<vmem>>, vector<1x16xi32>,
      %get3A_727 = vector.shape_cast %get3A_726 : vector<1x16xi32> to vector<16xi32>
      %sub3A_728 = vector.broadcast %mul3A_0 : i32 to vector<16xi32>
      %sub3A_729 = arith.subi %get3A_727, %sub3A_728 : vector<16xi32>
      %ge3A_730 = arith.constant 0 : i32
      %ge3A_731 = vector.broadcast %ge3A_730 : i32 to vector<16xi32>
      %ge3A_732 = arith.cmpi sge, %sub3A_729, %ge3A_731 : vector<16xi32>
      %lt3A_733 = arith.constant 50000 : i32
      %lt3A_734 = vector.broadcast %lt3A_733 : i32 to vector<16xi32>
      %lt3A_735 = arith.cmpi slt, %sub3A_729, %lt3A_734 : vector<16xi32>
      %and3A_736 = arith.andi %ge3A_732, %lt3A_735 : vector<16xi1>
      %jit3A_737 = arith.constant 50000 : i32
      %broadcast_in_dim3A_738 = vector.broadcast %jit3A_737 : i32 to vector<16xi32>
      %select_n3A_739 = arith.select %and3A_736, %sub3A_729, %broadcast_in_dim3A_738 : vector<16xi1>, vector<16xi32>
      %swap3A_740 = arith.constant 4 : i32
      %swap3A_741 = arith.index_cast %swap3A_740 : i32 to index
      %swap3A_742 = arith.constant 32 : index
      %swap3A_743 = tpu.vector_load %arg6[%swap3A_741, %swap3A_742] {strides = array<i32>} : memref<10x80xi32, #tpu.memory_space<vmem>>, vector<1x16xi32>,
      %swap3A_744 = vector.shape_cast %swap3A_743 : vector<1x16xi32> to vector<16xi32>
      %swap3A_745 = vector.shape_cast %select_n3A_739 : vector<16xi32> to vector<1x16xi32>
      tpu.vector_store %arg6[%swap3A_741, %swap3A_742], %swap3A_745 {strides = array<i32>} : memref<10x80xi32, #tpu.memory_space<vmem>>, vector<1x16xi32>,
      %get3A_746 = arith.constant 0 : i32
      %get3A_747 = arith.index_cast %get3A_746 : i32 to index
      %get3A_748 = arith.constant 368 : index
      %get3A_749 = tpu.vector_load %arg5[%get3A_747, %get3A_748] {strides = array<i32>} : memref<2x800xi32, #tpu.memory_space<vmem>>, vector<1x16xi32>,
      %get3A_750 = vector.shape_cast %get3A_749 : vector<1x16xi32> to vector<16xi32>
      %sub3A_751 = vector.broadcast %mul3A_0 : i32 to vector<16xi32>
      %sub3A_752 = arith.subi %get3A_750, %sub3A_751 : vector<16xi32>
      %ge3A_753 = arith.constant 0 : i32
      %ge3A_754 = vector.broadcast %ge3A_753 : i32 to vector<16xi32>
      %ge3A_755 = arith.cmpi sge, %sub3A_752, %ge3A_754 : vector<16xi32>
      %lt3A_756 = arith.constant 50000 : i32
      %lt3A_757 = vector.broadcast %lt3A_756 : i32 to vector<16xi32>
      %lt3A_758 = arith.cmpi slt, %sub3A_752, %lt3A_757 : vector<16xi32>
      %and3A_759 = arith.andi %ge3A_755, %lt3A_758 : vector<16xi1>
      %jit3A_760 = arith.constant 50000 : i32
      %broadcast_in_dim3A_761 = vector.broadcast %jit3A_760 : i32 to vector<16xi32>
      %select_n3A_762 = arith.select %and3A_759, %sub3A_752, %broadcast_in_dim3A_761 : vector<16xi1>, vector<16xi32>
      %swap3A_763 = arith.constant 4 : i32
      %swap3A_764 = arith.index_cast %swap3A_763 : i32 to index
      %swap3A_765 = arith.constant 48 : index
      %swap3A_766 = tpu.vector_load %arg6[%swap3A_764, %swap3A_765] {strides = array<i32>} : memref<10x80xi32, #tpu.memory_space<vmem>>, vector<1x16xi32>,
      %swap3A_767 = vector.shape_cast %swap3A_766 : vector<1x16xi32> to vector<16xi32>
      %swap3A_768 = vector.shape_cast %select_n3A_762 : vector<16xi32> to vector<1x16xi32>
      tpu.vector_store %arg6[%swap3A_764, %swap3A_765], %swap3A_768 {strides = array<i32>} : memref<10x80xi32, #tpu.memory_space<vmem>>, vector<1x16xi32>,
      %get3A_769 = arith.constant 0 : i32
      %get3A_770 = arith.index_cast %get3A_769 : i32 to index
      %get3A_771 = arith.constant 384 : index
      %get3A_772 = tpu.vector_load %arg5[%get3A_770, %get3A_771] {strides = array<i32>} : memref<2x800xi32, #tpu.memory_space<vmem>>, vector<1x16xi32>,
      %get3A_773 = vector.shape_cast %get3A_772 : vector<1x16xi32> to vector<16xi32>
      %sub3A_774 = vector.broadcast %mul3A_0 : i32 to vector<16xi32>
      %sub3A_775 = arith.subi %get3A_773, %sub3A_774 : vector<16xi32>
      %ge3A_776 = arith.constant 0 : i32
      %ge3A_777 = vector.broadcast %ge3A_776 : i32 to vector<16xi32>
      %ge3A_778 = arith.cmpi sge, %sub3A_775, %ge3A_777 : vector<16xi32>
      %lt3A_779 = arith.constant 50000 : i32
      %lt3A_780 = vector.broadcast %lt3A_779 : i32 to vector<16xi32>
      %lt3A_781 = arith.cmpi slt, %sub3A_775, %lt3A_780 : vector<16xi32>
      %and3A_782 = arith.andi %ge3A_778, %lt3A_781 : vector<16xi1>
      %jit3A_783 = arith.constant 50000 : i32
      %broadcast_in_dim3A_784 = vector.broadcast %jit3A_783 : i32 to vector<16xi32>
      %select_n3A_785 = arith.select %and3A_782, %sub3A_775, %broadcast_in_dim3A_784 : vector<16xi1>, vector<16xi32>
      %swap3A_786 = arith.constant 4 : i32
      %swap3A_787 = arith.index_cast %swap3A_786 : i32 to index
      %swap3A_788 = arith.constant 64 : index
      %swap3A_789 = tpu.vector_load %arg6[%swap3A_787, %swap3A_788] {strides = array<i32>} : memref<10x80xi32, #tpu.memory_space<vmem>>, vector<1x16xi32>,
      %swap3A_790 = vector.shape_cast %swap3A_789 : vector<1x16xi32> to vector<16xi32>
      %swap3A_791 = vector.shape_cast %select_n3A_785 : vector<16xi32> to vector<1x16xi32>
      tpu.vector_store %arg6[%swap3A_787, %swap3A_788], %swap3A_791 {strides = array<i32>} : memref<10x80xi32, #tpu.memory_space<vmem>>, vector<1x16xi32>,
      %get3A_792 = arith.constant 0 : i32
      %get3A_793 = arith.index_cast %get3A_792 : i32 to index
      %get3A_794 = arith.constant 400 : index
      %get3A_795 = tpu.vector_load %arg5[%get3A_793, %get3A_794] {strides = array<i32>} : memref<2x800xi32, #tpu.memory_space<vmem>>, vector<1x16xi32>,
      %get3A_796 = vector.shape_cast %get3A_795 : vector<1x16xi32> to vector<16xi32>
      %sub3A_797 = vector.broadcast %mul3A_0 : i32 to vector<16xi32>
      %sub3A_798 = arith.subi %get3A_796, %sub3A_797 : vector<16xi32>
      %ge3A_799 = arith.constant 0 : i32
      %ge3A_800 = vector.broadcast %ge3A_799 : i32 to vector<16xi32>
      %ge3A_801 = arith.cmpi sge, %sub3A_798, %ge3A_800 : vector<16xi32>
      %lt3A_802 = arith.constant 50000 : i32
      %lt3A_803 = vector.broadcast %lt3A_802 : i32 to vector<16xi32>
      %lt3A_804 = arith.cmpi slt, %sub3A_798, %lt3A_803 : vector<16xi32>
      %and3A_805 = arith.andi %ge3A_801, %lt3A_804 : vector<16xi1>
      %jit3A_806 = arith.constant 50000 : i32
      %broadcast_in_dim3A_807 = vector.broadcast %jit3A_806 : i32 to vector<16xi32>
      %select_n3A_808 = arith.select %and3A_805, %sub3A_798, %broadcast_in_dim3A_807 : vector<16xi1>, vector<16xi32>
      %swap3A_809 = arith.constant 5 : i32
      %swap3A_810 = arith.index_cast %swap3A_809 : i32 to index
      %swap3A_811 = arith.constant 0 : index
      %swap3A_812 = tpu.vector_load %arg6[%swap3A_810, %swap3A_811] {strides = array<i32>} : memref<10x80xi32, #tpu.memory_space<vmem>>, vector<1x16xi32>,
      %swap3A_813 = vector.shape_cast %swap3A_812 : vector<1x16xi32> to vector<16xi32>
      %swap3A_814 = vector.shape_cast %select_n3A_808 : vector<16xi32> to vector<1x16xi32>
      tpu.vector_store %arg6[%swap3A_810, %swap3A_811], %swap3A_814 {strides = array<i32>} : memref<10x80xi32, #tpu.memory_space<vmem>>, vector<1x16xi32>,
      %get3A_815 = arith.constant 0 : i32
      %get3A_816 = arith.index_cast %get3A_815 : i32 to index
      %get3A_817 = arith.constant 416 : index
      %get3A_818 = tpu.vector_load %arg5[%get3A_816, %get3A_817] {strides = array<i32>} : memref<2x800xi32, #tpu.memory_space<vmem>>, vector<1x16xi32>,
      %get3A_819 = vector.shape_cast %get3A_818 : vector<1x16xi32> to vector<16xi32>
      %sub3A_820 = vector.broadcast %mul3A_0 : i32 to vector<16xi32>
      %sub3A_821 = arith.subi %get3A_819, %sub3A_820 : vector<16xi32>
      %ge3A_822 = arith.constant 0 : i32
      %ge3A_823 = vector.broadcast %ge3A_822 : i32 to vector<16xi32>
      %ge3A_824 = arith.cmpi sge, %sub3A_821, %ge3A_823 : vector<16xi32>
      %lt3A_825 = arith.constant 50000 : i32
      %lt3A_826 = vector.broadcast %lt3A_825 : i32 to vector<16xi32>
      %lt3A_827 = arith.cmpi slt, %sub3A_821, %lt3A_826 : vector<16xi32>
      %and3A_828 = arith.andi %ge3A_824, %lt3A_827 : vector<16xi1>
      %jit3A_829 = arith.constant 50000 : i32
      %broadcast_in_dim3A_830 = vector.broadcast %jit3A_829 : i32 to vector<16xi32>
      %select_n3A_831 = arith.select %and3A_828, %sub3A_821, %broadcast_in_dim3A_830 : vector<16xi1>, vector<16xi32>
      %swap3A_832 = arith.constant 5 : i32
      %swap3A_833 = arith.index_cast %swap3A_832 : i32 to index
      %swap3A_834 = arith.constant 16 : index
      %swap3A_835 = tpu.vector_load %arg6[%swap3A_833, %swap3A_834] {strides = array<i32>} : memref<10x80xi32, #tpu.memory_space<vmem>>, vector<1x16xi32>,
      %swap3A_836 = vector.shape_cast %swap3A_835 : vector<1x16xi32> to vector<16xi32>
      %swap3A_837 = vector.shape_cast %select_n3A_831 : vector<16xi32> to vector<1x16xi32>
      tpu.vector_store %arg6[%swap3A_833, %swap3A_834], %swap3A_837 {strides = array<i32>} : memref<10x80xi32, #tpu.memory_space<vmem>>, vector<1x16xi32>,
      %get3A_838 = arith.constant 0 : i32
      %get3A_839 = arith.index_cast %get3A_838 : i32 to index
      %get3A_840 = arith.constant 432 : index
      %get3A_841 = tpu.vector_load %arg5[%get3A_839, %get3A_840] {strides = array<i32>} : memref<2x800xi32, #tpu.memory_space<vmem>>, vector<1x16xi32>,
      %get3A_842 = vector.shape_cast %get3A_841 : vector<1x16xi32> to vector<16xi32>
      %sub3A_843 = vector.broadcast %mul3A_0 : i32 to vector<16xi32>
      %sub3A_844 = arith.subi %get3A_842, %sub3A_843 : vector<16xi32>
      %ge3A_845 = arith.constant 0 : i32
      %ge3A_846 = vector.broadcast %ge3A_845 : i32 to vector<16xi32>
      %ge3A_847 = arith.cmpi sge, %sub3A_844, %ge3A_846 : vector<16xi32>
      %lt3A_848 = arith.constant 50000 : i32
      %lt3A_849 = vector.broadcast %lt3A_848 : i32 to vector<16xi32>
      %lt3A_850 = arith.cmpi slt, %sub3A_844, %lt3A_849 : vector<16xi32>
      %and3A_851 = arith.andi %ge3A_847, %lt3A_850 : vector<16xi1>
      %jit3A_852 = arith.constant 50000 : i32
      %broadcast_in_dim3A_853 = vector.broadcast %jit3A_852 : i32 to vector<16xi32>
      %select_n3A_854 = arith.select %and3A_851, %sub3A_844, %broadcast_in_dim3A_853 : vector<16xi1>, vector<16xi32>
      %swap3A_855 = arith.constant 5 : i32
      %swap3A_856 = arith.index_cast %swap3A_855 : i32 to index
      %swap3A_857 = arith.constant 32 : index
      %swap3A_858 = tpu.vector_load %arg6[%swap3A_856, %swap3A_857] {strides = array<i32>} : memref<10x80xi32, #tpu.memory_space<vmem>>, vector<1x16xi32>,
      %swap3A_859 = vector.shape_cast %swap3A_858 : vector<1x16xi32> to vector<16xi32>
      %swap3A_860 = vector.shape_cast %select_n3A_854 : vector<16xi32> to vector<1x16xi32>
      tpu.vector_store %arg6[%swap3A_856, %swap3A_857], %swap3A_860 {strides = array<i32>} : memref<10x80xi32, #tpu.memory_space<vmem>>, vector<1x16xi32>,
      %get3A_861 = arith.constant 0 : i32
      %get3A_862 = arith.index_cast %get3A_861 : i32 to index
      %get3A_863 = arith.constant 448 : index
      %get3A_864 = tpu.vector_load %arg5[%get3A_862, %get3A_863] {strides = array<i32>} : memref<2x800xi32, #tpu.memory_space<vmem>>, vector<1x16xi32>,
      %get3A_865 = vector.shape_cast %get3A_864 : vector<1x16xi32> to vector<16xi32>
      %sub3A_866 = vector.broadcast %mul3A_0 : i32 to vector<16xi32>
      %sub3A_867 = arith.subi %get3A_865, %sub3A_866 : vector<16xi32>
      %ge3A_868 = arith.constant 0 : i32
      %ge3A_869 = vector.broadcast %ge3A_868 : i32 to vector<16xi32>
      %ge3A_870 = arith.cmpi sge, %sub3A_867, %ge3A_869 : vector<16xi32>
      %lt3A_871 = arith.constant 50000 : i32
      %lt3A_872 = vector.broadcast %lt3A_871 : i32 to vector<16xi32>
      %lt3A_873 = arith.cmpi slt, %sub3A_867, %lt3A_872 : vector<16xi32>
      %and3A_874 = arith.andi %ge3A_870, %lt3A_873 : vector<16xi1>
      %jit3A_875 = arith.constant 50000 : i32
      %broadcast_in_dim3A_876 = vector.broadcast %jit3A_875 : i32 to vector<16xi32>
      %select_n3A_877 = arith.select %and3A_874, %sub3A_867, %broadcast_in_dim3A_876 : vector<16xi1>, vector<16xi32>
      %swap3A_878 = arith.constant 5 : i32
      %swap3A_879 = arith.index_cast %swap3A_878 : i32 to index
      %swap3A_880 = arith.constant 48 : index
      %swap3A_881 = tpu.vector_load %arg6[%swap3A_879, %swap3A_880] {strides = array<i32>} : memref<10x80xi32, #tpu.memory_space<vmem>>, vector<1x16xi32>,
      %swap3A_882 = vector.shape_cast %swap3A_881 : vector<1x16xi32> to vector<16xi32>
      %swap3A_883 = vector.shape_cast %select_n3A_877 : vector<16xi32> to vector<1x16xi32>
      tpu.vector_store %arg6[%swap3A_879, %swap3A_880], %swap3A_883 {strides = array<i32>} : memref<10x80xi32, #tpu.memory_space<vmem>>, vector<1x16xi32>,
      %get3A_884 = arith.constant 0 : i32
      %get3A_885 = arith.index_cast %get3A_884 : i32 to index
      %get3A_886 = arith.constant 464 : index
      %get3A_887 = tpu.vector_load %arg5[%get3A_885, %get3A_886] {strides = array<i32>} : memref<2x800xi32, #tpu.memory_space<vmem>>, vector<1x16xi32>,
      %get3A_888 = vector.shape_cast %get3A_887 : vector<1x16xi32> to vector<16xi32>
      %sub3A_889 = vector.broadcast %mul3A_0 : i32 to vector<16xi32>
      %sub3A_890 = arith.subi %get3A_888, %sub3A_889 : vector<16xi32>
      %ge3A_891 = arith.constant 0 : i32
      %ge3A_892 = vector.broadcast %ge3A_891 : i32 to vector<16xi32>
      %ge3A_893 = arith.cmpi sge, %sub3A_890, %ge3A_892 : vector<16xi32>
      %lt3A_894 = arith.constant 50000 : i32
      %lt3A_895 = vector.broadcast %lt3A_894 : i32 to vector<16xi32>
      %lt3A_896 = arith.cmpi slt, %sub3A_890, %lt3A_895 : vector<16xi32>
      %and3A_897 = arith.andi %ge3A_893, %lt3A_896 : vector<16xi1>
      %jit3A_898 = arith.constant 50000 : i32
      %broadcast_in_dim3A_899 = vector.broadcast %jit3A_898 : i32 to vector<16xi32>
      %select_n3A_900 = arith.select %and3A_897, %sub3A_890, %broadcast_in_dim3A_899 : vector<16xi1>, vector<16xi32>
      %swap3A_901 = arith.constant 5 : i32
      %swap3A_902 = arith.index_cast %swap3A_901 : i32 to index
      %swap3A_903 = arith.constant 64 : index
      %swap3A_904 = tpu.vector_load %arg6[%swap3A_902, %swap3A_903] {strides = array<i32>} : memref<10x80xi32, #tpu.memory_space<vmem>>, vector<1x16xi32>,
      %swap3A_905 = vector.shape_cast %swap3A_904 : vector<1x16xi32> to vector<16xi32>
      %swap3A_906 = vector.shape_cast %select_n3A_900 : vector<16xi32> to vector<1x16xi32>
      tpu.vector_store %arg6[%swap3A_902, %swap3A_903], %swap3A_906 {strides = array<i32>} : memref<10x80xi32, #tpu.memory_space<vmem>>, vector<1x16xi32>,
      %get3A_907 = arith.constant 0 : i32
      %get3A_908 = arith.index_cast %get3A_907 : i32 to index
      %get3A_909 = arith.constant 480 : index
      %get3A_910 = tpu.vector_load %arg5[%get3A_908, %get3A_909] {strides = array<i32>} : memref<2x800xi32, #tpu.memory_space<vmem>>, vector<1x16xi32>,
      %get3A_911 = vector.shape_cast %get3A_910 : vector<1x16xi32> to vector<16xi32>
      %sub3A_912 = vector.broadcast %mul3A_0 : i32 to vector<16xi32>
      %sub3A_913 = arith.subi %get3A_911, %sub3A_912 : vector<16xi32>
      %ge3A_914 = arith.constant 0 : i32
      %ge3A_915 = vector.broadcast %ge3A_914 : i32 to vector<16xi32>
      %ge3A_916 = arith.cmpi sge, %sub3A_913, %ge3A_915 : vector<16xi32>
      %lt3A_917 = arith.constant 50000 : i32
      %lt3A_918 = vector.broadcast %lt3A_917 : i32 to vector<16xi32>
      %lt3A_919 = arith.cmpi slt, %sub3A_913, %lt3A_918 : vector<16xi32>
      %and3A_920 = arith.andi %ge3A_916, %lt3A_919 : vector<16xi1>
      %jit3A_921 = arith.constant 50000 : i32
      %broadcast_in_dim3A_922 = vector.broadcast %jit3A_921 : i32 to vector<16xi32>
      %select_n3A_923 = arith.select %and3A_920, %sub3A_913, %broadcast_in_dim3A_922 : vector<16xi1>, vector<16xi32>
      %swap3A_924 = arith.constant 6 : i32
      %swap3A_925 = arith.index_cast %swap3A_924 : i32 to index
      %swap3A_926 = arith.constant 0 : index
      %swap3A_927 = tpu.vector_load %arg6[%swap3A_925, %swap3A_926] {strides = array<i32>} : memref<10x80xi32, #tpu.memory_space<vmem>>, vector<1x16xi32>,
      %swap3A_928 = vector.shape_cast %swap3A_927 : vector<1x16xi32> to vector<16xi32>
      %swap3A_929 = vector.shape_cast %select_n3A_923 : vector<16xi32> to vector<1x16xi32>
      tpu.vector_store %arg6[%swap3A_925, %swap3A_926], %swap3A_929 {strides = array<i32>} : memref<10x80xi32, #tpu.memory_space<vmem>>, vector<1x16xi32>,
      %get3A_930 = arith.constant 0 : i32
      %get3A_931 = arith.index_cast %get3A_930 : i32 to index
      %get3A_932 = arith.constant 496 : index
      %get3A_933 = tpu.vector_load %arg5[%get3A_931, %get3A_932] {strides = array<i32>} : memref<2x800xi32, #tpu.memory_space<vmem>>, vector<1x16xi32>,
      %get3A_934 = vector.shape_cast %get3A_933 : vector<1x16xi32> to vector<16xi32>
      %sub3A_935 = vector.broadcast %mul3A_0 : i32 to vector<16xi32>
      %sub3A_936 = arith.subi %get3A_934, %sub3A_935 : vector<16xi32>
      %ge3A_937 = arith.constant 0 : i32
      %ge3A_938 = vector.broadcast %ge3A_937 : i32 to vector<16xi32>
      %ge3A_939 = arith.cmpi sge, %sub3A_936, %ge3A_938 : vector<16xi32>
      %lt3A_940 = arith.constant 50000 : i32
      %lt3A_941 = vector.broadcast %lt3A_940 : i32 to vector<16xi32>
      %lt3A_942 = arith.cmpi slt, %sub3A_936, %lt3A_941 : vector<16xi32>
      %and3A_943 = arith.andi %ge3A_939, %lt3A_942 : vector<16xi1>
      %jit3A_944 = arith.constant 50000 : i32
      %broadcast_in_dim3A_945 = vector.broadcast %jit3A_944 : i32 to vector<16xi32>
      %select_n3A_946 = arith.select %and3A_943, %sub3A_936, %broadcast_in_dim3A_945 : vector<16xi1>, vector<16xi32>
      %swap3A_947 = arith.constant 6 : i32
      %swap3A_948 = arith.index_cast %swap3A_947 : i32 to index
      %swap3A_949 = arith.constant 16 : index
      %swap3A_950 = tpu.vector_load %arg6[%swap3A_948, %swap3A_949] {strides = array<i32>} : memref<10x80xi32, #tpu.memory_space<vmem>>, vector<1x16xi32>,
      %swap3A_951 = vector.shape_cast %swap3A_950 : vector<1x16xi32> to vector<16xi32>
      %swap3A_952 = vector.shape_cast %select_n3A_946 : vector<16xi32> to vector<1x16xi32>
      tpu.vector_store %arg6[%swap3A_948, %swap3A_949], %swap3A_952 {strides = array<i32>} : memref<10x80xi32, #tpu.memory_space<vmem>>, vector<1x16xi32>,
      %get3A_953 = arith.constant 0 : i32
      %get3A_954 = arith.index_cast %get3A_953 : i32 to index
      %get3A_955 = arith.constant 512 : index
      %get3A_956 = tpu.vector_load %arg5[%get3A_954, %get3A_955] {strides = array<i32>} : memref<2x800xi32, #tpu.memory_space<vmem>>, vector<1x16xi32>,
      %get3A_957 = vector.shape_cast %get3A_956 : vector<1x16xi32> to vector<16xi32>
      %sub3A_958 = vector.broadcast %mul3A_0 : i32 to vector<16xi32>
      %sub3A_959 = arith.subi %get3A_957, %sub3A_958 : vector<16xi32>
      %ge3A_960 = arith.constant 0 : i32
      %ge3A_961 = vector.broadcast %ge3A_960 : i32 to vector<16xi32>
      %ge3A_962 = arith.cmpi sge, %sub3A_959, %ge3A_961 : vector<16xi32>
      %lt3A_963 = arith.constant 50000 : i32
      %lt3A_964 = vector.broadcast %lt3A_963 : i32 to vector<16xi32>
      %lt3A_965 = arith.cmpi slt, %sub3A_959, %lt3A_964 : vector<16xi32>
      %and3A_966 = arith.andi %ge3A_962, %lt3A_965 : vector<16xi1>
      %jit3A_967 = arith.constant 50000 : i32
      %broadcast_in_dim3A_968 = vector.broadcast %jit3A_967 : i32 to vector<16xi32>
      %select_n3A_969 = arith.select %and3A_966, %sub3A_959, %broadcast_in_dim3A_968 : vector<16xi1>, vector<16xi32>
      %swap3A_970 = arith.constant 6 : i32
      %swap3A_971 = arith.index_cast %swap3A_970 : i32 to index
      %swap3A_972 = arith.constant 32 : index
      %swap3A_973 = tpu.vector_load %arg6[%swap3A_971, %swap3A_972] {strides = array<i32>} : memref<10x80xi32, #tpu.memory_space<vmem>>, vector<1x16xi32>,
      %swap3A_974 = vector.shape_cast %swap3A_973 : vector<1x16xi32> to vector<16xi32>
      %swap3A_975 = vector.shape_cast %select_n3A_969 : vector<16xi32> to vector<1x16xi32>
      tpu.vector_store %arg6[%swap3A_971, %swap3A_972], %swap3A_975 {strides = array<i32>} : memref<10x80xi32, #tpu.memory_space<vmem>>, vector<1x16xi32>,
      %get3A_976 = arith.constant 0 : i32
      %get3A_977 = arith.index_cast %get3A_976 : i32 to index
      %get3A_978 = arith.constant 528 : index
      %get3A_979 = tpu.vector_load %arg5[%get3A_977, %get3A_978] {strides = array<i32>} : memref<2x800xi32, #tpu.memory_space<vmem>>, vector<1x16xi32>,
      %get3A_980 = vector.shape_cast %get3A_979 : vector<1x16xi32> to vector<16xi32>
      %sub3A_981 = vector.broadcast %mul3A_0 : i32 to vector<16xi32>
      %sub3A_982 = arith.subi %get3A_980, %sub3A_981 : vector<16xi32>
      %ge3A_983 = arith.constant 0 : i32
      %ge3A_984 = vector.broadcast %ge3A_983 : i32 to vector<16xi32>
      %ge3A_985 = arith.cmpi sge, %sub3A_982, %ge3A_984 : vector<16xi32>
      %lt3A_986 = arith.constant 50000 : i32
      %lt3A_987 = vector.broadcast %lt3A_986 : i32 to vector<16xi32>
      %lt3A_988 = arith.cmpi slt, %sub3A_982, %lt3A_987 : vector<16xi32>
      %and3A_989 = arith.andi %ge3A_985, %lt3A_988 : vector<16xi1>
      %jit3A_990 = arith.constant 50000 : i32
      %broadcast_in_dim3A_991 = vector.broadcast %jit3A_990 : i32 to vector<16xi32>
      %select_n3A_992 = arith.select %and3A_989, %sub3A_982, %broadcast_in_dim3A_991 : vector<16xi1>, vector<16xi32>
      %swap3A_993 = arith.constant 6 : i32
      %swap3A_994 = arith.index_cast %swap3A_993 : i32 to index
      %swap3A_995 = arith.constant 48 : index
      %swap3A_996 = tpu.vector_load %arg6[%swap3A_994, %swap3A_995] {strides = array<i32>} : memref<10x80xi32, #tpu.memory_space<vmem>>, vector<1x16xi32>,
      %swap3A_997 = vector.shape_cast %swap3A_996 : vector<1x16xi32> to vector<16xi32>
      %swap3A_998 = vector.shape_cast %select_n3A_992 : vector<16xi32> to vector<1x16xi32>
      tpu.vector_store %arg6[%swap3A_994, %swap3A_995], %swap3A_998 {strides = array<i32>} : memref<10x80xi32, #tpu.memory_space<vmem>>, vector<1x16xi32>,
      %get3A_999 = arith.constant 0 : i32
      %get3A_1000 = arith.index_cast %get3A_999 : i32 to index
      %get3A_1001 = arith.constant 544 : index
      %get3A_1002 = tpu.vector_load %arg5[%get3A_1000, %get3A_1001] {strides = array<i32>} : memref<2x800xi32, #tpu.memory_space<vmem>>, vector<1x16xi32>,
      %get3A_1003 = vector.shape_cast %get3A_1002 : vector<1x16xi32> to vector<16xi32>
      %sub3A_1004 = vector.broadcast %mul3A_0 : i32 to vector<16xi32>
      %sub3A_1005 = arith.subi %get3A_1003, %sub3A_1004 : vector<16xi32>
      %ge3A_1006 = arith.constant 0 : i32
      %ge3A_1007 = vector.broadcast %ge3A_1006 : i32 to vector<16xi32>
      %ge3A_1008 = arith.cmpi sge, %sub3A_1005, %ge3A_1007 : vector<16xi32>
      %lt3A_1009 = arith.constant 50000 : i32
      %lt3A_1010 = vector.broadcast %lt3A_1009 : i32 to vector<16xi32>
      %lt3A_1011 = arith.cmpi slt, %sub3A_1005, %lt3A_1010 : vector<16xi32>
      %and3A_1012 = arith.andi %ge3A_1008, %lt3A_1011 : vector<16xi1>
      %jit3A_1013 = arith.constant 50000 : i32
      %broadcast_in_dim3A_1014 = vector.broadcast %jit3A_1013 : i32 to vector<16xi32>
      %select_n3A_1015 = arith.select %and3A_1012, %sub3A_1005, %broadcast_in_dim3A_1014 : vector<16xi1>, vector<16xi32>
      %swap3A_1016 = arith.constant 6 : i32
      %swap3A_1017 = arith.index_cast %swap3A_1016 : i32 to index
      %swap3A_1018 = arith.constant 64 : index
      %swap3A_1019 = tpu.vector_load %arg6[%swap3A_1017, %swap3A_1018] {strides = array<i32>} : memref<10x80xi32, #tpu.memory_space<vmem>>, vector<1x16xi32>,
      %swap3A_1020 = vector.shape_cast %swap3A_1019 : vector<1x16xi32> to vector<16xi32>
      %swap3A_1021 = vector.shape_cast %select_n3A_1015 : vector<16xi32> to vector<1x16xi32>
      tpu.vector_store %arg6[%swap3A_1017, %swap3A_1018], %swap3A_1021 {strides = array<i32>} : memref<10x80xi32, #tpu.memory_space<vmem>>, vector<1x16xi32>,
      %get3A_1022 = arith.constant 0 : i32
      %get3A_1023 = arith.index_cast %get3A_1022 : i32 to index
      %get3A_1024 = arith.constant 560 : index
      %get3A_1025 = tpu.vector_load %arg5[%get3A_1023, %get3A_1024] {strides = array<i32>} : memref<2x800xi32, #tpu.memory_space<vmem>>, vector<1x16xi32>,
      %get3A_1026 = vector.shape_cast %get3A_1025 : vector<1x16xi32> to vector<16xi32>
      %sub3A_1027 = vector.broadcast %mul3A_0 : i32 to vector<16xi32>
      %sub3A_1028 = arith.subi %get3A_1026, %sub3A_1027 : vector<16xi32>
      %ge3A_1029 = arith.constant 0 : i32
      %ge3A_1030 = vector.broadcast %ge3A_1029 : i32 to vector<16xi32>
      %ge3A_1031 = arith.cmpi sge, %sub3A_1028, %ge3A_1030 : vector<16xi32>
      %lt3A_1032 = arith.constant 50000 : i32
      %lt3A_1033 = vector.broadcast %lt3A_1032 : i32 to vector<16xi32>
      %lt3A_1034 = arith.cmpi slt, %sub3A_1028, %lt3A_1033 : vector<16xi32>
      %and3A_1035 = arith.andi %ge3A_1031, %lt3A_1034 : vector<16xi1>
      %jit3A_1036 = arith.constant 50000 : i32
      %broadcast_in_dim3A_1037 = vector.broadcast %jit3A_1036 : i32 to vector<16xi32>
      %select_n3A_1038 = arith.select %and3A_1035, %sub3A_1028, %broadcast_in_dim3A_1037 : vector<16xi1>, vector<16xi32>
      %swap3A_1039 = arith.constant 7 : i32
      %swap3A_1040 = arith.index_cast %swap3A_1039 : i32 to index
      %swap3A_1041 = arith.constant 0 : index
      %swap3A_1042 = tpu.vector_load %arg6[%swap3A_1040, %swap3A_1041] {strides = array<i32>} : memref<10x80xi32, #tpu.memory_space<vmem>>, vector<1x16xi32>,
      %swap3A_1043 = vector.shape_cast %swap3A_1042 : vector<1x16xi32> to vector<16xi32>
      %swap3A_1044 = vector.shape_cast %select_n3A_1038 : vector<16xi32> to vector<1x16xi32>
      tpu.vector_store %arg6[%swap3A_1040, %swap3A_1041], %swap3A_1044 {strides = array<i32>} : memref<10x80xi32, #tpu.memory_space<vmem>>, vector<1x16xi32>,
      %get3A_1045 = arith.constant 0 : i32
      %get3A_1046 = arith.index_cast %get3A_1045 : i32 to index
      %get3A_1047 = arith.constant 576 : index
      %get3A_1048 = tpu.vector_load %arg5[%get3A_1046, %get3A_1047] {strides = array<i32>} : memref<2x800xi32, #tpu.memory_space<vmem>>, vector<1x16xi32>,
      %get3A_1049 = vector.shape_cast %get3A_1048 : vector<1x16xi32> to vector<16xi32>
      %sub3A_1050 = vector.broadcast %mul3A_0 : i32 to vector<16xi32>
      %sub3A_1051 = arith.subi %get3A_1049, %sub3A_1050 : vector<16xi32>
      %ge3A_1052 = arith.constant 0 : i32
      %ge3A_1053 = vector.broadcast %ge3A_1052 : i32 to vector<16xi32>
      %ge3A_1054 = arith.cmpi sge, %sub3A_1051, %ge3A_1053 : vector<16xi32>
      %lt3A_1055 = arith.constant 50000 : i32
      %lt3A_1056 = vector.broadcast %lt3A_1055 : i32 to vector<16xi32>
      %lt3A_1057 = arith.cmpi slt, %sub3A_1051, %lt3A_1056 : vector<16xi32>
      %and3A_1058 = arith.andi %ge3A_1054, %lt3A_1057 : vector<16xi1>
      %jit3A_1059 = arith.constant 50000 : i32
      %broadcast_in_dim3A_1060 = vector.broadcast %jit3A_1059 : i32 to vector<16xi32>
      %select_n3A_1061 = arith.select %and3A_1058, %sub3A_1051, %broadcast_in_dim3A_1060 : vector<16xi1>, vector<16xi32>
      %swap3A_1062 = arith.constant 7 : i32
      %swap3A_1063 = arith.index_cast %swap3A_1062 : i32 to index
      %swap3A_1064 = arith.constant 16 : index
      %swap3A_1065 = tpu.vector_load %arg6[%swap3A_1063, %swap3A_1064] {strides = array<i32>} : memref<10x80xi32, #tpu.memory_space<vmem>>, vector<1x16xi32>,
      %swap3A_1066 = vector.shape_cast %swap3A_1065 : vector<1x16xi32> to vector<16xi32>
      %swap3A_1067 = vector.shape_cast %select_n3A_1061 : vector<16xi32> to vector<1x16xi32>
      tpu.vector_store %arg6[%swap3A_1063, %swap3A_1064], %swap3A_1067 {strides = array<i32>} : memref<10x80xi32, #tpu.memory_space<vmem>>, vector<1x16xi32>,
      %get3A_1068 = arith.constant 0 : i32
      %get3A_1069 = arith.index_cast %get3A_1068 : i32 to index
      %get3A_1070 = arith.constant 592 : index
      %get3A_1071 = tpu.vector_load %arg5[%get3A_1069, %get3A_1070] {strides = array<i32>} : memref<2x800xi32, #tpu.memory_space<vmem>>, vector<1x16xi32>,
      %get3A_1072 = vector.shape_cast %get3A_1071 : vector<1x16xi32> to vector<16xi32>
      %sub3A_1073 = vector.broadcast %mul3A_0 : i32 to vector<16xi32>
      %sub3A_1074 = arith.subi %get3A_1072, %sub3A_1073 : vector<16xi32>
      %ge3A_1075 = arith.constant 0 : i32
      %ge3A_1076 = vector.broadcast %ge3A_1075 : i32 to vector<16xi32>
      %ge3A_1077 = arith.cmpi sge, %sub3A_1074, %ge3A_1076 : vector<16xi32>
      %lt3A_1078 = arith.constant 50000 : i32
      %lt3A_1079 = vector.broadcast %lt3A_1078 : i32 to vector<16xi32>
      %lt3A_1080 = arith.cmpi slt, %sub3A_1074, %lt3A_1079 : vector<16xi32>
      %and3A_1081 = arith.andi %ge3A_1077, %lt3A_1080 : vector<16xi1>
      %jit3A_1082 = arith.constant 50000 : i32
      %broadcast_in_dim3A_1083 = vector.broadcast %jit3A_1082 : i32 to vector<16xi32>
      %select_n3A_1084 = arith.select %and3A_1081, %sub3A_1074, %broadcast_in_dim3A_1083 : vector<16xi1>, vector<16xi32>
      %swap3A_1085 = arith.constant 7 : i32
      %swap3A_1086 = arith.index_cast %swap3A_1085 : i32 to index
      %swap3A_1087 = arith.constant 32 : index
      %swap3A_1088 = tpu.vector_load %arg6[%swap3A_1086, %swap3A_1087] {strides = array<i32>} : memref<10x80xi32, #tpu.memory_space<vmem>>, vector<1x16xi32>,
      %swap3A_1089 = vector.shape_cast %swap3A_1088 : vector<1x16xi32> to vector<16xi32>
      %swap3A_1090 = vector.shape_cast %select_n3A_1084 : vector<16xi32> to vector<1x16xi32>
      tpu.vector_store %arg6[%swap3A_1086, %swap3A_1087], %swap3A_1090 {strides = array<i32>} : memref<10x80xi32, #tpu.memory_space<vmem>>, vector<1x16xi32>,
      %get3A_1091 = arith.constant 0 : i32
      %get3A_1092 = arith.index_cast %get3A_1091 : i32 to index
      %get3A_1093 = arith.constant 608 : index
      %get3A_1094 = tpu.vector_load %arg5[%get3A_1092, %get3A_1093] {strides = array<i32>} : memref<2x800xi32, #tpu.memory_space<vmem>>, vector<1x16xi32>,
      %get3A_1095 = vector.shape_cast %get3A_1094 : vector<1x16xi32> to vector<16xi32>
      %sub3A_1096 = vector.broadcast %mul3A_0 : i32 to vector<16xi32>
      %sub3A_1097 = arith.subi %get3A_1095, %sub3A_1096 : vector<16xi32>
      %ge3A_1098 = arith.constant 0 : i32
      %ge3A_1099 = vector.broadcast %ge3A_1098 : i32 to vector<16xi32>
      %ge3A_1100 = arith.cmpi sge, %sub3A_1097, %ge3A_1099 : vector<16xi32>
      %lt3A_1101 = arith.constant 50000 : i32
      %lt3A_1102 = vector.broadcast %lt3A_1101 : i32 to vector<16xi32>
      %lt3A_1103 = arith.cmpi slt, %sub3A_1097, %lt3A_1102 : vector<16xi32>
      %and3A_1104 = arith.andi %ge3A_1100, %lt3A_1103 : vector<16xi1>
      %jit3A_1105 = arith.constant 50000 : i32
      %broadcast_in_dim3A_1106 = vector.broadcast %jit3A_1105 : i32 to vector<16xi32>
      %select_n3A_1107 = arith.select %and3A_1104, %sub3A_1097, %broadcast_in_dim3A_1106 : vector<16xi1>, vector<16xi32>
      %swap3A_1108 = arith.constant 7 : i32
      %swap3A_1109 = arith.index_cast %swap3A_1108 : i32 to index
      %swap3A_1110 = arith.constant 48 : index
      %swap3A_1111 = tpu.vector_load %arg6[%swap3A_1109, %swap3A_1110] {strides = array<i32>} : memref<10x80xi32, #tpu.memory_space<vmem>>, vector<1x16xi32>,
      %swap3A_1112 = vector.shape_cast %swap3A_1111 : vector<1x16xi32> to vector<16xi32>
      %swap3A_1113 = vector.shape_cast %select_n3A_1107 : vector<16xi32> to vector<1x16xi32>
      tpu.vector_store %arg6[%swap3A_1109, %swap3A_1110], %swap3A_1113 {strides = array<i32>} : memref<10x80xi32, #tpu.memory_space<vmem>>, vector<1x16xi32>,
      %get3A_1114 = arith.constant 0 : i32
      %get3A_1115 = arith.index_cast %get3A_1114 : i32 to index
      %get3A_1116 = arith.constant 624 : index
      %get3A_1117 = tpu.vector_load %arg5[%get3A_1115, %get3A_1116] {strides = array<i32>} : memref<2x800xi32, #tpu.memory_space<vmem>>, vector<1x16xi32>,
      %get3A_1118 = vector.shape_cast %get3A_1117 : vector<1x16xi32> to vector<16xi32>
      %sub3A_1119 = vector.broadcast %mul3A_0 : i32 to vector<16xi32>
      %sub3A_1120 = arith.subi %get3A_1118, %sub3A_1119 : vector<16xi32>
      %ge3A_1121 = arith.constant 0 : i32
      %ge3A_1122 = vector.broadcast %ge3A_1121 : i32 to vector<16xi32>
      %ge3A_1123 = arith.cmpi sge, %sub3A_1120, %ge3A_1122 : vector<16xi32>
      %lt3A_1124 = arith.constant 50000 : i32
      %lt3A_1125 = vector.broadcast %lt3A_1124 : i32 to vector<16xi32>
      %lt3A_1126 = arith.cmpi slt, %sub3A_1120, %lt3A_1125 : vector<16xi32>
      %and3A_1127 = arith.andi %ge3A_1123, %lt3A_1126 : vector<16xi1>
      %jit3A_1128 = arith.constant 50000 : i32
      %broadcast_in_dim3A_1129 = vector.broadcast %jit3A_1128 : i32 to vector<16xi32>
      %select_n3A_1130 = arith.select %and3A_1127, %sub3A_1120, %broadcast_in_dim3A_1129 : vector<16xi1>, vector<16xi32>
      %swap3A_1131 = arith.constant 7 : i32
      %swap3A_1132 = arith.index_cast %swap3A_1131 : i32 to index
      %swap3A_1133 = arith.constant 64 : index
      %swap3A_1134 = tpu.vector_load %arg6[%swap3A_1132, %swap3A_1133] {strides = array<i32>} : memref<10x80xi32, #tpu.memory_space<vmem>>, vector<1x16xi32>,
      %swap3A_1135 = vector.shape_cast %swap3A_1134 : vector<1x16xi32> to vector<16xi32>
      %swap3A_1136 = vector.shape_cast %select_n3A_1130 : vector<16xi32> to vector<1x16xi32>
      tpu.vector_store %arg6[%swap3A_1132, %swap3A_1133], %swap3A_1136 {strides = array<i32>} : memref<10x80xi32, #tpu.memory_space<vmem>>, vector<1x16xi32>,
      %get3A_1137 = arith.constant 0 : i32
      %get3A_1138 = arith.index_cast %get3A_1137 : i32 to index
      %get3A_1139 = arith.constant 640 : index
      %get3A_1140 = tpu.vector_load %arg5[%get3A_1138, %get3A_1139] {strides = array<i32>} : memref<2x800xi32, #tpu.memory_space<vmem>>, vector<1x16xi32>,
      %get3A_1141 = vector.shape_cast %get3A_1140 : vector<1x16xi32> to vector<16xi32>
      %sub3A_1142 = vector.broadcast %mul3A_0 : i32 to vector<16xi32>
      %sub3A_1143 = arith.subi %get3A_1141, %sub3A_1142 : vector<16xi32>
      %ge3A_1144 = arith.constant 0 : i32
      %ge3A_1145 = vector.broadcast %ge3A_1144 : i32 to vector<16xi32>
      %ge3A_1146 = arith.cmpi sge, %sub3A_1143, %ge3A_1145 : vector<16xi32>
      %lt3A_1147 = arith.constant 50000 : i32
      %lt3A_1148 = vector.broadcast %lt3A_1147 : i32 to vector<16xi32>
      %lt3A_1149 = arith.cmpi slt, %sub3A_1143, %lt3A_1148 : vector<16xi32>
      %and3A_1150 = arith.andi %ge3A_1146, %lt3A_1149 : vector<16xi1>
      %jit3A_1151 = arith.constant 50000 : i32
      %broadcast_in_dim3A_1152 = vector.broadcast %jit3A_1151 : i32 to vector<16xi32>
      %select_n3A_1153 = arith.select %and3A_1150, %sub3A_1143, %broadcast_in_dim3A_1152 : vector<16xi1>, vector<16xi32>
      %swap3A_1154 = arith.constant 8 : i32
      %swap3A_1155 = arith.index_cast %swap3A_1154 : i32 to index
      %swap3A_1156 = arith.constant 0 : index
      %swap3A_1157 = tpu.vector_load %arg6[%swap3A_1155, %swap3A_1156] {strides = array<i32>} : memref<10x80xi32, #tpu.memory_space<vmem>>, vector<1x16xi32>,
      %swap3A_1158 = vector.shape_cast %swap3A_1157 : vector<1x16xi32> to vector<16xi32>
      %swap3A_1159 = vector.shape_cast %select_n3A_1153 : vector<16xi32> to vector<1x16xi32>
      tpu.vector_store %arg6[%swap3A_1155, %swap3A_1156], %swap3A_1159 {strides = array<i32>} : memref<10x80xi32, #tpu.memory_space<vmem>>, vector<1x16xi32>,
      %get3A_1160 = arith.constant 0 : i32
      %get3A_1161 = arith.index_cast %get3A_1160 : i32 to index
      %get3A_1162 = arith.constant 656 : index
      %get3A_1163 = tpu.vector_load %arg5[%get3A_1161, %get3A_1162] {strides = array<i32>} : memref<2x800xi32, #tpu.memory_space<vmem>>, vector<1x16xi32>,
      %get3A_1164 = vector.shape_cast %get3A_1163 : vector<1x16xi32> to vector<16xi32>
      %sub3A_1165 = vector.broadcast %mul3A_0 : i32 to vector<16xi32>
      %sub3A_1166 = arith.subi %get3A_1164, %sub3A_1165 : vector<16xi32>
      %ge3A_1167 = arith.constant 0 : i32
      %ge3A_1168 = vector.broadcast %ge3A_1167 : i32 to vector<16xi32>
      %ge3A_1169 = arith.cmpi sge, %sub3A_1166, %ge3A_1168 : vector<16xi32>
      %lt3A_1170 = arith.constant 50000 : i32
      %lt3A_1171 = vector.broadcast %lt3A_1170 : i32 to vector<16xi32>
      %lt3A_1172 = arith.cmpi slt, %sub3A_1166, %lt3A_1171 : vector<16xi32>
      %and3A_1173 = arith.andi %ge3A_1169, %lt3A_1172 : vector<16xi1>
      %jit3A_1174 = arith.constant 50000 : i32
      %broadcast_in_dim3A_1175 = vector.broadcast %jit3A_1174 : i32 to vector<16xi32>
      %select_n3A_1176 = arith.select %and3A_1173, %sub3A_1166, %broadcast_in_dim3A_1175 : vector<16xi1>, vector<16xi32>
      %swap3A_1177 = arith.constant 8 : i32
      %swap3A_1178 = arith.index_cast %swap3A_1177 : i32 to index
      %swap3A_1179 = arith.constant 16 : index
      %swap3A_1180 = tpu.vector_load %arg6[%swap3A_1178, %swap3A_1179] {strides = array<i32>} : memref<10x80xi32, #tpu.memory_space<vmem>>, vector<1x16xi32>,
      %swap3A_1181 = vector.shape_cast %swap3A_1180 : vector<1x16xi32> to vector<16xi32>
      %swap3A_1182 = vector.shape_cast %select_n3A_1176 : vector<16xi32> to vector<1x16xi32>
      tpu.vector_store %arg6[%swap3A_1178, %swap3A_1179], %swap3A_1182 {strides = array<i32>} : memref<10x80xi32, #tpu.memory_space<vmem>>, vector<1x16xi32>,
      %get3A_1183 = arith.constant 0 : i32
      %get3A_1184 = arith.index_cast %get3A_1183 : i32 to index
      %get3A_1185 = arith.constant 672 : index
      %get3A_1186 = tpu.vector_load %arg5[%get3A_1184, %get3A_1185] {strides = array<i32>} : memref<2x800xi32, #tpu.memory_space<vmem>>, vector<1x16xi32>,
      %get3A_1187 = vector.shape_cast %get3A_1186 : vector<1x16xi32> to vector<16xi32>
      %sub3A_1188 = vector.broadcast %mul3A_0 : i32 to vector<16xi32>
      %sub3A_1189 = arith.subi %get3A_1187, %sub3A_1188 : vector<16xi32>
      %ge3A_1190 = arith.constant 0 : i32
      %ge3A_1191 = vector.broadcast %ge3A_1190 : i32 to vector<16xi32>
      %ge3A_1192 = arith.cmpi sge, %sub3A_1189, %ge3A_1191 : vector<16xi32>
      %lt3A_1193 = arith.constant 50000 : i32
      %lt3A_1194 = vector.broadcast %lt3A_1193 : i32 to vector<16xi32>
      %lt3A_1195 = arith.cmpi slt, %sub3A_1189, %lt3A_1194 : vector<16xi32>
      %and3A_1196 = arith.andi %ge3A_1192, %lt3A_1195 : vector<16xi1>
      %jit3A_1197 = arith.constant 50000 : i32
      %broadcast_in_dim3A_1198 = vector.broadcast %jit3A_1197 : i32 to vector<16xi32>
      %select_n3A_1199 = arith.select %and3A_1196, %sub3A_1189, %broadcast_in_dim3A_1198 : vector<16xi1>, vector<16xi32>
      %swap3A_1200 = arith.constant 8 : i32
      %swap3A_1201 = arith.index_cast %swap3A_1200 : i32 to index
      %swap3A_1202 = arith.constant 32 : index
      %swap3A_1203 = tpu.vector_load %arg6[%swap3A_1201, %swap3A_1202] {strides = array<i32>} : memref<10x80xi32, #tpu.memory_space<vmem>>, vector<1x16xi32>,
      %swap3A_1204 = vector.shape_cast %swap3A_1203 : vector<1x16xi32> to vector<16xi32>
      %swap3A_1205 = vector.shape_cast %select_n3A_1199 : vector<16xi32> to vector<1x16xi32>
      tpu.vector_store %arg6[%swap3A_1201, %swap3A_1202], %swap3A_1205 {strides = array<i32>} : memref<10x80xi32, #tpu.memory_space<vmem>>, vector<1x16xi32>,
      %get3A_1206 = arith.constant 0 : i32
      %get3A_1207 = arith.index_cast %get3A_1206 : i32 to index
      %get3A_1208 = arith.constant 688 : index
      %get3A_1209 = tpu.vector_load %arg5[%get3A_1207, %get3A_1208] {strides = array<i32>} : memref<2x800xi32, #tpu.memory_space<vmem>>, vector<1x16xi32>,
      %get3A_1210 = vector.shape_cast %get3A_1209 : vector<1x16xi32> to vector<16xi32>
      %sub3A_1211 = vector.broadcast %mul3A_0 : i32 to vector<16xi32>
      %sub3A_1212 = arith.subi %get3A_1210, %sub3A_1211 : vector<16xi32>
      %ge3A_1213 = arith.constant 0 : i32
      %ge3A_1214 = vector.broadcast %ge3A_1213 : i32 to vector<16xi32>
      %ge3A_1215 = arith.cmpi sge, %sub3A_1212, %ge3A_1214 : vector<16xi32>
      %lt3A_1216 = arith.constant 50000 : i32
      %lt3A_1217 = vector.broadcast %lt3A_1216 : i32 to vector<16xi32>
      %lt3A_1218 = arith.cmpi slt, %sub3A_1212, %lt3A_1217 : vector<16xi32>
      %and3A_1219 = arith.andi %ge3A_1215, %lt3A_1218 : vector<16xi1>
      %jit3A_1220 = arith.constant 50000 : i32
      %broadcast_in_dim3A_1221 = vector.broadcast %jit3A_1220 : i32 to vector<16xi32>
      %select_n3A_1222 = arith.select %and3A_1219, %sub3A_1212, %broadcast_in_dim3A_1221 : vector<16xi1>, vector<16xi32>
      %swap3A_1223 = arith.constant 8 : i32
      %swap3A_1224 = arith.index_cast %swap3A_1223 : i32 to index
      %swap3A_1225 = arith.constant 48 : index
      %swap3A_1226 = tpu.vector_load %arg6[%swap3A_1224, %swap3A_1225] {strides = array<i32>} : memref<10x80xi32, #tpu.memory_space<vmem>>, vector<1x16xi32>,
      %swap3A_1227 = vector.shape_cast %swap3A_1226 : vector<1x16xi32> to vector<16xi32>
      %swap3A_1228 = vector.shape_cast %select_n3A_1222 : vector<16xi32> to vector<1x16xi32>
      tpu.vector_store %arg6[%swap3A_1224, %swap3A_1225], %swap3A_1228 {strides = array<i32>} : memref<10x80xi32, #tpu.memory_space<vmem>>, vector<1x16xi32>,
      %get3A_1229 = arith.constant 0 : i32
      %get3A_1230 = arith.index_cast %get3A_1229 : i32 to index
      %get3A_1231 = arith.constant 704 : index
      %get3A_1232 = tpu.vector_load %arg5[%get3A_1230, %get3A_1231] {strides = array<i32>} : memref<2x800xi32, #tpu.memory_space<vmem>>, vector<1x16xi32>,
      %get3A_1233 = vector.shape_cast %get3A_1232 : vector<1x16xi32> to vector<16xi32>
      %sub3A_1234 = vector.broadcast %mul3A_0 : i32 to vector<16xi32>
      %sub3A_1235 = arith.subi %get3A_1233, %sub3A_1234 : vector<16xi32>
      %ge3A_1236 = arith.constant 0 : i32
      %ge3A_1237 = vector.broadcast %ge3A_1236 : i32 to vector<16xi32>
      %ge3A_1238 = arith.cmpi sge, %sub3A_1235, %ge3A_1237 : vector<16xi32>
      %lt3A_1239 = arith.constant 50000 : i32
      %lt3A_1240 = vector.broadcast %lt3A_1239 : i32 to vector<16xi32>
      %lt3A_1241 = arith.cmpi slt, %sub3A_1235, %lt3A_1240 : vector<16xi32>
      %and3A_1242 = arith.andi %ge3A_1238, %lt3A_1241 : vector<16xi1>
      %jit3A_1243 = arith.constant 50000 : i32
      %broadcast_in_dim3A_1244 = vector.broadcast %jit3A_1243 : i32 to vector<16xi32>
      %select_n3A_1245 = arith.select %and3A_1242, %sub3A_1235, %broadcast_in_dim3A_1244 : vector<16xi1>, vector<16xi32>
      %swap3A_1246 = arith.constant 8 : i32
      %swap3A_1247 = arith.index_cast %swap3A_1246 : i32 to index
      %swap3A_1248 = arith.constant 64 : index
      %swap3A_1249 = tpu.vector_load %arg6[%swap3A_1247, %swap3A_1248] {strides = array<i32>} : memref<10x80xi32, #tpu.memory_space<vmem>>, vector<1x16xi32>,
      %swap3A_1250 = vector.shape_cast %swap3A_1249 : vector<1x16xi32> to vector<16xi32>
      %swap3A_1251 = vector.shape_cast %select_n3A_1245 : vector<16xi32> to vector<1x16xi32>
      tpu.vector_store %arg6[%swap3A_1247, %swap3A_1248], %swap3A_1251 {strides = array<i32>} : memref<10x80xi32, #tpu.memory_space<vmem>>, vector<1x16xi32>,
      %get3A_1252 = arith.constant 0 : i32
      %get3A_1253 = arith.index_cast %get3A_1252 : i32 to index
      %get3A_1254 = arith.constant 720 : index
      %get3A_1255 = tpu.vector_load %arg5[%get3A_1253, %get3A_1254] {strides = array<i32>} : memref<2x800xi32, #tpu.memory_space<vmem>>, vector<1x16xi32>,
      %get3A_1256 = vector.shape_cast %get3A_1255 : vector<1x16xi32> to vector<16xi32>
      %sub3A_1257 = vector.broadcast %mul3A_0 : i32 to vector<16xi32>
      %sub3A_1258 = arith.subi %get3A_1256, %sub3A_1257 : vector<16xi32>
      %ge3A_1259 = arith.constant 0 : i32
      %ge3A_1260 = vector.broadcast %ge3A_1259 : i32 to vector<16xi32>
      %ge3A_1261 = arith.cmpi sge, %sub3A_1258, %ge3A_1260 : vector<16xi32>
      %lt3A_1262 = arith.constant 50000 : i32
      %lt3A_1263 = vector.broadcast %lt3A_1262 : i32 to vector<16xi32>
      %lt3A_1264 = arith.cmpi slt, %sub3A_1258, %lt3A_1263 : vector<16xi32>
      %and3A_1265 = arith.andi %ge3A_1261, %lt3A_1264 : vector<16xi1>
      %jit3A_1266 = arith.constant 50000 : i32
      %broadcast_in_dim3A_1267 = vector.broadcast %jit3A_1266 : i32 to vector<16xi32>
      %select_n3A_1268 = arith.select %and3A_1265, %sub3A_1258, %broadcast_in_dim3A_1267 : vector<16xi1>, vector<16xi32>
      %swap3A_1269 = arith.constant 9 : i32
      %swap3A_1270 = arith.index_cast %swap3A_1269 : i32 to index
      %swap3A_1271 = arith.constant 0 : index
      %swap3A_1272 = tpu.vector_load %arg6[%swap3A_1270, %swap3A_1271] {strides = array<i32>} : memref<10x80xi32, #tpu.memory_space<vmem>>, vector<1x16xi32>,
      %swap3A_1273 = vector.shape_cast %swap3A_1272 : vector<1x16xi32> to vector<16xi32>
      %swap3A_1274 = vector.shape_cast %select_n3A_1268 : vector<16xi32> to vector<1x16xi32>
      tpu.vector_store %arg6[%swap3A_1270, %swap3A_1271], %swap3A_1274 {strides = array<i32>} : memref<10x80xi32, #tpu.memory_space<vmem>>, vector<1x16xi32>,
      %get3A_1275 = arith.constant 0 : i32
      %get3A_1276 = arith.index_cast %get3A_1275 : i32 to index
      %get3A_1277 = arith.constant 736 : index
      %get3A_1278 = tpu.vector_load %arg5[%get3A_1276, %get3A_1277] {strides = array<i32>} : memref<2x800xi32, #tpu.memory_space<vmem>>, vector<1x16xi32>,
      %get3A_1279 = vector.shape_cast %get3A_1278 : vector<1x16xi32> to vector<16xi32>
      %sub3A_1280 = vector.broadcast %mul3A_0 : i32 to vector<16xi32>
      %sub3A_1281 = arith.subi %get3A_1279, %sub3A_1280 : vector<16xi32>
      %ge3A_1282 = arith.constant 0 : i32
      %ge3A_1283 = vector.broadcast %ge3A_1282 : i32 to vector<16xi32>
      %ge3A_1284 = arith.cmpi sge, %sub3A_1281, %ge3A_1283 : vector<16xi32>
      %lt3A_1285 = arith.constant 50000 : i32
      %lt3A_1286 = vector.broadcast %lt3A_1285 : i32 to vector<16xi32>
      %lt3A_1287 = arith.cmpi slt, %sub3A_1281, %lt3A_1286 : vector<16xi32>
      %and3A_1288 = arith.andi %ge3A_1284, %lt3A_1287 : vector<16xi1>
      %jit3A_1289 = arith.constant 50000 : i32
      %broadcast_in_dim3A_1290 = vector.broadcast %jit3A_1289 : i32 to vector<16xi32>
      %select_n3A_1291 = arith.select %and3A_1288, %sub3A_1281, %broadcast_in_dim3A_1290 : vector<16xi1>, vector<16xi32>
      %swap3A_1292 = arith.constant 9 : i32
      %swap3A_1293 = arith.index_cast %swap3A_1292 : i32 to index
      %swap3A_1294 = arith.constant 16 : index
      %swap3A_1295 = tpu.vector_load %arg6[%swap3A_1293, %swap3A_1294] {strides = array<i32>} : memref<10x80xi32, #tpu.memory_space<vmem>>, vector<1x16xi32>,
      %swap3A_1296 = vector.shape_cast %swap3A_1295 : vector<1x16xi32> to vector<16xi32>
      %swap3A_1297 = vector.shape_cast %select_n3A_1291 : vector<16xi32> to vector<1x16xi32>
      tpu.vector_store %arg6[%swap3A_1293, %swap3A_1294], %swap3A_1297 {strides = array<i32>} : memref<10x80xi32, #tpu.memory_space<vmem>>, vector<1x16xi32>,
      %get3A_1298 = arith.constant 0 : i32
      %get3A_1299 = arith.index_cast %get3A_1298 : i32 to index
      %get3A_1300 = arith.constant 752 : index
      %get3A_1301 = tpu.vector_load %arg5[%get3A_1299, %get3A_1300] {strides = array<i32>} : memref<2x800xi32, #tpu.memory_space<vmem>>, vector<1x16xi32>,
      %get3A_1302 = vector.shape_cast %get3A_1301 : vector<1x16xi32> to vector<16xi32>
      %sub3A_1303 = vector.broadcast %mul3A_0 : i32 to vector<16xi32>
      %sub3A_1304 = arith.subi %get3A_1302, %sub3A_1303 : vector<16xi32>
      %ge3A_1305 = arith.constant 0 : i32
      %ge3A_1306 = vector.broadcast %ge3A_1305 : i32 to vector<16xi32>
      %ge3A_1307 = arith.cmpi sge, %sub3A_1304, %ge3A_1306 : vector<16xi32>
      %lt3A_1308 = arith.constant 50000 : i32
      %lt3A_1309 = vector.broadcast %lt3A_1308 : i32 to vector<16xi32>
      %lt3A_1310 = arith.cmpi slt, %sub3A_1304, %lt3A_1309 : vector<16xi32>
      %and3A_1311 = arith.andi %ge3A_1307, %lt3A_1310 : vector<16xi1>
      %jit3A_1312 = arith.constant 50000 : i32
      %broadcast_in_dim3A_1313 = vector.broadcast %jit3A_1312 : i32 to vector<16xi32>
      %select_n3A_1314 = arith.select %and3A_1311, %sub3A_1304, %broadcast_in_dim3A_1313 : vector<16xi1>, vector<16xi32>
      %swap3A_1315 = arith.constant 9 : i32
      %swap3A_1316 = arith.index_cast %swap3A_1315 : i32 to index
      %swap3A_1317 = arith.constant 32 : index
      %swap3A_1318 = tpu.vector_load %arg6[%swap3A_1316, %swap3A_1317] {strides = array<i32>} : memref<10x80xi32, #tpu.memory_space<vmem>>, vector<1x16xi32>,
      %swap3A_1319 = vector.shape_cast %swap3A_1318 : vector<1x16xi32> to vector<16xi32>
      %swap3A_1320 = vector.shape_cast %select_n3A_1314 : vector<16xi32> to vector<1x16xi32>
      tpu.vector_store %arg6[%swap3A_1316, %swap3A_1317], %swap3A_1320 {strides = array<i32>} : memref<10x80xi32, #tpu.memory_space<vmem>>, vector<1x16xi32>,
      %get3A_1321 = arith.constant 0 : i32
      %get3A_1322 = arith.index_cast %get3A_1321 : i32 to index
      %get3A_1323 = arith.constant 768 : index
      %get3A_1324 = tpu.vector_load %arg5[%get3A_1322, %get3A_1323] {strides = array<i32>} : memref<2x800xi32, #tpu.memory_space<vmem>>, vector<1x16xi32>,
      %get3A_1325 = vector.shape_cast %get3A_1324 : vector<1x16xi32> to vector<16xi32>
      %sub3A_1326 = vector.broadcast %mul3A_0 : i32 to vector<16xi32>
      %sub3A_1327 = arith.subi %get3A_1325, %sub3A_1326 : vector<16xi32>
      %ge3A_1328 = arith.constant 0 : i32
      %ge3A_1329 = vector.broadcast %ge3A_1328 : i32 to vector<16xi32>
      %ge3A_1330 = arith.cmpi sge, %sub3A_1327, %ge3A_1329 : vector<16xi32>
      %lt3A_1331 = arith.constant 50000 : i32
      %lt3A_1332 = vector.broadcast %lt3A_1331 : i32 to vector<16xi32>
      %lt3A_1333 = arith.cmpi slt, %sub3A_1327, %lt3A_1332 : vector<16xi32>
      %and3A_1334 = arith.andi %ge3A_1330, %lt3A_1333 : vector<16xi1>
      %jit3A_1335 = arith.constant 50000 : i32
      %broadcast_in_dim3A_1336 = vector.broadcast %jit3A_1335 : i32 to vector<16xi32>
      %select_n3A_1337 = arith.select %and3A_1334, %sub3A_1327, %broadcast_in_dim3A_1336 : vector<16xi1>, vector<16xi32>
      %swap3A_1338 = arith.constant 9 : i32
      %swap3A_1339 = arith.index_cast %swap3A_1338 : i32 to index
      %swap3A_1340 = arith.constant 48 : index
      %swap3A_1341 = tpu.vector_load %arg6[%swap3A_1339, %swap3A_1340] {strides = array<i32>} : memref<10x80xi32, #tpu.memory_space<vmem>>, vector<1x16xi32>,
      %swap3A_1342 = vector.shape_cast %swap3A_1341 : vector<1x16xi32> to vector<16xi32>
      %swap3A_1343 = vector.shape_cast %select_n3A_1337 : vector<16xi32> to vector<1x16xi32>
      tpu.vector_store %arg6[%swap3A_1339, %swap3A_1340], %swap3A_1343 {strides = array<i32>} : memref<10x80xi32, #tpu.memory_space<vmem>>, vector<1x16xi32>,
      %get3A_1344 = arith.constant 0 : i32
      %get3A_1345 = arith.index_cast %get3A_1344 : i32 to index
      %get3A_1346 = arith.constant 784 : index
      %get3A_1347 = tpu.vector_load %arg5[%get3A_1345, %get3A_1346] {strides = array<i32>} : memref<2x800xi32, #tpu.memory_space<vmem>>, vector<1x16xi32>,
      %get3A_1348 = vector.shape_cast %get3A_1347 : vector<1x16xi32> to vector<16xi32>
      %sub3A_1349 = vector.broadcast %mul3A_0 : i32 to vector<16xi32>
      %sub3A_1350 = arith.subi %get3A_1348, %sub3A_1349 : vector<16xi32>
      %ge3A_1351 = arith.constant 0 : i32
      %ge3A_1352 = vector.broadcast %ge3A_1351 : i32 to vector<16xi32>
      %ge3A_1353 = arith.cmpi sge, %sub3A_1350, %ge3A_1352 : vector<16xi32>
      %lt3A_1354 = arith.constant 50000 : i32
      %lt3A_1355 = vector.broadcast %lt3A_1354 : i32 to vector<16xi32>
      %lt3A_1356 = arith.cmpi slt, %sub3A_1350, %lt3A_1355 : vector<16xi32>
      %and3A_1357 = arith.andi %ge3A_1353, %lt3A_1356 : vector<16xi1>
      %jit3A_1358 = arith.constant 50000 : i32
      %broadcast_in_dim3A_1359 = vector.broadcast %jit3A_1358 : i32 to vector<16xi32>
      %select_n3A_1360 = arith.select %and3A_1357, %sub3A_1350, %broadcast_in_dim3A_1359 : vector<16xi1>, vector<16xi32>
      %swap3A_1361 = arith.constant 9 : i32
      %swap3A_1362 = arith.index_cast %swap3A_1361 : i32 to index
      %swap3A_1363 = arith.constant 64 : index
      %swap3A_1364 = tpu.vector_load %arg6[%swap3A_1362, %swap3A_1363] {strides = array<i32>} : memref<10x80xi32, #tpu.memory_space<vmem>>, vector<1x16xi32>,
      %swap3A_1365 = vector.shape_cast %swap3A_1364 : vector<1x16xi32> to vector<16xi32>
      %swap3A_1366 = vector.shape_cast %select_n3A_1360 : vector<16xi32> to vector<1x16xi32>
      tpu.vector_store %arg6[%swap3A_1362, %swap3A_1363], %swap3A_1366 {strides = array<i32>} : memref<10x80xi32, #tpu.memory_space<vmem>>, vector<1x16xi32>,
      %dma_start3A_1367 = arith.constant 0 : i32
      %dma_start3A_1368 = arith.constant 0 : i32
      %dma_start3A_1369 = arith.constant 0 : i32
      %dma_start3A_1370 = tpu.memref_slice %arg7[%dma_start3A_1368, %dma_start3A_1369] : memref<1600x24xf32, #tpu.memory_space<vmem>> -> memref<80x24xf32, #tpu.memory_space<vmem>>
      %dma_start3A_1371 = arith.constant 0 : i32
      %dma_start3A_1372 = tpu.memref_slice %arg6[%dma_start3A_1367, %dma_start3A_1371] : memref<10x80xi32, #tpu.memory_space<vmem>> -> memref<1x80xi32, #tpu.memory_space<vmem>>
      %dma_start3A_1373 = tpu.memref_squeeze %dma_start3A_1372 : memref<1x80xi32, #tpu.memory_space<vmem>> -> memref<80xi32, #tpu.memory_space<vmem>>
      %dma_start3A_1374 = arith.constant 0 : i32
      %dma_start3A_1375 = arith.constant 0 : i32
      %dma_start3A_1376 = tpu.memref_slice %arg8[%dma_start3A_1374, %dma_start3A_1375] : memref<51200x24xf32, #tpu.memory_space<vmem_shared>> -> memref<51200x24xf32, #tpu.memory_space<vmem_shared>>
      tpu.enqueue_indirect_dma source(%dma_start3A_1370 : memref<80x24xf32, #tpu.memory_space<vmem>>) target(%dma_start3A_1376 : memref<51200x24xf32, #tpu.memory_space<vmem_shared>>) offsets(%dma_start3A_1373 : memref<80xi32, #tpu.memory_space<vmem>>) semaphore(%arg11 : memref<!tpu.dma_semaphore, #tpu.memory_space<semaphore_mem>>) {add = true}
      %dma_start3A_1377 = arith.constant 1 : i32
      %dma_start3A_1378 = arith.constant 80 : i32
      %dma_start3A_1379 = arith.constant 0 : i32
      %dma_start3A_1380 = tpu.memref_slice %arg7[%dma_start3A_1378, %dma_start3A_1379] : memref<1600x24xf32, #tpu.memory_space<vmem>> -> memref<80x24xf32, #tpu.memory_space<vmem>>
      %dma_start3A_1381 = arith.constant 0 : i32
      %dma_start3A_1382 = tpu.memref_slice %arg6[%dma_start3A_1377, %dma_start3A_1381] : memref<10x80xi32, #tpu.memory_space<vmem>> -> memref<1x80xi32, #tpu.memory_space<vmem>>
      %dma_start3A_1383 = tpu.memref_squeeze %dma_start3A_1382 : memref<1x80xi32, #tpu.memory_space<vmem>> -> memref<80xi32, #tpu.memory_space<vmem>>
      %dma_start3A_1384 = arith.constant 0 : i32
      %dma_start3A_1385 = arith.constant 0 : i32
      %dma_start3A_1386 = tpu.memref_slice %arg8[%dma_start3A_1384, %dma_start3A_1385] : memref<51200x24xf32, #tpu.memory_space<vmem_shared>> -> memref<51200x24xf32, #tpu.memory_space<vmem_shared>>
      tpu.enqueue_indirect_dma source(%dma_start3A_1380 : memref<80x24xf32, #tpu.memory_space<vmem>>) target(%dma_start3A_1386 : memref<51200x24xf32, #tpu.memory_space<vmem_shared>>) offsets(%dma_start3A_1383 : memref<80xi32, #tpu.memory_space<vmem>>) semaphore(%arg11 : memref<!tpu.dma_semaphore, #tpu.memory_space<semaphore_mem>>) {add = true}
      %dma_start3A_1387 = arith.constant 2 : i32
      %dma_start3A_1388 = arith.constant 160 : i32
      %dma_start3A_1389 = arith.constant 0 : i32
      %dma_start3A_1390 = tpu.memref_slice %arg7[%dma_start3A_1388, %dma_start3A_1389] : memref<1600x24xf32, #tpu.memory_space<vmem>> -> memref<80x24xf32, #tpu.memory_space<vmem>>
      %dma_start3A_1391 = arith.constant 0 : i32
      %dma_start3A_1392 = tpu.memref_slice %arg6[%dma_start3A_1387, %dma_start3A_1391] : memref<10x80xi32, #tpu.memory_space<vmem>> -> memref<1x80xi32, #tpu.memory_space<vmem>>
      %dma_start3A_1393 = tpu.memref_squeeze %dma_start3A_1392 : memref<1x80xi32, #tpu.memory_space<vmem>> -> memref<80xi32, #tpu.memory_space<vmem>>
      %dma_start3A_1394 = arith.constant 0 : i32
      %dma_start3A_1395 = arith.constant 0 : i32
      %dma_start3A_1396 = tpu.memref_slice %arg8[%dma_start3A_1394, %dma_start3A_1395] : memref<51200x24xf32, #tpu.memory_space<vmem_shared>> -> memref<51200x24xf32, #tpu.memory_space<vmem_shared>>
      tpu.enqueue_indirect_dma source(%dma_start3A_1390 : memref<80x24xf32, #tpu.memory_space<vmem>>) target(%dma_start3A_1396 : memref<51200x24xf32, #tpu.memory_space<vmem_shared>>) offsets(%dma_start3A_1393 : memref<80xi32, #tpu.memory_space<vmem>>) semaphore(%arg11 : memref<!tpu.dma_semaphore, #tpu.memory_space<semaphore_mem>>) {add = true}
      %dma_start3A_1397 = arith.constant 3 : i32
      %dma_start3A_1398 = arith.constant 240 : i32
      %dma_start3A_1399 = arith.constant 0 : i32
      %dma_start3A_1400 = tpu.memref_slice %arg7[%dma_start3A_1398, %dma_start3A_1399] : memref<1600x24xf32, #tpu.memory_space<vmem>> -> memref<80x24xf32, #tpu.memory_space<vmem>>
      %dma_start3A_1401 = arith.constant 0 : i32
      %dma_start3A_1402 = tpu.memref_slice %arg6[%dma_start3A_1397, %dma_start3A_1401] : memref<10x80xi32, #tpu.memory_space<vmem>> -> memref<1x80xi32, #tpu.memory_space<vmem>>
      %dma_start3A_1403 = tpu.memref_squeeze %dma_start3A_1402 : memref<1x80xi32, #tpu.memory_space<vmem>> -> memref<80xi32, #tpu.memory_space<vmem>>
      %dma_start3A_1404 = arith.constant 0 : i32
      %dma_start3A_1405 = arith.constant 0 : i32
      %dma_start3A_1406 = tpu.memref_slice %arg8[%dma_start3A_1404, %dma_start3A_1405] : memref<51200x24xf32, #tpu.memory_space<vmem_shared>> -> memref<51200x24xf32, #tpu.memory_space<vmem_shared>>
      tpu.enqueue_indirect_dma source(%dma_start3A_1400 : memref<80x24xf32, #tpu.memory_space<vmem>>) target(%dma_start3A_1406 : memref<51200x24xf32, #tpu.memory_space<vmem_shared>>) offsets(%dma_start3A_1403 : memref<80xi32, #tpu.memory_space<vmem>>) semaphore(%arg11 : memref<!tpu.dma_semaphore, #tpu.memory_space<semaphore_mem>>) {add = true}
      %dma_start3A_1407 = arith.constant 4 : i32
      %dma_start3A_1408 = arith.constant 320 : i32
      %dma_start3A_1409 = arith.constant 0 : i32
      %dma_start3A_1410 = tpu.memref_slice %arg7[%dma_start3A_1408, %dma_start3A_1409] : memref<1600x24xf32, #tpu.memory_space<vmem>> -> memref<80x24xf32, #tpu.memory_space<vmem>>
      %dma_start3A_1411 = arith.constant 0 : i32
      %dma_start3A_1412 = tpu.memref_slice %arg6[%dma_start3A_1407, %dma_start3A_1411] : memref<10x80xi32, #tpu.memory_space<vmem>> -> memref<1x80xi32, #tpu.memory_space<vmem>>
      %dma_start3A_1413 = tpu.memref_squeeze %dma_start3A_1412 : memref<1x80xi32, #tpu.memory_space<vmem>> -> memref<80xi32, #tpu.memory_space<vmem>>
      %dma_start3A_1414 = arith.constant 0 : i32
      %dma_start3A_1415 = arith.constant 0 : i32
      %dma_start3A_1416 = tpu.memref_slice %arg8[%dma_start3A_1414, %dma_start3A_1415] : memref<51200x24xf32, #tpu.memory_space<vmem_shared>> -> memref<51200x24xf32, #tpu.memory_space<vmem_shared>>
      tpu.enqueue_indirect_dma source(%dma_start3A_1410 : memref<80x24xf32, #tpu.memory_space<vmem>>) target(%dma_start3A_1416 : memref<51200x24xf32, #tpu.memory_space<vmem_shared>>) offsets(%dma_start3A_1413 : memref<80xi32, #tpu.memory_space<vmem>>) semaphore(%arg11 : memref<!tpu.dma_semaphore, #tpu.memory_space<semaphore_mem>>) {add = true}
      %dma_start3A_1417 = arith.constant 5 : i32
      %dma_start3A_1418 = arith.constant 400 : i32
      %dma_start3A_1419 = arith.constant 0 : i32
      %dma_start3A_1420 = tpu.memref_slice %arg7[%dma_start3A_1418, %dma_start3A_1419] : memref<1600x24xf32, #tpu.memory_space<vmem>> -> memref<80x24xf32, #tpu.memory_space<vmem>>
      %dma_start3A_1421 = arith.constant 0 : i32
      %dma_start3A_1422 = tpu.memref_slice %arg6[%dma_start3A_1417, %dma_start3A_1421] : memref<10x80xi32, #tpu.memory_space<vmem>> -> memref<1x80xi32, #tpu.memory_space<vmem>>
      %dma_start3A_1423 = tpu.memref_squeeze %dma_start3A_1422 : memref<1x80xi32, #tpu.memory_space<vmem>> -> memref<80xi32, #tpu.memory_space<vmem>>
      %dma_start3A_1424 = arith.constant 0 : i32
      %dma_start3A_1425 = arith.constant 0 : i32
      %dma_start3A_1426 = tpu.memref_slice %arg8[%dma_start3A_1424, %dma_start3A_1425] : memref<51200x24xf32, #tpu.memory_space<vmem_shared>> -> memref<51200x24xf32, #tpu.memory_space<vmem_shared>>
      tpu.enqueue_indirect_dma source(%dma_start3A_1420 : memref<80x24xf32, #tpu.memory_space<vmem>>) target(%dma_start3A_1426 : memref<51200x24xf32, #tpu.memory_space<vmem_shared>>) offsets(%dma_start3A_1423 : memref<80xi32, #tpu.memory_space<vmem>>) semaphore(%arg11 : memref<!tpu.dma_semaphore, #tpu.memory_space<semaphore_mem>>) {add = true}
      %dma_start3A_1427 = arith.constant 6 : i32
      %dma_start3A_1428 = arith.constant 480 : i32
      %dma_start3A_1429 = arith.constant 0 : i32
      %dma_start3A_1430 = tpu.memref_slice %arg7[%dma_start3A_1428, %dma_start3A_1429] : memref<1600x24xf32, #tpu.memory_space<vmem>> -> memref<80x24xf32, #tpu.memory_space<vmem>>
      %dma_start3A_1431 = arith.constant 0 : i32
      %dma_start3A_1432 = tpu.memref_slice %arg6[%dma_start3A_1427, %dma_start3A_1431] : memref<10x80xi32, #tpu.memory_space<vmem>> -> memref<1x80xi32, #tpu.memory_space<vmem>>
      %dma_start3A_1433 = tpu.memref_squeeze %dma_start3A_1432 : memref<1x80xi32, #tpu.memory_space<vmem>> -> memref<80xi32, #tpu.memory_space<vmem>>
      %dma_start3A_1434 = arith.constant 0 : i32
      %dma_start3A_1435 = arith.constant 0 : i32
      %dma_start3A_1436 = tpu.memref_slice %arg8[%dma_start3A_1434, %dma_start3A_1435] : memref<51200x24xf32, #tpu.memory_space<vmem_shared>> -> memref<51200x24xf32, #tpu.memory_space<vmem_shared>>
      tpu.enqueue_indirect_dma source(%dma_start3A_1430 : memref<80x24xf32, #tpu.memory_space<vmem>>) target(%dma_start3A_1436 : memref<51200x24xf32, #tpu.memory_space<vmem_shared>>) offsets(%dma_start3A_1433 : memref<80xi32, #tpu.memory_space<vmem>>) semaphore(%arg11 : memref<!tpu.dma_semaphore, #tpu.memory_space<semaphore_mem>>) {add = true}
      %dma_start3A_1437 = arith.constant 7 : i32
      %dma_start3A_1438 = arith.constant 560 : i32
      %dma_start3A_1439 = arith.constant 0 : i32
      %dma_start3A_1440 = tpu.memref_slice %arg7[%dma_start3A_1438, %dma_start3A_1439] : memref<1600x24xf32, #tpu.memory_space<vmem>> -> memref<80x24xf32, #tpu.memory_space<vmem>>
      %dma_start3A_1441 = arith.constant 0 : i32
      %dma_start3A_1442 = tpu.memref_slice %arg6[%dma_start3A_1437, %dma_start3A_1441] : memref<10x80xi32, #tpu.memory_space<vmem>> -> memref<1x80xi32, #tpu.memory_space<vmem>>
      %dma_start3A_1443 = tpu.memref_squeeze %dma_start3A_1442 : memref<1x80xi32, #tpu.memory_space<vmem>> -> memref<80xi32, #tpu.memory_space<vmem>>
      %dma_start3A_1444 = arith.constant 0 : i32
      %dma_start3A_1445 = arith.constant 0 : i32
      %dma_start3A_1446 = tpu.memref_slice %arg8[%dma_start3A_1444, %dma_start3A_1445] : memref<51200x24xf32, #tpu.memory_space<vmem_shared>> -> memref<51200x24xf32, #tpu.memory_space<vmem_shared>>
      tpu.enqueue_indirect_dma source(%dma_start3A_1440 : memref<80x24xf32, #tpu.memory_space<vmem>>) target(%dma_start3A_1446 : memref<51200x24xf32, #tpu.memory_space<vmem_shared>>) offsets(%dma_start3A_1443 : memref<80xi32, #tpu.memory_space<vmem>>) semaphore(%arg11 : memref<!tpu.dma_semaphore, #tpu.memory_space<semaphore_mem>>) {add = true}
      %dma_start3A_1447 = arith.constant 8 : i32
      %dma_start3A_1448 = arith.constant 640 : i32
      %dma_start3A_1449 = arith.constant 0 : i32
      %dma_start3A_1450 = tpu.memref_slice %arg7[%dma_start3A_1448, %dma_start3A_1449] : memref<1600x24xf32, #tpu.memory_space<vmem>> -> memref<80x24xf32, #tpu.memory_space<vmem>>
      %dma_start3A_1451 = arith.constant 0 : i32
      %dma_start3A_1452 = tpu.memref_slice %arg6[%dma_start3A_1447, %dma_start3A_1451] : memref<10x80xi32, #tpu.memory_space<vmem>> -> memref<1x80xi32, #tpu.memory_space<vmem>>
      %dma_start3A_1453 = tpu.memref_squeeze %dma_start3A_1452 : memref<1x80xi32, #tpu.memory_space<vmem>> -> memref<80xi32, #tpu.memory_space<vmem>>
      %dma_start3A_1454 = arith.constant 0 : i32
      %dma_start3A_1455 = arith.constant 0 : i32
      %dma_start3A_1456 = tpu.memref_slice %arg8[%dma_start3A_1454, %dma_start3A_1455] : memref<51200x24xf32, #tpu.memory_space<vmem_shared>> -> memref<51200x24xf32, #tpu.memory_space<vmem_shared>>
      tpu.enqueue_indirect_dma source(%dma_start3A_1450 : memref<80x24xf32, #tpu.memory_space<vmem>>) target(%dma_start3A_1456 : memref<51200x24xf32, #tpu.memory_space<vmem_shared>>) offsets(%dma_start3A_1453 : memref<80xi32, #tpu.memory_space<vmem>>) semaphore(%arg11 : memref<!tpu.dma_semaphore, #tpu.memory_space<semaphore_mem>>) {add = true}
      %dma_start3A_1457 = arith.constant 9 : i32
      %dma_start3A_1458 = arith.constant 720 : i32
      %dma_start3A_1459 = arith.constant 0 : i32
      %dma_start3A_1460 = tpu.memref_slice %arg7[%dma_start3A_1458, %dma_start3A_1459] : memref<1600x24xf32, #tpu.memory_space<vmem>> -> memref<80x24xf32, #tpu.memory_space<vmem>>
      %dma_start3A_1461 = arith.constant 0 : i32
      %dma_start3A_1462 = tpu.memref_slice %arg6[%dma_start3A_1457, %dma_start3A_1461] : memref<10x80xi32, #tpu.memory_space<vmem>> -> memref<1x80xi32, #tpu.memory_space<vmem>>
      %dma_start3A_1463 = tpu.memref_squeeze %dma_start3A_1462 : memref<1x80xi32, #tpu.memory_space<vmem>> -> memref<80xi32, #tpu.memory_space<vmem>>
      %dma_start3A_1464 = arith.constant 0 : i32
      %dma_start3A_1465 = arith.constant 0 : i32
      %dma_start3A_1466 = tpu.memref_slice %arg8[%dma_start3A_1464, %dma_start3A_1465] : memref<51200x24xf32, #tpu.memory_space<vmem_shared>> -> memref<51200x24xf32, #tpu.memory_space<vmem_shared>>
      tpu.enqueue_indirect_dma source(%dma_start3A_1460 : memref<80x24xf32, #tpu.memory_space<vmem>>) target(%dma_start3A_1466 : memref<51200x24xf32, #tpu.memory_space<vmem_shared>>) offsets(%dma_start3A_1463 : memref<80xi32, #tpu.memory_space<vmem>>) semaphore(%arg11 : memref<!tpu.dma_semaphore, #tpu.memory_space<semaphore_mem>>) {add = true}
      %dma_wait3A_1467 = arith.constant 0 : i32
      %dma_wait3A_1468 = arith.constant 0 : i32
      %dma_wait3A_1469 = arith.constant 0 : i32
      %dma_wait3A_1470 = tpu.memref_slice %arg7[%dma_wait3A_1468, %dma_wait3A_1469] : memref<1600x24xf32, #tpu.memory_space<vmem>> -> memref<80x24xf32, #tpu.memory_space<vmem>>
      %dma_wait3A_1471 = arith.constant 0 : i32
      %dma_wait3A_1472 = tpu.memref_slice %arg6[%dma_wait3A_1467, %dma_wait3A_1471] : memref<10x80xi32, #tpu.memory_space<vmem>> -> memref<1x80xi32, #tpu.memory_space<vmem>>
      %dma_wait3A_1473 = tpu.memref_squeeze %dma_wait3A_1472 : memref<1x80xi32, #tpu.memory_space<vmem>> -> memref<80xi32, #tpu.memory_space<vmem>>
      %dma_wait3A_1474 = arith.constant 0 : i32
      %dma_wait3A_1475 = arith.constant 0 : i32
      %dma_wait3A_1476 = tpu.memref_slice %arg8[%dma_wait3A_1474, %dma_wait3A_1475] : memref<51200x24xf32, #tpu.memory_space<vmem_shared>> -> memref<51200x24xf32, #tpu.memory_space<vmem_shared>>
      tpu.wait_indirect_dma semaphore(%arg11 : memref<!tpu.dma_semaphore, #tpu.memory_space<semaphore_mem>>) src(%dma_wait3A_1470 : memref<80x24xf32, #tpu.memory_space<vmem>>) dst(%dma_wait3A_1476 : memref<51200x24xf32, #tpu.memory_space<vmem_shared>>)
      %dma_wait3A_1477 = arith.constant 1 : i32
      %dma_wait3A_1478 = arith.constant 80 : i32
      %dma_wait3A_1479 = arith.constant 0 : i32
      %dma_wait3A_1480 = tpu.memref_slice %arg7[%dma_wait3A_1478, %dma_wait3A_1479] : memref<1600x24xf32, #tpu.memory_space<vmem>> -> memref<80x24xf32, #tpu.memory_space<vmem>>
      %dma_wait3A_1481 = arith.constant 0 : i32
      %dma_wait3A_1482 = tpu.memref_slice %arg6[%dma_wait3A_1477, %dma_wait3A_1481] : memref<10x80xi32, #tpu.memory_space<vmem>> -> memref<1x80xi32, #tpu.memory_space<vmem>>
      %dma_wait3A_1483 = tpu.memref_squeeze %dma_wait3A_1482 : memref<1x80xi32, #tpu.memory_space<vmem>> -> memref<80xi32, #tpu.memory_space<vmem>>
      %dma_wait3A_1484 = arith.constant 0 : i32
      %dma_wait3A_1485 = arith.constant 0 : i32
      %dma_wait3A_1486 = tpu.memref_slice %arg8[%dma_wait3A_1484, %dma_wait3A_1485] : memref<51200x24xf32, #tpu.memory_space<vmem_shared>> -> memref<51200x24xf32, #tpu.memory_space<vmem_shared>>
      tpu.wait_indirect_dma semaphore(%arg11 : memref<!tpu.dma_semaphore, #tpu.memory_space<semaphore_mem>>) src(%dma_wait3A_1480 : memref<80x24xf32, #tpu.memory_space<vmem>>) dst(%dma_wait3A_1486 : memref<51200x24xf32, #tpu.memory_space<vmem_shared>>)
      %dma_wait3A_1487 = arith.constant 2 : i32
      %dma_wait3A_1488 = arith.constant 160 : i32
      %dma_wait3A_1489 = arith.constant 0 : i32
      %dma_wait3A_1490 = tpu.memref_slice %arg7[%dma_wait3A_1488, %dma_wait3A_1489] : memref<1600x24xf32, #tpu.memory_space<vmem>> -> memref<80x24xf32, #tpu.memory_space<vmem>>
      %dma_wait3A_1491 = arith.constant 0 : i32
      %dma_wait3A_1492 = tpu.memref_slice %arg6[%dma_wait3A_1487, %dma_wait3A_1491] : memref<10x80xi32, #tpu.memory_space<vmem>> -> memref<1x80xi32, #tpu.memory_space<vmem>>
      %dma_wait3A_1493 = tpu.memref_squeeze %dma_wait3A_1492 : memref<1x80xi32, #tpu.memory_space<vmem>> -> memref<80xi32, #tpu.memory_space<vmem>>
      %dma_wait3A_1494 = arith.constant 0 : i32
      %dma_wait3A_1495 = arith.constant 0 : i32
      %dma_wait3A_1496 = tpu.memref_slice %arg8[%dma_wait3A_1494, %dma_wait3A_1495] : memref<51200x24xf32, #tpu.memory_space<vmem_shared>> -> memref<51200x24xf32, #tpu.memory_space<vmem_shared>>
      tpu.wait_indirect_dma semaphore(%arg11 : memref<!tpu.dma_semaphore, #tpu.memory_space<semaphore_mem>>) src(%dma_wait3A_1490 : memref<80x24xf32, #tpu.memory_space<vmem>>) dst(%dma_wait3A_1496 : memref<51200x24xf32, #tpu.memory_space<vmem_shared>>)
      %dma_wait3A_1497 = arith.constant 3 : i32
      %dma_wait3A_1498 = arith.constant 240 : i32
      %dma_wait3A_1499 = arith.constant 0 : i32
      %dma_wait3A_1500 = tpu.memref_slice %arg7[%dma_wait3A_1498, %dma_wait3A_1499] : memref<1600x24xf32, #tpu.memory_space<vmem>> -> memref<80x24xf32, #tpu.memory_space<vmem>>
      %dma_wait3A_1501 = arith.constant 0 : i32
      %dma_wait3A_1502 = tpu.memref_slice %arg6[%dma_wait3A_1497, %dma_wait3A_1501] : memref<10x80xi32, #tpu.memory_space<vmem>> -> memref<1x80xi32, #tpu.memory_space<vmem>>
      %dma_wait3A_1503 = tpu.memref_squeeze %dma_wait3A_1502 : memref<1x80xi32, #tpu.memory_space<vmem>> -> memref<80xi32, #tpu.memory_space<vmem>>
      %dma_wait3A_1504 = arith.constant 0 : i32
      %dma_wait3A_1505 = arith.constant 0 : i32
      %dma_wait3A_1506 = tpu.memref_slice %arg8[%dma_wait3A_1504, %dma_wait3A_1505] : memref<51200x24xf32, #tpu.memory_space<vmem_shared>> -> memref<51200x24xf32, #tpu.memory_space<vmem_shared>>
      tpu.wait_indirect_dma semaphore(%arg11 : memref<!tpu.dma_semaphore, #tpu.memory_space<semaphore_mem>>) src(%dma_wait3A_1500 : memref<80x24xf32, #tpu.memory_space<vmem>>) dst(%dma_wait3A_1506 : memref<51200x24xf32, #tpu.memory_space<vmem_shared>>)
      %dma_wait3A_1507 = arith.constant 4 : i32
      %dma_wait3A_1508 = arith.constant 320 : i32
      %dma_wait3A_1509 = arith.constant 0 : i32
      %dma_wait3A_1510 = tpu.memref_slice %arg7[%dma_wait3A_1508, %dma_wait3A_1509] : memref<1600x24xf32, #tpu.memory_space<vmem>> -> memref<80x24xf32, #tpu.memory_space<vmem>>
      %dma_wait3A_1511 = arith.constant 0 : i32
      %dma_wait3A_1512 = tpu.memref_slice %arg6[%dma_wait3A_1507, %dma_wait3A_1511] : memref<10x80xi32, #tpu.memory_space<vmem>> -> memref<1x80xi32, #tpu.memory_space<vmem>>
      %dma_wait3A_1513 = tpu.memref_squeeze %dma_wait3A_1512 : memref<1x80xi32, #tpu.memory_space<vmem>> -> memref<80xi32, #tpu.memory_space<vmem>>
      %dma_wait3A_1514 = arith.constant 0 : i32
      %dma_wait3A_1515 = arith.constant 0 : i32
      %dma_wait3A_1516 = tpu.memref_slice %arg8[%dma_wait3A_1514, %dma_wait3A_1515] : memref<51200x24xf32, #tpu.memory_space<vmem_shared>> -> memref<51200x24xf32, #tpu.memory_space<vmem_shared>>
      tpu.wait_indirect_dma semaphore(%arg11 : memref<!tpu.dma_semaphore, #tpu.memory_space<semaphore_mem>>) src(%dma_wait3A_1510 : memref<80x24xf32, #tpu.memory_space<vmem>>) dst(%dma_wait3A_1516 : memref<51200x24xf32, #tpu.memory_space<vmem_shared>>)
      %dma_wait3A_1517 = arith.constant 5 : i32
      %dma_wait3A_1518 = arith.constant 400 : i32
      %dma_wait3A_1519 = arith.constant 0 : i32
      %dma_wait3A_1520 = tpu.memref_slice %arg7[%dma_wait3A_1518, %dma_wait3A_1519] : memref<1600x24xf32, #tpu.memory_space<vmem>> -> memref<80x24xf32, #tpu.memory_space<vmem>>
      %dma_wait3A_1521 = arith.constant 0 : i32
      %dma_wait3A_1522 = tpu.memref_slice %arg6[%dma_wait3A_1517, %dma_wait3A_1521] : memref<10x80xi32, #tpu.memory_space<vmem>> -> memref<1x80xi32, #tpu.memory_space<vmem>>
      %dma_wait3A_1523 = tpu.memref_squeeze %dma_wait3A_1522 : memref<1x80xi32, #tpu.memory_space<vmem>> -> memref<80xi32, #tpu.memory_space<vmem>>
      %dma_wait3A_1524 = arith.constant 0 : i32
      %dma_wait3A_1525 = arith.constant 0 : i32
      %dma_wait3A_1526 = tpu.memref_slice %arg8[%dma_wait3A_1524, %dma_wait3A_1525] : memref<51200x24xf32, #tpu.memory_space<vmem_shared>> -> memref<51200x24xf32, #tpu.memory_space<vmem_shared>>
      tpu.wait_indirect_dma semaphore(%arg11 : memref<!tpu.dma_semaphore, #tpu.memory_space<semaphore_mem>>) src(%dma_wait3A_1520 : memref<80x24xf32, #tpu.memory_space<vmem>>) dst(%dma_wait3A_1526 : memref<51200x24xf32, #tpu.memory_space<vmem_shared>>)
      %dma_wait3A_1527 = arith.constant 6 : i32
      %dma_wait3A_1528 = arith.constant 480 : i32
      %dma_wait3A_1529 = arith.constant 0 : i32
      %dma_wait3A_1530 = tpu.memref_slice %arg7[%dma_wait3A_1528, %dma_wait3A_1529] : memref<1600x24xf32, #tpu.memory_space<vmem>> -> memref<80x24xf32, #tpu.memory_space<vmem>>
      %dma_wait3A_1531 = arith.constant 0 : i32
      %dma_wait3A_1532 = tpu.memref_slice %arg6[%dma_wait3A_1527, %dma_wait3A_1531] : memref<10x80xi32, #tpu.memory_space<vmem>> -> memref<1x80xi32, #tpu.memory_space<vmem>>
      %dma_wait3A_1533 = tpu.memref_squeeze %dma_wait3A_1532 : memref<1x80xi32, #tpu.memory_space<vmem>> -> memref<80xi32, #tpu.memory_space<vmem>>
      %dma_wait3A_1534 = arith.constant 0 : i32
      %dma_wait3A_1535 = arith.constant 0 : i32
      %dma_wait3A_1536 = tpu.memref_slice %arg8[%dma_wait3A_1534, %dma_wait3A_1535] : memref<51200x24xf32, #tpu.memory_space<vmem_shared>> -> memref<51200x24xf32, #tpu.memory_space<vmem_shared>>
      tpu.wait_indirect_dma semaphore(%arg11 : memref<!tpu.dma_semaphore, #tpu.memory_space<semaphore_mem>>) src(%dma_wait3A_1530 : memref<80x24xf32, #tpu.memory_space<vmem>>) dst(%dma_wait3A_1536 : memref<51200x24xf32, #tpu.memory_space<vmem_shared>>)
      %dma_wait3A_1537 = arith.constant 7 : i32
      %dma_wait3A_1538 = arith.constant 560 : i32
      %dma_wait3A_1539 = arith.constant 0 : i32
      %dma_wait3A_1540 = tpu.memref_slice %arg7[%dma_wait3A_1538, %dma_wait3A_1539] : memref<1600x24xf32, #tpu.memory_space<vmem>> -> memref<80x24xf32, #tpu.memory_space<vmem>>
      %dma_wait3A_1541 = arith.constant 0 : i32
      %dma_wait3A_1542 = tpu.memref_slice %arg6[%dma_wait3A_1537, %dma_wait3A_1541] : memref<10x80xi32, #tpu.memory_space<vmem>> -> memref<1x80xi32, #tpu.memory_space<vmem>>
      %dma_wait3A_1543 = tpu.memref_squeeze %dma_wait3A_1542 : memref<1x80xi32, #tpu.memory_space<vmem>> -> memref<80xi32, #tpu.memory_space<vmem>>
      %dma_wait3A_1544 = arith.constant 0 : i32
      %dma_wait3A_1545 = arith.constant 0 : i32
      %dma_wait3A_1546 = tpu.memref_slice %arg8[%dma_wait3A_1544, %dma_wait3A_1545] : memref<51200x24xf32, #tpu.memory_space<vmem_shared>> -> memref<51200x24xf32, #tpu.memory_space<vmem_shared>>
      tpu.wait_indirect_dma semaphore(%arg11 : memref<!tpu.dma_semaphore, #tpu.memory_space<semaphore_mem>>) src(%dma_wait3A_1540 : memref<80x24xf32, #tpu.memory_space<vmem>>) dst(%dma_wait3A_1546 : memref<51200x24xf32, #tpu.memory_space<vmem_shared>>)
      %dma_wait3A_1547 = arith.constant 8 : i32
      %dma_wait3A_1548 = arith.constant 640 : i32
      %dma_wait3A_1549 = arith.constant 0 : i32
      %dma_wait3A_1550 = tpu.memref_slice %arg7[%dma_wait3A_1548, %dma_wait3A_1549] : memref<1600x24xf32, #tpu.memory_space<vmem>> -> memref<80x24xf32, #tpu.memory_space<vmem>>
      %dma_wait3A_1551 = arith.constant 0 : i32
      %dma_wait3A_1552 = tpu.memref_slice %arg6[%dma_wait3A_1547, %dma_wait3A_1551] : memref<10x80xi32, #tpu.memory_space<vmem>> -> memref<1x80xi32, #tpu.memory_space<vmem>>
      %dma_wait3A_1553 = tpu.memref_squeeze %dma_wait3A_1552 : memref<1x80xi32, #tpu.memory_space<vmem>> -> memref<80xi32, #tpu.memory_space<vmem>>
      %dma_wait3A_1554 = arith.constant 0 : i32
      %dma_wait3A_1555 = arith.constant 0 : i32
      %dma_wait3A_1556 = tpu.memref_slice %arg8[%dma_wait3A_1554, %dma_wait3A_1555] : memref<51200x24xf32, #tpu.memory_space<vmem_shared>> -> memref<51200x24xf32, #tpu.memory_space<vmem_shared>>
      tpu.wait_indirect_dma semaphore(%arg11 : memref<!tpu.dma_semaphore, #tpu.memory_space<semaphore_mem>>) src(%dma_wait3A_1550 : memref<80x24xf32, #tpu.memory_space<vmem>>) dst(%dma_wait3A_1556 : memref<51200x24xf32, #tpu.memory_space<vmem_shared>>)
      %dma_wait3A_1557 = arith.constant 9 : i32
      %dma_wait3A_1558 = arith.constant 720 : i32
      %dma_wait3A_1559 = arith.constant 0 : i32
      %dma_wait3A_1560 = tpu.memref_slice %arg7[%dma_wait3A_1558, %dma_wait3A_1559] : memref<1600x24xf32, #tpu.memory_space<vmem>> -> memref<80x24xf32, #tpu.memory_space<vmem>>
      %dma_wait3A_1561 = arith.constant 0 : i32
      %dma_wait3A_1562 = tpu.memref_slice %arg6[%dma_wait3A_1557, %dma_wait3A_1561] : memref<10x80xi32, #tpu.memory_space<vmem>> -> memref<1x80xi32, #tpu.memory_space<vmem>>
      %dma_wait3A_1563 = tpu.memref_squeeze %dma_wait3A_1562 : memref<1x80xi32, #tpu.memory_space<vmem>> -> memref<80xi32, #tpu.memory_space<vmem>>
      %dma_wait3A_1564 = arith.constant 0 : i32
      %dma_wait3A_1565 = arith.constant 0 : i32
      %dma_wait3A_1566 = tpu.memref_slice %arg8[%dma_wait3A_1564, %dma_wait3A_1565] : memref<51200x24xf32, #tpu.memory_space<vmem_shared>> -> memref<51200x24xf32, #tpu.memory_space<vmem_shared>>
      tpu.wait_indirect_dma semaphore(%arg11 : memref<!tpu.dma_semaphore, #tpu.memory_space<semaphore_mem>>) src(%dma_wait3A_1560 : memref<80x24xf32, #tpu.memory_space<vmem>>) dst(%dma_wait3A_1566 : memref<51200x24xf32, #tpu.memory_space<vmem_shared>>)
      %add3A_1567 = arith.constant 1 : i32
      %add3A_1568 = arith.addi %mul3A_127, %add3A_1567 : i32
      %lt3A_1569 = arith.constant 250 : i32
      %lt3A_1570 = arith.cmpi slt, %add3A_1568, %lt3A_1569 : i32
      %convert_element_type3A_1571 = arith.extui %lt3A_1570 : i1 to i32
      %cond3A_1572 = arith.constant 0 : i32
      %cond3A_1573 = arith.cmpi ne, %convert_element_type3A_1571, %cond3A_1572 : i32
      scf.if %cond3A_1573 {
        %add3A_1574 = arith.constant 1 : i32
        %add3A_1575 = arith.addi %mul3A_127, %add3A_1574 : i32
        %mul3A_1576 = arith.constant 50000 : i32
        %mul3A_1577 = arith.muli %arg1, %mul3A_1576 : i32
        %mul3A_1578 = arith.constant 200 : i32
        %mul3A_1579 = arith.muli %add3A_1575, %mul3A_1578 : i32
        %add3A_1580 = arith.addi %mul3A_1577, %mul3A_1579 : i32
        %multiple_of3A_1581 = tpu.assume_multiple %add3A_1580, 200 : i32
        %add3A_1582 = arith.constant 0 : i32
        %add3A_1583 = arith.addi %add3A_1582, %multiple_of3A_1581 : i32
        %dma_wait3A_1584 = arith.constant 1 : i32
        %dma_wait3A_1585 = arith.constant 0 : i32
        %dma_wait3A_1586 = tpu.memref_slice %arg5[%dma_wait3A_1584, %dma_wait3A_1585] : memref<2x800xi32, #tpu.memory_space<vmem>> -> memref<1x200xi32, #tpu.memory_space<vmem>>
        %dma_wait3A_1587 = tpu.memref_squeeze %dma_wait3A_1586 : memref<1x200xi32, #tpu.memory_space<vmem>> -> memref<200xi32, #tpu.memory_space<vmem>>
        %dma_wait3A_1588 = tpu.memref_slice %arg3[%add3A_1583] : memref<3200000xi32, #tpu.memory_space<hbm>> -> memref<200xi32, #tpu.memory_space<hbm>>
        %dma_wait3A_1589 = arith.constant 0 : i32
        %dma_wait3A_1590 = tpu.memref_slice %arg5[%dma_wait3A_1584, %dma_wait3A_1589] : memref<2x800xi32, #tpu.memory_space<vmem>> -> memref<1x200xi32, #tpu.memory_space<vmem>>
        %dma_wait3A_1591 = tpu.memref_squeeze %dma_wait3A_1590 : memref<1x200xi32, #tpu.memory_space<vmem>> -> memref<200xi32, #tpu.memory_space<vmem>>
        %dma_wait3A_1592 = tpu.memref_slice %arg3[%add3A_1583] : memref<3200000xi32, #tpu.memory_space<hbm>> -> memref<200xi32, #tpu.memory_space<hbm>>
        tpu.wait_dma2 semaphore(%arg10 : memref<!tpu.dma_semaphore, #tpu.memory_space<semaphore_mem>>) src(%dma_wait3A_1592 : memref<200xi32, #tpu.memory_space<hbm>>) dst(%dma_wait3A_1591 : memref<200xi32, #tpu.memory_space<vmem>>)
        %dma_wait3A_1593 = arith.constant 800 : i32
        %dma_wait3A_1594 = arith.constant 0 : i32
        %dma_wait3A_1595 = tpu.memref_slice %arg7[%dma_wait3A_1593, %dma_wait3A_1594] : memref<1600x24xf32, #tpu.memory_space<vmem>> -> memref<200x24xf32, #tpu.memory_space<vmem>>
        %dma_wait3A_1596 = arith.constant 0 : i32
        %dma_wait3A_1597 = tpu.memref_slice %arg2[%multiple_of3A_1581, %dma_wait3A_1596] : memref<800000x96xf32, #tpu.memory_space<hbm>> -> memref<200x24xf32, #tpu.memory_space<hbm>>
        %dma_wait3A_1598 = arith.constant 800 : i32
        %dma_wait3A_1599 = arith.constant 0 : i32
        %dma_wait3A_1600 = tpu.memref_slice %arg7[%dma_wait3A_1598, %dma_wait3A_1599] : memref<1600x24xf32, #tpu.memory_space<vmem>> -> memref<200x24xf32, #tpu.memory_space<vmem>>
        %dma_wait3A_1601 = arith.constant 0 : i32
        %dma_wait3A_1602 = tpu.memref_slice %arg2[%multiple_of3A_1581, %dma_wait3A_1601] : memref<800000x96xf32, #tpu.memory_space<hbm>> -> memref<200x24xf32, #tpu.memory_space<hbm>>
        tpu.wait_dma2 semaphore(%arg10 : memref<!tpu.dma_semaphore, #tpu.memory_space<semaphore_mem>>) src(%dma_wait3A_1602 : memref<200x24xf32, #tpu.memory_space<hbm>>) dst(%dma_wait3A_1600 : memref<200x24xf32, #tpu.memory_space<vmem>>)
        %add3A_1603 = arith.constant 800000 : i32
        %add3A_1604 = arith.addi %add3A_1603, %multiple_of3A_1581 : i32
        %dma_wait3A_1605 = arith.constant 1 : i32
        %dma_wait3A_1606 = arith.constant 200 : i32
        %dma_wait3A_1607 = tpu.memref_slice %arg5[%dma_wait3A_1605, %dma_wait3A_1606] : memref<2x800xi32, #tpu.memory_space<vmem>> -> memref<1x200xi32, #tpu.memory_space<vmem>>
        %dma_wait3A_1608 = tpu.memref_squeeze %dma_wait3A_1607 : memref<1x200xi32, #tpu.memory_space<vmem>> -> memref<200xi32, #tpu.memory_space<vmem>>
        %dma_wait3A_1609 = tpu.memref_slice %arg3[%add3A_1604] : memref<3200000xi32, #tpu.memory_space<hbm>> -> memref<200xi32, #tpu.memory_space<hbm>>
        %dma_wait3A_1610 = arith.constant 200 : i32
        %dma_wait3A_1611 = tpu.memref_slice %arg5[%dma_wait3A_1605, %dma_wait3A_1610] : memref<2x800xi32, #tpu.memory_space<vmem>> -> memref<1x200xi32, #tpu.memory_space<vmem>>
        %dma_wait3A_1612 = tpu.memref_squeeze %dma_wait3A_1611 : memref<1x200xi32, #tpu.memory_space<vmem>> -> memref<200xi32, #tpu.memory_space<vmem>>
        %dma_wait3A_1613 = tpu.memref_slice %arg3[%add3A_1604] : memref<3200000xi32, #tpu.memory_space<hbm>> -> memref<200xi32, #tpu.memory_space<hbm>>
        tpu.wait_dma2 semaphore(%arg10 : memref<!tpu.dma_semaphore, #tpu.memory_space<semaphore_mem>>) src(%dma_wait3A_1613 : memref<200xi32, #tpu.memory_space<hbm>>) dst(%dma_wait3A_1612 : memref<200xi32, #tpu.memory_space<vmem>>)
        %dma_wait3A_1614 = arith.constant 1000 : i32
        %dma_wait3A_1615 = arith.constant 0 : i32
        %dma_wait3A_1616 = tpu.memref_slice %arg7[%dma_wait3A_1614, %dma_wait3A_1615] : memref<1600x24xf32, #tpu.memory_space<vmem>> -> memref<200x24xf32, #tpu.memory_space<vmem>>
        %dma_wait3A_1617 = arith.constant 24 : i32
        %dma_wait3A_1618 = tpu.memref_slice %arg2[%multiple_of3A_1581, %dma_wait3A_1617] : memref<800000x96xf32, #tpu.memory_space<hbm>> -> memref<200x24xf32, #tpu.memory_space<hbm>>
        %dma_wait3A_1619 = arith.constant 1000 : i32
        %dma_wait3A_1620 = arith.constant 0 : i32
        %dma_wait3A_1621 = tpu.memref_slice %arg7[%dma_wait3A_1619, %dma_wait3A_1620] : memref<1600x24xf32, #tpu.memory_space<vmem>> -> memref<200x24xf32, #tpu.memory_space<vmem>>
        %dma_wait3A_1622 = arith.constant 24 : i32
        %dma_wait3A_1623 = tpu.memref_slice %arg2[%multiple_of3A_1581, %dma_wait3A_1622] : memref<800000x96xf32, #tpu.memory_space<hbm>> -> memref<200x24xf32, #tpu.memory_space<hbm>>
        tpu.wait_dma2 semaphore(%arg10 : memref<!tpu.dma_semaphore, #tpu.memory_space<semaphore_mem>>) src(%dma_wait3A_1623 : memref<200x24xf32, #tpu.memory_space<hbm>>) dst(%dma_wait3A_1621 : memref<200x24xf32, #tpu.memory_space<vmem>>)
        %add3A_1624 = arith.constant 1600000 : i32
        %add3A_1625 = arith.addi %add3A_1624, %multiple_of3A_1581 : i32
        %dma_wait3A_1626 = arith.constant 1 : i32
        %dma_wait3A_1627 = arith.constant 400 : i32
        %dma_wait3A_1628 = tpu.memref_slice %arg5[%dma_wait3A_1626, %dma_wait3A_1627] : memref<2x800xi32, #tpu.memory_space<vmem>> -> memref<1x200xi32, #tpu.memory_space<vmem>>
        %dma_wait3A_1629 = tpu.memref_squeeze %dma_wait3A_1628 : memref<1x200xi32, #tpu.memory_space<vmem>> -> memref<200xi32, #tpu.memory_space<vmem>>
        %dma_wait3A_1630 = tpu.memref_slice %arg3[%add3A_1625] : memref<3200000xi32, #tpu.memory_space<hbm>> -> memref<200xi32, #tpu.memory_space<hbm>>
        %dma_wait3A_1631 = arith.constant 400 : i32
        %dma_wait3A_1632 = tpu.memref_slice %arg5[%dma_wait3A_1626, %dma_wait3A_1631] : memref<2x800xi32, #tpu.memory_space<vmem>> -> memref<1x200xi32, #tpu.memory_space<vmem>>
        %dma_wait3A_1633 = tpu.memref_squeeze %dma_wait3A_1632 : memref<1x200xi32, #tpu.memory_space<vmem>> -> memref<200xi32, #tpu.memory_space<vmem>>
        %dma_wait3A_1634 = tpu.memref_slice %arg3[%add3A_1625] : memref<3200000xi32, #tpu.memory_space<hbm>> -> memref<200xi32, #tpu.memory_space<hbm>>
        tpu.wait_dma2 semaphore(%arg10 : memref<!tpu.dma_semaphore, #tpu.memory_space<semaphore_mem>>) src(%dma_wait3A_1634 : memref<200xi32, #tpu.memory_space<hbm>>) dst(%dma_wait3A_1633 : memref<200xi32, #tpu.memory_space<vmem>>)
        %dma_wait3A_1635 = arith.constant 1200 : i32
        %dma_wait3A_1636 = arith.constant 0 : i32
        %dma_wait3A_1637 = tpu.memref_slice %arg7[%dma_wait3A_1635, %dma_wait3A_1636] : memref<1600x24xf32, #tpu.memory_space<vmem>> -> memref<200x24xf32, #tpu.memory_space<vmem>>
        %dma_wait3A_1638 = arith.constant 48 : i32
        %dma_wait3A_1639 = tpu.memref_slice %arg2[%multiple_of3A_1581, %dma_wait3A_1638] : memref<800000x96xf32, #tpu.memory_space<hbm>> -> memref<200x24xf32, #tpu.memory_space<hbm>>
        %dma_wait3A_1640 = arith.constant 1200 : i32
        %dma_wait3A_1641 = arith.constant 0 : i32
        %dma_wait3A_1642 = tpu.memref_slice %arg7[%dma_wait3A_1640, %dma_wait3A_1641] : memref<1600x24xf32, #tpu.memory_space<vmem>> -> memref<200x24xf32, #tpu.memory_space<vmem>>
        %dma_wait3A_1643 = arith.constant 48 : i32
        %dma_wait3A_1644 = tpu.memref_slice %arg2[%multiple_of3A_1581, %dma_wait3A_1643] : memref<800000x96xf32, #tpu.memory_space<hbm>> -> memref<200x24xf32, #tpu.memory_space<hbm>>
        tpu.wait_dma2 semaphore(%arg10 : memref<!tpu.dma_semaphore, #tpu.memory_space<semaphore_mem>>) src(%dma_wait3A_1644 : memref<200x24xf32, #tpu.memory_space<hbm>>) dst(%dma_wait3A_1642 : memref<200x24xf32, #tpu.memory_space<vmem>>)
        %add3A_1645 = arith.constant 2400000 : i32
        %add3A_1646 = arith.addi %add3A_1645, %multiple_of3A_1581 : i32
        %dma_wait3A_1647 = arith.constant 1 : i32
        %dma_wait3A_1648 = arith.constant 600 : i32
        %dma_wait3A_1649 = tpu.memref_slice %arg5[%dma_wait3A_1647, %dma_wait3A_1648] : memref<2x800xi32, #tpu.memory_space<vmem>> -> memref<1x200xi32, #tpu.memory_space<vmem>>
        %dma_wait3A_1650 = tpu.memref_squeeze %dma_wait3A_1649 : memref<1x200xi32, #tpu.memory_space<vmem>> -> memref<200xi32, #tpu.memory_space<vmem>>
        %dma_wait3A_1651 = tpu.memref_slice %arg3[%add3A_1646] : memref<3200000xi32, #tpu.memory_space<hbm>> -> memref<200xi32, #tpu.memory_space<hbm>>
        %dma_wait3A_1652 = arith.constant 600 : i32
        %dma_wait3A_1653 = tpu.memref_slice %arg5[%dma_wait3A_1647, %dma_wait3A_1652] : memref<2x800xi32, #tpu.memory_space<vmem>> -> memref<1x200xi32, #tpu.memory_space<vmem>>
        %dma_wait3A_1654 = tpu.memref_squeeze %dma_wait3A_1653 : memref<1x200xi32, #tpu.memory_space<vmem>> -> memref<200xi32, #tpu.memory_space<vmem>>
        %dma_wait3A_1655 = tpu.memref_slice %arg3[%add3A_1646] : memref<3200000xi32, #tpu.memory_space<hbm>> -> memref<200xi32, #tpu.memory_space<hbm>>
        tpu.wait_dma2 semaphore(%arg10 : memref<!tpu.dma_semaphore, #tpu.memory_space<semaphore_mem>>) src(%dma_wait3A_1655 : memref<200xi32, #tpu.memory_space<hbm>>) dst(%dma_wait3A_1654 : memref<200xi32, #tpu.memory_space<vmem>>)
        %dma_wait3A_1656 = arith.constant 1400 : i32
        %dma_wait3A_1657 = arith.constant 0 : i32
        %dma_wait3A_1658 = tpu.memref_slice %arg7[%dma_wait3A_1656, %dma_wait3A_1657] : memref<1600x24xf32, #tpu.memory_space<vmem>> -> memref<200x24xf32, #tpu.memory_space<vmem>>
        %dma_wait3A_1659 = arith.constant 72 : i32
        %dma_wait3A_1660 = tpu.memref_slice %arg2[%multiple_of3A_1581, %dma_wait3A_1659] : memref<800000x96xf32, #tpu.memory_space<hbm>> -> memref<200x24xf32, #tpu.memory_space<hbm>>
        %dma_wait3A_1661 = arith.constant 1400 : i32
        %dma_wait3A_1662 = arith.constant 0 : i32
        %dma_wait3A_1663 = tpu.memref_slice %arg7[%dma_wait3A_1661, %dma_wait3A_1662] : memref<1600x24xf32, #tpu.memory_space<vmem>> -> memref<200x24xf32, #tpu.memory_space<vmem>>
        %dma_wait3A_1664 = arith.constant 72 : i32
        %dma_wait3A_1665 = tpu.memref_slice %arg2[%multiple_of3A_1581, %dma_wait3A_1664] : memref<800000x96xf32, #tpu.memory_space<hbm>> -> memref<200x24xf32, #tpu.memory_space<hbm>>
        tpu.wait_dma2 semaphore(%arg10 : memref<!tpu.dma_semaphore, #tpu.memory_space<semaphore_mem>>) src(%dma_wait3A_1665 : memref<200x24xf32, #tpu.memory_space<hbm>>) dst(%dma_wait3A_1663 : memref<200x24xf32, #tpu.memory_space<vmem>>)
        %add3A_1666 = arith.constant 2 : i32
        %add3A_1667 = arith.addi %mul3A_127, %add3A_1666 : i32
        %lt3A_1668 = arith.constant 250 : i32
        %lt3A_1669 = arith.cmpi slt, %add3A_1667, %lt3A_1668 : i32
        %convert_element_type3A_1670 = arith.extui %lt3A_1669 : i1 to i32
        %cond3A_1671 = arith.constant 0 : i32
        %cond3A_1672 = arith.cmpi ne, %convert_element_type3A_1670, %cond3A_1671 : i32
        scf.if %cond3A_1672 {
          %add3A_3023 = arith.constant 2 : i32
          %add3A_3024 = arith.addi %mul3A_127, %add3A_3023 : i32
          %mul3A_3025 = arith.constant 50000 : i32
          %mul3A_3026 = arith.muli %arg1, %mul3A_3025 : i32
          %mul3A_3027 = arith.constant 200 : i32
          %mul3A_3028 = arith.muli %add3A_3024, %mul3A_3027 : i32
          %add3A_3029 = arith.addi %mul3A_3026, %mul3A_3028 : i32
          %multiple_of3A_3030 = tpu.assume_multiple %add3A_3029, 200 : i32
          %add3A_3031 = arith.constant 0 : i32
          %add3A_3032 = arith.addi %add3A_3031, %multiple_of3A_3030 : i32
          %dma_start3A_3033 = arith.constant 0 : i32
          %dma_start3A_3034 = arith.constant 0 : i32
          %dma_start3A_3035 = tpu.memref_slice %arg5[%dma_start3A_3033, %dma_start3A_3034] : memref<2x800xi32, #tpu.memory_space<vmem>> -> memref<1x200xi32, #tpu.memory_space<vmem>>
          %dma_start3A_3036 = tpu.memref_squeeze %dma_start3A_3035 : memref<1x200xi32, #tpu.memory_space<vmem>> -> memref<200xi32, #tpu.memory_space<vmem>>
          %dma_start3A_3037 = tpu.memref_slice %arg3[%add3A_3032] : memref<3200000xi32, #tpu.memory_space<hbm>> -> memref<200xi32, #tpu.memory_space<hbm>>
          %dma_start3A_3038 = arith.constant 0 : i32
          %dma_start3A_3039 = tpu.memref_slice %arg5[%dma_start3A_3033, %dma_start3A_3038] : memref<2x800xi32, #tpu.memory_space<vmem>> -> memref<1x200xi32, #tpu.memory_space<vmem>>
          %dma_start3A_3040 = tpu.memref_squeeze %dma_start3A_3039 : memref<1x200xi32, #tpu.memory_space<vmem>> -> memref<200xi32, #tpu.memory_space<vmem>>
          %dma_start3A_3041 = tpu.memref_slice %arg3[%add3A_3032] : memref<3200000xi32, #tpu.memory_space<hbm>> -> memref<200xi32, #tpu.memory_space<hbm>>
          tpu.enqueue_dma source(%dma_start3A_3041 : memref<200xi32, #tpu.memory_space<hbm>>) target(%dma_start3A_3040 : memref<200xi32, #tpu.memory_space<vmem>>) target_semaphore(%arg9 : memref<!tpu.dma_semaphore, #tpu.memory_space<semaphore_mem>>)
          %dma_start3A_3042 = arith.constant 0 : i32
          %dma_start3A_3043 = arith.constant 0 : i32
          %dma_start3A_3044 = tpu.memref_slice %arg7[%dma_start3A_3042, %dma_start3A_3043] : memref<1600x24xf32, #tpu.memory_space<vmem>> -> memref<200x24xf32, #tpu.memory_space<vmem>>
          %dma_start3A_3045 = arith.constant 0 : i32
          %dma_start3A_3046 = tpu.memref_slice %arg2[%multiple_of3A_3030, %dma_start3A_3045] : memref<800000x96xf32, #tpu.memory_space<hbm>> -> memref<200x24xf32, #tpu.memory_space<hbm>>
          %dma_start3A_3047 = arith.constant 0 : i32
          %dma_start3A_3048 = arith.constant 0 : i32
          %dma_start3A_3049 = tpu.memref_slice %arg7[%dma_start3A_3047, %dma_start3A_3048] : memref<1600x24xf32, #tpu.memory_space<vmem>> -> memref<200x24xf32, #tpu.memory_space<vmem>>
          %dma_start3A_3050 = arith.constant 0 : i32
          %dma_start3A_3051 = tpu.memref_slice %arg2[%multiple_of3A_3030, %dma_start3A_3050] : memref<800000x96xf32, #tpu.memory_space<hbm>> -> memref<200x24xf32, #tpu.memory_space<hbm>>
          tpu.enqueue_dma source(%dma_start3A_3051 : memref<200x24xf32, #tpu.memory_space<hbm>>) target(%dma_start3A_3049 : memref<200x24xf32, #tpu.memory_space<vmem>>) target_semaphore(%arg9 : memref<!tpu.dma_semaphore, #tpu.memory_space<semaphore_mem>>)
          %add3A_3052 = arith.constant 800000 : i32
          %add3A_3053 = arith.addi %add3A_3052, %multiple_of3A_3030 : i32
          %dma_start3A_3054 = arith.constant 0 : i32
          %dma_start3A_3055 = arith.constant 200 : i32
          %dma_start3A_3056 = tpu.memref_slice %arg5[%dma_start3A_3054, %dma_start3A_3055] : memref<2x800xi32, #tpu.memory_space<vmem>> -> memref<1x200xi32, #tpu.memory_space<vmem>>
          %dma_start3A_3057 = tpu.memref_squeeze %dma_start3A_3056 : memref<1x200xi32, #tpu.memory_space<vmem>> -> memref<200xi32, #tpu.memory_space<vmem>>
          %dma_start3A_3058 = tpu.memref_slice %arg3[%add3A_3053] : memref<3200000xi32, #tpu.memory_space<hbm>> -> memref<200xi32, #tpu.memory_space<hbm>>
          %dma_start3A_3059 = arith.constant 200 : i32
          %dma_start3A_3060 = tpu.memref_slice %arg5[%dma_start3A_3054, %dma_start3A_3059] : memref<2x800xi32, #tpu.memory_space<vmem>> -> memref<1x200xi32, #tpu.memory_space<vmem>>
          %dma_start3A_3061 = tpu.memref_squeeze %dma_start3A_3060 : memref<1x200xi32, #tpu.memory_space<vmem>> -> memref<200xi32, #tpu.memory_space<vmem>>
          %dma_start3A_3062 = tpu.memref_slice %arg3[%add3A_3053] : memref<3200000xi32, #tpu.memory_space<hbm>> -> memref<200xi32, #tpu.memory_space<hbm>>
          tpu.enqueue_dma source(%dma_start3A_3062 : memref<200xi32, #tpu.memory_space<hbm>>) target(%dma_start3A_3061 : memref<200xi32, #tpu.memory_space<vmem>>) target_semaphore(%arg9 : memref<!tpu.dma_semaphore, #tpu.memory_space<semaphore_mem>>)
          %dma_start3A_3063 = arith.constant 200 : i32
          %dma_start3A_3064 = arith.constant 0 : i32
          %dma_start3A_3065 = tpu.memref_slice %arg7[%dma_start3A_3063, %dma_start3A_3064] : memref<1600x24xf32, #tpu.memory_space<vmem>> -> memref<200x24xf32, #tpu.memory_space<vmem>>
          %dma_start3A_3066 = arith.constant 24 : i32
          %dma_start3A_3067 = tpu.memref_slice %arg2[%multiple_of3A_3030, %dma_start3A_3066] : memref<800000x96xf32, #tpu.memory_space<hbm>> -> memref<200x24xf32, #tpu.memory_space<hbm>>
          %dma_start3A_3068 = arith.constant 200 : i32
          %dma_start3A_3069 = arith.constant 0 : i32
          %dma_start3A_3070 = tpu.memref_slice %arg7[%dma_start3A_3068, %dma_start3A_3069] : memref<1600x24xf32, #tpu.memory_space<vmem>> -> memref<200x24xf32, #tpu.memory_space<vmem>>
          %dma_start3A_3071 = arith.constant 24 : i32
          %dma_start3A_3072 = tpu.memref_slice %arg2[%multiple_of3A_3030, %dma_start3A_3071] : memref<800000x96xf32, #tpu.memory_space<hbm>> -> memref<200x24xf32, #tpu.memory_space<hbm>>
          tpu.enqueue_dma source(%dma_start3A_3072 : memref<200x24xf32, #tpu.memory_space<hbm>>) target(%dma_start3A_3070 : memref<200x24xf32, #tpu.memory_space<vmem>>) target_semaphore(%arg9 : memref<!tpu.dma_semaphore, #tpu.memory_space<semaphore_mem>>)
          %add3A_3073 = arith.constant 1600000 : i32
          %add3A_3074 = arith.addi %add3A_3073, %multiple_of3A_3030 : i32
          %dma_start3A_3075 = arith.constant 0 : i32
          %dma_start3A_3076 = arith.constant 400 : i32
          %dma_start3A_3077 = tpu.memref_slice %arg5[%dma_start3A_3075, %dma_start3A_3076] : memref<2x800xi32, #tpu.memory_space<vmem>> -> memref<1x200xi32, #tpu.memory_space<vmem>>
          %dma_start3A_3078 = tpu.memref_squeeze %dma_start3A_3077 : memref<1x200xi32, #tpu.memory_space<vmem>> -> memref<200xi32, #tpu.memory_space<vmem>>
          %dma_start3A_3079 = tpu.memref_slice %arg3[%add3A_3074] : memref<3200000xi32, #tpu.memory_space<hbm>> -> memref<200xi32, #tpu.memory_space<hbm>>
          %dma_start3A_3080 = arith.constant 400 : i32
          %dma_start3A_3081 = tpu.memref_slice %arg5[%dma_start3A_3075, %dma_start3A_3080] : memref<2x800xi32, #tpu.memory_space<vmem>> -> memref<1x200xi32, #tpu.memory_space<vmem>>
          %dma_start3A_3082 = tpu.memref_squeeze %dma_start3A_3081 : memref<1x200xi32, #tpu.memory_space<vmem>> -> memref<200xi32, #tpu.memory_space<vmem>>
          %dma_start3A_3083 = tpu.memref_slice %arg3[%add3A_3074] : memref<3200000xi32, #tpu.memory_space<hbm>> -> memref<200xi32, #tpu.memory_space<hbm>>
          tpu.enqueue_dma source(%dma_start3A_3083 : memref<200xi32, #tpu.memory_space<hbm>>) target(%dma_start3A_3082 : memref<200xi32, #tpu.memory_space<vmem>>) target_semaphore(%arg9 : memref<!tpu.dma_semaphore, #tpu.memory_space<semaphore_mem>>)
          %dma_start3A_3084 = arith.constant 400 : i32
          %dma_start3A_3085 = arith.constant 0 : i32
          %dma_start3A_3086 = tpu.memref_slice %arg7[%dma_start3A_3084, %dma_start3A_3085] : memref<1600x24xf32, #tpu.memory_space<vmem>> -> memref<200x24xf32, #tpu.memory_space<vmem>>
          %dma_start3A_3087 = arith.constant 48 : i32
          %dma_start3A_3088 = tpu.memref_slice %arg2[%multiple_of3A_3030, %dma_start3A_3087] : memref<800000x96xf32, #tpu.memory_space<hbm>> -> memref<200x24xf32, #tpu.memory_space<hbm>>
          %dma_start3A_3089 = arith.constant 400 : i32
          %dma_start3A_3090 = arith.constant 0 : i32
          %dma_start3A_3091 = tpu.memref_slice %arg7[%dma_start3A_3089, %dma_start3A_3090] : memref<1600x24xf32, #tpu.memory_space<vmem>> -> memref<200x24xf32, #tpu.memory_space<vmem>>
          %dma_start3A_3092 = arith.constant 48 : i32
          %dma_start3A_3093 = tpu.memref_slice %arg2[%multiple_of3A_3030, %dma_start3A_3092] : memref<800000x96xf32, #tpu.memory_space<hbm>> -> memref<200x24xf32, #tpu.memory_space<hbm>>
          tpu.enqueue_dma source(%dma_start3A_3093 : memref<200x24xf32, #tpu.memory_space<hbm>>) target(%dma_start3A_3091 : memref<200x24xf32, #tpu.memory_space<vmem>>) target_semaphore(%arg9 : memref<!tpu.dma_semaphore, #tpu.memory_space<semaphore_mem>>)
          %add3A_3094 = arith.constant 2400000 : i32
          %add3A_3095 = arith.addi %add3A_3094, %multiple_of3A_3030 : i32
          %dma_start3A_3096 = arith.constant 0 : i32
          %dma_start3A_3097 = arith.constant 600 : i32
          %dma_start3A_3098 = tpu.memref_slice %arg5[%dma_start3A_3096, %dma_start3A_3097] : memref<2x800xi32, #tpu.memory_space<vmem>> -> memref<1x200xi32, #tpu.memory_space<vmem>>
          %dma_start3A_3099 = tpu.memref_squeeze %dma_start3A_3098 : memref<1x200xi32, #tpu.memory_space<vmem>> -> memref<200xi32, #tpu.memory_space<vmem>>
          %dma_start3A_3100 = tpu.memref_slice %arg3[%add3A_3095] : memref<3200000xi32, #tpu.memory_space<hbm>> -> memref<200xi32, #tpu.memory_space<hbm>>
          %dma_start3A_3101 = arith.constant 600 : i32
          %dma_start3A_3102 = tpu.memref_slice %arg5[%dma_start3A_3096, %dma_start3A_3101] : memref<2x800xi32, #tpu.memory_space<vmem>> -> memref<1x200xi32, #tpu.memory_space<vmem>>
          %dma_start3A_3103 = tpu.memref_squeeze %dma_start3A_3102 : memref<1x200xi32, #tpu.memory_space<vmem>> -> memref<200xi32, #tpu.memory_space<vmem>>
          %dma_start3A_3104 = tpu.memref_slice %arg3[%add3A_3095] : memref<3200000xi32, #tpu.memory_space<hbm>> -> memref<200xi32, #tpu.memory_space<hbm>>
          tpu.enqueue_dma source(%dma_start3A_3104 : memref<200xi32, #tpu.memory_space<hbm>>) target(%dma_start3A_3103 : memref<200xi32, #tpu.memory_space<vmem>>) target_semaphore(%arg9 : memref<!tpu.dma_semaphore, #tpu.memory_space<semaphore_mem>>)
          %dma_start3A_3105 = arith.constant 600 : i32
          %dma_start3A_3106 = arith.constant 0 : i32
          %dma_start3A_3107 = tpu.memref_slice %arg7[%dma_start3A_3105, %dma_start3A_3106] : memref<1600x24xf32, #tpu.memory_space<vmem>> -> memref<200x24xf32, #tpu.memory_space<vmem>>
          %dma_start3A_3108 = arith.constant 72 : i32
          %dma_start3A_3109 = tpu.memref_slice %arg2[%multiple_of3A_3030, %dma_start3A_3108] : memref<800000x96xf32, #tpu.memory_space<hbm>> -> memref<200x24xf32, #tpu.memory_space<hbm>>
          %dma_start3A_3110 = arith.constant 600 : i32
          %dma_start3A_3111 = arith.constant 0 : i32
          %dma_start3A_3112 = tpu.memref_slice %arg7[%dma_start3A_3110, %dma_start3A_3111] : memref<1600x24xf32, #tpu.memory_space<vmem>> -> memref<200x24xf32, #tpu.memory_space<vmem>>
          %dma_start3A_3113 = arith.constant 72 : i32
          %dma_start3A_3114 = tpu.memref_slice %arg2[%multiple_of3A_3030, %dma_start3A_3113] : memref<800000x96xf32, #tpu.memory_space<hbm>> -> memref<200x24xf32, #tpu.memory_space<hbm>>
          tpu.enqueue_dma source(%dma_start3A_3114 : memref<200x24xf32, #tpu.memory_space<hbm>>) target(%dma_start3A_3112 : memref<200x24xf32, #tpu.memory_space<vmem>>) target_semaphore(%arg9 : memref<!tpu.dma_semaphore, #tpu.memory_space<semaphore_mem>>)
        } else {
        }
        %get3A_1673 = arith.constant 1 : i32
        %get3A_1674 = arith.index_cast %get3A_1673 : i32 to index
        %get3A_1675 = arith.constant 0 : index
        %get3A_1676 = tpu.vector_load %arg5[%get3A_1674, %get3A_1675] {strides = array<i32>} : memref<2x800xi32, #tpu.memory_space<vmem>>, vector<1x16xi32>,
        %get3A_1677 = vector.shape_cast %get3A_1676 : vector<1x16xi32> to vector<16xi32>
        %sub3A_1678 = vector.broadcast %mul3A_0 : i32 to vector<16xi32>
        %sub3A_1679 = arith.subi %get3A_1677, %sub3A_1678 : vector<16xi32>
        %ge3A_1680 = arith.constant 0 : i32
        %ge3A_1681 = vector.broadcast %ge3A_1680 : i32 to vector<16xi32>
        %ge3A_1682 = arith.cmpi sge, %sub3A_1679, %ge3A_1681 : vector<16xi32>
        %lt3A_1683 = arith.constant 50000 : i32
        %lt3A_1684 = vector.broadcast %lt3A_1683 : i32 to vector<16xi32>
        %lt3A_1685 = arith.cmpi slt, %sub3A_1679, %lt3A_1684 : vector<16xi32>
        %and3A_1686 = arith.andi %ge3A_1682, %lt3A_1685 : vector<16xi1>
        %jit3A_1687 = arith.constant 50000 : i32
        %broadcast_in_dim3A_1688 = vector.broadcast %jit3A_1687 : i32 to vector<16xi32>
        %select_n3A_1689 = arith.select %and3A_1686, %sub3A_1679, %broadcast_in_dim3A_1688 : vector<16xi1>, vector<16xi32>
        %swap3A_1690 = arith.constant 0 : i32
        %swap3A_1691 = arith.index_cast %swap3A_1690 : i32 to index
        %swap3A_1692 = arith.constant 0 : index
        %swap3A_1693 = tpu.vector_load %arg6[%swap3A_1691, %swap3A_1692] {strides = array<i32>} : memref<10x80xi32, #tpu.memory_space<vmem>>, vector<1x16xi32>,
        %swap3A_1694 = vector.shape_cast %swap3A_1693 : vector<1x16xi32> to vector<16xi32>
        %swap3A_1695 = vector.shape_cast %select_n3A_1689 : vector<16xi32> to vector<1x16xi32>
        tpu.vector_store %arg6[%swap3A_1691, %swap3A_1692], %swap3A_1695 {strides = array<i32>} : memref<10x80xi32, #tpu.memory_space<vmem>>, vector<1x16xi32>,
        %get3A_1696 = arith.constant 1 : i32
        %get3A_1697 = arith.index_cast %get3A_1696 : i32 to index
        %get3A_1698 = arith.constant 16 : index
        %get3A_1699 = tpu.vector_load %arg5[%get3A_1697, %get3A_1698] {strides = array<i32>} : memref<2x800xi32, #tpu.memory_space<vmem>>, vector<1x16xi32>,
        %get3A_1700 = vector.shape_cast %get3A_1699 : vector<1x16xi32> to vector<16xi32>
        %sub3A_1701 = vector.broadcast %mul3A_0 : i32 to vector<16xi32>
        %sub3A_1702 = arith.subi %get3A_1700, %sub3A_1701 : vector<16xi32>
        %ge3A_1703 = arith.constant 0 : i32
        %ge3A_1704 = vector.broadcast %ge3A_1703 : i32 to vector<16xi32>
        %ge3A_1705 = arith.cmpi sge, %sub3A_1702, %ge3A_1704 : vector<16xi32>
        %lt3A_1706 = arith.constant 50000 : i32
        %lt3A_1707 = vector.broadcast %lt3A_1706 : i32 to vector<16xi32>
        %lt3A_1708 = arith.cmpi slt, %sub3A_1702, %lt3A_1707 : vector<16xi32>
        %and3A_1709 = arith.andi %ge3A_1705, %lt3A_1708 : vector<16xi1>
        %jit3A_1710 = arith.constant 50000 : i32
        %broadcast_in_dim3A_1711 = vector.broadcast %jit3A_1710 : i32 to vector<16xi32>
        %select_n3A_1712 = arith.select %and3A_1709, %sub3A_1702, %broadcast_in_dim3A_1711 : vector<16xi1>, vector<16xi32>
        %swap3A_1713 = arith.constant 0 : i32
        %swap3A_1714 = arith.index_cast %swap3A_1713 : i32 to index
        %swap3A_1715 = arith.constant 16 : index
        %swap3A_1716 = tpu.vector_load %arg6[%swap3A_1714, %swap3A_1715] {strides = array<i32>} : memref<10x80xi32, #tpu.memory_space<vmem>>, vector<1x16xi32>,
        %swap3A_1717 = vector.shape_cast %swap3A_1716 : vector<1x16xi32> to vector<16xi32>
        %swap3A_1718 = vector.shape_cast %select_n3A_1712 : vector<16xi32> to vector<1x16xi32>
        tpu.vector_store %arg6[%swap3A_1714, %swap3A_1715], %swap3A_1718 {strides = array<i32>} : memref<10x80xi32, #tpu.memory_space<vmem>>, vector<1x16xi32>,
        %get3A_1719 = arith.constant 1 : i32
        %get3A_1720 = arith.index_cast %get3A_1719 : i32 to index
        %get3A_1721 = arith.constant 32 : index
        %get3A_1722 = tpu.vector_load %arg5[%get3A_1720, %get3A_1721] {strides = array<i32>} : memref<2x800xi32, #tpu.memory_space<vmem>>, vector<1x16xi32>,
        %get3A_1723 = vector.shape_cast %get3A_1722 : vector<1x16xi32> to vector<16xi32>
        %sub3A_1724 = vector.broadcast %mul3A_0 : i32 to vector<16xi32>
        %sub3A_1725 = arith.subi %get3A_1723, %sub3A_1724 : vector<16xi32>
        %ge3A_1726 = arith.constant 0 : i32
        %ge3A_1727 = vector.broadcast %ge3A_1726 : i32 to vector<16xi32>
        %ge3A_1728 = arith.cmpi sge, %sub3A_1725, %ge3A_1727 : vector<16xi32>
        %lt3A_1729 = arith.constant 50000 : i32
        %lt3A_1730 = vector.broadcast %lt3A_1729 : i32 to vector<16xi32>
        %lt3A_1731 = arith.cmpi slt, %sub3A_1725, %lt3A_1730 : vector<16xi32>
        %and3A_1732 = arith.andi %ge3A_1728, %lt3A_1731 : vector<16xi1>
        %jit3A_1733 = arith.constant 50000 : i32
        %broadcast_in_dim3A_1734 = vector.broadcast %jit3A_1733 : i32 to vector<16xi32>
        %select_n3A_1735 = arith.select %and3A_1732, %sub3A_1725, %broadcast_in_dim3A_1734 : vector<16xi1>, vector<16xi32>
        %swap3A_1736 = arith.constant 0 : i32
        %swap3A_1737 = arith.index_cast %swap3A_1736 : i32 to index
        %swap3A_1738 = arith.constant 32 : index
        %swap3A_1739 = tpu.vector_load %arg6[%swap3A_1737, %swap3A_1738] {strides = array<i32>} : memref<10x80xi32, #tpu.memory_space<vmem>>, vector<1x16xi32>,
        %swap3A_1740 = vector.shape_cast %swap3A_1739 : vector<1x16xi32> to vector<16xi32>
        %swap3A_1741 = vector.shape_cast %select_n3A_1735 : vector<16xi32> to vector<1x16xi32>
        tpu.vector_store %arg6[%swap3A_1737, %swap3A_1738], %swap3A_1741 {strides = array<i32>} : memref<10x80xi32, #tpu.memory_space<vmem>>, vector<1x16xi32>,
        %get3A_1742 = arith.constant 1 : i32
        %get3A_1743 = arith.index_cast %get3A_1742 : i32 to index
        %get3A_1744 = arith.constant 48 : index
        %get3A_1745 = tpu.vector_load %arg5[%get3A_1743, %get3A_1744] {strides = array<i32>} : memref<2x800xi32, #tpu.memory_space<vmem>>, vector<1x16xi32>,
        %get3A_1746 = vector.shape_cast %get3A_1745 : vector<1x16xi32> to vector<16xi32>
        %sub3A_1747 = vector.broadcast %mul3A_0 : i32 to vector<16xi32>
        %sub3A_1748 = arith.subi %get3A_1746, %sub3A_1747 : vector<16xi32>
        %ge3A_1749 = arith.constant 0 : i32
        %ge3A_1750 = vector.broadcast %ge3A_1749 : i32 to vector<16xi32>
        %ge3A_1751 = arith.cmpi sge, %sub3A_1748, %ge3A_1750 : vector<16xi32>
        %lt3A_1752 = arith.constant 50000 : i32
        %lt3A_1753 = vector.broadcast %lt3A_1752 : i32 to vector<16xi32>
        %lt3A_1754 = arith.cmpi slt, %sub3A_1748, %lt3A_1753 : vector<16xi32>
        %and3A_1755 = arith.andi %ge3A_1751, %lt3A_1754 : vector<16xi1>
        %jit3A_1756 = arith.constant 50000 : i32
        %broadcast_in_dim3A_1757 = vector.broadcast %jit3A_1756 : i32 to vector<16xi32>
        %select_n3A_1758 = arith.select %and3A_1755, %sub3A_1748, %broadcast_in_dim3A_1757 : vector<16xi1>, vector<16xi32>
        %swap3A_1759 = arith.constant 0 : i32
        %swap3A_1760 = arith.index_cast %swap3A_1759 : i32 to index
        %swap3A_1761 = arith.constant 48 : index
        %swap3A_1762 = tpu.vector_load %arg6[%swap3A_1760, %swap3A_1761] {strides = array<i32>} : memref<10x80xi32, #tpu.memory_space<vmem>>, vector<1x16xi32>,
        %swap3A_1763 = vector.shape_cast %swap3A_1762 : vector<1x16xi32> to vector<16xi32>
        %swap3A_1764 = vector.shape_cast %select_n3A_1758 : vector<16xi32> to vector<1x16xi32>
        tpu.vector_store %arg6[%swap3A_1760, %swap3A_1761], %swap3A_1764 {strides = array<i32>} : memref<10x80xi32, #tpu.memory_space<vmem>>, vector<1x16xi32>,
        %get3A_1765 = arith.constant 1 : i32
        %get3A_1766 = arith.index_cast %get3A_1765 : i32 to index
        %get3A_1767 = arith.constant 64 : index
        %get3A_1768 = tpu.vector_load %arg5[%get3A_1766, %get3A_1767] {strides = array<i32>} : memref<2x800xi32, #tpu.memory_space<vmem>>, vector<1x16xi32>,
        %get3A_1769 = vector.shape_cast %get3A_1768 : vector<1x16xi32> to vector<16xi32>
        %sub3A_1770 = vector.broadcast %mul3A_0 : i32 to vector<16xi32>
        %sub3A_1771 = arith.subi %get3A_1769, %sub3A_1770 : vector<16xi32>
        %ge3A_1772 = arith.constant 0 : i32
        %ge3A_1773 = vector.broadcast %ge3A_1772 : i32 to vector<16xi32>
        %ge3A_1774 = arith.cmpi sge, %sub3A_1771, %ge3A_1773 : vector<16xi32>
        %lt3A_1775 = arith.constant 50000 : i32
        %lt3A_1776 = vector.broadcast %lt3A_1775 : i32 to vector<16xi32>
        %lt3A_1777 = arith.cmpi slt, %sub3A_1771, %lt3A_1776 : vector<16xi32>
        %and3A_1778 = arith.andi %ge3A_1774, %lt3A_1777 : vector<16xi1>
        %jit3A_1779 = arith.constant 50000 : i32
        %broadcast_in_dim3A_1780 = vector.broadcast %jit3A_1779 : i32 to vector<16xi32>
        %select_n3A_1781 = arith.select %and3A_1778, %sub3A_1771, %broadcast_in_dim3A_1780 : vector<16xi1>, vector<16xi32>
        %swap3A_1782 = arith.constant 0 : i32
        %swap3A_1783 = arith.index_cast %swap3A_1782 : i32 to index
        %swap3A_1784 = arith.constant 64 : index
        %swap3A_1785 = tpu.vector_load %arg6[%swap3A_1783, %swap3A_1784] {strides = array<i32>} : memref<10x80xi32, #tpu.memory_space<vmem>>, vector<1x16xi32>,
        %swap3A_1786 = vector.shape_cast %swap3A_1785 : vector<1x16xi32> to vector<16xi32>
        %swap3A_1787 = vector.shape_cast %select_n3A_1781 : vector<16xi32> to vector<1x16xi32>
        tpu.vector_store %arg6[%swap3A_1783, %swap3A_1784], %swap3A_1787 {strides = array<i32>} : memref<10x80xi32, #tpu.memory_space<vmem>>, vector<1x16xi32>,
        %get3A_1788 = arith.constant 1 : i32
        %get3A_1789 = arith.index_cast %get3A_1788 : i32 to index
        %get3A_1790 = arith.constant 80 : index
        %get3A_1791 = tpu.vector_load %arg5[%get3A_1789, %get3A_1790] {strides = array<i32>} : memref<2x800xi32, #tpu.memory_space<vmem>>, vector<1x16xi32>,
        %get3A_1792 = vector.shape_cast %get3A_1791 : vector<1x16xi32> to vector<16xi32>
        %sub3A_1793 = vector.broadcast %mul3A_0 : i32 to vector<16xi32>
        %sub3A_1794 = arith.subi %get3A_1792, %sub3A_1793 : vector<16xi32>
        %ge3A_1795 = arith.constant 0 : i32
        %ge3A_1796 = vector.broadcast %ge3A_1795 : i32 to vector<16xi32>
        %ge3A_1797 = arith.cmpi sge, %sub3A_1794, %ge3A_1796 : vector<16xi32>
        %lt3A_1798 = arith.constant 50000 : i32
        %lt3A_1799 = vector.broadcast %lt3A_1798 : i32 to vector<16xi32>
        %lt3A_1800 = arith.cmpi slt, %sub3A_1794, %lt3A_1799 : vector<16xi32>
        %and3A_1801 = arith.andi %ge3A_1797, %lt3A_1800 : vector<16xi1>
        %jit3A_1802 = arith.constant 50000 : i32
        %broadcast_in_dim3A_1803 = vector.broadcast %jit3A_1802 : i32 to vector<16xi32>
        %select_n3A_1804 = arith.select %and3A_1801, %sub3A_1794, %broadcast_in_dim3A_1803 : vector<16xi1>, vector<16xi32>
        %swap3A_1805 = arith.constant 1 : i32
        %swap3A_1806 = arith.index_cast %swap3A_1805 : i32 to index
        %swap3A_1807 = arith.constant 0 : index
        %swap3A_1808 = tpu.vector_load %arg6[%swap3A_1806, %swap3A_1807] {strides = array<i32>} : memref<10x80xi32, #tpu.memory_space<vmem>>, vector<1x16xi32>,
        %swap3A_1809 = vector.shape_cast %swap3A_1808 : vector<1x16xi32> to vector<16xi32>
        %swap3A_1810 = vector.shape_cast %select_n3A_1804 : vector<16xi32> to vector<1x16xi32>
        tpu.vector_store %arg6[%swap3A_1806, %swap3A_1807], %swap3A_1810 {strides = array<i32>} : memref<10x80xi32, #tpu.memory_space<vmem>>, vector<1x16xi32>,
        %get3A_1811 = arith.constant 1 : i32
        %get3A_1812 = arith.index_cast %get3A_1811 : i32 to index
        %get3A_1813 = arith.constant 96 : index
        %get3A_1814 = tpu.vector_load %arg5[%get3A_1812, %get3A_1813] {strides = array<i32>} : memref<2x800xi32, #tpu.memory_space<vmem>>, vector<1x16xi32>,
        %get3A_1815 = vector.shape_cast %get3A_1814 : vector<1x16xi32> to vector<16xi32>
        %sub3A_1816 = vector.broadcast %mul3A_0 : i32 to vector<16xi32>
        %sub3A_1817 = arith.subi %get3A_1815, %sub3A_1816 : vector<16xi32>
        %ge3A_1818 = arith.constant 0 : i32
        %ge3A_1819 = vector.broadcast %ge3A_1818 : i32 to vector<16xi32>
        %ge3A_1820 = arith.cmpi sge, %sub3A_1817, %ge3A_1819 : vector<16xi32>
        %lt3A_1821 = arith.constant 50000 : i32
        %lt3A_1822 = vector.broadcast %lt3A_1821 : i32 to vector<16xi32>
        %lt3A_1823 = arith.cmpi slt, %sub3A_1817, %lt3A_1822 : vector<16xi32>
        %and3A_1824 = arith.andi %ge3A_1820, %lt3A_1823 : vector<16xi1>
        %jit3A_1825 = arith.constant 50000 : i32
        %broadcast_in_dim3A_1826 = vector.broadcast %jit3A_1825 : i32 to vector<16xi32>
        %select_n3A_1827 = arith.select %and3A_1824, %sub3A_1817, %broadcast_in_dim3A_1826 : vector<16xi1>, vector<16xi32>
        %swap3A_1828 = arith.constant 1 : i32
        %swap3A_1829 = arith.index_cast %swap3A_1828 : i32 to index
        %swap3A_1830 = arith.constant 16 : index
        %swap3A_1831 = tpu.vector_load %arg6[%swap3A_1829, %swap3A_1830] {strides = array<i32>} : memref<10x80xi32, #tpu.memory_space<vmem>>, vector<1x16xi32>,
        %swap3A_1832 = vector.shape_cast %swap3A_1831 : vector<1x16xi32> to vector<16xi32>
        %swap3A_1833 = vector.shape_cast %select_n3A_1827 : vector<16xi32> to vector<1x16xi32>
        tpu.vector_store %arg6[%swap3A_1829, %swap3A_1830], %swap3A_1833 {strides = array<i32>} : memref<10x80xi32, #tpu.memory_space<vmem>>, vector<1x16xi32>,
        %get3A_1834 = arith.constant 1 : i32
        %get3A_1835 = arith.index_cast %get3A_1834 : i32 to index
        %get3A_1836 = arith.constant 112 : index
        %get3A_1837 = tpu.vector_load %arg5[%get3A_1835, %get3A_1836] {strides = array<i32>} : memref<2x800xi32, #tpu.memory_space<vmem>>, vector<1x16xi32>,
        %get3A_1838 = vector.shape_cast %get3A_1837 : vector<1x16xi32> to vector<16xi32>
        %sub3A_1839 = vector.broadcast %mul3A_0 : i32 to vector<16xi32>
        %sub3A_1840 = arith.subi %get3A_1838, %sub3A_1839 : vector<16xi32>
        %ge3A_1841 = arith.constant 0 : i32
        %ge3A_1842 = vector.broadcast %ge3A_1841 : i32 to vector<16xi32>
        %ge3A_1843 = arith.cmpi sge, %sub3A_1840, %ge3A_1842 : vector<16xi32>
        %lt3A_1844 = arith.constant 50000 : i32
        %lt3A_1845 = vector.broadcast %lt3A_1844 : i32 to vector<16xi32>
        %lt3A_1846 = arith.cmpi slt, %sub3A_1840, %lt3A_1845 : vector<16xi32>
        %and3A_1847 = arith.andi %ge3A_1843, %lt3A_1846 : vector<16xi1>
        %jit3A_1848 = arith.constant 50000 : i32
        %broadcast_in_dim3A_1849 = vector.broadcast %jit3A_1848 : i32 to vector<16xi32>
        %select_n3A_1850 = arith.select %and3A_1847, %sub3A_1840, %broadcast_in_dim3A_1849 : vector<16xi1>, vector<16xi32>
        %swap3A_1851 = arith.constant 1 : i32
        %swap3A_1852 = arith.index_cast %swap3A_1851 : i32 to index
        %swap3A_1853 = arith.constant 32 : index
        %swap3A_1854 = tpu.vector_load %arg6[%swap3A_1852, %swap3A_1853] {strides = array<i32>} : memref<10x80xi32, #tpu.memory_space<vmem>>, vector<1x16xi32>,
        %swap3A_1855 = vector.shape_cast %swap3A_1854 : vector<1x16xi32> to vector<16xi32>
        %swap3A_1856 = vector.shape_cast %select_n3A_1850 : vector<16xi32> to vector<1x16xi32>
        tpu.vector_store %arg6[%swap3A_1852, %swap3A_1853], %swap3A_1856 {strides = array<i32>} : memref<10x80xi32, #tpu.memory_space<vmem>>, vector<1x16xi32>,
        %get3A_1857 = arith.constant 1 : i32
        %get3A_1858 = arith.index_cast %get3A_1857 : i32 to index
        %get3A_1859 = arith.constant 128 : index
        %get3A_1860 = tpu.vector_load %arg5[%get3A_1858, %get3A_1859] {strides = array<i32>} : memref<2x800xi32, #tpu.memory_space<vmem>>, vector<1x16xi32>,
        %get3A_1861 = vector.shape_cast %get3A_1860 : vector<1x16xi32> to vector<16xi32>
        %sub3A_1862 = vector.broadcast %mul3A_0 : i32 to vector<16xi32>
        %sub3A_1863 = arith.subi %get3A_1861, %sub3A_1862 : vector<16xi32>
        %ge3A_1864 = arith.constant 0 : i32
        %ge3A_1865 = vector.broadcast %ge3A_1864 : i32 to vector<16xi32>
        %ge3A_1866 = arith.cmpi sge, %sub3A_1863, %ge3A_1865 : vector<16xi32>
        %lt3A_1867 = arith.constant 50000 : i32
        %lt3A_1868 = vector.broadcast %lt3A_1867 : i32 to vector<16xi32>
        %lt3A_1869 = arith.cmpi slt, %sub3A_1863, %lt3A_1868 : vector<16xi32>
        %and3A_1870 = arith.andi %ge3A_1866, %lt3A_1869 : vector<16xi1>
        %jit3A_1871 = arith.constant 50000 : i32
        %broadcast_in_dim3A_1872 = vector.broadcast %jit3A_1871 : i32 to vector<16xi32>
        %select_n3A_1873 = arith.select %and3A_1870, %sub3A_1863, %broadcast_in_dim3A_1872 : vector<16xi1>, vector<16xi32>
        %swap3A_1874 = arith.constant 1 : i32
        %swap3A_1875 = arith.index_cast %swap3A_1874 : i32 to index
        %swap3A_1876 = arith.constant 48 : index
        %swap3A_1877 = tpu.vector_load %arg6[%swap3A_1875, %swap3A_1876] {strides = array<i32>} : memref<10x80xi32, #tpu.memory_space<vmem>>, vector<1x16xi32>,
        %swap3A_1878 = vector.shape_cast %swap3A_1877 : vector<1x16xi32> to vector<16xi32>
        %swap3A_1879 = vector.shape_cast %select_n3A_1873 : vector<16xi32> to vector<1x16xi32>
        tpu.vector_store %arg6[%swap3A_1875, %swap3A_1876], %swap3A_1879 {strides = array<i32>} : memref<10x80xi32, #tpu.memory_space<vmem>>, vector<1x16xi32>,
        %get3A_1880 = arith.constant 1 : i32
        %get3A_1881 = arith.index_cast %get3A_1880 : i32 to index
        %get3A_1882 = arith.constant 144 : index
        %get3A_1883 = tpu.vector_load %arg5[%get3A_1881, %get3A_1882] {strides = array<i32>} : memref<2x800xi32, #tpu.memory_space<vmem>>, vector<1x16xi32>,
        %get3A_1884 = vector.shape_cast %get3A_1883 : vector<1x16xi32> to vector<16xi32>
        %sub3A_1885 = vector.broadcast %mul3A_0 : i32 to vector<16xi32>
        %sub3A_1886 = arith.subi %get3A_1884, %sub3A_1885 : vector<16xi32>
        %ge3A_1887 = arith.constant 0 : i32
        %ge3A_1888 = vector.broadcast %ge3A_1887 : i32 to vector<16xi32>
        %ge3A_1889 = arith.cmpi sge, %sub3A_1886, %ge3A_1888 : vector<16xi32>
        %lt3A_1890 = arith.constant 50000 : i32
        %lt3A_1891 = vector.broadcast %lt3A_1890 : i32 to vector<16xi32>
        %lt3A_1892 = arith.cmpi slt, %sub3A_1886, %lt3A_1891 : vector<16xi32>
        %and3A_1893 = arith.andi %ge3A_1889, %lt3A_1892 : vector<16xi1>
        %jit3A_1894 = arith.constant 50000 : i32
        %broadcast_in_dim3A_1895 = vector.broadcast %jit3A_1894 : i32 to vector<16xi32>
        %select_n3A_1896 = arith.select %and3A_1893, %sub3A_1886, %broadcast_in_dim3A_1895 : vector<16xi1>, vector<16xi32>
        %swap3A_1897 = arith.constant 1 : i32
        %swap3A_1898 = arith.index_cast %swap3A_1897 : i32 to index
        %swap3A_1899 = arith.constant 64 : index
        %swap3A_1900 = tpu.vector_load %arg6[%swap3A_1898, %swap3A_1899] {strides = array<i32>} : memref<10x80xi32, #tpu.memory_space<vmem>>, vector<1x16xi32>,
        %swap3A_1901 = vector.shape_cast %swap3A_1900 : vector<1x16xi32> to vector<16xi32>
        %swap3A_1902 = vector.shape_cast %select_n3A_1896 : vector<16xi32> to vector<1x16xi32>
        tpu.vector_store %arg6[%swap3A_1898, %swap3A_1899], %swap3A_1902 {strides = array<i32>} : memref<10x80xi32, #tpu.memory_space<vmem>>, vector<1x16xi32>,
        %get3A_1903 = arith.constant 1 : i32
        %get3A_1904 = arith.index_cast %get3A_1903 : i32 to index
        %get3A_1905 = arith.constant 160 : index
        %get3A_1906 = tpu.vector_load %arg5[%get3A_1904, %get3A_1905] {strides = array<i32>} : memref<2x800xi32, #tpu.memory_space<vmem>>, vector<1x16xi32>,
        %get3A_1907 = vector.shape_cast %get3A_1906 : vector<1x16xi32> to vector<16xi32>
        %sub3A_1908 = vector.broadcast %mul3A_0 : i32 to vector<16xi32>
        %sub3A_1909 = arith.subi %get3A_1907, %sub3A_1908 : vector<16xi32>
        %ge3A_1910 = arith.constant 0 : i32
        %ge3A_1911 = vector.broadcast %ge3A_1910 : i32 to vector<16xi32>
        %ge3A_1912 = arith.cmpi sge, %sub3A_1909, %ge3A_1911 : vector<16xi32>
        %lt3A_1913 = arith.constant 50000 : i32
        %lt3A_1914 = vector.broadcast %lt3A_1913 : i32 to vector<16xi32>
        %lt3A_1915 = arith.cmpi slt, %sub3A_1909, %lt3A_1914 : vector<16xi32>
        %and3A_1916 = arith.andi %ge3A_1912, %lt3A_1915 : vector<16xi1>
        %jit3A_1917 = arith.constant 50000 : i32
        %broadcast_in_dim3A_1918 = vector.broadcast %jit3A_1917 : i32 to vector<16xi32>
        %select_n3A_1919 = arith.select %and3A_1916, %sub3A_1909, %broadcast_in_dim3A_1918 : vector<16xi1>, vector<16xi32>
        %swap3A_1920 = arith.constant 2 : i32
        %swap3A_1921 = arith.index_cast %swap3A_1920 : i32 to index
        %swap3A_1922 = arith.constant 0 : index
        %swap3A_1923 = tpu.vector_load %arg6[%swap3A_1921, %swap3A_1922] {strides = array<i32>} : memref<10x80xi32, #tpu.memory_space<vmem>>, vector<1x16xi32>,
        %swap3A_1924 = vector.shape_cast %swap3A_1923 : vector<1x16xi32> to vector<16xi32>
        %swap3A_1925 = vector.shape_cast %select_n3A_1919 : vector<16xi32> to vector<1x16xi32>
        tpu.vector_store %arg6[%swap3A_1921, %swap3A_1922], %swap3A_1925 {strides = array<i32>} : memref<10x80xi32, #tpu.memory_space<vmem>>, vector<1x16xi32>,
        %get3A_1926 = arith.constant 1 : i32
        %get3A_1927 = arith.index_cast %get3A_1926 : i32 to index
        %get3A_1928 = arith.constant 176 : index
        %get3A_1929 = tpu.vector_load %arg5[%get3A_1927, %get3A_1928] {strides = array<i32>} : memref<2x800xi32, #tpu.memory_space<vmem>>, vector<1x16xi32>,
        %get3A_1930 = vector.shape_cast %get3A_1929 : vector<1x16xi32> to vector<16xi32>
        %sub3A_1931 = vector.broadcast %mul3A_0 : i32 to vector<16xi32>
        %sub3A_1932 = arith.subi %get3A_1930, %sub3A_1931 : vector<16xi32>
        %ge3A_1933 = arith.constant 0 : i32
        %ge3A_1934 = vector.broadcast %ge3A_1933 : i32 to vector<16xi32>
        %ge3A_1935 = arith.cmpi sge, %sub3A_1932, %ge3A_1934 : vector<16xi32>
        %lt3A_1936 = arith.constant 50000 : i32
        %lt3A_1937 = vector.broadcast %lt3A_1936 : i32 to vector<16xi32>
        %lt3A_1938 = arith.cmpi slt, %sub3A_1932, %lt3A_1937 : vector<16xi32>
        %and3A_1939 = arith.andi %ge3A_1935, %lt3A_1938 : vector<16xi1>
        %jit3A_1940 = arith.constant 50000 : i32
        %broadcast_in_dim3A_1941 = vector.broadcast %jit3A_1940 : i32 to vector<16xi32>
        %select_n3A_1942 = arith.select %and3A_1939, %sub3A_1932, %broadcast_in_dim3A_1941 : vector<16xi1>, vector<16xi32>
        %swap3A_1943 = arith.constant 2 : i32
        %swap3A_1944 = arith.index_cast %swap3A_1943 : i32 to index
        %swap3A_1945 = arith.constant 16 : index
        %swap3A_1946 = tpu.vector_load %arg6[%swap3A_1944, %swap3A_1945] {strides = array<i32>} : memref<10x80xi32, #tpu.memory_space<vmem>>, vector<1x16xi32>,
        %swap3A_1947 = vector.shape_cast %swap3A_1946 : vector<1x16xi32> to vector<16xi32>
        %swap3A_1948 = vector.shape_cast %select_n3A_1942 : vector<16xi32> to vector<1x16xi32>
        tpu.vector_store %arg6[%swap3A_1944, %swap3A_1945], %swap3A_1948 {strides = array<i32>} : memref<10x80xi32, #tpu.memory_space<vmem>>, vector<1x16xi32>,
        %get3A_1949 = arith.constant 1 : i32
        %get3A_1950 = arith.index_cast %get3A_1949 : i32 to index
        %get3A_1951 = arith.constant 192 : index
        %get3A_1952 = tpu.vector_load %arg5[%get3A_1950, %get3A_1951] {strides = array<i32>} : memref<2x800xi32, #tpu.memory_space<vmem>>, vector<1x16xi32>,
        %get3A_1953 = vector.shape_cast %get3A_1952 : vector<1x16xi32> to vector<16xi32>
        %sub3A_1954 = vector.broadcast %mul3A_0 : i32 to vector<16xi32>
        %sub3A_1955 = arith.subi %get3A_1953, %sub3A_1954 : vector<16xi32>
        %ge3A_1956 = arith.constant 0 : i32
        %ge3A_1957 = vector.broadcast %ge3A_1956 : i32 to vector<16xi32>
        %ge3A_1958 = arith.cmpi sge, %sub3A_1955, %ge3A_1957 : vector<16xi32>
        %lt3A_1959 = arith.constant 50000 : i32
        %lt3A_1960 = vector.broadcast %lt3A_1959 : i32 to vector<16xi32>
        %lt3A_1961 = arith.cmpi slt, %sub3A_1955, %lt3A_1960 : vector<16xi32>
        %and3A_1962 = arith.andi %ge3A_1958, %lt3A_1961 : vector<16xi1>
        %jit3A_1963 = arith.constant 50000 : i32
        %broadcast_in_dim3A_1964 = vector.broadcast %jit3A_1963 : i32 to vector<16xi32>
        %select_n3A_1965 = arith.select %and3A_1962, %sub3A_1955, %broadcast_in_dim3A_1964 : vector<16xi1>, vector<16xi32>
        %swap3A_1966 = arith.constant 2 : i32
        %swap3A_1967 = arith.index_cast %swap3A_1966 : i32 to index
        %swap3A_1968 = arith.constant 32 : index
        %swap3A_1969 = tpu.vector_load %arg6[%swap3A_1967, %swap3A_1968] {strides = array<i32>} : memref<10x80xi32, #tpu.memory_space<vmem>>, vector<1x16xi32>,
        %swap3A_1970 = vector.shape_cast %swap3A_1969 : vector<1x16xi32> to vector<16xi32>
        %swap3A_1971 = vector.shape_cast %select_n3A_1965 : vector<16xi32> to vector<1x16xi32>
        tpu.vector_store %arg6[%swap3A_1967, %swap3A_1968], %swap3A_1971 {strides = array<i32>} : memref<10x80xi32, #tpu.memory_space<vmem>>, vector<1x16xi32>,
        %get3A_1972 = arith.constant 1 : i32
        %get3A_1973 = arith.index_cast %get3A_1972 : i32 to index
        %get3A_1974 = arith.constant 208 : index
        %get3A_1975 = tpu.vector_load %arg5[%get3A_1973, %get3A_1974] {strides = array<i32>} : memref<2x800xi32, #tpu.memory_space<vmem>>, vector<1x16xi32>,
        %get3A_1976 = vector.shape_cast %get3A_1975 : vector<1x16xi32> to vector<16xi32>
        %sub3A_1977 = vector.broadcast %mul3A_0 : i32 to vector<16xi32>
        %sub3A_1978 = arith.subi %get3A_1976, %sub3A_1977 : vector<16xi32>
        %ge3A_1979 = arith.constant 0 : i32
        %ge3A_1980 = vector.broadcast %ge3A_1979 : i32 to vector<16xi32>
        %ge3A_1981 = arith.cmpi sge, %sub3A_1978, %ge3A_1980 : vector<16xi32>
        %lt3A_1982 = arith.constant 50000 : i32
        %lt3A_1983 = vector.broadcast %lt3A_1982 : i32 to vector<16xi32>
        %lt3A_1984 = arith.cmpi slt, %sub3A_1978, %lt3A_1983 : vector<16xi32>
        %and3A_1985 = arith.andi %ge3A_1981, %lt3A_1984 : vector<16xi1>
        %jit3A_1986 = arith.constant 50000 : i32
        %broadcast_in_dim3A_1987 = vector.broadcast %jit3A_1986 : i32 to vector<16xi32>
        %select_n3A_1988 = arith.select %and3A_1985, %sub3A_1978, %broadcast_in_dim3A_1987 : vector<16xi1>, vector<16xi32>
        %swap3A_1989 = arith.constant 2 : i32
        %swap3A_1990 = arith.index_cast %swap3A_1989 : i32 to index
        %swap3A_1991 = arith.constant 48 : index
        %swap3A_1992 = tpu.vector_load %arg6[%swap3A_1990, %swap3A_1991] {strides = array<i32>} : memref<10x80xi32, #tpu.memory_space<vmem>>, vector<1x16xi32>,
        %swap3A_1993 = vector.shape_cast %swap3A_1992 : vector<1x16xi32> to vector<16xi32>
        %swap3A_1994 = vector.shape_cast %select_n3A_1988 : vector<16xi32> to vector<1x16xi32>
        tpu.vector_store %arg6[%swap3A_1990, %swap3A_1991], %swap3A_1994 {strides = array<i32>} : memref<10x80xi32, #tpu.memory_space<vmem>>, vector<1x16xi32>,
        %get3A_1995 = arith.constant 1 : i32
        %get3A_1996 = arith.index_cast %get3A_1995 : i32 to index
        %get3A_1997 = arith.constant 224 : index
        %get3A_1998 = tpu.vector_load %arg5[%get3A_1996, %get3A_1997] {strides = array<i32>} : memref<2x800xi32, #tpu.memory_space<vmem>>, vector<1x16xi32>,
        %get3A_1999 = vector.shape_cast %get3A_1998 : vector<1x16xi32> to vector<16xi32>
        %sub3A_2000 = vector.broadcast %mul3A_0 : i32 to vector<16xi32>
        %sub3A_2001 = arith.subi %get3A_1999, %sub3A_2000 : vector<16xi32>
        %ge3A_2002 = arith.constant 0 : i32
        %ge3A_2003 = vector.broadcast %ge3A_2002 : i32 to vector<16xi32>
        %ge3A_2004 = arith.cmpi sge, %sub3A_2001, %ge3A_2003 : vector<16xi32>
        %lt3A_2005 = arith.constant 50000 : i32
        %lt3A_2006 = vector.broadcast %lt3A_2005 : i32 to vector<16xi32>
        %lt3A_2007 = arith.cmpi slt, %sub3A_2001, %lt3A_2006 : vector<16xi32>
        %and3A_2008 = arith.andi %ge3A_2004, %lt3A_2007 : vector<16xi1>
        %jit3A_2009 = arith.constant 50000 : i32
        %broadcast_in_dim3A_2010 = vector.broadcast %jit3A_2009 : i32 to vector<16xi32>
        %select_n3A_2011 = arith.select %and3A_2008, %sub3A_2001, %broadcast_in_dim3A_2010 : vector<16xi1>, vector<16xi32>
        %swap3A_2012 = arith.constant 2 : i32
        %swap3A_2013 = arith.index_cast %swap3A_2012 : i32 to index
        %swap3A_2014 = arith.constant 64 : index
        %swap3A_2015 = tpu.vector_load %arg6[%swap3A_2013, %swap3A_2014] {strides = array<i32>} : memref<10x80xi32, #tpu.memory_space<vmem>>, vector<1x16xi32>,
        %swap3A_2016 = vector.shape_cast %swap3A_2015 : vector<1x16xi32> to vector<16xi32>
        %swap3A_2017 = vector.shape_cast %select_n3A_2011 : vector<16xi32> to vector<1x16xi32>
        tpu.vector_store %arg6[%swap3A_2013, %swap3A_2014], %swap3A_2017 {strides = array<i32>} : memref<10x80xi32, #tpu.memory_space<vmem>>, vector<1x16xi32>,
        %get3A_2018 = arith.constant 1 : i32
        %get3A_2019 = arith.index_cast %get3A_2018 : i32 to index
        %get3A_2020 = arith.constant 240 : index
        %get3A_2021 = tpu.vector_load %arg5[%get3A_2019, %get3A_2020] {strides = array<i32>} : memref<2x800xi32, #tpu.memory_space<vmem>>, vector<1x16xi32>,
        %get3A_2022 = vector.shape_cast %get3A_2021 : vector<1x16xi32> to vector<16xi32>
        %sub3A_2023 = vector.broadcast %mul3A_0 : i32 to vector<16xi32>
        %sub3A_2024 = arith.subi %get3A_2022, %sub3A_2023 : vector<16xi32>
        %ge3A_2025 = arith.constant 0 : i32
        %ge3A_2026 = vector.broadcast %ge3A_2025 : i32 to vector<16xi32>
        %ge3A_2027 = arith.cmpi sge, %sub3A_2024, %ge3A_2026 : vector<16xi32>
        %lt3A_2028 = arith.constant 50000 : i32
        %lt3A_2029 = vector.broadcast %lt3A_2028 : i32 to vector<16xi32>
        %lt3A_2030 = arith.cmpi slt, %sub3A_2024, %lt3A_2029 : vector<16xi32>
        %and3A_2031 = arith.andi %ge3A_2027, %lt3A_2030 : vector<16xi1>
        %jit3A_2032 = arith.constant 50000 : i32
        %broadcast_in_dim3A_2033 = vector.broadcast %jit3A_2032 : i32 to vector<16xi32>
        %select_n3A_2034 = arith.select %and3A_2031, %sub3A_2024, %broadcast_in_dim3A_2033 : vector<16xi1>, vector<16xi32>
        %swap3A_2035 = arith.constant 3 : i32
        %swap3A_2036 = arith.index_cast %swap3A_2035 : i32 to index
        %swap3A_2037 = arith.constant 0 : index
        %swap3A_2038 = tpu.vector_load %arg6[%swap3A_2036, %swap3A_2037] {strides = array<i32>} : memref<10x80xi32, #tpu.memory_space<vmem>>, vector<1x16xi32>,
        %swap3A_2039 = vector.shape_cast %swap3A_2038 : vector<1x16xi32> to vector<16xi32>
        %swap3A_2040 = vector.shape_cast %select_n3A_2034 : vector<16xi32> to vector<1x16xi32>
        tpu.vector_store %arg6[%swap3A_2036, %swap3A_2037], %swap3A_2040 {strides = array<i32>} : memref<10x80xi32, #tpu.memory_space<vmem>>, vector<1x16xi32>,
        %get3A_2041 = arith.constant 1 : i32
        %get3A_2042 = arith.index_cast %get3A_2041 : i32 to index
        %get3A_2043 = arith.constant 256 : index
        %get3A_2044 = tpu.vector_load %arg5[%get3A_2042, %get3A_2043] {strides = array<i32>} : memref<2x800xi32, #tpu.memory_space<vmem>>, vector<1x16xi32>,
        %get3A_2045 = vector.shape_cast %get3A_2044 : vector<1x16xi32> to vector<16xi32>
        %sub3A_2046 = vector.broadcast %mul3A_0 : i32 to vector<16xi32>
        %sub3A_2047 = arith.subi %get3A_2045, %sub3A_2046 : vector<16xi32>
        %ge3A_2048 = arith.constant 0 : i32
        %ge3A_2049 = vector.broadcast %ge3A_2048 : i32 to vector<16xi32>
        %ge3A_2050 = arith.cmpi sge, %sub3A_2047, %ge3A_2049 : vector<16xi32>
        %lt3A_2051 = arith.constant 50000 : i32
        %lt3A_2052 = vector.broadcast %lt3A_2051 : i32 to vector<16xi32>
        %lt3A_2053 = arith.cmpi slt, %sub3A_2047, %lt3A_2052 : vector<16xi32>
        %and3A_2054 = arith.andi %ge3A_2050, %lt3A_2053 : vector<16xi1>
        %jit3A_2055 = arith.constant 50000 : i32
        %broadcast_in_dim3A_2056 = vector.broadcast %jit3A_2055 : i32 to vector<16xi32>
        %select_n3A_2057 = arith.select %and3A_2054, %sub3A_2047, %broadcast_in_dim3A_2056 : vector<16xi1>, vector<16xi32>
        %swap3A_2058 = arith.constant 3 : i32
        %swap3A_2059 = arith.index_cast %swap3A_2058 : i32 to index
        %swap3A_2060 = arith.constant 16 : index
        %swap3A_2061 = tpu.vector_load %arg6[%swap3A_2059, %swap3A_2060] {strides = array<i32>} : memref<10x80xi32, #tpu.memory_space<vmem>>, vector<1x16xi32>,
        %swap3A_2062 = vector.shape_cast %swap3A_2061 : vector<1x16xi32> to vector<16xi32>
        %swap3A_2063 = vector.shape_cast %select_n3A_2057 : vector<16xi32> to vector<1x16xi32>
        tpu.vector_store %arg6[%swap3A_2059, %swap3A_2060], %swap3A_2063 {strides = array<i32>} : memref<10x80xi32, #tpu.memory_space<vmem>>, vector<1x16xi32>,
        %get3A_2064 = arith.constant 1 : i32
        %get3A_2065 = arith.index_cast %get3A_2064 : i32 to index
        %get3A_2066 = arith.constant 272 : index
        %get3A_2067 = tpu.vector_load %arg5[%get3A_2065, %get3A_2066] {strides = array<i32>} : memref<2x800xi32, #tpu.memory_space<vmem>>, vector<1x16xi32>,
        %get3A_2068 = vector.shape_cast %get3A_2067 : vector<1x16xi32> to vector<16xi32>
        %sub3A_2069 = vector.broadcast %mul3A_0 : i32 to vector<16xi32>
        %sub3A_2070 = arith.subi %get3A_2068, %sub3A_2069 : vector<16xi32>
        %ge3A_2071 = arith.constant 0 : i32
        %ge3A_2072 = vector.broadcast %ge3A_2071 : i32 to vector<16xi32>
        %ge3A_2073 = arith.cmpi sge, %sub3A_2070, %ge3A_2072 : vector<16xi32>
        %lt3A_2074 = arith.constant 50000 : i32
        %lt3A_2075 = vector.broadcast %lt3A_2074 : i32 to vector<16xi32>
        %lt3A_2076 = arith.cmpi slt, %sub3A_2070, %lt3A_2075 : vector<16xi32>
        %and3A_2077 = arith.andi %ge3A_2073, %lt3A_2076 : vector<16xi1>
        %jit3A_2078 = arith.constant 50000 : i32
        %broadcast_in_dim3A_2079 = vector.broadcast %jit3A_2078 : i32 to vector<16xi32>
        %select_n3A_2080 = arith.select %and3A_2077, %sub3A_2070, %broadcast_in_dim3A_2079 : vector<16xi1>, vector<16xi32>
        %swap3A_2081 = arith.constant 3 : i32
        %swap3A_2082 = arith.index_cast %swap3A_2081 : i32 to index
        %swap3A_2083 = arith.constant 32 : index
        %swap3A_2084 = tpu.vector_load %arg6[%swap3A_2082, %swap3A_2083] {strides = array<i32>} : memref<10x80xi32, #tpu.memory_space<vmem>>, vector<1x16xi32>,
        %swap3A_2085 = vector.shape_cast %swap3A_2084 : vector<1x16xi32> to vector<16xi32>
        %swap3A_2086 = vector.shape_cast %select_n3A_2080 : vector<16xi32> to vector<1x16xi32>
        tpu.vector_store %arg6[%swap3A_2082, %swap3A_2083], %swap3A_2086 {strides = array<i32>} : memref<10x80xi32, #tpu.memory_space<vmem>>, vector<1x16xi32>,
        %get3A_2087 = arith.constant 1 : i32
        %get3A_2088 = arith.index_cast %get3A_2087 : i32 to index
        %get3A_2089 = arith.constant 288 : index
        %get3A_2090 = tpu.vector_load %arg5[%get3A_2088, %get3A_2089] {strides = array<i32>} : memref<2x800xi32, #tpu.memory_space<vmem>>, vector<1x16xi32>,
        %get3A_2091 = vector.shape_cast %get3A_2090 : vector<1x16xi32> to vector<16xi32>
        %sub3A_2092 = vector.broadcast %mul3A_0 : i32 to vector<16xi32>
        %sub3A_2093 = arith.subi %get3A_2091, %sub3A_2092 : vector<16xi32>
        %ge3A_2094 = arith.constant 0 : i32
        %ge3A_2095 = vector.broadcast %ge3A_2094 : i32 to vector<16xi32>
        %ge3A_2096 = arith.cmpi sge, %sub3A_2093, %ge3A_2095 : vector<16xi32>
        %lt3A_2097 = arith.constant 50000 : i32
        %lt3A_2098 = vector.broadcast %lt3A_2097 : i32 to vector<16xi32>
        %lt3A_2099 = arith.cmpi slt, %sub3A_2093, %lt3A_2098 : vector<16xi32>
        %and3A_2100 = arith.andi %ge3A_2096, %lt3A_2099 : vector<16xi1>
        %jit3A_2101 = arith.constant 50000 : i32
        %broadcast_in_dim3A_2102 = vector.broadcast %jit3A_2101 : i32 to vector<16xi32>
        %select_n3A_2103 = arith.select %and3A_2100, %sub3A_2093, %broadcast_in_dim3A_2102 : vector<16xi1>, vector<16xi32>
        %swap3A_2104 = arith.constant 3 : i32
        %swap3A_2105 = arith.index_cast %swap3A_2104 : i32 to index
        %swap3A_2106 = arith.constant 48 : index
        %swap3A_2107 = tpu.vector_load %arg6[%swap3A_2105, %swap3A_2106] {strides = array<i32>} : memref<10x80xi32, #tpu.memory_space<vmem>>, vector<1x16xi32>,
        %swap3A_2108 = vector.shape_cast %swap3A_2107 : vector<1x16xi32> to vector<16xi32>
        %swap3A_2109 = vector.shape_cast %select_n3A_2103 : vector<16xi32> to vector<1x16xi32>
        tpu.vector_store %arg6[%swap3A_2105, %swap3A_2106], %swap3A_2109 {strides = array<i32>} : memref<10x80xi32, #tpu.memory_space<vmem>>, vector<1x16xi32>,
        %get3A_2110 = arith.constant 1 : i32
        %get3A_2111 = arith.index_cast %get3A_2110 : i32 to index
        %get3A_2112 = arith.constant 304 : index
        %get3A_2113 = tpu.vector_load %arg5[%get3A_2111, %get3A_2112] {strides = array<i32>} : memref<2x800xi32, #tpu.memory_space<vmem>>, vector<1x16xi32>,
        %get3A_2114 = vector.shape_cast %get3A_2113 : vector<1x16xi32> to vector<16xi32>
        %sub3A_2115 = vector.broadcast %mul3A_0 : i32 to vector<16xi32>
        %sub3A_2116 = arith.subi %get3A_2114, %sub3A_2115 : vector<16xi32>
        %ge3A_2117 = arith.constant 0 : i32
        %ge3A_2118 = vector.broadcast %ge3A_2117 : i32 to vector<16xi32>
        %ge3A_2119 = arith.cmpi sge, %sub3A_2116, %ge3A_2118 : vector<16xi32>
        %lt3A_2120 = arith.constant 50000 : i32
        %lt3A_2121 = vector.broadcast %lt3A_2120 : i32 to vector<16xi32>
        %lt3A_2122 = arith.cmpi slt, %sub3A_2116, %lt3A_2121 : vector<16xi32>
        %and3A_2123 = arith.andi %ge3A_2119, %lt3A_2122 : vector<16xi1>
        %jit3A_2124 = arith.constant 50000 : i32
        %broadcast_in_dim3A_2125 = vector.broadcast %jit3A_2124 : i32 to vector<16xi32>
        %select_n3A_2126 = arith.select %and3A_2123, %sub3A_2116, %broadcast_in_dim3A_2125 : vector<16xi1>, vector<16xi32>
        %swap3A_2127 = arith.constant 3 : i32
        %swap3A_2128 = arith.index_cast %swap3A_2127 : i32 to index
        %swap3A_2129 = arith.constant 64 : index
        %swap3A_2130 = tpu.vector_load %arg6[%swap3A_2128, %swap3A_2129] {strides = array<i32>} : memref<10x80xi32, #tpu.memory_space<vmem>>, vector<1x16xi32>,
        %swap3A_2131 = vector.shape_cast %swap3A_2130 : vector<1x16xi32> to vector<16xi32>
        %swap3A_2132 = vector.shape_cast %select_n3A_2126 : vector<16xi32> to vector<1x16xi32>
        tpu.vector_store %arg6[%swap3A_2128, %swap3A_2129], %swap3A_2132 {strides = array<i32>} : memref<10x80xi32, #tpu.memory_space<vmem>>, vector<1x16xi32>,
        %get3A_2133 = arith.constant 1 : i32
        %get3A_2134 = arith.index_cast %get3A_2133 : i32 to index
        %get3A_2135 = arith.constant 320 : index
        %get3A_2136 = tpu.vector_load %arg5[%get3A_2134, %get3A_2135] {strides = array<i32>} : memref<2x800xi32, #tpu.memory_space<vmem>>, vector<1x16xi32>,
        %get3A_2137 = vector.shape_cast %get3A_2136 : vector<1x16xi32> to vector<16xi32>
        %sub3A_2138 = vector.broadcast %mul3A_0 : i32 to vector<16xi32>
        %sub3A_2139 = arith.subi %get3A_2137, %sub3A_2138 : vector<16xi32>
        %ge3A_2140 = arith.constant 0 : i32
        %ge3A_2141 = vector.broadcast %ge3A_2140 : i32 to vector<16xi32>
        %ge3A_2142 = arith.cmpi sge, %sub3A_2139, %ge3A_2141 : vector<16xi32>
        %lt3A_2143 = arith.constant 50000 : i32
        %lt3A_2144 = vector.broadcast %lt3A_2143 : i32 to vector<16xi32>
        %lt3A_2145 = arith.cmpi slt, %sub3A_2139, %lt3A_2144 : vector<16xi32>
        %and3A_2146 = arith.andi %ge3A_2142, %lt3A_2145 : vector<16xi1>
        %jit3A_2147 = arith.constant 50000 : i32
        %broadcast_in_dim3A_2148 = vector.broadcast %jit3A_2147 : i32 to vector<16xi32>
        %select_n3A_2149 = arith.select %and3A_2146, %sub3A_2139, %broadcast_in_dim3A_2148 : vector<16xi1>, vector<16xi32>
        %swap3A_2150 = arith.constant 4 : i32
        %swap3A_2151 = arith.index_cast %swap3A_2150 : i32 to index
        %swap3A_2152 = arith.constant 0 : index
        %swap3A_2153 = tpu.vector_load %arg6[%swap3A_2151, %swap3A_2152] {strides = array<i32>} : memref<10x80xi32, #tpu.memory_space<vmem>>, vector<1x16xi32>,
        %swap3A_2154 = vector.shape_cast %swap3A_2153 : vector<1x16xi32> to vector<16xi32>
        %swap3A_2155 = vector.shape_cast %select_n3A_2149 : vector<16xi32> to vector<1x16xi32>
        tpu.vector_store %arg6[%swap3A_2151, %swap3A_2152], %swap3A_2155 {strides = array<i32>} : memref<10x80xi32, #tpu.memory_space<vmem>>, vector<1x16xi32>,
        %get3A_2156 = arith.constant 1 : i32
        %get3A_2157 = arith.index_cast %get3A_2156 : i32 to index
        %get3A_2158 = arith.constant 336 : index
        %get3A_2159 = tpu.vector_load %arg5[%get3A_2157, %get3A_2158] {strides = array<i32>} : memref<2x800xi32, #tpu.memory_space<vmem>>, vector<1x16xi32>,
        %get3A_2160 = vector.shape_cast %get3A_2159 : vector<1x16xi32> to vector<16xi32>
        %sub3A_2161 = vector.broadcast %mul3A_0 : i32 to vector<16xi32>
        %sub3A_2162 = arith.subi %get3A_2160, %sub3A_2161 : vector<16xi32>
        %ge3A_2163 = arith.constant 0 : i32
        %ge3A_2164 = vector.broadcast %ge3A_2163 : i32 to vector<16xi32>
        %ge3A_2165 = arith.cmpi sge, %sub3A_2162, %ge3A_2164 : vector<16xi32>
        %lt3A_2166 = arith.constant 50000 : i32
        %lt3A_2167 = vector.broadcast %lt3A_2166 : i32 to vector<16xi32>
        %lt3A_2168 = arith.cmpi slt, %sub3A_2162, %lt3A_2167 : vector<16xi32>
        %and3A_2169 = arith.andi %ge3A_2165, %lt3A_2168 : vector<16xi1>
        %jit3A_2170 = arith.constant 50000 : i32
        %broadcast_in_dim3A_2171 = vector.broadcast %jit3A_2170 : i32 to vector<16xi32>
        %select_n3A_2172 = arith.select %and3A_2169, %sub3A_2162, %broadcast_in_dim3A_2171 : vector<16xi1>, vector<16xi32>
        %swap3A_2173 = arith.constant 4 : i32
        %swap3A_2174 = arith.index_cast %swap3A_2173 : i32 to index
        %swap3A_2175 = arith.constant 16 : index
        %swap3A_2176 = tpu.vector_load %arg6[%swap3A_2174, %swap3A_2175] {strides = array<i32>} : memref<10x80xi32, #tpu.memory_space<vmem>>, vector<1x16xi32>,
        %swap3A_2177 = vector.shape_cast %swap3A_2176 : vector<1x16xi32> to vector<16xi32>
        %swap3A_2178 = vector.shape_cast %select_n3A_2172 : vector<16xi32> to vector<1x16xi32>
        tpu.vector_store %arg6[%swap3A_2174, %swap3A_2175], %swap3A_2178 {strides = array<i32>} : memref<10x80xi32, #tpu.memory_space<vmem>>, vector<1x16xi32>,
        %get3A_2179 = arith.constant 1 : i32
        %get3A_2180 = arith.index_cast %get3A_2179 : i32 to index
        %get3A_2181 = arith.constant 352 : index
        %get3A_2182 = tpu.vector_load %arg5[%get3A_2180, %get3A_2181] {strides = array<i32>} : memref<2x800xi32, #tpu.memory_space<vmem>>, vector<1x16xi32>,
        %get3A_2183 = vector.shape_cast %get3A_2182 : vector<1x16xi32> to vector<16xi32>
        %sub3A_2184 = vector.broadcast %mul3A_0 : i32 to vector<16xi32>
        %sub3A_2185 = arith.subi %get3A_2183, %sub3A_2184 : vector<16xi32>
        %ge3A_2186 = arith.constant 0 : i32
        %ge3A_2187 = vector.broadcast %ge3A_2186 : i32 to vector<16xi32>
        %ge3A_2188 = arith.cmpi sge, %sub3A_2185, %ge3A_2187 : vector<16xi32>
        %lt3A_2189 = arith.constant 50000 : i32
        %lt3A_2190 = vector.broadcast %lt3A_2189 : i32 to vector<16xi32>
        %lt3A_2191 = arith.cmpi slt, %sub3A_2185, %lt3A_2190 : vector<16xi32>
        %and3A_2192 = arith.andi %ge3A_2188, %lt3A_2191 : vector<16xi1>
        %jit3A_2193 = arith.constant 50000 : i32
        %broadcast_in_dim3A_2194 = vector.broadcast %jit3A_2193 : i32 to vector<16xi32>
        %select_n3A_2195 = arith.select %and3A_2192, %sub3A_2185, %broadcast_in_dim3A_2194 : vector<16xi1>, vector<16xi32>
        %swap3A_2196 = arith.constant 4 : i32
        %swap3A_2197 = arith.index_cast %swap3A_2196 : i32 to index
        %swap3A_2198 = arith.constant 32 : index
        %swap3A_2199 = tpu.vector_load %arg6[%swap3A_2197, %swap3A_2198] {strides = array<i32>} : memref<10x80xi32, #tpu.memory_space<vmem>>, vector<1x16xi32>,
        %swap3A_2200 = vector.shape_cast %swap3A_2199 : vector<1x16xi32> to vector<16xi32>
        %swap3A_2201 = vector.shape_cast %select_n3A_2195 : vector<16xi32> to vector<1x16xi32>
        tpu.vector_store %arg6[%swap3A_2197, %swap3A_2198], %swap3A_2201 {strides = array<i32>} : memref<10x80xi32, #tpu.memory_space<vmem>>, vector<1x16xi32>,
        %get3A_2202 = arith.constant 1 : i32
        %get3A_2203 = arith.index_cast %get3A_2202 : i32 to index
        %get3A_2204 = arith.constant 368 : index
        %get3A_2205 = tpu.vector_load %arg5[%get3A_2203, %get3A_2204] {strides = array<i32>} : memref<2x800xi32, #tpu.memory_space<vmem>>, vector<1x16xi32>,
        %get3A_2206 = vector.shape_cast %get3A_2205 : vector<1x16xi32> to vector<16xi32>
        %sub3A_2207 = vector.broadcast %mul3A_0 : i32 to vector<16xi32>
        %sub3A_2208 = arith.subi %get3A_2206, %sub3A_2207 : vector<16xi32>
        %ge3A_2209 = arith.constant 0 : i32
        %ge3A_2210 = vector.broadcast %ge3A_2209 : i32 to vector<16xi32>
        %ge3A_2211 = arith.cmpi sge, %sub3A_2208, %ge3A_2210 : vector<16xi32>
        %lt3A_2212 = arith.constant 50000 : i32
        %lt3A_2213 = vector.broadcast %lt3A_2212 : i32 to vector<16xi32>
        %lt3A_2214 = arith.cmpi slt, %sub3A_2208, %lt3A_2213 : vector<16xi32>
        %and3A_2215 = arith.andi %ge3A_2211, %lt3A_2214 : vector<16xi1>
        %jit3A_2216 = arith.constant 50000 : i32
        %broadcast_in_dim3A_2217 = vector.broadcast %jit3A_2216 : i32 to vector<16xi32>
        %select_n3A_2218 = arith.select %and3A_2215, %sub3A_2208, %broadcast_in_dim3A_2217 : vector<16xi1>, vector<16xi32>
        %swap3A_2219 = arith.constant 4 : i32
        %swap3A_2220 = arith.index_cast %swap3A_2219 : i32 to index
        %swap3A_2221 = arith.constant 48 : index
        %swap3A_2222 = tpu.vector_load %arg6[%swap3A_2220, %swap3A_2221] {strides = array<i32>} : memref<10x80xi32, #tpu.memory_space<vmem>>, vector<1x16xi32>,
        %swap3A_2223 = vector.shape_cast %swap3A_2222 : vector<1x16xi32> to vector<16xi32>
        %swap3A_2224 = vector.shape_cast %select_n3A_2218 : vector<16xi32> to vector<1x16xi32>
        tpu.vector_store %arg6[%swap3A_2220, %swap3A_2221], %swap3A_2224 {strides = array<i32>} : memref<10x80xi32, #tpu.memory_space<vmem>>, vector<1x16xi32>,
        %get3A_2225 = arith.constant 1 : i32
        %get3A_2226 = arith.index_cast %get3A_2225 : i32 to index
        %get3A_2227 = arith.constant 384 : index
        %get3A_2228 = tpu.vector_load %arg5[%get3A_2226, %get3A_2227] {strides = array<i32>} : memref<2x800xi32, #tpu.memory_space<vmem>>, vector<1x16xi32>,
        %get3A_2229 = vector.shape_cast %get3A_2228 : vector<1x16xi32> to vector<16xi32>
        %sub3A_2230 = vector.broadcast %mul3A_0 : i32 to vector<16xi32>
        %sub3A_2231 = arith.subi %get3A_2229, %sub3A_2230 : vector<16xi32>
        %ge3A_2232 = arith.constant 0 : i32
        %ge3A_2233 = vector.broadcast %ge3A_2232 : i32 to vector<16xi32>
        %ge3A_2234 = arith.cmpi sge, %sub3A_2231, %ge3A_2233 : vector<16xi32>
        %lt3A_2235 = arith.constant 50000 : i32
        %lt3A_2236 = vector.broadcast %lt3A_2235 : i32 to vector<16xi32>
        %lt3A_2237 = arith.cmpi slt, %sub3A_2231, %lt3A_2236 : vector<16xi32>
        %and3A_2238 = arith.andi %ge3A_2234, %lt3A_2237 : vector<16xi1>
        %jit3A_2239 = arith.constant 50000 : i32
        %broadcast_in_dim3A_2240 = vector.broadcast %jit3A_2239 : i32 to vector<16xi32>
        %select_n3A_2241 = arith.select %and3A_2238, %sub3A_2231, %broadcast_in_dim3A_2240 : vector<16xi1>, vector<16xi32>
        %swap3A_2242 = arith.constant 4 : i32
        %swap3A_2243 = arith.index_cast %swap3A_2242 : i32 to index
        %swap3A_2244 = arith.constant 64 : index
        %swap3A_2245 = tpu.vector_load %arg6[%swap3A_2243, %swap3A_2244] {strides = array<i32>} : memref<10x80xi32, #tpu.memory_space<vmem>>, vector<1x16xi32>,
        %swap3A_2246 = vector.shape_cast %swap3A_2245 : vector<1x16xi32> to vector<16xi32>
        %swap3A_2247 = vector.shape_cast %select_n3A_2241 : vector<16xi32> to vector<1x16xi32>
        tpu.vector_store %arg6[%swap3A_2243, %swap3A_2244], %swap3A_2247 {strides = array<i32>} : memref<10x80xi32, #tpu.memory_space<vmem>>, vector<1x16xi32>,
        %get3A_2248 = arith.constant 1 : i32
        %get3A_2249 = arith.index_cast %get3A_2248 : i32 to index
        %get3A_2250 = arith.constant 400 : index
        %get3A_2251 = tpu.vector_load %arg5[%get3A_2249, %get3A_2250] {strides = array<i32>} : memref<2x800xi32, #tpu.memory_space<vmem>>, vector<1x16xi32>,
        %get3A_2252 = vector.shape_cast %get3A_2251 : vector<1x16xi32> to vector<16xi32>
        %sub3A_2253 = vector.broadcast %mul3A_0 : i32 to vector<16xi32>
        %sub3A_2254 = arith.subi %get3A_2252, %sub3A_2253 : vector<16xi32>
        %ge3A_2255 = arith.constant 0 : i32
        %ge3A_2256 = vector.broadcast %ge3A_2255 : i32 to vector<16xi32>
        %ge3A_2257 = arith.cmpi sge, %sub3A_2254, %ge3A_2256 : vector<16xi32>
        %lt3A_2258 = arith.constant 50000 : i32
        %lt3A_2259 = vector.broadcast %lt3A_2258 : i32 to vector<16xi32>
        %lt3A_2260 = arith.cmpi slt, %sub3A_2254, %lt3A_2259 : vector<16xi32>
        %and3A_2261 = arith.andi %ge3A_2257, %lt3A_2260 : vector<16xi1>
        %jit3A_2262 = arith.constant 50000 : i32
        %broadcast_in_dim3A_2263 = vector.broadcast %jit3A_2262 : i32 to vector<16xi32>
        %select_n3A_2264 = arith.select %and3A_2261, %sub3A_2254, %broadcast_in_dim3A_2263 : vector<16xi1>, vector<16xi32>
        %swap3A_2265 = arith.constant 5 : i32
        %swap3A_2266 = arith.index_cast %swap3A_2265 : i32 to index
        %swap3A_2267 = arith.constant 0 : index
        %swap3A_2268 = tpu.vector_load %arg6[%swap3A_2266, %swap3A_2267] {strides = array<i32>} : memref<10x80xi32, #tpu.memory_space<vmem>>, vector<1x16xi32>,
        %swap3A_2269 = vector.shape_cast %swap3A_2268 : vector<1x16xi32> to vector<16xi32>
        %swap3A_2270 = vector.shape_cast %select_n3A_2264 : vector<16xi32> to vector<1x16xi32>
        tpu.vector_store %arg6[%swap3A_2266, %swap3A_2267], %swap3A_2270 {strides = array<i32>} : memref<10x80xi32, #tpu.memory_space<vmem>>, vector<1x16xi32>,
        %get3A_2271 = arith.constant 1 : i32
        %get3A_2272 = arith.index_cast %get3A_2271 : i32 to index
        %get3A_2273 = arith.constant 416 : index
        %get3A_2274 = tpu.vector_load %arg5[%get3A_2272, %get3A_2273] {strides = array<i32>} : memref<2x800xi32, #tpu.memory_space<vmem>>, vector<1x16xi32>,
        %get3A_2275 = vector.shape_cast %get3A_2274 : vector<1x16xi32> to vector<16xi32>
        %sub3A_2276 = vector.broadcast %mul3A_0 : i32 to vector<16xi32>
        %sub3A_2277 = arith.subi %get3A_2275, %sub3A_2276 : vector<16xi32>
        %ge3A_2278 = arith.constant 0 : i32
        %ge3A_2279 = vector.broadcast %ge3A_2278 : i32 to vector<16xi32>
        %ge3A_2280 = arith.cmpi sge, %sub3A_2277, %ge3A_2279 : vector<16xi32>
        %lt3A_2281 = arith.constant 50000 : i32
        %lt3A_2282 = vector.broadcast %lt3A_2281 : i32 to vector<16xi32>
        %lt3A_2283 = arith.cmpi slt, %sub3A_2277, %lt3A_2282 : vector<16xi32>
        %and3A_2284 = arith.andi %ge3A_2280, %lt3A_2283 : vector<16xi1>
        %jit3A_2285 = arith.constant 50000 : i32
        %broadcast_in_dim3A_2286 = vector.broadcast %jit3A_2285 : i32 to vector<16xi32>
        %select_n3A_2287 = arith.select %and3A_2284, %sub3A_2277, %broadcast_in_dim3A_2286 : vector<16xi1>, vector<16xi32>
        %swap3A_2288 = arith.constant 5 : i32
        %swap3A_2289 = arith.index_cast %swap3A_2288 : i32 to index
        %swap3A_2290 = arith.constant 16 : index
        %swap3A_2291 = tpu.vector_load %arg6[%swap3A_2289, %swap3A_2290] {strides = array<i32>} : memref<10x80xi32, #tpu.memory_space<vmem>>, vector<1x16xi32>,
        %swap3A_2292 = vector.shape_cast %swap3A_2291 : vector<1x16xi32> to vector<16xi32>
        %swap3A_2293 = vector.shape_cast %select_n3A_2287 : vector<16xi32> to vector<1x16xi32>
        tpu.vector_store %arg6[%swap3A_2289, %swap3A_2290], %swap3A_2293 {strides = array<i32>} : memref<10x80xi32, #tpu.memory_space<vmem>>, vector<1x16xi32>,
        %get3A_2294 = arith.constant 1 : i32
        %get3A_2295 = arith.index_cast %get3A_2294 : i32 to index
        %get3A_2296 = arith.constant 432 : index
        %get3A_2297 = tpu.vector_load %arg5[%get3A_2295, %get3A_2296] {strides = array<i32>} : memref<2x800xi32, #tpu.memory_space<vmem>>, vector<1x16xi32>,
        %get3A_2298 = vector.shape_cast %get3A_2297 : vector<1x16xi32> to vector<16xi32>
        %sub3A_2299 = vector.broadcast %mul3A_0 : i32 to vector<16xi32>
        %sub3A_2300 = arith.subi %get3A_2298, %sub3A_2299 : vector<16xi32>
        %ge3A_2301 = arith.constant 0 : i32
        %ge3A_2302 = vector.broadcast %ge3A_2301 : i32 to vector<16xi32>
        %ge3A_2303 = arith.cmpi sge, %sub3A_2300, %ge3A_2302 : vector<16xi32>
        %lt3A_2304 = arith.constant 50000 : i32
        %lt3A_2305 = vector.broadcast %lt3A_2304 : i32 to vector<16xi32>
        %lt3A_2306 = arith.cmpi slt, %sub3A_2300, %lt3A_2305 : vector<16xi32>
        %and3A_2307 = arith.andi %ge3A_2303, %lt3A_2306 : vector<16xi1>
        %jit3A_2308 = arith.constant 50000 : i32
        %broadcast_in_dim3A_2309 = vector.broadcast %jit3A_2308 : i32 to vector<16xi32>
        %select_n3A_2310 = arith.select %and3A_2307, %sub3A_2300, %broadcast_in_dim3A_2309 : vector<16xi1>, vector<16xi32>
        %swap3A_2311 = arith.constant 5 : i32
        %swap3A_2312 = arith.index_cast %swap3A_2311 : i32 to index
        %swap3A_2313 = arith.constant 32 : index
        %swap3A_2314 = tpu.vector_load %arg6[%swap3A_2312, %swap3A_2313] {strides = array<i32>} : memref<10x80xi32, #tpu.memory_space<vmem>>, vector<1x16xi32>,
        %swap3A_2315 = vector.shape_cast %swap3A_2314 : vector<1x16xi32> to vector<16xi32>
        %swap3A_2316 = vector.shape_cast %select_n3A_2310 : vector<16xi32> to vector<1x16xi32>
        tpu.vector_store %arg6[%swap3A_2312, %swap3A_2313], %swap3A_2316 {strides = array<i32>} : memref<10x80xi32, #tpu.memory_space<vmem>>, vector<1x16xi32>,
        %get3A_2317 = arith.constant 1 : i32
        %get3A_2318 = arith.index_cast %get3A_2317 : i32 to index
        %get3A_2319 = arith.constant 448 : index
        %get3A_2320 = tpu.vector_load %arg5[%get3A_2318, %get3A_2319] {strides = array<i32>} : memref<2x800xi32, #tpu.memory_space<vmem>>, vector<1x16xi32>,
        %get3A_2321 = vector.shape_cast %get3A_2320 : vector<1x16xi32> to vector<16xi32>
        %sub3A_2322 = vector.broadcast %mul3A_0 : i32 to vector<16xi32>
        %sub3A_2323 = arith.subi %get3A_2321, %sub3A_2322 : vector<16xi32>
        %ge3A_2324 = arith.constant 0 : i32
        %ge3A_2325 = vector.broadcast %ge3A_2324 : i32 to vector<16xi32>
        %ge3A_2326 = arith.cmpi sge, %sub3A_2323, %ge3A_2325 : vector<16xi32>
        %lt3A_2327 = arith.constant 50000 : i32
        %lt3A_2328 = vector.broadcast %lt3A_2327 : i32 to vector<16xi32>
        %lt3A_2329 = arith.cmpi slt, %sub3A_2323, %lt3A_2328 : vector<16xi32>
        %and3A_2330 = arith.andi %ge3A_2326, %lt3A_2329 : vector<16xi1>
        %jit3A_2331 = arith.constant 50000 : i32
        %broadcast_in_dim3A_2332 = vector.broadcast %jit3A_2331 : i32 to vector<16xi32>
        %select_n3A_2333 = arith.select %and3A_2330, %sub3A_2323, %broadcast_in_dim3A_2332 : vector<16xi1>, vector<16xi32>
        %swap3A_2334 = arith.constant 5 : i32
        %swap3A_2335 = arith.index_cast %swap3A_2334 : i32 to index
        %swap3A_2336 = arith.constant 48 : index
        %swap3A_2337 = tpu.vector_load %arg6[%swap3A_2335, %swap3A_2336] {strides = array<i32>} : memref<10x80xi32, #tpu.memory_space<vmem>>, vector<1x16xi32>,
        %swap3A_2338 = vector.shape_cast %swap3A_2337 : vector<1x16xi32> to vector<16xi32>
        %swap3A_2339 = vector.shape_cast %select_n3A_2333 : vector<16xi32> to vector<1x16xi32>
        tpu.vector_store %arg6[%swap3A_2335, %swap3A_2336], %swap3A_2339 {strides = array<i32>} : memref<10x80xi32, #tpu.memory_space<vmem>>, vector<1x16xi32>,
        %get3A_2340 = arith.constant 1 : i32
        %get3A_2341 = arith.index_cast %get3A_2340 : i32 to index
        %get3A_2342 = arith.constant 464 : index
        %get3A_2343 = tpu.vector_load %arg5[%get3A_2341, %get3A_2342] {strides = array<i32>} : memref<2x800xi32, #tpu.memory_space<vmem>>, vector<1x16xi32>,
        %get3A_2344 = vector.shape_cast %get3A_2343 : vector<1x16xi32> to vector<16xi32>
        %sub3A_2345 = vector.broadcast %mul3A_0 : i32 to vector<16xi32>
        %sub3A_2346 = arith.subi %get3A_2344, %sub3A_2345 : vector<16xi32>
        %ge3A_2347 = arith.constant 0 : i32
        %ge3A_2348 = vector.broadcast %ge3A_2347 : i32 to vector<16xi32>
        %ge3A_2349 = arith.cmpi sge, %sub3A_2346, %ge3A_2348 : vector<16xi32>
        %lt3A_2350 = arith.constant 50000 : i32
        %lt3A_2351 = vector.broadcast %lt3A_2350 : i32 to vector<16xi32>
        %lt3A_2352 = arith.cmpi slt, %sub3A_2346, %lt3A_2351 : vector<16xi32>
        %and3A_2353 = arith.andi %ge3A_2349, %lt3A_2352 : vector<16xi1>
        %jit3A_2354 = arith.constant 50000 : i32
        %broadcast_in_dim3A_2355 = vector.broadcast %jit3A_2354 : i32 to vector<16xi32>
        %select_n3A_2356 = arith.select %and3A_2353, %sub3A_2346, %broadcast_in_dim3A_2355 : vector<16xi1>, vector<16xi32>
        %swap3A_2357 = arith.constant 5 : i32
        %swap3A_2358 = arith.index_cast %swap3A_2357 : i32 to index
        %swap3A_2359 = arith.constant 64 : index
        %swap3A_2360 = tpu.vector_load %arg6[%swap3A_2358, %swap3A_2359] {strides = array<i32>} : memref<10x80xi32, #tpu.memory_space<vmem>>, vector<1x16xi32>,
        %swap3A_2361 = vector.shape_cast %swap3A_2360 : vector<1x16xi32> to vector<16xi32>
        %swap3A_2362 = vector.shape_cast %select_n3A_2356 : vector<16xi32> to vector<1x16xi32>
        tpu.vector_store %arg6[%swap3A_2358, %swap3A_2359], %swap3A_2362 {strides = array<i32>} : memref<10x80xi32, #tpu.memory_space<vmem>>, vector<1x16xi32>,
        %get3A_2363 = arith.constant 1 : i32
        %get3A_2364 = arith.index_cast %get3A_2363 : i32 to index
        %get3A_2365 = arith.constant 480 : index
        %get3A_2366 = tpu.vector_load %arg5[%get3A_2364, %get3A_2365] {strides = array<i32>} : memref<2x800xi32, #tpu.memory_space<vmem>>, vector<1x16xi32>,
        %get3A_2367 = vector.shape_cast %get3A_2366 : vector<1x16xi32> to vector<16xi32>
        %sub3A_2368 = vector.broadcast %mul3A_0 : i32 to vector<16xi32>
        %sub3A_2369 = arith.subi %get3A_2367, %sub3A_2368 : vector<16xi32>
        %ge3A_2370 = arith.constant 0 : i32
        %ge3A_2371 = vector.broadcast %ge3A_2370 : i32 to vector<16xi32>
        %ge3A_2372 = arith.cmpi sge, %sub3A_2369, %ge3A_2371 : vector<16xi32>
        %lt3A_2373 = arith.constant 50000 : i32
        %lt3A_2374 = vector.broadcast %lt3A_2373 : i32 to vector<16xi32>
        %lt3A_2375 = arith.cmpi slt, %sub3A_2369, %lt3A_2374 : vector<16xi32>
        %and3A_2376 = arith.andi %ge3A_2372, %lt3A_2375 : vector<16xi1>
        %jit3A_2377 = arith.constant 50000 : i32
        %broadcast_in_dim3A_2378 = vector.broadcast %jit3A_2377 : i32 to vector<16xi32>
        %select_n3A_2379 = arith.select %and3A_2376, %sub3A_2369, %broadcast_in_dim3A_2378 : vector<16xi1>, vector<16xi32>
        %swap3A_2380 = arith.constant 6 : i32
        %swap3A_2381 = arith.index_cast %swap3A_2380 : i32 to index
        %swap3A_2382 = arith.constant 0 : index
        %swap3A_2383 = tpu.vector_load %arg6[%swap3A_2381, %swap3A_2382] {strides = array<i32>} : memref<10x80xi32, #tpu.memory_space<vmem>>, vector<1x16xi32>,
        %swap3A_2384 = vector.shape_cast %swap3A_2383 : vector<1x16xi32> to vector<16xi32>
        %swap3A_2385 = vector.shape_cast %select_n3A_2379 : vector<16xi32> to vector<1x16xi32>
        tpu.vector_store %arg6[%swap3A_2381, %swap3A_2382], %swap3A_2385 {strides = array<i32>} : memref<10x80xi32, #tpu.memory_space<vmem>>, vector<1x16xi32>,
        %get3A_2386 = arith.constant 1 : i32
        %get3A_2387 = arith.index_cast %get3A_2386 : i32 to index
        %get3A_2388 = arith.constant 496 : index
        %get3A_2389 = tpu.vector_load %arg5[%get3A_2387, %get3A_2388] {strides = array<i32>} : memref<2x800xi32, #tpu.memory_space<vmem>>, vector<1x16xi32>,
        %get3A_2390 = vector.shape_cast %get3A_2389 : vector<1x16xi32> to vector<16xi32>
        %sub3A_2391 = vector.broadcast %mul3A_0 : i32 to vector<16xi32>
        %sub3A_2392 = arith.subi %get3A_2390, %sub3A_2391 : vector<16xi32>
        %ge3A_2393 = arith.constant 0 : i32
        %ge3A_2394 = vector.broadcast %ge3A_2393 : i32 to vector<16xi32>
        %ge3A_2395 = arith.cmpi sge, %sub3A_2392, %ge3A_2394 : vector<16xi32>
        %lt3A_2396 = arith.constant 50000 : i32
        %lt3A_2397 = vector.broadcast %lt3A_2396 : i32 to vector<16xi32>
        %lt3A_2398 = arith.cmpi slt, %sub3A_2392, %lt3A_2397 : vector<16xi32>
        %and3A_2399 = arith.andi %ge3A_2395, %lt3A_2398 : vector<16xi1>
        %jit3A_2400 = arith.constant 50000 : i32
        %broadcast_in_dim3A_2401 = vector.broadcast %jit3A_2400 : i32 to vector<16xi32>
        %select_n3A_2402 = arith.select %and3A_2399, %sub3A_2392, %broadcast_in_dim3A_2401 : vector<16xi1>, vector<16xi32>
        %swap3A_2403 = arith.constant 6 : i32
        %swap3A_2404 = arith.index_cast %swap3A_2403 : i32 to index
        %swap3A_2405 = arith.constant 16 : index
        %swap3A_2406 = tpu.vector_load %arg6[%swap3A_2404, %swap3A_2405] {strides = array<i32>} : memref<10x80xi32, #tpu.memory_space<vmem>>, vector<1x16xi32>,
        %swap3A_2407 = vector.shape_cast %swap3A_2406 : vector<1x16xi32> to vector<16xi32>
        %swap3A_2408 = vector.shape_cast %select_n3A_2402 : vector<16xi32> to vector<1x16xi32>
        tpu.vector_store %arg6[%swap3A_2404, %swap3A_2405], %swap3A_2408 {strides = array<i32>} : memref<10x80xi32, #tpu.memory_space<vmem>>, vector<1x16xi32>,
        %get3A_2409 = arith.constant 1 : i32
        %get3A_2410 = arith.index_cast %get3A_2409 : i32 to index
        %get3A_2411 = arith.constant 512 : index
        %get3A_2412 = tpu.vector_load %arg5[%get3A_2410, %get3A_2411] {strides = array<i32>} : memref<2x800xi32, #tpu.memory_space<vmem>>, vector<1x16xi32>,
        %get3A_2413 = vector.shape_cast %get3A_2412 : vector<1x16xi32> to vector<16xi32>
        %sub3A_2414 = vector.broadcast %mul3A_0 : i32 to vector<16xi32>
        %sub3A_2415 = arith.subi %get3A_2413, %sub3A_2414 : vector<16xi32>
        %ge3A_2416 = arith.constant 0 : i32
        %ge3A_2417 = vector.broadcast %ge3A_2416 : i32 to vector<16xi32>
        %ge3A_2418 = arith.cmpi sge, %sub3A_2415, %ge3A_2417 : vector<16xi32>
        %lt3A_2419 = arith.constant 50000 : i32
        %lt3A_2420 = vector.broadcast %lt3A_2419 : i32 to vector<16xi32>
        %lt3A_2421 = arith.cmpi slt, %sub3A_2415, %lt3A_2420 : vector<16xi32>
        %and3A_2422 = arith.andi %ge3A_2418, %lt3A_2421 : vector<16xi1>
        %jit3A_2423 = arith.constant 50000 : i32
        %broadcast_in_dim3A_2424 = vector.broadcast %jit3A_2423 : i32 to vector<16xi32>
        %select_n3A_2425 = arith.select %and3A_2422, %sub3A_2415, %broadcast_in_dim3A_2424 : vector<16xi1>, vector<16xi32>
        %swap3A_2426 = arith.constant 6 : i32
        %swap3A_2427 = arith.index_cast %swap3A_2426 : i32 to index
        %swap3A_2428 = arith.constant 32 : index
        %swap3A_2429 = tpu.vector_load %arg6[%swap3A_2427, %swap3A_2428] {strides = array<i32>} : memref<10x80xi32, #tpu.memory_space<vmem>>, vector<1x16xi32>,
        %swap3A_2430 = vector.shape_cast %swap3A_2429 : vector<1x16xi32> to vector<16xi32>
        %swap3A_2431 = vector.shape_cast %select_n3A_2425 : vector<16xi32> to vector<1x16xi32>
        tpu.vector_store %arg6[%swap3A_2427, %swap3A_2428], %swap3A_2431 {strides = array<i32>} : memref<10x80xi32, #tpu.memory_space<vmem>>, vector<1x16xi32>,
        %get3A_2432 = arith.constant 1 : i32
        %get3A_2433 = arith.index_cast %get3A_2432 : i32 to index
        %get3A_2434 = arith.constant 528 : index
        %get3A_2435 = tpu.vector_load %arg5[%get3A_2433, %get3A_2434] {strides = array<i32>} : memref<2x800xi32, #tpu.memory_space<vmem>>, vector<1x16xi32>,
        %get3A_2436 = vector.shape_cast %get3A_2435 : vector<1x16xi32> to vector<16xi32>
        %sub3A_2437 = vector.broadcast %mul3A_0 : i32 to vector<16xi32>
        %sub3A_2438 = arith.subi %get3A_2436, %sub3A_2437 : vector<16xi32>
        %ge3A_2439 = arith.constant 0 : i32
        %ge3A_2440 = vector.broadcast %ge3A_2439 : i32 to vector<16xi32>
        %ge3A_2441 = arith.cmpi sge, %sub3A_2438, %ge3A_2440 : vector<16xi32>
        %lt3A_2442 = arith.constant 50000 : i32
        %lt3A_2443 = vector.broadcast %lt3A_2442 : i32 to vector<16xi32>
        %lt3A_2444 = arith.cmpi slt, %sub3A_2438, %lt3A_2443 : vector<16xi32>
        %and3A_2445 = arith.andi %ge3A_2441, %lt3A_2444 : vector<16xi1>
        %jit3A_2446 = arith.constant 50000 : i32
        %broadcast_in_dim3A_2447 = vector.broadcast %jit3A_2446 : i32 to vector<16xi32>
        %select_n3A_2448 = arith.select %and3A_2445, %sub3A_2438, %broadcast_in_dim3A_2447 : vector<16xi1>, vector<16xi32>
        %swap3A_2449 = arith.constant 6 : i32
        %swap3A_2450 = arith.index_cast %swap3A_2449 : i32 to index
        %swap3A_2451 = arith.constant 48 : index
        %swap3A_2452 = tpu.vector_load %arg6[%swap3A_2450, %swap3A_2451] {strides = array<i32>} : memref<10x80xi32, #tpu.memory_space<vmem>>, vector<1x16xi32>,
        %swap3A_2453 = vector.shape_cast %swap3A_2452 : vector<1x16xi32> to vector<16xi32>
        %swap3A_2454 = vector.shape_cast %select_n3A_2448 : vector<16xi32> to vector<1x16xi32>
        tpu.vector_store %arg6[%swap3A_2450, %swap3A_2451], %swap3A_2454 {strides = array<i32>} : memref<10x80xi32, #tpu.memory_space<vmem>>, vector<1x16xi32>,
        %get3A_2455 = arith.constant 1 : i32
        %get3A_2456 = arith.index_cast %get3A_2455 : i32 to index
        %get3A_2457 = arith.constant 544 : index
        %get3A_2458 = tpu.vector_load %arg5[%get3A_2456, %get3A_2457] {strides = array<i32>} : memref<2x800xi32, #tpu.memory_space<vmem>>, vector<1x16xi32>,
        %get3A_2459 = vector.shape_cast %get3A_2458 : vector<1x16xi32> to vector<16xi32>
        %sub3A_2460 = vector.broadcast %mul3A_0 : i32 to vector<16xi32>
        %sub3A_2461 = arith.subi %get3A_2459, %sub3A_2460 : vector<16xi32>
        %ge3A_2462 = arith.constant 0 : i32
        %ge3A_2463 = vector.broadcast %ge3A_2462 : i32 to vector<16xi32>
        %ge3A_2464 = arith.cmpi sge, %sub3A_2461, %ge3A_2463 : vector<16xi32>
        %lt3A_2465 = arith.constant 50000 : i32
        %lt3A_2466 = vector.broadcast %lt3A_2465 : i32 to vector<16xi32>
        %lt3A_2467 = arith.cmpi slt, %sub3A_2461, %lt3A_2466 : vector<16xi32>
        %and3A_2468 = arith.andi %ge3A_2464, %lt3A_2467 : vector<16xi1>
        %jit3A_2469 = arith.constant 50000 : i32
        %broadcast_in_dim3A_2470 = vector.broadcast %jit3A_2469 : i32 to vector<16xi32>
        %select_n3A_2471 = arith.select %and3A_2468, %sub3A_2461, %broadcast_in_dim3A_2470 : vector<16xi1>, vector<16xi32>
        %swap3A_2472 = arith.constant 6 : i32
        %swap3A_2473 = arith.index_cast %swap3A_2472 : i32 to index
        %swap3A_2474 = arith.constant 64 : index
        %swap3A_2475 = tpu.vector_load %arg6[%swap3A_2473, %swap3A_2474] {strides = array<i32>} : memref<10x80xi32, #tpu.memory_space<vmem>>, vector<1x16xi32>,
        %swap3A_2476 = vector.shape_cast %swap3A_2475 : vector<1x16xi32> to vector<16xi32>
        %swap3A_2477 = vector.shape_cast %select_n3A_2471 : vector<16xi32> to vector<1x16xi32>
        tpu.vector_store %arg6[%swap3A_2473, %swap3A_2474], %swap3A_2477 {strides = array<i32>} : memref<10x80xi32, #tpu.memory_space<vmem>>, vector<1x16xi32>,
        %get3A_2478 = arith.constant 1 : i32
        %get3A_2479 = arith.index_cast %get3A_2478 : i32 to index
        %get3A_2480 = arith.constant 560 : index
        %get3A_2481 = tpu.vector_load %arg5[%get3A_2479, %get3A_2480] {strides = array<i32>} : memref<2x800xi32, #tpu.memory_space<vmem>>, vector<1x16xi32>,
        %get3A_2482 = vector.shape_cast %get3A_2481 : vector<1x16xi32> to vector<16xi32>
        %sub3A_2483 = vector.broadcast %mul3A_0 : i32 to vector<16xi32>
        %sub3A_2484 = arith.subi %get3A_2482, %sub3A_2483 : vector<16xi32>
        %ge3A_2485 = arith.constant 0 : i32
        %ge3A_2486 = vector.broadcast %ge3A_2485 : i32 to vector<16xi32>
        %ge3A_2487 = arith.cmpi sge, %sub3A_2484, %ge3A_2486 : vector<16xi32>
        %lt3A_2488 = arith.constant 50000 : i32
        %lt3A_2489 = vector.broadcast %lt3A_2488 : i32 to vector<16xi32>
        %lt3A_2490 = arith.cmpi slt, %sub3A_2484, %lt3A_2489 : vector<16xi32>
        %and3A_2491 = arith.andi %ge3A_2487, %lt3A_2490 : vector<16xi1>
        %jit3A_2492 = arith.constant 50000 : i32
        %broadcast_in_dim3A_2493 = vector.broadcast %jit3A_2492 : i32 to vector<16xi32>
        %select_n3A_2494 = arith.select %and3A_2491, %sub3A_2484, %broadcast_in_dim3A_2493 : vector<16xi1>, vector<16xi32>
        %swap3A_2495 = arith.constant 7 : i32
        %swap3A_2496 = arith.index_cast %swap3A_2495 : i32 to index
        %swap3A_2497 = arith.constant 0 : index
        %swap3A_2498 = tpu.vector_load %arg6[%swap3A_2496, %swap3A_2497] {strides = array<i32>} : memref<10x80xi32, #tpu.memory_space<vmem>>, vector<1x16xi32>,
        %swap3A_2499 = vector.shape_cast %swap3A_2498 : vector<1x16xi32> to vector<16xi32>
        %swap3A_2500 = vector.shape_cast %select_n3A_2494 : vector<16xi32> to vector<1x16xi32>
        tpu.vector_store %arg6[%swap3A_2496, %swap3A_2497], %swap3A_2500 {strides = array<i32>} : memref<10x80xi32, #tpu.memory_space<vmem>>, vector<1x16xi32>,
        %get3A_2501 = arith.constant 1 : i32
        %get3A_2502 = arith.index_cast %get3A_2501 : i32 to index
        %get3A_2503 = arith.constant 576 : index
        %get3A_2504 = tpu.vector_load %arg5[%get3A_2502, %get3A_2503] {strides = array<i32>} : memref<2x800xi32, #tpu.memory_space<vmem>>, vector<1x16xi32>,
        %get3A_2505 = vector.shape_cast %get3A_2504 : vector<1x16xi32> to vector<16xi32>
        %sub3A_2506 = vector.broadcast %mul3A_0 : i32 to vector<16xi32>
        %sub3A_2507 = arith.subi %get3A_2505, %sub3A_2506 : vector<16xi32>
        %ge3A_2508 = arith.constant 0 : i32
        %ge3A_2509 = vector.broadcast %ge3A_2508 : i32 to vector<16xi32>
        %ge3A_2510 = arith.cmpi sge, %sub3A_2507, %ge3A_2509 : vector<16xi32>
        %lt3A_2511 = arith.constant 50000 : i32
        %lt3A_2512 = vector.broadcast %lt3A_2511 : i32 to vector<16xi32>
        %lt3A_2513 = arith.cmpi slt, %sub3A_2507, %lt3A_2512 : vector<16xi32>
        %and3A_2514 = arith.andi %ge3A_2510, %lt3A_2513 : vector<16xi1>
        %jit3A_2515 = arith.constant 50000 : i32
        %broadcast_in_dim3A_2516 = vector.broadcast %jit3A_2515 : i32 to vector<16xi32>
        %select_n3A_2517 = arith.select %and3A_2514, %sub3A_2507, %broadcast_in_dim3A_2516 : vector<16xi1>, vector<16xi32>
        %swap3A_2518 = arith.constant 7 : i32
        %swap3A_2519 = arith.index_cast %swap3A_2518 : i32 to index
        %swap3A_2520 = arith.constant 16 : index
        %swap3A_2521 = tpu.vector_load %arg6[%swap3A_2519, %swap3A_2520] {strides = array<i32>} : memref<10x80xi32, #tpu.memory_space<vmem>>, vector<1x16xi32>,
        %swap3A_2522 = vector.shape_cast %swap3A_2521 : vector<1x16xi32> to vector<16xi32>
        %swap3A_2523 = vector.shape_cast %select_n3A_2517 : vector<16xi32> to vector<1x16xi32>
        tpu.vector_store %arg6[%swap3A_2519, %swap3A_2520], %swap3A_2523 {strides = array<i32>} : memref<10x80xi32, #tpu.memory_space<vmem>>, vector<1x16xi32>,
        %get3A_2524 = arith.constant 1 : i32
        %get3A_2525 = arith.index_cast %get3A_2524 : i32 to index
        %get3A_2526 = arith.constant 592 : index
        %get3A_2527 = tpu.vector_load %arg5[%get3A_2525, %get3A_2526] {strides = array<i32>} : memref<2x800xi32, #tpu.memory_space<vmem>>, vector<1x16xi32>,
        %get3A_2528 = vector.shape_cast %get3A_2527 : vector<1x16xi32> to vector<16xi32>
        %sub3A_2529 = vector.broadcast %mul3A_0 : i32 to vector<16xi32>
        %sub3A_2530 = arith.subi %get3A_2528, %sub3A_2529 : vector<16xi32>
        %ge3A_2531 = arith.constant 0 : i32
        %ge3A_2532 = vector.broadcast %ge3A_2531 : i32 to vector<16xi32>
        %ge3A_2533 = arith.cmpi sge, %sub3A_2530, %ge3A_2532 : vector<16xi32>
        %lt3A_2534 = arith.constant 50000 : i32
        %lt3A_2535 = vector.broadcast %lt3A_2534 : i32 to vector<16xi32>
        %lt3A_2536 = arith.cmpi slt, %sub3A_2530, %lt3A_2535 : vector<16xi32>
        %and3A_2537 = arith.andi %ge3A_2533, %lt3A_2536 : vector<16xi1>
        %jit3A_2538 = arith.constant 50000 : i32
        %broadcast_in_dim3A_2539 = vector.broadcast %jit3A_2538 : i32 to vector<16xi32>
        %select_n3A_2540 = arith.select %and3A_2537, %sub3A_2530, %broadcast_in_dim3A_2539 : vector<16xi1>, vector<16xi32>
        %swap3A_2541 = arith.constant 7 : i32
        %swap3A_2542 = arith.index_cast %swap3A_2541 : i32 to index
        %swap3A_2543 = arith.constant 32 : index
        %swap3A_2544 = tpu.vector_load %arg6[%swap3A_2542, %swap3A_2543] {strides = array<i32>} : memref<10x80xi32, #tpu.memory_space<vmem>>, vector<1x16xi32>,
        %swap3A_2545 = vector.shape_cast %swap3A_2544 : vector<1x16xi32> to vector<16xi32>
        %swap3A_2546 = vector.shape_cast %select_n3A_2540 : vector<16xi32> to vector<1x16xi32>
        tpu.vector_store %arg6[%swap3A_2542, %swap3A_2543], %swap3A_2546 {strides = array<i32>} : memref<10x80xi32, #tpu.memory_space<vmem>>, vector<1x16xi32>,
        %get3A_2547 = arith.constant 1 : i32
        %get3A_2548 = arith.index_cast %get3A_2547 : i32 to index
        %get3A_2549 = arith.constant 608 : index
        %get3A_2550 = tpu.vector_load %arg5[%get3A_2548, %get3A_2549] {strides = array<i32>} : memref<2x800xi32, #tpu.memory_space<vmem>>, vector<1x16xi32>,
        %get3A_2551 = vector.shape_cast %get3A_2550 : vector<1x16xi32> to vector<16xi32>
        %sub3A_2552 = vector.broadcast %mul3A_0 : i32 to vector<16xi32>
        %sub3A_2553 = arith.subi %get3A_2551, %sub3A_2552 : vector<16xi32>
        %ge3A_2554 = arith.constant 0 : i32
        %ge3A_2555 = vector.broadcast %ge3A_2554 : i32 to vector<16xi32>
        %ge3A_2556 = arith.cmpi sge, %sub3A_2553, %ge3A_2555 : vector<16xi32>
        %lt3A_2557 = arith.constant 50000 : i32
        %lt3A_2558 = vector.broadcast %lt3A_2557 : i32 to vector<16xi32>
        %lt3A_2559 = arith.cmpi slt, %sub3A_2553, %lt3A_2558 : vector<16xi32>
        %and3A_2560 = arith.andi %ge3A_2556, %lt3A_2559 : vector<16xi1>
        %jit3A_2561 = arith.constant 50000 : i32
        %broadcast_in_dim3A_2562 = vector.broadcast %jit3A_2561 : i32 to vector<16xi32>
        %select_n3A_2563 = arith.select %and3A_2560, %sub3A_2553, %broadcast_in_dim3A_2562 : vector<16xi1>, vector<16xi32>
        %swap3A_2564 = arith.constant 7 : i32
        %swap3A_2565 = arith.index_cast %swap3A_2564 : i32 to index
        %swap3A_2566 = arith.constant 48 : index
        %swap3A_2567 = tpu.vector_load %arg6[%swap3A_2565, %swap3A_2566] {strides = array<i32>} : memref<10x80xi32, #tpu.memory_space<vmem>>, vector<1x16xi32>,
        %swap3A_2568 = vector.shape_cast %swap3A_2567 : vector<1x16xi32> to vector<16xi32>
        %swap3A_2569 = vector.shape_cast %select_n3A_2563 : vector<16xi32> to vector<1x16xi32>
        tpu.vector_store %arg6[%swap3A_2565, %swap3A_2566], %swap3A_2569 {strides = array<i32>} : memref<10x80xi32, #tpu.memory_space<vmem>>, vector<1x16xi32>,
        %get3A_2570 = arith.constant 1 : i32
        %get3A_2571 = arith.index_cast %get3A_2570 : i32 to index
        %get3A_2572 = arith.constant 624 : index
        %get3A_2573 = tpu.vector_load %arg5[%get3A_2571, %get3A_2572] {strides = array<i32>} : memref<2x800xi32, #tpu.memory_space<vmem>>, vector<1x16xi32>,
        %get3A_2574 = vector.shape_cast %get3A_2573 : vector<1x16xi32> to vector<16xi32>
        %sub3A_2575 = vector.broadcast %mul3A_0 : i32 to vector<16xi32>
        %sub3A_2576 = arith.subi %get3A_2574, %sub3A_2575 : vector<16xi32>
        %ge3A_2577 = arith.constant 0 : i32
        %ge3A_2578 = vector.broadcast %ge3A_2577 : i32 to vector<16xi32>
        %ge3A_2579 = arith.cmpi sge, %sub3A_2576, %ge3A_2578 : vector<16xi32>
        %lt3A_2580 = arith.constant 50000 : i32
        %lt3A_2581 = vector.broadcast %lt3A_2580 : i32 to vector<16xi32>
        %lt3A_2582 = arith.cmpi slt, %sub3A_2576, %lt3A_2581 : vector<16xi32>
        %and3A_2583 = arith.andi %ge3A_2579, %lt3A_2582 : vector<16xi1>
        %jit3A_2584 = arith.constant 50000 : i32
        %broadcast_in_dim3A_2585 = vector.broadcast %jit3A_2584 : i32 to vector<16xi32>
        %select_n3A_2586 = arith.select %and3A_2583, %sub3A_2576, %broadcast_in_dim3A_2585 : vector<16xi1>, vector<16xi32>
        %swap3A_2587 = arith.constant 7 : i32
        %swap3A_2588 = arith.index_cast %swap3A_2587 : i32 to index
        %swap3A_2589 = arith.constant 64 : index
        %swap3A_2590 = tpu.vector_load %arg6[%swap3A_2588, %swap3A_2589] {strides = array<i32>} : memref<10x80xi32, #tpu.memory_space<vmem>>, vector<1x16xi32>,
        %swap3A_2591 = vector.shape_cast %swap3A_2590 : vector<1x16xi32> to vector<16xi32>
        %swap3A_2592 = vector.shape_cast %select_n3A_2586 : vector<16xi32> to vector<1x16xi32>
        tpu.vector_store %arg6[%swap3A_2588, %swap3A_2589], %swap3A_2592 {strides = array<i32>} : memref<10x80xi32, #tpu.memory_space<vmem>>, vector<1x16xi32>,
        %get3A_2593 = arith.constant 1 : i32
        %get3A_2594 = arith.index_cast %get3A_2593 : i32 to index
        %get3A_2595 = arith.constant 640 : index
        %get3A_2596 = tpu.vector_load %arg5[%get3A_2594, %get3A_2595] {strides = array<i32>} : memref<2x800xi32, #tpu.memory_space<vmem>>, vector<1x16xi32>,
        %get3A_2597 = vector.shape_cast %get3A_2596 : vector<1x16xi32> to vector<16xi32>
        %sub3A_2598 = vector.broadcast %mul3A_0 : i32 to vector<16xi32>
        %sub3A_2599 = arith.subi %get3A_2597, %sub3A_2598 : vector<16xi32>
        %ge3A_2600 = arith.constant 0 : i32
        %ge3A_2601 = vector.broadcast %ge3A_2600 : i32 to vector<16xi32>
        %ge3A_2602 = arith.cmpi sge, %sub3A_2599, %ge3A_2601 : vector<16xi32>
        %lt3A_2603 = arith.constant 50000 : i32
        %lt3A_2604 = vector.broadcast %lt3A_2603 : i32 to vector<16xi32>
        %lt3A_2605 = arith.cmpi slt, %sub3A_2599, %lt3A_2604 : vector<16xi32>
        %and3A_2606 = arith.andi %ge3A_2602, %lt3A_2605 : vector<16xi1>
        %jit3A_2607 = arith.constant 50000 : i32
        %broadcast_in_dim3A_2608 = vector.broadcast %jit3A_2607 : i32 to vector<16xi32>
        %select_n3A_2609 = arith.select %and3A_2606, %sub3A_2599, %broadcast_in_dim3A_2608 : vector<16xi1>, vector<16xi32>
        %swap3A_2610 = arith.constant 8 : i32
        %swap3A_2611 = arith.index_cast %swap3A_2610 : i32 to index
        %swap3A_2612 = arith.constant 0 : index
        %swap3A_2613 = tpu.vector_load %arg6[%swap3A_2611, %swap3A_2612] {strides = array<i32>} : memref<10x80xi32, #tpu.memory_space<vmem>>, vector<1x16xi32>,
        %swap3A_2614 = vector.shape_cast %swap3A_2613 : vector<1x16xi32> to vector<16xi32>
        %swap3A_2615 = vector.shape_cast %select_n3A_2609 : vector<16xi32> to vector<1x16xi32>
        tpu.vector_store %arg6[%swap3A_2611, %swap3A_2612], %swap3A_2615 {strides = array<i32>} : memref<10x80xi32, #tpu.memory_space<vmem>>, vector<1x16xi32>,
        %get3A_2616 = arith.constant 1 : i32
        %get3A_2617 = arith.index_cast %get3A_2616 : i32 to index
        %get3A_2618 = arith.constant 656 : index
        %get3A_2619 = tpu.vector_load %arg5[%get3A_2617, %get3A_2618] {strides = array<i32>} : memref<2x800xi32, #tpu.memory_space<vmem>>, vector<1x16xi32>,
        %get3A_2620 = vector.shape_cast %get3A_2619 : vector<1x16xi32> to vector<16xi32>
        %sub3A_2621 = vector.broadcast %mul3A_0 : i32 to vector<16xi32>
        %sub3A_2622 = arith.subi %get3A_2620, %sub3A_2621 : vector<16xi32>
        %ge3A_2623 = arith.constant 0 : i32
        %ge3A_2624 = vector.broadcast %ge3A_2623 : i32 to vector<16xi32>
        %ge3A_2625 = arith.cmpi sge, %sub3A_2622, %ge3A_2624 : vector<16xi32>
        %lt3A_2626 = arith.constant 50000 : i32
        %lt3A_2627 = vector.broadcast %lt3A_2626 : i32 to vector<16xi32>
        %lt3A_2628 = arith.cmpi slt, %sub3A_2622, %lt3A_2627 : vector<16xi32>
        %and3A_2629 = arith.andi %ge3A_2625, %lt3A_2628 : vector<16xi1>
        %jit3A_2630 = arith.constant 50000 : i32
        %broadcast_in_dim3A_2631 = vector.broadcast %jit3A_2630 : i32 to vector<16xi32>
        %select_n3A_2632 = arith.select %and3A_2629, %sub3A_2622, %broadcast_in_dim3A_2631 : vector<16xi1>, vector<16xi32>
        %swap3A_2633 = arith.constant 8 : i32
        %swap3A_2634 = arith.index_cast %swap3A_2633 : i32 to index
        %swap3A_2635 = arith.constant 16 : index
        %swap3A_2636 = tpu.vector_load %arg6[%swap3A_2634, %swap3A_2635] {strides = array<i32>} : memref<10x80xi32, #tpu.memory_space<vmem>>, vector<1x16xi32>,
        %swap3A_2637 = vector.shape_cast %swap3A_2636 : vector<1x16xi32> to vector<16xi32>
        %swap3A_2638 = vector.shape_cast %select_n3A_2632 : vector<16xi32> to vector<1x16xi32>
        tpu.vector_store %arg6[%swap3A_2634, %swap3A_2635], %swap3A_2638 {strides = array<i32>} : memref<10x80xi32, #tpu.memory_space<vmem>>, vector<1x16xi32>,
        %get3A_2639 = arith.constant 1 : i32
        %get3A_2640 = arith.index_cast %get3A_2639 : i32 to index
        %get3A_2641 = arith.constant 672 : index
        %get3A_2642 = tpu.vector_load %arg5[%get3A_2640, %get3A_2641] {strides = array<i32>} : memref<2x800xi32, #tpu.memory_space<vmem>>, vector<1x16xi32>,
        %get3A_2643 = vector.shape_cast %get3A_2642 : vector<1x16xi32> to vector<16xi32>
        %sub3A_2644 = vector.broadcast %mul3A_0 : i32 to vector<16xi32>
        %sub3A_2645 = arith.subi %get3A_2643, %sub3A_2644 : vector<16xi32>
        %ge3A_2646 = arith.constant 0 : i32
        %ge3A_2647 = vector.broadcast %ge3A_2646 : i32 to vector<16xi32>
        %ge3A_2648 = arith.cmpi sge, %sub3A_2645, %ge3A_2647 : vector<16xi32>
        %lt3A_2649 = arith.constant 50000 : i32
        %lt3A_2650 = vector.broadcast %lt3A_2649 : i32 to vector<16xi32>
        %lt3A_2651 = arith.cmpi slt, %sub3A_2645, %lt3A_2650 : vector<16xi32>
        %and3A_2652 = arith.andi %ge3A_2648, %lt3A_2651 : vector<16xi1>
        %jit3A_2653 = arith.constant 50000 : i32
        %broadcast_in_dim3A_2654 = vector.broadcast %jit3A_2653 : i32 to vector<16xi32>
        %select_n3A_2655 = arith.select %and3A_2652, %sub3A_2645, %broadcast_in_dim3A_2654 : vector<16xi1>, vector<16xi32>
        %swap3A_2656 = arith.constant 8 : i32
        %swap3A_2657 = arith.index_cast %swap3A_2656 : i32 to index
        %swap3A_2658 = arith.constant 32 : index
        %swap3A_2659 = tpu.vector_load %arg6[%swap3A_2657, %swap3A_2658] {strides = array<i32>} : memref<10x80xi32, #tpu.memory_space<vmem>>, vector<1x16xi32>,
        %swap3A_2660 = vector.shape_cast %swap3A_2659 : vector<1x16xi32> to vector<16xi32>
        %swap3A_2661 = vector.shape_cast %select_n3A_2655 : vector<16xi32> to vector<1x16xi32>
        tpu.vector_store %arg6[%swap3A_2657, %swap3A_2658], %swap3A_2661 {strides = array<i32>} : memref<10x80xi32, #tpu.memory_space<vmem>>, vector<1x16xi32>,
        %get3A_2662 = arith.constant 1 : i32
        %get3A_2663 = arith.index_cast %get3A_2662 : i32 to index
        %get3A_2664 = arith.constant 688 : index
        %get3A_2665 = tpu.vector_load %arg5[%get3A_2663, %get3A_2664] {strides = array<i32>} : memref<2x800xi32, #tpu.memory_space<vmem>>, vector<1x16xi32>,
        %get3A_2666 = vector.shape_cast %get3A_2665 : vector<1x16xi32> to vector<16xi32>
        %sub3A_2667 = vector.broadcast %mul3A_0 : i32 to vector<16xi32>
        %sub3A_2668 = arith.subi %get3A_2666, %sub3A_2667 : vector<16xi32>
        %ge3A_2669 = arith.constant 0 : i32
        %ge3A_2670 = vector.broadcast %ge3A_2669 : i32 to vector<16xi32>
        %ge3A_2671 = arith.cmpi sge, %sub3A_2668, %ge3A_2670 : vector<16xi32>
        %lt3A_2672 = arith.constant 50000 : i32
        %lt3A_2673 = vector.broadcast %lt3A_2672 : i32 to vector<16xi32>
        %lt3A_2674 = arith.cmpi slt, %sub3A_2668, %lt3A_2673 : vector<16xi32>
        %and3A_2675 = arith.andi %ge3A_2671, %lt3A_2674 : vector<16xi1>
        %jit3A_2676 = arith.constant 50000 : i32
        %broadcast_in_dim3A_2677 = vector.broadcast %jit3A_2676 : i32 to vector<16xi32>
        %select_n3A_2678 = arith.select %and3A_2675, %sub3A_2668, %broadcast_in_dim3A_2677 : vector<16xi1>, vector<16xi32>
        %swap3A_2679 = arith.constant 8 : i32
        %swap3A_2680 = arith.index_cast %swap3A_2679 : i32 to index
        %swap3A_2681 = arith.constant 48 : index
        %swap3A_2682 = tpu.vector_load %arg6[%swap3A_2680, %swap3A_2681] {strides = array<i32>} : memref<10x80xi32, #tpu.memory_space<vmem>>, vector<1x16xi32>,
        %swap3A_2683 = vector.shape_cast %swap3A_2682 : vector<1x16xi32> to vector<16xi32>
        %swap3A_2684 = vector.shape_cast %select_n3A_2678 : vector<16xi32> to vector<1x16xi32>
        tpu.vector_store %arg6[%swap3A_2680, %swap3A_2681], %swap3A_2684 {strides = array<i32>} : memref<10x80xi32, #tpu.memory_space<vmem>>, vector<1x16xi32>,
        %get3A_2685 = arith.constant 1 : i32
        %get3A_2686 = arith.index_cast %get3A_2685 : i32 to index
        %get3A_2687 = arith.constant 704 : index
        %get3A_2688 = tpu.vector_load %arg5[%get3A_2686, %get3A_2687] {strides = array<i32>} : memref<2x800xi32, #tpu.memory_space<vmem>>, vector<1x16xi32>,
        %get3A_2689 = vector.shape_cast %get3A_2688 : vector<1x16xi32> to vector<16xi32>
        %sub3A_2690 = vector.broadcast %mul3A_0 : i32 to vector<16xi32>
        %sub3A_2691 = arith.subi %get3A_2689, %sub3A_2690 : vector<16xi32>
        %ge3A_2692 = arith.constant 0 : i32
        %ge3A_2693 = vector.broadcast %ge3A_2692 : i32 to vector<16xi32>
        %ge3A_2694 = arith.cmpi sge, %sub3A_2691, %ge3A_2693 : vector<16xi32>
        %lt3A_2695 = arith.constant 50000 : i32
        %lt3A_2696 = vector.broadcast %lt3A_2695 : i32 to vector<16xi32>
        %lt3A_2697 = arith.cmpi slt, %sub3A_2691, %lt3A_2696 : vector<16xi32>
        %and3A_2698 = arith.andi %ge3A_2694, %lt3A_2697 : vector<16xi1>
        %jit3A_2699 = arith.constant 50000 : i32
        %broadcast_in_dim3A_2700 = vector.broadcast %jit3A_2699 : i32 to vector<16xi32>
        %select_n3A_2701 = arith.select %and3A_2698, %sub3A_2691, %broadcast_in_dim3A_2700 : vector<16xi1>, vector<16xi32>
        %swap3A_2702 = arith.constant 8 : i32
        %swap3A_2703 = arith.index_cast %swap3A_2702 : i32 to index
        %swap3A_2704 = arith.constant 64 : index
        %swap3A_2705 = tpu.vector_load %arg6[%swap3A_2703, %swap3A_2704] {strides = array<i32>} : memref<10x80xi32, #tpu.memory_space<vmem>>, vector<1x16xi32>,
        %swap3A_2706 = vector.shape_cast %swap3A_2705 : vector<1x16xi32> to vector<16xi32>
        %swap3A_2707 = vector.shape_cast %select_n3A_2701 : vector<16xi32> to vector<1x16xi32>
        tpu.vector_store %arg6[%swap3A_2703, %swap3A_2704], %swap3A_2707 {strides = array<i32>} : memref<10x80xi32, #tpu.memory_space<vmem>>, vector<1x16xi32>,
        %get3A_2708 = arith.constant 1 : i32
        %get3A_2709 = arith.index_cast %get3A_2708 : i32 to index
        %get3A_2710 = arith.constant 720 : index
        %get3A_2711 = tpu.vector_load %arg5[%get3A_2709, %get3A_2710] {strides = array<i32>} : memref<2x800xi32, #tpu.memory_space<vmem>>, vector<1x16xi32>,
        %get3A_2712 = vector.shape_cast %get3A_2711 : vector<1x16xi32> to vector<16xi32>
        %sub3A_2713 = vector.broadcast %mul3A_0 : i32 to vector<16xi32>
        %sub3A_2714 = arith.subi %get3A_2712, %sub3A_2713 : vector<16xi32>
        %ge3A_2715 = arith.constant 0 : i32
        %ge3A_2716 = vector.broadcast %ge3A_2715 : i32 to vector<16xi32>
        %ge3A_2717 = arith.cmpi sge, %sub3A_2714, %ge3A_2716 : vector<16xi32>
        %lt3A_2718 = arith.constant 50000 : i32
        %lt3A_2719 = vector.broadcast %lt3A_2718 : i32 to vector<16xi32>
        %lt3A_2720 = arith.cmpi slt, %sub3A_2714, %lt3A_2719 : vector<16xi32>
        %and3A_2721 = arith.andi %ge3A_2717, %lt3A_2720 : vector<16xi1>
        %jit3A_2722 = arith.constant 50000 : i32
        %broadcast_in_dim3A_2723 = vector.broadcast %jit3A_2722 : i32 to vector<16xi32>
        %select_n3A_2724 = arith.select %and3A_2721, %sub3A_2714, %broadcast_in_dim3A_2723 : vector<16xi1>, vector<16xi32>
        %swap3A_2725 = arith.constant 9 : i32
        %swap3A_2726 = arith.index_cast %swap3A_2725 : i32 to index
        %swap3A_2727 = arith.constant 0 : index
        %swap3A_2728 = tpu.vector_load %arg6[%swap3A_2726, %swap3A_2727] {strides = array<i32>} : memref<10x80xi32, #tpu.memory_space<vmem>>, vector<1x16xi32>,
        %swap3A_2729 = vector.shape_cast %swap3A_2728 : vector<1x16xi32> to vector<16xi32>
        %swap3A_2730 = vector.shape_cast %select_n3A_2724 : vector<16xi32> to vector<1x16xi32>
        tpu.vector_store %arg6[%swap3A_2726, %swap3A_2727], %swap3A_2730 {strides = array<i32>} : memref<10x80xi32, #tpu.memory_space<vmem>>, vector<1x16xi32>,
        %get3A_2731 = arith.constant 1 : i32
        %get3A_2732 = arith.index_cast %get3A_2731 : i32 to index
        %get3A_2733 = arith.constant 736 : index
        %get3A_2734 = tpu.vector_load %arg5[%get3A_2732, %get3A_2733] {strides = array<i32>} : memref<2x800xi32, #tpu.memory_space<vmem>>, vector<1x16xi32>,
        %get3A_2735 = vector.shape_cast %get3A_2734 : vector<1x16xi32> to vector<16xi32>
        %sub3A_2736 = vector.broadcast %mul3A_0 : i32 to vector<16xi32>
        %sub3A_2737 = arith.subi %get3A_2735, %sub3A_2736 : vector<16xi32>
        %ge3A_2738 = arith.constant 0 : i32
        %ge3A_2739 = vector.broadcast %ge3A_2738 : i32 to vector<16xi32>
        %ge3A_2740 = arith.cmpi sge, %sub3A_2737, %ge3A_2739 : vector<16xi32>
        %lt3A_2741 = arith.constant 50000 : i32
        %lt3A_2742 = vector.broadcast %lt3A_2741 : i32 to vector<16xi32>
        %lt3A_2743 = arith.cmpi slt, %sub3A_2737, %lt3A_2742 : vector<16xi32>
        %and3A_2744 = arith.andi %ge3A_2740, %lt3A_2743 : vector<16xi1>
        %jit3A_2745 = arith.constant 50000 : i32
        %broadcast_in_dim3A_2746 = vector.broadcast %jit3A_2745 : i32 to vector<16xi32>
        %select_n3A_2747 = arith.select %and3A_2744, %sub3A_2737, %broadcast_in_dim3A_2746 : vector<16xi1>, vector<16xi32>
        %swap3A_2748 = arith.constant 9 : i32
        %swap3A_2749 = arith.index_cast %swap3A_2748 : i32 to index
        %swap3A_2750 = arith.constant 16 : index
        %swap3A_2751 = tpu.vector_load %arg6[%swap3A_2749, %swap3A_2750] {strides = array<i32>} : memref<10x80xi32, #tpu.memory_space<vmem>>, vector<1x16xi32>,
        %swap3A_2752 = vector.shape_cast %swap3A_2751 : vector<1x16xi32> to vector<16xi32>
        %swap3A_2753 = vector.shape_cast %select_n3A_2747 : vector<16xi32> to vector<1x16xi32>
        tpu.vector_store %arg6[%swap3A_2749, %swap3A_2750], %swap3A_2753 {strides = array<i32>} : memref<10x80xi32, #tpu.memory_space<vmem>>, vector<1x16xi32>,
        %get3A_2754 = arith.constant 1 : i32
        %get3A_2755 = arith.index_cast %get3A_2754 : i32 to index
        %get3A_2756 = arith.constant 752 : index
        %get3A_2757 = tpu.vector_load %arg5[%get3A_2755, %get3A_2756] {strides = array<i32>} : memref<2x800xi32, #tpu.memory_space<vmem>>, vector<1x16xi32>,
        %get3A_2758 = vector.shape_cast %get3A_2757 : vector<1x16xi32> to vector<16xi32>
        %sub3A_2759 = vector.broadcast %mul3A_0 : i32 to vector<16xi32>
        %sub3A_2760 = arith.subi %get3A_2758, %sub3A_2759 : vector<16xi32>
        %ge3A_2761 = arith.constant 0 : i32
        %ge3A_2762 = vector.broadcast %ge3A_2761 : i32 to vector<16xi32>
        %ge3A_2763 = arith.cmpi sge, %sub3A_2760, %ge3A_2762 : vector<16xi32>
        %lt3A_2764 = arith.constant 50000 : i32
        %lt3A_2765 = vector.broadcast %lt3A_2764 : i32 to vector<16xi32>
        %lt3A_2766 = arith.cmpi slt, %sub3A_2760, %lt3A_2765 : vector<16xi32>
        %and3A_2767 = arith.andi %ge3A_2763, %lt3A_2766 : vector<16xi1>
        %jit3A_2768 = arith.constant 50000 : i32
        %broadcast_in_dim3A_2769 = vector.broadcast %jit3A_2768 : i32 to vector<16xi32>
        %select_n3A_2770 = arith.select %and3A_2767, %sub3A_2760, %broadcast_in_dim3A_2769 : vector<16xi1>, vector<16xi32>
        %swap3A_2771 = arith.constant 9 : i32
        %swap3A_2772 = arith.index_cast %swap3A_2771 : i32 to index
        %swap3A_2773 = arith.constant 32 : index
        %swap3A_2774 = tpu.vector_load %arg6[%swap3A_2772, %swap3A_2773] {strides = array<i32>} : memref<10x80xi32, #tpu.memory_space<vmem>>, vector<1x16xi32>,
        %swap3A_2775 = vector.shape_cast %swap3A_2774 : vector<1x16xi32> to vector<16xi32>
        %swap3A_2776 = vector.shape_cast %select_n3A_2770 : vector<16xi32> to vector<1x16xi32>
        tpu.vector_store %arg6[%swap3A_2772, %swap3A_2773], %swap3A_2776 {strides = array<i32>} : memref<10x80xi32, #tpu.memory_space<vmem>>, vector<1x16xi32>,
        %get3A_2777 = arith.constant 1 : i32
        %get3A_2778 = arith.index_cast %get3A_2777 : i32 to index
        %get3A_2779 = arith.constant 768 : index
        %get3A_2780 = tpu.vector_load %arg5[%get3A_2778, %get3A_2779] {strides = array<i32>} : memref<2x800xi32, #tpu.memory_space<vmem>>, vector<1x16xi32>,
        %get3A_2781 = vector.shape_cast %get3A_2780 : vector<1x16xi32> to vector<16xi32>
        %sub3A_2782 = vector.broadcast %mul3A_0 : i32 to vector<16xi32>
        %sub3A_2783 = arith.subi %get3A_2781, %sub3A_2782 : vector<16xi32>
        %ge3A_2784 = arith.constant 0 : i32
        %ge3A_2785 = vector.broadcast %ge3A_2784 : i32 to vector<16xi32>
        %ge3A_2786 = arith.cmpi sge, %sub3A_2783, %ge3A_2785 : vector<16xi32>
        %lt3A_2787 = arith.constant 50000 : i32
        %lt3A_2788 = vector.broadcast %lt3A_2787 : i32 to vector<16xi32>
        %lt3A_2789 = arith.cmpi slt, %sub3A_2783, %lt3A_2788 : vector<16xi32>
        %and3A_2790 = arith.andi %ge3A_2786, %lt3A_2789 : vector<16xi1>
        %jit3A_2791 = arith.constant 50000 : i32
        %broadcast_in_dim3A_2792 = vector.broadcast %jit3A_2791 : i32 to vector<16xi32>
        %select_n3A_2793 = arith.select %and3A_2790, %sub3A_2783, %broadcast_in_dim3A_2792 : vector<16xi1>, vector<16xi32>
        %swap3A_2794 = arith.constant 9 : i32
        %swap3A_2795 = arith.index_cast %swap3A_2794 : i32 to index
        %swap3A_2796 = arith.constant 48 : index
        %swap3A_2797 = tpu.vector_load %arg6[%swap3A_2795, %swap3A_2796] {strides = array<i32>} : memref<10x80xi32, #tpu.memory_space<vmem>>, vector<1x16xi32>,
        %swap3A_2798 = vector.shape_cast %swap3A_2797 : vector<1x16xi32> to vector<16xi32>
        %swap3A_2799 = vector.shape_cast %select_n3A_2793 : vector<16xi32> to vector<1x16xi32>
        tpu.vector_store %arg6[%swap3A_2795, %swap3A_2796], %swap3A_2799 {strides = array<i32>} : memref<10x80xi32, #tpu.memory_space<vmem>>, vector<1x16xi32>,
        %get3A_2800 = arith.constant 1 : i32
        %get3A_2801 = arith.index_cast %get3A_2800 : i32 to index
        %get3A_2802 = arith.constant 784 : index
        %get3A_2803 = tpu.vector_load %arg5[%get3A_2801, %get3A_2802] {strides = array<i32>} : memref<2x800xi32, #tpu.memory_space<vmem>>, vector<1x16xi32>,
        %get3A_2804 = vector.shape_cast %get3A_2803 : vector<1x16xi32> to vector<16xi32>
        %sub3A_2805 = vector.broadcast %mul3A_0 : i32 to vector<16xi32>
        %sub3A_2806 = arith.subi %get3A_2804, %sub3A_2805 : vector<16xi32>
        %ge3A_2807 = arith.constant 0 : i32
        %ge3A_2808 = vector.broadcast %ge3A_2807 : i32 to vector<16xi32>
        %ge3A_2809 = arith.cmpi sge, %sub3A_2806, %ge3A_2808 : vector<16xi32>
        %lt3A_2810 = arith.constant 50000 : i32
        %lt3A_2811 = vector.broadcast %lt3A_2810 : i32 to vector<16xi32>
        %lt3A_2812 = arith.cmpi slt, %sub3A_2806, %lt3A_2811 : vector<16xi32>
        %and3A_2813 = arith.andi %ge3A_2809, %lt3A_2812 : vector<16xi1>
        %jit3A_2814 = arith.constant 50000 : i32
        %broadcast_in_dim3A_2815 = vector.broadcast %jit3A_2814 : i32 to vector<16xi32>
        %select_n3A_2816 = arith.select %and3A_2813, %sub3A_2806, %broadcast_in_dim3A_2815 : vector<16xi1>, vector<16xi32>
        %swap3A_2817 = arith.constant 9 : i32
        %swap3A_2818 = arith.index_cast %swap3A_2817 : i32 to index
        %swap3A_2819 = arith.constant 64 : index
        %swap3A_2820 = tpu.vector_load %arg6[%swap3A_2818, %swap3A_2819] {strides = array<i32>} : memref<10x80xi32, #tpu.memory_space<vmem>>, vector<1x16xi32>,
        %swap3A_2821 = vector.shape_cast %swap3A_2820 : vector<1x16xi32> to vector<16xi32>
        %swap3A_2822 = vector.shape_cast %select_n3A_2816 : vector<16xi32> to vector<1x16xi32>
        tpu.vector_store %arg6[%swap3A_2818, %swap3A_2819], %swap3A_2822 {strides = array<i32>} : memref<10x80xi32, #tpu.memory_space<vmem>>, vector<1x16xi32>,
        %dma_start3A_2823 = arith.constant 0 : i32
        %dma_start3A_2824 = arith.constant 800 : i32
        %dma_start3A_2825 = arith.constant 0 : i32
        %dma_start3A_2826 = tpu.memref_slice %arg7[%dma_start3A_2824, %dma_start3A_2825] : memref<1600x24xf32, #tpu.memory_space<vmem>> -> memref<80x24xf32, #tpu.memory_space<vmem>>
        %dma_start3A_2827 = arith.constant 0 : i32
        %dma_start3A_2828 = tpu.memref_slice %arg6[%dma_start3A_2823, %dma_start3A_2827] : memref<10x80xi32, #tpu.memory_space<vmem>> -> memref<1x80xi32, #tpu.memory_space<vmem>>
        %dma_start3A_2829 = tpu.memref_squeeze %dma_start3A_2828 : memref<1x80xi32, #tpu.memory_space<vmem>> -> memref<80xi32, #tpu.memory_space<vmem>>
        %dma_start3A_2830 = arith.constant 0 : i32
        %dma_start3A_2831 = arith.constant 0 : i32
        %dma_start3A_2832 = tpu.memref_slice %arg8[%dma_start3A_2830, %dma_start3A_2831] : memref<51200x24xf32, #tpu.memory_space<vmem_shared>> -> memref<51200x24xf32, #tpu.memory_space<vmem_shared>>
        tpu.enqueue_indirect_dma source(%dma_start3A_2826 : memref<80x24xf32, #tpu.memory_space<vmem>>) target(%dma_start3A_2832 : memref<51200x24xf32, #tpu.memory_space<vmem_shared>>) offsets(%dma_start3A_2829 : memref<80xi32, #tpu.memory_space<vmem>>) semaphore(%arg11 : memref<!tpu.dma_semaphore, #tpu.memory_space<semaphore_mem>>) {add = true}
        %dma_start3A_2833 = arith.constant 1 : i32
        %dma_start3A_2834 = arith.constant 880 : i32
        %dma_start3A_2835 = arith.constant 0 : i32
        %dma_start3A_2836 = tpu.memref_slice %arg7[%dma_start3A_2834, %dma_start3A_2835] : memref<1600x24xf32, #tpu.memory_space<vmem>> -> memref<80x24xf32, #tpu.memory_space<vmem>>
        %dma_start3A_2837 = arith.constant 0 : i32
        %dma_start3A_2838 = tpu.memref_slice %arg6[%dma_start3A_2833, %dma_start3A_2837] : memref<10x80xi32, #tpu.memory_space<vmem>> -> memref<1x80xi32, #tpu.memory_space<vmem>>
        %dma_start3A_2839 = tpu.memref_squeeze %dma_start3A_2838 : memref<1x80xi32, #tpu.memory_space<vmem>> -> memref<80xi32, #tpu.memory_space<vmem>>
        %dma_start3A_2840 = arith.constant 0 : i32
        %dma_start3A_2841 = arith.constant 0 : i32
        %dma_start3A_2842 = tpu.memref_slice %arg8[%dma_start3A_2840, %dma_start3A_2841] : memref<51200x24xf32, #tpu.memory_space<vmem_shared>> -> memref<51200x24xf32, #tpu.memory_space<vmem_shared>>
        tpu.enqueue_indirect_dma source(%dma_start3A_2836 : memref<80x24xf32, #tpu.memory_space<vmem>>) target(%dma_start3A_2842 : memref<51200x24xf32, #tpu.memory_space<vmem_shared>>) offsets(%dma_start3A_2839 : memref<80xi32, #tpu.memory_space<vmem>>) semaphore(%arg11 : memref<!tpu.dma_semaphore, #tpu.memory_space<semaphore_mem>>) {add = true}
        %dma_start3A_2843 = arith.constant 2 : i32
        %dma_start3A_2844 = arith.constant 960 : i32
        %dma_start3A_2845 = arith.constant 0 : i32
        %dma_start3A_2846 = tpu.memref_slice %arg7[%dma_start3A_2844, %dma_start3A_2845] : memref<1600x24xf32, #tpu.memory_space<vmem>> -> memref<80x24xf32, #tpu.memory_space<vmem>>
        %dma_start3A_2847 = arith.constant 0 : i32
        %dma_start3A_2848 = tpu.memref_slice %arg6[%dma_start3A_2843, %dma_start3A_2847] : memref<10x80xi32, #tpu.memory_space<vmem>> -> memref<1x80xi32, #tpu.memory_space<vmem>>
        %dma_start3A_2849 = tpu.memref_squeeze %dma_start3A_2848 : memref<1x80xi32, #tpu.memory_space<vmem>> -> memref<80xi32, #tpu.memory_space<vmem>>
        %dma_start3A_2850 = arith.constant 0 : i32
        %dma_start3A_2851 = arith.constant 0 : i32
        %dma_start3A_2852 = tpu.memref_slice %arg8[%dma_start3A_2850, %dma_start3A_2851] : memref<51200x24xf32, #tpu.memory_space<vmem_shared>> -> memref<51200x24xf32, #tpu.memory_space<vmem_shared>>
        tpu.enqueue_indirect_dma source(%dma_start3A_2846 : memref<80x24xf32, #tpu.memory_space<vmem>>) target(%dma_start3A_2852 : memref<51200x24xf32, #tpu.memory_space<vmem_shared>>) offsets(%dma_start3A_2849 : memref<80xi32, #tpu.memory_space<vmem>>) semaphore(%arg11 : memref<!tpu.dma_semaphore, #tpu.memory_space<semaphore_mem>>) {add = true}
        %dma_start3A_2853 = arith.constant 3 : i32
        %dma_start3A_2854 = arith.constant 1040 : i32
        %dma_start3A_2855 = arith.constant 0 : i32
        %dma_start3A_2856 = tpu.memref_slice %arg7[%dma_start3A_2854, %dma_start3A_2855] : memref<1600x24xf32, #tpu.memory_space<vmem>> -> memref<80x24xf32, #tpu.memory_space<vmem>>
        %dma_start3A_2857 = arith.constant 0 : i32
        %dma_start3A_2858 = tpu.memref_slice %arg6[%dma_start3A_2853, %dma_start3A_2857] : memref<10x80xi32, #tpu.memory_space<vmem>> -> memref<1x80xi32, #tpu.memory_space<vmem>>
        %dma_start3A_2859 = tpu.memref_squeeze %dma_start3A_2858 : memref<1x80xi32, #tpu.memory_space<vmem>> -> memref<80xi32, #tpu.memory_space<vmem>>
        %dma_start3A_2860 = arith.constant 0 : i32
        %dma_start3A_2861 = arith.constant 0 : i32
        %dma_start3A_2862 = tpu.memref_slice %arg8[%dma_start3A_2860, %dma_start3A_2861] : memref<51200x24xf32, #tpu.memory_space<vmem_shared>> -> memref<51200x24xf32, #tpu.memory_space<vmem_shared>>
        tpu.enqueue_indirect_dma source(%dma_start3A_2856 : memref<80x24xf32, #tpu.memory_space<vmem>>) target(%dma_start3A_2862 : memref<51200x24xf32, #tpu.memory_space<vmem_shared>>) offsets(%dma_start3A_2859 : memref<80xi32, #tpu.memory_space<vmem>>) semaphore(%arg11 : memref<!tpu.dma_semaphore, #tpu.memory_space<semaphore_mem>>) {add = true}
        %dma_start3A_2863 = arith.constant 4 : i32
        %dma_start3A_2864 = arith.constant 1120 : i32
        %dma_start3A_2865 = arith.constant 0 : i32
        %dma_start3A_2866 = tpu.memref_slice %arg7[%dma_start3A_2864, %dma_start3A_2865] : memref<1600x24xf32, #tpu.memory_space<vmem>> -> memref<80x24xf32, #tpu.memory_space<vmem>>
        %dma_start3A_2867 = arith.constant 0 : i32
        %dma_start3A_2868 = tpu.memref_slice %arg6[%dma_start3A_2863, %dma_start3A_2867] : memref<10x80xi32, #tpu.memory_space<vmem>> -> memref<1x80xi32, #tpu.memory_space<vmem>>
        %dma_start3A_2869 = tpu.memref_squeeze %dma_start3A_2868 : memref<1x80xi32, #tpu.memory_space<vmem>> -> memref<80xi32, #tpu.memory_space<vmem>>
        %dma_start3A_2870 = arith.constant 0 : i32
        %dma_start3A_2871 = arith.constant 0 : i32
        %dma_start3A_2872 = tpu.memref_slice %arg8[%dma_start3A_2870, %dma_start3A_2871] : memref<51200x24xf32, #tpu.memory_space<vmem_shared>> -> memref<51200x24xf32, #tpu.memory_space<vmem_shared>>
        tpu.enqueue_indirect_dma source(%dma_start3A_2866 : memref<80x24xf32, #tpu.memory_space<vmem>>) target(%dma_start3A_2872 : memref<51200x24xf32, #tpu.memory_space<vmem_shared>>) offsets(%dma_start3A_2869 : memref<80xi32, #tpu.memory_space<vmem>>) semaphore(%arg11 : memref<!tpu.dma_semaphore, #tpu.memory_space<semaphore_mem>>) {add = true}
        %dma_start3A_2873 = arith.constant 5 : i32
        %dma_start3A_2874 = arith.constant 1200 : i32
        %dma_start3A_2875 = arith.constant 0 : i32
        %dma_start3A_2876 = tpu.memref_slice %arg7[%dma_start3A_2874, %dma_start3A_2875] : memref<1600x24xf32, #tpu.memory_space<vmem>> -> memref<80x24xf32, #tpu.memory_space<vmem>>
        %dma_start3A_2877 = arith.constant 0 : i32
        %dma_start3A_2878 = tpu.memref_slice %arg6[%dma_start3A_2873, %dma_start3A_2877] : memref<10x80xi32, #tpu.memory_space<vmem>> -> memref<1x80xi32, #tpu.memory_space<vmem>>
        %dma_start3A_2879 = tpu.memref_squeeze %dma_start3A_2878 : memref<1x80xi32, #tpu.memory_space<vmem>> -> memref<80xi32, #tpu.memory_space<vmem>>
        %dma_start3A_2880 = arith.constant 0 : i32
        %dma_start3A_2881 = arith.constant 0 : i32
        %dma_start3A_2882 = tpu.memref_slice %arg8[%dma_start3A_2880, %dma_start3A_2881] : memref<51200x24xf32, #tpu.memory_space<vmem_shared>> -> memref<51200x24xf32, #tpu.memory_space<vmem_shared>>
        tpu.enqueue_indirect_dma source(%dma_start3A_2876 : memref<80x24xf32, #tpu.memory_space<vmem>>) target(%dma_start3A_2882 : memref<51200x24xf32, #tpu.memory_space<vmem_shared>>) offsets(%dma_start3A_2879 : memref<80xi32, #tpu.memory_space<vmem>>) semaphore(%arg11 : memref<!tpu.dma_semaphore, #tpu.memory_space<semaphore_mem>>) {add = true}
        %dma_start3A_2883 = arith.constant 6 : i32
        %dma_start3A_2884 = arith.constant 1280 : i32
        %dma_start3A_2885 = arith.constant 0 : i32
        %dma_start3A_2886 = tpu.memref_slice %arg7[%dma_start3A_2884, %dma_start3A_2885] : memref<1600x24xf32, #tpu.memory_space<vmem>> -> memref<80x24xf32, #tpu.memory_space<vmem>>
        %dma_start3A_2887 = arith.constant 0 : i32
        %dma_start3A_2888 = tpu.memref_slice %arg6[%dma_start3A_2883, %dma_start3A_2887] : memref<10x80xi32, #tpu.memory_space<vmem>> -> memref<1x80xi32, #tpu.memory_space<vmem>>
        %dma_start3A_2889 = tpu.memref_squeeze %dma_start3A_2888 : memref<1x80xi32, #tpu.memory_space<vmem>> -> memref<80xi32, #tpu.memory_space<vmem>>
        %dma_start3A_2890 = arith.constant 0 : i32
        %dma_start3A_2891 = arith.constant 0 : i32
        %dma_start3A_2892 = tpu.memref_slice %arg8[%dma_start3A_2890, %dma_start3A_2891] : memref<51200x24xf32, #tpu.memory_space<vmem_shared>> -> memref<51200x24xf32, #tpu.memory_space<vmem_shared>>
        tpu.enqueue_indirect_dma source(%dma_start3A_2886 : memref<80x24xf32, #tpu.memory_space<vmem>>) target(%dma_start3A_2892 : memref<51200x24xf32, #tpu.memory_space<vmem_shared>>) offsets(%dma_start3A_2889 : memref<80xi32, #tpu.memory_space<vmem>>) semaphore(%arg11 : memref<!tpu.dma_semaphore, #tpu.memory_space<semaphore_mem>>) {add = true}
        %dma_start3A_2893 = arith.constant 7 : i32
        %dma_start3A_2894 = arith.constant 1360 : i32
        %dma_start3A_2895 = arith.constant 0 : i32
        %dma_start3A_2896 = tpu.memref_slice %arg7[%dma_start3A_2894, %dma_start3A_2895] : memref<1600x24xf32, #tpu.memory_space<vmem>> -> memref<80x24xf32, #tpu.memory_space<vmem>>
        %dma_start3A_2897 = arith.constant 0 : i32
        %dma_start3A_2898 = tpu.memref_slice %arg6[%dma_start3A_2893, %dma_start3A_2897] : memref<10x80xi32, #tpu.memory_space<vmem>> -> memref<1x80xi32, #tpu.memory_space<vmem>>
        %dma_start3A_2899 = tpu.memref_squeeze %dma_start3A_2898 : memref<1x80xi32, #tpu.memory_space<vmem>> -> memref<80xi32, #tpu.memory_space<vmem>>
        %dma_start3A_2900 = arith.constant 0 : i32
        %dma_start3A_2901 = arith.constant 0 : i32
        %dma_start3A_2902 = tpu.memref_slice %arg8[%dma_start3A_2900, %dma_start3A_2901] : memref<51200x24xf32, #tpu.memory_space<vmem_shared>> -> memref<51200x24xf32, #tpu.memory_space<vmem_shared>>
        tpu.enqueue_indirect_dma source(%dma_start3A_2896 : memref<80x24xf32, #tpu.memory_space<vmem>>) target(%dma_start3A_2902 : memref<51200x24xf32, #tpu.memory_space<vmem_shared>>) offsets(%dma_start3A_2899 : memref<80xi32, #tpu.memory_space<vmem>>) semaphore(%arg11 : memref<!tpu.dma_semaphore, #tpu.memory_space<semaphore_mem>>) {add = true}
        %dma_start3A_2903 = arith.constant 8 : i32
        %dma_start3A_2904 = arith.constant 1440 : i32
        %dma_start3A_2905 = arith.constant 0 : i32
        %dma_start3A_2906 = tpu.memref_slice %arg7[%dma_start3A_2904, %dma_start3A_2905] : memref<1600x24xf32, #tpu.memory_space<vmem>> -> memref<80x24xf32, #tpu.memory_space<vmem>>
        %dma_start3A_2907 = arith.constant 0 : i32
        %dma_start3A_2908 = tpu.memref_slice %arg6[%dma_start3A_2903, %dma_start3A_2907] : memref<10x80xi32, #tpu.memory_space<vmem>> -> memref<1x80xi32, #tpu.memory_space<vmem>>
        %dma_start3A_2909 = tpu.memref_squeeze %dma_start3A_2908 : memref<1x80xi32, #tpu.memory_space<vmem>> -> memref<80xi32, #tpu.memory_space<vmem>>
        %dma_start3A_2910 = arith.constant 0 : i32
        %dma_start3A_2911 = arith.constant 0 : i32
        %dma_start3A_2912 = tpu.memref_slice %arg8[%dma_start3A_2910, %dma_start3A_2911] : memref<51200x24xf32, #tpu.memory_space<vmem_shared>> -> memref<51200x24xf32, #tpu.memory_space<vmem_shared>>
        tpu.enqueue_indirect_dma source(%dma_start3A_2906 : memref<80x24xf32, #tpu.memory_space<vmem>>) target(%dma_start3A_2912 : memref<51200x24xf32, #tpu.memory_space<vmem_shared>>) offsets(%dma_start3A_2909 : memref<80xi32, #tpu.memory_space<vmem>>) semaphore(%arg11 : memref<!tpu.dma_semaphore, #tpu.memory_space<semaphore_mem>>) {add = true}
        %dma_start3A_2913 = arith.constant 9 : i32
        %dma_start3A_2914 = arith.constant 1520 : i32
        %dma_start3A_2915 = arith.constant 0 : i32
        %dma_start3A_2916 = tpu.memref_slice %arg7[%dma_start3A_2914, %dma_start3A_2915] : memref<1600x24xf32, #tpu.memory_space<vmem>> -> memref<80x24xf32, #tpu.memory_space<vmem>>
        %dma_start3A_2917 = arith.constant 0 : i32
        %dma_start3A_2918 = tpu.memref_slice %arg6[%dma_start3A_2913, %dma_start3A_2917] : memref<10x80xi32, #tpu.memory_space<vmem>> -> memref<1x80xi32, #tpu.memory_space<vmem>>
        %dma_start3A_2919 = tpu.memref_squeeze %dma_start3A_2918 : memref<1x80xi32, #tpu.memory_space<vmem>> -> memref<80xi32, #tpu.memory_space<vmem>>
        %dma_start3A_2920 = arith.constant 0 : i32
        %dma_start3A_2921 = arith.constant 0 : i32
        %dma_start3A_2922 = tpu.memref_slice %arg8[%dma_start3A_2920, %dma_start3A_2921] : memref<51200x24xf32, #tpu.memory_space<vmem_shared>> -> memref<51200x24xf32, #tpu.memory_space<vmem_shared>>
        tpu.enqueue_indirect_dma source(%dma_start3A_2916 : memref<80x24xf32, #tpu.memory_space<vmem>>) target(%dma_start3A_2922 : memref<51200x24xf32, #tpu.memory_space<vmem_shared>>) offsets(%dma_start3A_2919 : memref<80xi32, #tpu.memory_space<vmem>>) semaphore(%arg11 : memref<!tpu.dma_semaphore, #tpu.memory_space<semaphore_mem>>) {add = true}
        %dma_wait3A_2923 = arith.constant 0 : i32
        %dma_wait3A_2924 = arith.constant 800 : i32
        %dma_wait3A_2925 = arith.constant 0 : i32
        %dma_wait3A_2926 = tpu.memref_slice %arg7[%dma_wait3A_2924, %dma_wait3A_2925] : memref<1600x24xf32, #tpu.memory_space<vmem>> -> memref<80x24xf32, #tpu.memory_space<vmem>>
        %dma_wait3A_2927 = arith.constant 0 : i32
        %dma_wait3A_2928 = tpu.memref_slice %arg6[%dma_wait3A_2923, %dma_wait3A_2927] : memref<10x80xi32, #tpu.memory_space<vmem>> -> memref<1x80xi32, #tpu.memory_space<vmem>>
        %dma_wait3A_2929 = tpu.memref_squeeze %dma_wait3A_2928 : memref<1x80xi32, #tpu.memory_space<vmem>> -> memref<80xi32, #tpu.memory_space<vmem>>
        %dma_wait3A_2930 = arith.constant 0 : i32
        %dma_wait3A_2931 = arith.constant 0 : i32
        %dma_wait3A_2932 = tpu.memref_slice %arg8[%dma_wait3A_2930, %dma_wait3A_2931] : memref<51200x24xf32, #tpu.memory_space<vmem_shared>> -> memref<51200x24xf32, #tpu.memory_space<vmem_shared>>
        tpu.wait_indirect_dma semaphore(%arg11 : memref<!tpu.dma_semaphore, #tpu.memory_space<semaphore_mem>>) src(%dma_wait3A_2926 : memref<80x24xf32, #tpu.memory_space<vmem>>) dst(%dma_wait3A_2932 : memref<51200x24xf32, #tpu.memory_space<vmem_shared>>)
        %dma_wait3A_2933 = arith.constant 1 : i32
        %dma_wait3A_2934 = arith.constant 880 : i32
        %dma_wait3A_2935 = arith.constant 0 : i32
        %dma_wait3A_2936 = tpu.memref_slice %arg7[%dma_wait3A_2934, %dma_wait3A_2935] : memref<1600x24xf32, #tpu.memory_space<vmem>> -> memref<80x24xf32, #tpu.memory_space<vmem>>
        %dma_wait3A_2937 = arith.constant 0 : i32
        %dma_wait3A_2938 = tpu.memref_slice %arg6[%dma_wait3A_2933, %dma_wait3A_2937] : memref<10x80xi32, #tpu.memory_space<vmem>> -> memref<1x80xi32, #tpu.memory_space<vmem>>
        %dma_wait3A_2939 = tpu.memref_squeeze %dma_wait3A_2938 : memref<1x80xi32, #tpu.memory_space<vmem>> -> memref<80xi32, #tpu.memory_space<vmem>>
        %dma_wait3A_2940 = arith.constant 0 : i32
        %dma_wait3A_2941 = arith.constant 0 : i32
        %dma_wait3A_2942 = tpu.memref_slice %arg8[%dma_wait3A_2940, %dma_wait3A_2941] : memref<51200x24xf32, #tpu.memory_space<vmem_shared>> -> memref<51200x24xf32, #tpu.memory_space<vmem_shared>>
        tpu.wait_indirect_dma semaphore(%arg11 : memref<!tpu.dma_semaphore, #tpu.memory_space<semaphore_mem>>) src(%dma_wait3A_2936 : memref<80x24xf32, #tpu.memory_space<vmem>>) dst(%dma_wait3A_2942 : memref<51200x24xf32, #tpu.memory_space<vmem_shared>>)
        %dma_wait3A_2943 = arith.constant 2 : i32
        %dma_wait3A_2944 = arith.constant 960 : i32
        %dma_wait3A_2945 = arith.constant 0 : i32
        %dma_wait3A_2946 = tpu.memref_slice %arg7[%dma_wait3A_2944, %dma_wait3A_2945] : memref<1600x24xf32, #tpu.memory_space<vmem>> -> memref<80x24xf32, #tpu.memory_space<vmem>>
        %dma_wait3A_2947 = arith.constant 0 : i32
        %dma_wait3A_2948 = tpu.memref_slice %arg6[%dma_wait3A_2943, %dma_wait3A_2947] : memref<10x80xi32, #tpu.memory_space<vmem>> -> memref<1x80xi32, #tpu.memory_space<vmem>>
        %dma_wait3A_2949 = tpu.memref_squeeze %dma_wait3A_2948 : memref<1x80xi32, #tpu.memory_space<vmem>> -> memref<80xi32, #tpu.memory_space<vmem>>
        %dma_wait3A_2950 = arith.constant 0 : i32
        %dma_wait3A_2951 = arith.constant 0 : i32
        %dma_wait3A_2952 = tpu.memref_slice %arg8[%dma_wait3A_2950, %dma_wait3A_2951] : memref<51200x24xf32, #tpu.memory_space<vmem_shared>> -> memref<51200x24xf32, #tpu.memory_space<vmem_shared>>
        tpu.wait_indirect_dma semaphore(%arg11 : memref<!tpu.dma_semaphore, #tpu.memory_space<semaphore_mem>>) src(%dma_wait3A_2946 : memref<80x24xf32, #tpu.memory_space<vmem>>) dst(%dma_wait3A_2952 : memref<51200x24xf32, #tpu.memory_space<vmem_shared>>)
        %dma_wait3A_2953 = arith.constant 3 : i32
        %dma_wait3A_2954 = arith.constant 1040 : i32
        %dma_wait3A_2955 = arith.constant 0 : i32
        %dma_wait3A_2956 = tpu.memref_slice %arg7[%dma_wait3A_2954, %dma_wait3A_2955] : memref<1600x24xf32, #tpu.memory_space<vmem>> -> memref<80x24xf32, #tpu.memory_space<vmem>>
        %dma_wait3A_2957 = arith.constant 0 : i32
        %dma_wait3A_2958 = tpu.memref_slice %arg6[%dma_wait3A_2953, %dma_wait3A_2957] : memref<10x80xi32, #tpu.memory_space<vmem>> -> memref<1x80xi32, #tpu.memory_space<vmem>>
        %dma_wait3A_2959 = tpu.memref_squeeze %dma_wait3A_2958 : memref<1x80xi32, #tpu.memory_space<vmem>> -> memref<80xi32, #tpu.memory_space<vmem>>
        %dma_wait3A_2960 = arith.constant 0 : i32
        %dma_wait3A_2961 = arith.constant 0 : i32
        %dma_wait3A_2962 = tpu.memref_slice %arg8[%dma_wait3A_2960, %dma_wait3A_2961] : memref<51200x24xf32, #tpu.memory_space<vmem_shared>> -> memref<51200x24xf32, #tpu.memory_space<vmem_shared>>
        tpu.wait_indirect_dma semaphore(%arg11 : memref<!tpu.dma_semaphore, #tpu.memory_space<semaphore_mem>>) src(%dma_wait3A_2956 : memref<80x24xf32, #tpu.memory_space<vmem>>) dst(%dma_wait3A_2962 : memref<51200x24xf32, #tpu.memory_space<vmem_shared>>)
        %dma_wait3A_2963 = arith.constant 4 : i32
        %dma_wait3A_2964 = arith.constant 1120 : i32
        %dma_wait3A_2965 = arith.constant 0 : i32
        %dma_wait3A_2966 = tpu.memref_slice %arg7[%dma_wait3A_2964, %dma_wait3A_2965] : memref<1600x24xf32, #tpu.memory_space<vmem>> -> memref<80x24xf32, #tpu.memory_space<vmem>>
        %dma_wait3A_2967 = arith.constant 0 : i32
        %dma_wait3A_2968 = tpu.memref_slice %arg6[%dma_wait3A_2963, %dma_wait3A_2967] : memref<10x80xi32, #tpu.memory_space<vmem>> -> memref<1x80xi32, #tpu.memory_space<vmem>>
        %dma_wait3A_2969 = tpu.memref_squeeze %dma_wait3A_2968 : memref<1x80xi32, #tpu.memory_space<vmem>> -> memref<80xi32, #tpu.memory_space<vmem>>
        %dma_wait3A_2970 = arith.constant 0 : i32
        %dma_wait3A_2971 = arith.constant 0 : i32
        %dma_wait3A_2972 = tpu.memref_slice %arg8[%dma_wait3A_2970, %dma_wait3A_2971] : memref<51200x24xf32, #tpu.memory_space<vmem_shared>> -> memref<51200x24xf32, #tpu.memory_space<vmem_shared>>
        tpu.wait_indirect_dma semaphore(%arg11 : memref<!tpu.dma_semaphore, #tpu.memory_space<semaphore_mem>>) src(%dma_wait3A_2966 : memref<80x24xf32, #tpu.memory_space<vmem>>) dst(%dma_wait3A_2972 : memref<51200x24xf32, #tpu.memory_space<vmem_shared>>)
        %dma_wait3A_2973 = arith.constant 5 : i32
        %dma_wait3A_2974 = arith.constant 1200 : i32
        %dma_wait3A_2975 = arith.constant 0 : i32
        %dma_wait3A_2976 = tpu.memref_slice %arg7[%dma_wait3A_2974, %dma_wait3A_2975] : memref<1600x24xf32, #tpu.memory_space<vmem>> -> memref<80x24xf32, #tpu.memory_space<vmem>>
        %dma_wait3A_2977 = arith.constant 0 : i32
        %dma_wait3A_2978 = tpu.memref_slice %arg6[%dma_wait3A_2973, %dma_wait3A_2977] : memref<10x80xi32, #tpu.memory_space<vmem>> -> memref<1x80xi32, #tpu.memory_space<vmem>>
        %dma_wait3A_2979 = tpu.memref_squeeze %dma_wait3A_2978 : memref<1x80xi32, #tpu.memory_space<vmem>> -> memref<80xi32, #tpu.memory_space<vmem>>
        %dma_wait3A_2980 = arith.constant 0 : i32
        %dma_wait3A_2981 = arith.constant 0 : i32
        %dma_wait3A_2982 = tpu.memref_slice %arg8[%dma_wait3A_2980, %dma_wait3A_2981] : memref<51200x24xf32, #tpu.memory_space<vmem_shared>> -> memref<51200x24xf32, #tpu.memory_space<vmem_shared>>
        tpu.wait_indirect_dma semaphore(%arg11 : memref<!tpu.dma_semaphore, #tpu.memory_space<semaphore_mem>>) src(%dma_wait3A_2976 : memref<80x24xf32, #tpu.memory_space<vmem>>) dst(%dma_wait3A_2982 : memref<51200x24xf32, #tpu.memory_space<vmem_shared>>)
        %dma_wait3A_2983 = arith.constant 6 : i32
        %dma_wait3A_2984 = arith.constant 1280 : i32
        %dma_wait3A_2985 = arith.constant 0 : i32
        %dma_wait3A_2986 = tpu.memref_slice %arg7[%dma_wait3A_2984, %dma_wait3A_2985] : memref<1600x24xf32, #tpu.memory_space<vmem>> -> memref<80x24xf32, #tpu.memory_space<vmem>>
        %dma_wait3A_2987 = arith.constant 0 : i32
        %dma_wait3A_2988 = tpu.memref_slice %arg6[%dma_wait3A_2983, %dma_wait3A_2987] : memref<10x80xi32, #tpu.memory_space<vmem>> -> memref<1x80xi32, #tpu.memory_space<vmem>>
        %dma_wait3A_2989 = tpu.memref_squeeze %dma_wait3A_2988 : memref<1x80xi32, #tpu.memory_space<vmem>> -> memref<80xi32, #tpu.memory_space<vmem>>
        %dma_wait3A_2990 = arith.constant 0 : i32
        %dma_wait3A_2991 = arith.constant 0 : i32
        %dma_wait3A_2992 = tpu.memref_slice %arg8[%dma_wait3A_2990, %dma_wait3A_2991] : memref<51200x24xf32, #tpu.memory_space<vmem_shared>> -> memref<51200x24xf32, #tpu.memory_space<vmem_shared>>
        tpu.wait_indirect_dma semaphore(%arg11 : memref<!tpu.dma_semaphore, #tpu.memory_space<semaphore_mem>>) src(%dma_wait3A_2986 : memref<80x24xf32, #tpu.memory_space<vmem>>) dst(%dma_wait3A_2992 : memref<51200x24xf32, #tpu.memory_space<vmem_shared>>)
        %dma_wait3A_2993 = arith.constant 7 : i32
        %dma_wait3A_2994 = arith.constant 1360 : i32
        %dma_wait3A_2995 = arith.constant 0 : i32
        %dma_wait3A_2996 = tpu.memref_slice %arg7[%dma_wait3A_2994, %dma_wait3A_2995] : memref<1600x24xf32, #tpu.memory_space<vmem>> -> memref<80x24xf32, #tpu.memory_space<vmem>>
        %dma_wait3A_2997 = arith.constant 0 : i32
        %dma_wait3A_2998 = tpu.memref_slice %arg6[%dma_wait3A_2993, %dma_wait3A_2997] : memref<10x80xi32, #tpu.memory_space<vmem>> -> memref<1x80xi32, #tpu.memory_space<vmem>>
        %dma_wait3A_2999 = tpu.memref_squeeze %dma_wait3A_2998 : memref<1x80xi32, #tpu.memory_space<vmem>> -> memref<80xi32, #tpu.memory_space<vmem>>
        %dma_wait3A_3000 = arith.constant 0 : i32
        %dma_wait3A_3001 = arith.constant 0 : i32
        %dma_wait3A_3002 = tpu.memref_slice %arg8[%dma_wait3A_3000, %dma_wait3A_3001] : memref<51200x24xf32, #tpu.memory_space<vmem_shared>> -> memref<51200x24xf32, #tpu.memory_space<vmem_shared>>
        tpu.wait_indirect_dma semaphore(%arg11 : memref<!tpu.dma_semaphore, #tpu.memory_space<semaphore_mem>>) src(%dma_wait3A_2996 : memref<80x24xf32, #tpu.memory_space<vmem>>) dst(%dma_wait3A_3002 : memref<51200x24xf32, #tpu.memory_space<vmem_shared>>)
        %dma_wait3A_3003 = arith.constant 8 : i32
        %dma_wait3A_3004 = arith.constant 1440 : i32
        %dma_wait3A_3005 = arith.constant 0 : i32
        %dma_wait3A_3006 = tpu.memref_slice %arg7[%dma_wait3A_3004, %dma_wait3A_3005] : memref<1600x24xf32, #tpu.memory_space<vmem>> -> memref<80x24xf32, #tpu.memory_space<vmem>>
        %dma_wait3A_3007 = arith.constant 0 : i32
        %dma_wait3A_3008 = tpu.memref_slice %arg6[%dma_wait3A_3003, %dma_wait3A_3007] : memref<10x80xi32, #tpu.memory_space<vmem>> -> memref<1x80xi32, #tpu.memory_space<vmem>>
        %dma_wait3A_3009 = tpu.memref_squeeze %dma_wait3A_3008 : memref<1x80xi32, #tpu.memory_space<vmem>> -> memref<80xi32, #tpu.memory_space<vmem>>
        %dma_wait3A_3010 = arith.constant 0 : i32
        %dma_wait3A_3011 = arith.constant 0 : i32
        %dma_wait3A_3012 = tpu.memref_slice %arg8[%dma_wait3A_3010, %dma_wait3A_3011] : memref<51200x24xf32, #tpu.memory_space<vmem_shared>> -> memref<51200x24xf32, #tpu.memory_space<vmem_shared>>
        tpu.wait_indirect_dma semaphore(%arg11 : memref<!tpu.dma_semaphore, #tpu.memory_space<semaphore_mem>>) src(%dma_wait3A_3006 : memref<80x24xf32, #tpu.memory_space<vmem>>) dst(%dma_wait3A_3012 : memref<51200x24xf32, #tpu.memory_space<vmem_shared>>)
        %dma_wait3A_3013 = arith.constant 9 : i32
        %dma_wait3A_3014 = arith.constant 1520 : i32
        %dma_wait3A_3015 = arith.constant 0 : i32
        %dma_wait3A_3016 = tpu.memref_slice %arg7[%dma_wait3A_3014, %dma_wait3A_3015] : memref<1600x24xf32, #tpu.memory_space<vmem>> -> memref<80x24xf32, #tpu.memory_space<vmem>>
        %dma_wait3A_3017 = arith.constant 0 : i32
        %dma_wait3A_3018 = tpu.memref_slice %arg6[%dma_wait3A_3013, %dma_wait3A_3017] : memref<10x80xi32, #tpu.memory_space<vmem>> -> memref<1x80xi32, #tpu.memory_space<vmem>>
        %dma_wait3A_3019 = tpu.memref_squeeze %dma_wait3A_3018 : memref<1x80xi32, #tpu.memory_space<vmem>> -> memref<80xi32, #tpu.memory_space<vmem>>
        %dma_wait3A_3020 = arith.constant 0 : i32
        %dma_wait3A_3021 = arith.constant 0 : i32
        %dma_wait3A_3022 = tpu.memref_slice %arg8[%dma_wait3A_3020, %dma_wait3A_3021] : memref<51200x24xf32, #tpu.memory_space<vmem_shared>> -> memref<51200x24xf32, #tpu.memory_space<vmem_shared>>
        tpu.wait_indirect_dma semaphore(%arg11 : memref<!tpu.dma_semaphore, #tpu.memory_space<semaphore_mem>>) src(%dma_wait3A_3016 : memref<80x24xf32, #tpu.memory_space<vmem>>) dst(%dma_wait3A_3022 : memref<51200x24xf32, #tpu.memory_space<vmem_shared>>)
      } else {
      }
    }
    %scan3A_114 = arith.constant 125 : i32
    %barrier3A_115 = arith.constant 0 : index
    tpu.barrier barrier_id(%barrier3A_115)
    %mul3A_116 = arith.constant 3128 : i32
    %mul3A_117 = arith.muli %arg1, %mul3A_116 : i32
    %multiple_of3A_118 = tpu.assume_multiple %mul3A_117, 8 : i32
    %lt3A = arith.constant 15 : i32
    %lt3A_119 = arith.cmpi slt, %arg1, %lt3A : i32
    %convert_element_type3A = arith.extui %lt3A_119 : i1 to i32
    %cond3A = arith.constant 0 : i32
    %cond3A_120 = arith.cmpi ne, %convert_element_type3A, %cond3A : i32
    scf.if %cond3A_120 {
      %add3A_125 = arith.addi %mul3A_0, %multiple_of3A_118 : i32
      %multiple_of3A_126 = tpu.assume_multiple %add3A_125, 8 : i32
      "tpu.region"() ({
        %run_scoped3A = tpu.sem_alloc : memref<!tpu.dma_semaphore, #tpu.memory_space<semaphore_mem>>
        %dma_start3A_127 = arith.constant 0 : i32
        %dma_start3A_128 = tpu.memref_slice %arg4[%multiple_of3A_126, %dma_start3A_127] : memref<100000x24xf32, #tpu.memory_space<hbm>> -> memref<3128x24xf32, #tpu.memory_space<hbm>>
        %dma_start3A_129 = arith.constant 0 : i32
        %dma_start3A_130 = tpu.memref_slice %arg8[%multiple_of3A_118, %dma_start3A_129] : memref<51200x24xf32, #tpu.memory_space<vmem_shared>> -> memref<3128x24xf32, #tpu.memory_space<vmem_shared>>
        tpu.enqueue_dma source(%dma_start3A_130 : memref<3128x24xf32, #tpu.memory_space<vmem_shared>>) target(%dma_start3A_128 : memref<3128x24xf32, #tpu.memory_space<hbm>>) target_semaphore(%run_scoped3A : memref<!tpu.dma_semaphore, #tpu.memory_space<semaphore_mem>>)
        %dma_wait3A = arith.constant 0 : i32
        %dma_wait3A_131 = tpu.memref_slice %arg4[%multiple_of3A_126, %dma_wait3A] : memref<100000x24xf32, #tpu.memory_space<hbm>> -> memref<3128x24xf32, #tpu.memory_space<hbm>>
        %dma_wait3A_132 = arith.constant 0 : i32
        %dma_wait3A_133 = tpu.memref_slice %arg8[%multiple_of3A_118, %dma_wait3A_132] : memref<51200x24xf32, #tpu.memory_space<vmem_shared>> -> memref<3128x24xf32, #tpu.memory_space<vmem_shared>>
        tpu.wait_dma2 semaphore(%run_scoped3A : memref<!tpu.dma_semaphore, #tpu.memory_space<semaphore_mem>>) src(%dma_wait3A_133 : memref<3128x24xf32, #tpu.memory_space<vmem_shared>>) dst(%dma_wait3A_131 : memref<3128x24xf32, #tpu.memory_space<hbm>>)
        tpu.yield
      }) : () -> ()
    } else {
    }
    %eq3A = arith.constant 15 : i32
    %eq3A_121 = arith.cmpi eq, %arg1, %eq3A : i32
    %convert_element_type3A_122 = arith.extui %eq3A_121 : i1 to i32
    %cond3A_123 = arith.constant 0 : i32
    %cond3A_124 = arith.cmpi ne, %convert_element_type3A_122, %cond3A_123 : i32
    scf.if %cond3A_124 {
      %add3A_125 = arith.constant 46920 : i32
      %add3A_126 = arith.addi %mul3A_0, %add3A_125 : i32
      %multiple_of3A_127 = tpu.assume_multiple %add3A_126, 8 : i32
      "tpu.region"() ({
        %run_scoped3A = tpu.sem_alloc : memref<!tpu.dma_semaphore, #tpu.memory_space<semaphore_mem>>
        %dma_start3A_128 = arith.constant 0 : i32
        %dma_start3A_129 = tpu.memref_slice %arg4[%multiple_of3A_127, %dma_start3A_128] : memref<100000x24xf32, #tpu.memory_space<hbm>> -> memref<3080x24xf32, #tpu.memory_space<hbm>>
        %dma_start3A_130 = arith.constant 46920 : i32
        %dma_start3A_131 = arith.constant 0 : i32
        %dma_start3A_132 = tpu.memref_slice %arg8[%dma_start3A_130, %dma_start3A_131] : memref<51200x24xf32, #tpu.memory_space<vmem_shared>> -> memref<3080x24xf32, #tpu.memory_space<vmem_shared>>
        tpu.enqueue_dma source(%dma_start3A_132 : memref<3080x24xf32, #tpu.memory_space<vmem_shared>>) target(%dma_start3A_129 : memref<3080x24xf32, #tpu.memory_space<hbm>>) target_semaphore(%run_scoped3A : memref<!tpu.dma_semaphore, #tpu.memory_space<semaphore_mem>>)
        %dma_wait3A = arith.constant 0 : i32
        %dma_wait3A_133 = tpu.memref_slice %arg4[%multiple_of3A_127, %dma_wait3A] : memref<100000x24xf32, #tpu.memory_space<hbm>> -> memref<3080x24xf32, #tpu.memory_space<hbm>>
        %dma_wait3A_134 = arith.constant 46920 : i32
        %dma_wait3A_135 = arith.constant 0 : i32
        %dma_wait3A_136 = tpu.memref_slice %arg8[%dma_wait3A_134, %dma_wait3A_135] : memref<51200x24xf32, #tpu.memory_space<vmem_shared>> -> memref<3080x24xf32, #tpu.memory_space<vmem_shared>>
        tpu.wait_dma2 semaphore(%run_scoped3A : memref<!tpu.dma_semaphore, #tpu.memory_space<semaphore_mem>>) src(%dma_wait3A_136 : memref<3080x24xf32, #tpu.memory_space<vmem_shared>>) dst(%dma_wait3A_133 : memref<3080x24xf32, #tpu.memory_space<hbm>>)
        tpu.yield
      }) : () -> ()
    } else {
    }
    return
  }
}

module attributes {stable_mosaic.version = 14 : i64} {
  func.func @_dense_body(%arg0: i32, %arg1: memref<4000x96xf32, #tpu.memory_space<vmem>>, %arg2: memref<4000x64xf32, #tpu.memory_space<vmem>>, %arg3: memref<4000x32xf32, #tpu.memory_space<vmem>>, %arg4: memref<32x96xf32, #tpu.memory_space<vmem>>, %arg5: memref<32x96xf32, #tpu.memory_space<vmem>>, %arg6: memref<32x96xf32, #tpu.memory_space<vmem>>, %arg7: memref<1x96xf32, #tpu.memory_space<vmem>>, %arg8: memref<160x288xf32, #tpu.memory_space<vmem>>, %arg9: memref<1x288xf32, #tpu.memory_space<vmem>>, %arg10: memref<288x96xf32, #tpu.memory_space<vmem>>, %arg11: memref<1x96xf32, #tpu.memory_space<vmem>>, %arg12: memref<4000x96xf32, #tpu.memory_space<vmem>>) attributes {dimension_semantics = [#tpu.dimension_semantics<arbitrary>], iteration_bounds = array<i64: 200>, scalar_prefetch = 0 : i64, scratch_operands = 0 : i64, tpu.core_type = #tpu.core_type<tc>, window_params = [{transform_indices = @transform_0, window_bounds = array<i64: 4000, 96>}, {transform_indices = @transform_1, window_bounds = array<i64: 4000, 64>}, {transform_indices = @transform_2, window_bounds = array<i64: 4000, 32>}, {pipeline_mode = #tpu.pipeline_mode<synchronous>, transform_indices = @transform_3, window_bounds = array<i64: 32, 96>}, {pipeline_mode = #tpu.pipeline_mode<synchronous>, transform_indices = @transform_4, window_bounds = array<i64: 32, 96>}, {pipeline_mode = #tpu.pipeline_mode<synchronous>, transform_indices = @transform_5, window_bounds = array<i64: 32, 96>}, {pipeline_mode = #tpu.pipeline_mode<synchronous>, transform_indices = @transform_6, window_bounds = array<i64: 1, 96>}, {pipeline_mode = #tpu.pipeline_mode<synchronous>, transform_indices = @transform_7, window_bounds = array<i64: 160, 288>}, {pipeline_mode = #tpu.pipeline_mode<synchronous>, transform_indices = @transform_8, window_bounds = array<i64: 1, 288>}, {pipeline_mode = #tpu.pipeline_mode<synchronous>, transform_indices = @transform_9, window_bounds = array<i64: 288, 96>}, {pipeline_mode = #tpu.pipeline_mode<synchronous>, transform_indices = @transform_10, window_bounds = array<i64: 1, 96>}, {transform_indices = @transform_11, window_bounds = array<i64: 4000, 96>}]} {
    %get3A = arith.constant 0 : index
    %get3A_0 = arith.constant 0 : index
    %get3A_1 = vector.load %arg3[%get3A, %get3A_0] : memref<4000x32xf32, #tpu.memory_space<vmem>>, vector<4000x32xf32>
    %get3A_2 = arith.constant 0 : index
    %get3A_3 = arith.constant 0 : index
    %get3A_4 = vector.load %arg4[%get3A_2, %get3A_3] : memref<32x96xf32, #tpu.memory_space<vmem>>, vector<32x96xf32>
    %dot_general3A = arith.constant dense<0.000000e+00> : vector<4000x96xf32>
    %dot_general3A_5 = tpu.matmul %get3A_1, %get3A_4, %dot_general3A {dimension_numbers = #tpu.dot_dimension_numbers<[1], [0], [0], [1], [0, 0, 1, 1], [], []>, transpose_lhs_hint = false} : vector<4000x32xf32>, vector<32x96xf32>, vector<4000x96xf32> -> vector<4000x96xf32>
    %get3A_6 = arith.constant 0 : index
    %get3A_7 = arith.constant 0 : index
    %get3A_8 = vector.load %arg7[%get3A_6, %get3A_7] : memref<1x96xf32, #tpu.memory_space<vmem>>, vector<1x96xf32>
    %add3A = vector.broadcast %get3A_8 : vector<1x96xf32> to vector<4000x96xf32>
    %add3A_9 = arith.addf %dot_general3A_5, %add3A : vector<4000x96xf32>
    %get3A_10 = arith.constant 0 : index
    %get3A_11 = arith.constant 0 : index
    %get3A_12 = vector.load %arg5[%get3A_10, %get3A_11] : memref<32x96xf32, #tpu.memory_space<vmem>>, vector<32x96xf32>
    %dot_general3A_13 = arith.constant dense<0.000000e+00> : vector<4000x96xf32>
    %dot_general3A_14 = tpu.matmul %get3A_1, %get3A_12, %dot_general3A_13 {dimension_numbers = #tpu.dot_dimension_numbers<[1], [0], [0], [1], [0, 0, 1, 1], [], []>, transpose_lhs_hint = false} : vector<4000x32xf32>, vector<32x96xf32>, vector<4000x96xf32> -> vector<4000x96xf32>
    %get3A_15 = arith.constant 0 : index
    %get3A_16 = arith.constant 0 : index
    %get3A_17 = vector.load %arg6[%get3A_15, %get3A_16] : memref<32x96xf32, #tpu.memory_space<vmem>>, vector<32x96xf32>
    %dot_general3A_18 = arith.constant dense<0.000000e+00> : vector<4000x96xf32>
    %dot_general3A_19 = tpu.matmul %get3A_1, %get3A_17, %dot_general3A_18 {dimension_numbers = #tpu.dot_dimension_numbers<[1], [0], [0], [1], [0, 0, 1, 1], [], []>, transpose_lhs_hint = false} : vector<4000x32xf32>, vector<32x96xf32>, vector<4000x96xf32> -> vector<4000x96xf32>
    %get3A_20 = arith.constant 0 : index
    %get3A_21 = arith.constant 0 : index
    %get3A_22 = vector.load %arg1[%get3A_20, %get3A_21] : memref<4000x96xf32, #tpu.memory_space<vmem>>, vector<4000x96xf32>
    %mul3A = arith.mulf %get3A_22, %add3A_9 : vector<4000x96xf32>
    %roll3A = arith.constant 88 : i32
    %roll3A_23 = tpu.dynamic_rotate %get3A_22 by %roll3A dim 1 : vector<4000x96xf32>, i32 -> vector<4000x96xf32>
    %mul3A_24 = arith.mulf %roll3A_23, %dot_general3A_14 : vector<4000x96xf32>
    %add3A_25 = arith.addf %mul3A, %mul3A_24 : vector<4000x96xf32>
    %roll3A_26 = arith.constant 8 : i32
    %roll3A_27 = tpu.dynamic_rotate %get3A_22 by %roll3A_26 dim 1 : vector<4000x96xf32>, i32 -> vector<4000x96xf32>
    %mul3A_28 = arith.mulf %roll3A_27, %dot_general3A_19 : vector<4000x96xf32>
    %add3A_29 = arith.addf %add3A_25, %mul3A_28 : vector<4000x96xf32>
    %get3A_30 = arith.constant 0 : index
    %get3A_31 = arith.constant 0 : index
    %get3A_32 = vector.load %arg2[%get3A_30, %get3A_31] : memref<4000x64xf32, #tpu.memory_space<vmem>>, vector<4000x64xf32>
    %concatenate3A = tpu.concatenate %get3A_32, %add3A_29 in 1 : vector<4000x64xf32>, vector<4000x96xf32> -> vector<4000x160xf32>
    %get3A_33 = arith.constant 0 : index
    %get3A_34 = arith.constant 0 : index
    %get3A_35 = vector.load %arg8[%get3A_33, %get3A_34] : memref<160x288xf32, #tpu.memory_space<vmem>>, vector<160x288xf32>
    %dot_general3A_36 = arith.constant dense<0.000000e+00> : vector<4000x288xf32>
    %dot_general3A_37 = tpu.matmul %concatenate3A, %get3A_35, %dot_general3A_36 {dimension_numbers = #tpu.dot_dimension_numbers<[1], [0], [0], [1], [0, 0, 1, 1], [], []>, transpose_lhs_hint = false} : vector<4000x160xf32>, vector<160x288xf32>, vector<4000x288xf32> -> vector<4000x288xf32>
    %get3A_38 = arith.constant 0 : index
    %get3A_39 = arith.constant 0 : index
    %get3A_40 = vector.load %arg9[%get3A_38, %get3A_39] : memref<1x288xf32, #tpu.memory_space<vmem>>, vector<1x288xf32>
    %add3A_41 = vector.broadcast %get3A_40 : vector<1x288xf32> to vector<4000x288xf32>
    %add3A_42 = arith.addf %dot_general3A_37, %add3A_41 : vector<4000x288xf32>
    %max3A = arith.constant 0.000000e+00 : f32
    %max3A_43 = vector.broadcast %max3A : f32 to vector<4000x288xf32>
    %max3A_44 = arith.maximumf %add3A_42, %max3A_43 : vector<4000x288xf32>
    %get3A_45 = arith.constant 0 : index
    %get3A_46 = arith.constant 0 : index
    %get3A_47 = vector.load %arg10[%get3A_45, %get3A_46] : memref<288x96xf32, #tpu.memory_space<vmem>>, vector<288x96xf32>
    %dot_general3A_48 = arith.constant dense<0.000000e+00> : vector<4000x96xf32>
    %dot_general3A_49 = tpu.matmul %max3A_44, %get3A_47, %dot_general3A_48 {dimension_numbers = #tpu.dot_dimension_numbers<[1], [0], [0], [1], [0, 0, 1, 1], [], []>, transpose_lhs_hint = false} : vector<4000x288xf32>, vector<288x96xf32>, vector<4000x96xf32> -> vector<4000x96xf32>
    %get3A_50 = arith.constant 0 : index
    %get3A_51 = arith.constant 0 : index
    %get3A_52 = vector.load %arg11[%get3A_50, %get3A_51] : memref<1x96xf32, #tpu.memory_space<vmem>>, vector<1x96xf32>
    %add3A_53 = vector.broadcast %get3A_52 : vector<1x96xf32> to vector<4000x96xf32>
    %add3A_54 = arith.addf %dot_general3A_49, %add3A_53 : vector<4000x96xf32>
    %roll3A_55 = arith.constant 88 : i32
    %roll3A_56 = tpu.dynamic_rotate %dot_general3A_19 by %roll3A_55 dim 1 : vector<4000x96xf32>, i32 -> vector<4000x96xf32>
    %roll3A_57 = arith.constant 8 : i32
    %roll3A_58 = tpu.dynamic_rotate %dot_general3A_14 by %roll3A_57 dim 1 : vector<4000x96xf32>, i32 -> vector<4000x96xf32>
    %mul3A_59 = arith.mulf %add3A_54, %add3A_9 : vector<4000x96xf32>
    %roll3A_60 = arith.constant 88 : i32
    %roll3A_61 = tpu.dynamic_rotate %add3A_54 by %roll3A_60 dim 1 : vector<4000x96xf32>, i32 -> vector<4000x96xf32>
    %mul3A_62 = arith.mulf %roll3A_61, %roll3A_56 : vector<4000x96xf32>
    %add3A_63 = arith.addf %mul3A_59, %mul3A_62 : vector<4000x96xf32>
    %roll3A_64 = arith.constant 8 : i32
    %roll3A_65 = tpu.dynamic_rotate %add3A_54 by %roll3A_64 dim 1 : vector<4000x96xf32>, i32 -> vector<4000x96xf32>
    %mul3A_66 = arith.mulf %roll3A_65, %roll3A_58 : vector<4000x96xf32>
    %add3A_67 = arith.addf %add3A_63, %mul3A_66 : vector<4000x96xf32>
    %swap3A = arith.constant 0 : index
    %swap3A_68 = arith.constant 0 : index
    %swap3A_69 = vector.load %arg12[%swap3A, %swap3A_68] : memref<4000x96xf32, #tpu.memory_space<vmem>>, vector<4000x96xf32>
    tpu.vector_store %arg12[%swap3A, %swap3A_68], %add3A_67 {strides = array<i32>} : memref<4000x96xf32, #tpu.memory_space<vmem>>, vector<4000x96xf32>,
    return
  }
  func.func @transform_0(%arg0: i32) -> (i32, i32) {
    %c0_i32 = arith.constant 0 : i32
    %c0_i32_0 = arith.constant 0 : i32
    return %arg0, %c0_i32 : i32, i32
  }
  func.func @transform_1(%arg0: i32) -> (i32, i32) {
    %c0_i32 = arith.constant 0 : i32
    %c0_i32_0 = arith.constant 0 : i32
    return %arg0, %c0_i32 : i32, i32
  }
  func.func @transform_2(%arg0: i32) -> (i32, i32) {
    %c0_i32 = arith.constant 0 : i32
    %c0_i32_0 = arith.constant 0 : i32
    return %arg0, %c0_i32 : i32, i32
  }
  func.func @transform_3(%arg0: i32) -> (i32, i32) {
    %c0_i32 = arith.constant 0 : i32
    %c0_i32_0 = arith.constant 0 : i32
    %c0_i32_1 = arith.constant 0 : i32
    return %c0_i32, %c0_i32_0 : i32, i32
  }
  func.func @transform_4(%arg0: i32) -> (i32, i32) {
    %c0_i32 = arith.constant 0 : i32
    %c0_i32_0 = arith.constant 0 : i32
    %c0_i32_1 = arith.constant 0 : i32
    return %c0_i32, %c0_i32_0 : i32, i32
  }
  func.func @transform_5(%arg0: i32) -> (i32, i32) {
    %c0_i32 = arith.constant 0 : i32
    %c0_i32_0 = arith.constant 0 : i32
    %c0_i32_1 = arith.constant 0 : i32
    return %c0_i32, %c0_i32_0 : i32, i32
  }
  func.func @transform_6(%arg0: i32) -> (i32, i32) {
    %c0_i32 = arith.constant 0 : i32
    %c0_i32_0 = arith.constant 0 : i32
    %c0_i32_1 = arith.constant 0 : i32
    return %c0_i32, %c0_i32_0 : i32, i32
  }
  func.func @transform_7(%arg0: i32) -> (i32, i32) {
    %c0_i32 = arith.constant 0 : i32
    %c0_i32_0 = arith.constant 0 : i32
    %c0_i32_1 = arith.constant 0 : i32
    return %c0_i32, %c0_i32_0 : i32, i32
  }
  func.func @transform_8(%arg0: i32) -> (i32, i32) {
    %c0_i32 = arith.constant 0 : i32
    %c0_i32_0 = arith.constant 0 : i32
    %c0_i32_1 = arith.constant 0 : i32
    return %c0_i32, %c0_i32_0 : i32, i32
  }
  func.func @transform_9(%arg0: i32) -> (i32, i32) {
    %c0_i32 = arith.constant 0 : i32
    %c0_i32_0 = arith.constant 0 : i32
    %c0_i32_1 = arith.constant 0 : i32
    return %c0_i32, %c0_i32_0 : i32, i32
  }
  func.func @transform_10(%arg0: i32) -> (i32, i32) {
    %c0_i32 = arith.constant 0 : i32
    %c0_i32_0 = arith.constant 0 : i32
    %c0_i32_1 = arith.constant 0 : i32
    return %c0_i32, %c0_i32_0 : i32, i32
  }
  func.func @transform_11(%arg0: i32) -> (i32, i32) {
    %c0_i32 = arith.constant 0 : i32
    %c0_i32_0 = arith.constant 0 : i32
    return %arg0, %c0_i32 : i32, i32
  }
}

</mosaic_0001>

<sc_bundles>
// kernel: kernel.5.cloned.1.call-start
scs
__scs_entry_jumppad:
0x0: {  	(pc) =	sbr.rel $0x88, $3  }
0x1: {  	(tag) =	ssettag $0x0;
	lr =	simm.s32 $0x1  }
0x2: {  	[smem:$0x3F98] =	sst lr;
	_ =	strace $0xD0000000  }
0x3: {  	_ = 	snop  }
0x4: {  	_ = 	snop  }
0x5: {  	_ = 	snop  }
0x6: {  	_ = 	snop  }
0x7: {  	_ = 	snop  }
__scs_overlays_trampoline_lowered:
0x8: {  	[smem:$0x3FA7] =	sst s0  }
0x9: {  	[smem:$0x3FA8] =	sst s1  }
0xa: {  	[smem:$0x3FA9] =	sst s2  }
0xb: {  	[smem:$0x3FAA] =	sst s3  }
0xc: {  	[smem:$0x3FAB] =	sst s4  }
0xd: {  	[smem:$0x3FAC] =	sst s5  }
0xe: {  	[smem:$0x3FAD] =	sst s6  }
0xf: {  	[smem:$0x3FAE] =	sst s7  }
0x10: {  	[smem:$0x3FAF] =	sst s8  }
0x11: {  	[smem:$0x3FB0] =	sst s9;
	s0 =	simm.s32 @!p0 $0x0  }
0x12: {  	s1 =	sld [smem:$0x3F96];
	s0 =	simm.s32 @p0 $0x1  }
0x13: {  	[smem:$0x3FB1] =	sst s0;
	s0 =	simm.s32 @!p1 $0x0  }
0x14: {  	s2 =	sld [smem:$0x3F95];
	s0 =	simm.s32 @p1 $0x1  }
0x15: {  	[smem:$0x3FB2] =	sst s0;
	s0 =	simm.s32 @!p2 $0x0  }
0x16: {  	s3 =	sld [smem:$0x3FDB];
	s0 =	simm.s32 @p2 $0x1  }
0x17: {  	s4 =	simm.s32 $0x1BF5;
	[smem:$0x3FB4] =	sst s0  }
0x18: {  	s0 =	sld [smem:$0x3F97];
	_ =	swait.ge [sflag:s4], $0x0  }
0x19: {  	s7 =	sld [smem:$0x3F98]  }
0x1a: {  	s8 =	sadd.s32 $0xFFFFE003, lr  }
0x1b: {  	s9 =	sadd.s32 $0xFFFFFEF7, lr;
	s5 =	simm.s32 $0xFFFFFFFF;
	p2 =	slt.u32 s8, $0xFFFFF086  }
0x1c: {  	p1 =	slt.u32 s9, $0xF7A;
	s5 =	simm.s32 @!p2 $0x0  }
0x1d: {  	s5 =	simm.s32 @p1 $0x1;
	p0 =	seq.s32 s7, s2  }
0x1e: {  	s7 =	smul.u32 @!p0 $0xF7A, s2;
	p2 =	seq.s32 @!p0 s5, $0x0  }
0x1f: {  	s9 =	smul.u32 $0xF7A, s1;
	s8 =	simm.s32 @!p0 $0x1BF5;
	p2 =	por !p2, p0  }
0x20: {  	[sflag:s8] =	ssyncset.s32 @!p0 $0xFFFFF086;
	s6 =	sadd.s32 @!p0 s3, s7;
	s7 =	simm.s32 @!p0 $0x108  }
0x21: {  	s3 =	sadd.s32 s3, s9;
	s6 =	sadd.s32 @!p0 $0x88, s6;
	s7 =	simm.s32 @p2 $0x1082  }
0x22: {  	[simem:s7], [sflag:s8] =	dma.local @!p0 [hbm:s6], $0xF7A  }
0x23: {  	s9 =	sor.u32 $0xD0000000, s2;
	s6 =	simm.s32 $0x108;
	_ =	swait.ge @!p0 [sflag:s8], $0x0  }
0x24: {  	s3 =	sadd.s32 $0x88, s3;
	s6 =	simm.s32 @!p1 $0x1082;
	[sflag:s4] =	ssyncset.s32 $0xFFFFF086  }
0x25: {  	[simem:s6], [sflag:s4] =	dma.local [hbm:s3], $0xF7A  }
0x26: {  	[smem:$0x3F98] =	sst s1;
	(tag) =	ssettag s2;
	_ =	strace s9  }
0x27: {  	s1 =	sld [smem:$0x3FA8]  }
0x28: {  	s2 =	sld [smem:$0x3FA9]  }
0x29: {  	s4 =	sld [smem:$0x3FAB]  }
0x2a: {  	p0 =	seq.s32 s5, $0x0;
	s5 =	sld [smem:$0x3FAC]  }
0x2b: {  	s6 =	sld [smem:$0x3FAD]  }
0x2c: {  	s7 =	sld [smem:$0x3FAE]  }
0x2d: {  	s3 =	simm.s32 $0x108;
	s8 =	sld [smem:$0x3FAF]  }
0x2e: {  	s3 =	simm.s32 @!p0 $0x1082;
	s9 =	sld [smem:$0x3FB0]  }
0x2f: {  	lr =	sadd.s32 s0, s3;
	s0 =	sld [smem:$0x3FA7]  }
0x30: {  	s3 =	sld [smem:$0x3FAA]  }
0x31: {  	[smem:$0x3FB3] =	sst s10  }
0x32: {  	s10 =	sld [smem:$0x3FB1];
	_ =	sdelay $0x3  }
0x33: {  	p0 =	seq.s32 s10, $0x1;
	s10 =	sld [smem:$0x3FB3];
	_ =	sdelay $0x3  }
0x34: {  	[smem:$0x3FB3] =	sst s10  }
0x35: {  	s10 =	sld [smem:$0x3FB2];
	_ =	sdelay $0x3  }
0x36: {  	p1 =	seq.s32 s10, $0x1;
	s10 =	sld [smem:$0x3FB3];
	_ =	sdelay $0x3  }
0x37: {  	[smem:$0x3FB3] =	sst s10  }
0x38: {  	s10 =	sld [smem:$0x3FB4]  }
0x39: {  	_ = 	snop;
	(pc) =	sbr.ind lr, $3  }
0x3a: {  	_ = 	snop  }
0x3b: {  	_ = 	snop  }
0x3c: {  	p2 =	seq.s32 s10, $0x1;
	s10 =	sld [smem:$0x3FB3]  }
0x3d: {  	_ =	shalt  }
0x3e: {  	_ =	shalt  }
0x3f: {  	_ =	shalt  }
0x40: {  	_ =	shalt  }
0x41: {  	_ =	shalt  }
0x42: {  	_ =	shalt  }
0x43: {  	_ =	shalt  }
0x44: {  	_ =	shalt  }
0x45: {  	_ =	shalt  }
0x46: {  	_ =	shalt  }
0x47: {  	_ =	shalt  }
0x48: {  	_ =	shalt  }
0x49: {  	_ =	shalt  }
0x4a: {  	_ =	shalt  }
0x4b: {  	_ =	shalt  }
0x4c: {  	_ =	shalt  }
0x4d: {  	_ =	shalt  }
0x4e: {  	_ =	shalt  }
0x4f: {  	_ =	shalt  }
0x50: {  	_ =	shalt  }
0x51: {  	_ =	shalt  }
0x52: {  	_ =	shalt  }
0x53: {  	_ =	shalt  }
0x54: {  	_ =	shalt  }
0x55: {  	_ =	shalt  }
0x56: {  	_ =	shalt  }
0x57: {  	_ =	shalt  }
0x58: {  	_ =	shalt  }
0x59: {  	_ =	shalt  }
0x5a: {  	_ =	shalt  }
0x5b: {  	_ =	shalt  }
0x5c: {  	_ =	shalt  }
0x5d: {  	_ =	shalt  }
0x5e: {  	_ =	shalt  }
0x5f: {  	_ =	shalt  }
0x60: {  	_ =	shalt  }
0x61: {  	_ =	shalt  }
0x62: {  	_ =	shalt  }
0x63: {  	_ =	shalt  }
0x64: {  	_ =	shalt  }
0x65: {  	_ =	shalt  }
0x66: {  	_ =	shalt  }
0x67: {  	_ =	shalt  }
0x68: {  	_ =	shalt  }
0x69: {  	_ =	shalt  }
0x6a: {  	_ =	shalt  }
0x6b: {  	_ =	shalt  }
0x6c: {  	_ =	shalt  }
0x6d: {  	_ =	shalt  }
0x6e: {  	_ =	shalt  }
0x6f: {  	_ =	shalt  }
0x70: {  	_ =	shalt  }
0x71: {  	_ =	shalt  }
0x72: {  	_ =	shalt  }
0x73: {  	_ =	shalt  }
0x74: {  	_ =	shalt  }
0x75: {  	_ =	shalt  }
0x76: {  	_ =	shalt  }
0x77: {  	_ =	shalt  }
0x78: {  	_ =	shalt  }
0x79: {  	_ =	shalt  }
0x7a: {  	_ =	shalt  }
0x7b: {  	_ =	shalt  }
0x7c: {  	_ =	shalt  }
0x7d: {  	_ =	shalt  }
0x7e: {  	_ =	shalt  }
0x7f: {  	_ =	shalt  }
0x80: {  	_ =	shalt  }
0x81: {  	_ =	shalt  }
0x82: {  	_ =	shalt  }
0x83: {  	_ =	shalt  }
0x84: {  	_ =	shalt  }
0x85: {  	_ =	shalt  }
0x86: {  	_ =	shalt  }
0x87: {  	_ =	shalt  }
.Lfunc_end0:
.L_simem_size_0:
called_computation_lowered:
.L_overlay_start_0:
0x88: {  	s2 =	sld [smem:$0x3FD9]  }
0x89: {  	s3 =	sld [smem:$0x3FFE];
	_ =	sdelay $0x1  }
0x8a: {  	s1 =	srdreg.scid  }
0x8b: {  	s0 =	sand.u32 $0x1, s1  }
0x8c: {  	s16 =	sshll.u32 s0, $0xA;
	s2 =	sadd.s32 s3, s2  }
0x8d: {  	s2 =	sadd.s32 s2, s16  }
0x8e: {  	[smem:$0x3FBF] =	sst s2  }
0x8f: {  	_ = 	snop  }
0x90: {  	(tm) =	ssettm $0x1  }
0x91: {  	s17 =	sld [smem:$0x3FFB];
	_ =	sdelay $0x3  }
0x92: {  	_ =	strace s17  }
0x93: {  	s2 =	sld [smem:$0x3FFC];
	_ =	sdelay $0x3  }
0x94: {  	_ =	strace s2  }
0x95: {  	s2 =	sld [smem:$0x3FFD];
	_ =	sdelay $0x3  }
0x96: {  	_ =	strace s2  }
0x97: {  	_ =	strace $0x8FFFFFFF  }
0x98: {  	s18 =	sld [smem:$0x3FDB];
	_ =	sdelay $0x1  }
0x99: {  	s19 =	simm.s32 $_scs_section_size  }
0x9a: {  	s4 =	simm.s32 $_size__tile_overlayer_lowered;
	s5 =	simm.s32 $_tile_overlayer_lowered  }
0x9b: {  	s22 =	simm.s32 $0x1BFF;
	s21 =	sshll.u32 s5, $0x1;
	s2 =	sadd.s32 s19, s18  }
0x9c: {  	s6 =	simm.s32 $0x0;
	s20 =	sshll.u32 s4, $0x1;
	s4 =	sadd.s32 s21, s2  }
0x9d: {  	[timem:s6], [sflag:s22] =	dma.local [hbm:s4], s20  }
0x9e: {  	_ =	swait.ge [sflag:s22], s20  }
0x9f: {  	s3 =	ssub.s32 $0x0, s20;
	[sflag:s22] =	ssyncset.done $0x0  }
0xa0: {  	[sflag:s22] =	ssyncadd.s32 s3;
	_ =	sdelay $0x1  }
0xa1: {  	s23 =	simm.s32 $0x1B8B  }
0xa2: {  	_ =	swait.ge [sflag:s23], $0x1  }
0xa3: {  	[sflag:s23] =	ssyncset.done $0x0  }
0xa4: {  	s25 =	simm.s32 $0x1B8E;
	s24 =	sld [smem:$0x3FFE];
	[sflag:s23] =	ssyncadd.s32 $0xFFFFFFFF  }
0xa5: {  	s26 =	simm.s32 $execute0_lowered;
	[smem:$0x3FD2] =	sst s25  }
0xa6: {  	s4 =	sshll.u32 s26, $0x1;
	_ =	strace $0x80000046;
	[dreg:$0x1] =	wrdreg $0xFFFFFFFF  }
0xa7: {  	s28 =	simm.s32 $_size_execute0_lowered;
	s2 =	sadd.s32 s2, s4;
	[dreg:$0x0] =	wrdreg $0x0  }
0xa8: {  	s4 =	sshll.u32 s28, $0x1;
	[dreg:$0x2] =	wrdreg s2  }
0xa9: {  	[dreg:$0x3] =	wrdreg s4  }
0xaa: {  	[dreg:$0x4] =	wrdreg $0xC0  }
0xab: {  	_ =	task [dreg:s6], $0x5FFFF  }
0xac: {  	[dreg:$0x1] =	wrdreg $0xFFFFFFFF  }
0xad: {  	[dreg:$0x0] =	wrdreg $0x60  }
0xae: {  	[dreg:$0x2] =	wrdreg s24  }
0xaf: {  	[dreg:$0x3] =	wrdreg $0x9  }
0xb0: {  	_ =	task.clear_ibuf [dreg:s6], $0x4FFFF;
	_ =	strace $0x90000046  }
0xb1: {  	s29 =	simm.s32 $0x9;
	_ =	strace $0x80000048  }
0xb2: {  	_ =	swait.ge [sflag:s29], $0x1  }
0xb3: {  	[sflag:s29] =	ssyncadd.s32 $0xFFFFFFFF  }
0xb4: {  	_ =	strace $0x90000048  }
0xb5: {  	_ =	sfence  }
0xb6: {  	s30 =	sld [smem:$0x0];
	_ =	sdelay $0x2  }
0xb7: {  	s31 =	sshll.u32 s1, $0xD;
	s1 =	sshrl.u32 s1, $0x2  }
0xb8: {  	s3 =	sand.u32 $0x4000, s31;
	s1 =	sadd.s32 s1, s30  }
0xb9: {  	s0 =	sor.u32 s3, s0;
	s1 =	sshll.u32 s1, $0x11  }
0xba: {  	s0 =	sor.u32 s1, s0  }
0xbb: {  	s0 =	sadd.s32 $0x8F2B, s0  }
0xbc: {  	[sflag:s0] =	ssyncadd.remote.s32 $0x1  }
0xbd: {  	_ =	sfence.sel $0xFFFF  }
0xbe: {  	[dreg:$0x0] =	wrdreg $0xFFFFFFFF;
	(pc) =	sbr.abs _section_cstart, $3  }
0xbf: {  	[dreg:$0x1] =	wrdreg $0xFFFFFFFF  }
0xc0: {  	_ =	task.clear_ibuf [dreg:s6], $0x2FFFF;
	_ =	strace $0x9FFFFFFF  }
0xc1: {  	(tm) =	ssettm $0x7FFFFFFF  }
tec
execute0_lowered:
.L_overlay_start_1:
0x0: {  	(tag) =	ssettag $0x1  }
0x1: {  	s0 =	rddreg [dreg:$0x0]  }
0x2: {  	s2 =	simm.s32 $0x0;
	s1 =	stileid.u32;
	s3 =	srdreg.scid  }
0x3: {  	s18 =	simm.s32 $0xC8;
	s20 =	simm.s32 $0x258;
	[smem:$0x7FF] =	sst s2  }
0x4: {  	s22 =	simm.s32 $0xAA0;
	_ =	strace $0x80000047;
	[dreg:$0x3] =	wrdreg s18  }
0x5: {  	s10 =	simm.s32 $0xA0;
	s24 =	simm.s32 $0x1220;
	[dreg:$0x4] =	wrdreg s20  }
0x6: {  	s25 =	simm.s32 $0xF0;
	s26 =	simm.s32 $0x19A0;
	[dreg:$0x5] =	wrdreg s22  }
0x7: {  	s28 =	simm.s32 $0x140;
	s29 =	simm.s32 $0x2120;
	[dreg:$0x6] =	wrdreg s10  }
0x8: {  	s30 =	simm.s32 $0x1E0;
	s11 =	simm.s32 $0x50;
	[dreg:$0x7] =	wrdreg s24  }
0x9: {  	s31 =	simm.s32 $0x3020;
	s12 =	simm.s32 $0x320;
	[dreg:$0x8] =	wrdreg s25  }
0xa: {  	s13 =	simm.s32 $0x28A0;
	s14 =	simm.s32 $0x230;
	[dreg:$0x9] =	wrdreg s26  }
0xb: {  	s4 =	smul.u32 $0x927C0, s1;
	s5 =	sand.u32 $0x1, s3;
	[dreg:$0xa] =	wrdreg s28  }
0xc: {  	s3 =	sadd.s32 $0x24E800, s0;
	s8 =	smul.u32 $0xC350, s1;
	[dreg:$0xb] =	wrdreg s29  }
0xd: {  	s6 =	smul.u32 $0x493E0, s5;
	s7 =	ssub.s32 $0x2, s5;
	[dreg:$0xc] =	wrdreg s30  }
0xe: {  	s5 =	smul.u32 $0x61A8, s5;
	s10 =	simm.s32 $0x190;
	[dreg:$0xd] =	wrdreg s31  }
0xf: {  	s18 =	simm.s32 $0x2D0;
	s20 =	simm.s32 $0x1;
	s22 =	simm.s32 $0x60  }
0x10: {  	s24 =	simm.s32 $0x3B60;
	s25 =	simm.s32 $0x0;
	s9 =	sshrl.u32 s7, $0x1  }
0x11: {  	s4 =	sadd.s32 s4, s0;
	s0 =	sadd.s32 $0x4600, s0;
	s7 =	ssub.s32 s7, s9  }
0x12: {  	s6 =	sadd.s32 s6, s4;
	s8 =	sadd.s32 s5, s8;
	s15 =	smax.u32 s7, $0x1  }
0x13: {  	s6 =	sadd.s32 $0x297C00, s6;
	s5 =	sshrl.u32 s8, $0x3;
	s16 =	sadd.s32 $0x249F00, s8  }
0x14: {  	s21 =	sadd.s32 $0x186A00, s8;
	s8 =	sadd.s32 $0xC3500, s8;
	[dreg:$0xe] =	wrdreg s15  }
0x15: {  	[dreg:$0x2] =	wrdreg s6;
	s17 =	sadd.s32 s5, s0;
	s6 =	sshrl.u32 s16, $0x3  }
0x16: {  	s9 =	sshrl.u32 s21, $0x3;
	s8 =	sshrl.u32 s8, $0x3;
	s15 =	simm.s32 $0x37A0  }
0x17: {  	s16 =	simm.s32 $0x280;
	s21 =	simm.s32 $0x18;
	[dreg:$0xf] =	wrdreg s17  }
0x18: {  	s19 =	sadd.s32 s6, s0;
	s23 =	sadd.s32 s9, s0;
	s8 =	sadd.s32 s8, s0  }
0x19: {  	s9 =	simm.s32 $0x2;
	s17 =	simm.s32 $0x3F20;
	[dreg:$0x10] =	wrdreg s19  }
0x1a: {  	[dreg:$0x11] =	wrdreg s23;
	s19 =	simm.s32 $0x46A0;
	s23 =	simm.s32 $0x15E0  }
.LBB2_1:
0x1b: {  	s1 =	rddreg [dreg:$0xf]  }
0x1c: {  	[tilespmem:s2], [sflag:$0x2] =	stream.linear.gather [hbm4b:s1+s2], $0xC8, $0x38;
	[tilespmem:$0x4E20] =	vst v63  }
0x1d: {  	_ =	swait.ge [sflag:s9], $0xC8  }
0x1e: {  	[sflag:s9] =	ssyncset.done $0x0  }
0x1f: {  	s0 =	rddreg [dreg:$0x3];
	[sflag:s9] =	ssyncadd.s32 $0xFFFFFF38  }
0x20: {  	[tilespmem:s0], [sflag:$0x2] =	stream.linear.gather [hbm4b:s8+s2], $0xC8, $0x38;
	[tilespmem:$0x4E20] =	vst v63  }
0x21: {  	_ =	swait.ge [sflag:s9], $0xC8  }
0x22: {  	[sflag:s9] =	ssyncset.done $0x0  }
0x23: {  	s5 =	rddreg [dreg:$0x11];
	[sflag:s9] =	ssyncadd.s32 $0xFFFFFF38  }
0x24: {  	[tilespmem:s10], [sflag:$0x2] =	stream.linear.gather [hbm4b:s5+s2], $0xC8, $0x38;
	[tilespmem:$0x4E20] =	vst v63  }
0x25: {  	_ =	swait.ge [sflag:s9], $0xC8  }
0x26: {  	s6 =	rddreg [dreg:$0x4];
	[sflag:s9] =	ssyncset.done $0x0  }
0x27: {  	s4 =	rddreg [dreg:$0x10];
	[sflag:s9] =	ssyncadd.s32 $0xFFFFFF38  }
0x28: {  	[tilespmem:s6], [sflag:$0x2] =	stream.linear.gather [hbm4b:s4+s2], $0xC8, $0x38;
	[tilespmem:$0x4E20] =	vst v63  }
0x29: {  	_ =	swait.ge [sflag:s9], $0xC8  }
0x2a: {  	s7 =	rddreg [dreg:$0xb]  }
0x2b: {  	s26 =	rddreg [dreg:$0x6];
	[sflag:s9] =	ssyncset.done $0x0  }
0x2c: {  	s28 =	rddreg [dreg:$0x5];
	[sflag:s9] =	ssyncadd.s32 $0xFFFFFF38  }
0x2d: {  	[tilespmem:s12], [sflag:$0x1] =	stream.indirect.gather [hbm4b:s3+s11], $0x18, s2, s11, $0xb8;
	[tilespmem:$0x4E20] =	vst v63  }
0x2e: {  	s29 =	rddreg [dreg:$0x7]  }
0x2f: {  	[tilespmem:s28], [sflag:$0x1] =	stream.indirect.gather [hbm4b:s3+s11], $0x18, s11, s11, $0xb8;
	[tilespmem:$0x4E20] =	vst v63  }
0x30: {  	s30 =	rddreg [dreg:$0x9]  }
0x31: {  	[tilespmem:s29], [sflag:$0x1] =	stream.indirect.gather [hbm4b:s3+s11], $0x18, s26, s11, $0xb8;
	[tilespmem:$0x4E20] =	vst v63  }
0x32: {  	s28 =	rddreg [dreg:$0x8]  }
0x33: {  	[tilespmem:s30], [sflag:$0x1] =	stream.indirect.gather [hbm4b:s3+s11], $0x18, s28, s11, $0xb8;
	[tilespmem:$0x4E20] =	vst v63  }
0x34: {  	s6 =	rddreg [dreg:$0xa]  }
0x35: {  	[tilespmem:s7], [sflag:$0x1] =	stream.indirect.gather [hbm4b:s3+s11], $0x18, s6, s11, $0xb8;
	[tilespmem:$0x4E20] =	vst v63  }
0x36: {  	s28 =	rddreg [dreg:$0xd]  }
0x37: {  	[tilespmem:s13], [sflag:$0x1] =	stream.indirect.gather [hbm4b:s3+s11], $0x18, s10, s11, $0xb8;
	[tilespmem:$0x4E20] =	vst v63  }
0x38: {  	s7 =	rddreg [dreg:$0xc]  }
0x39: {  	[tilespmem:s28], [sflag:$0x1] =	stream.indirect.gather [hbm4b:s3+s11], $0x18, s7, s11, $0xb8;
	[tilespmem:$0x4E20] =	vst v63  }
0x3a: {  	_ = 	snop  }
0x3b: {  	[tilespmem:s15], [sflag:$0x1] =	stream.indirect.gather [hbm4b:s3+s11], $0x18, s14, s11, $0xb8;
	[tilespmem:$0x4E20] =	vst v63  }
0x3c: {  	_ = 	snop  }
0x3d: {  	[tilespmem:s17], [sflag:$0x1] =	stream.indirect.gather [hbm4b:s3+s11], $0x18, s16, s11, $0xb8;
	[tilespmem:$0x4E20] =	vst v63  }
0x3e: {  	_ = 	snop  }
0x3f: {  	[tilespmem:s19], [sflag:$0x1] =	stream.indirect.gather [hbm4b:s3+s11], $0x18, s18, s11, $0xb8;
	[tilespmem:$0x4E20] =	vst v63  }
0x40: {  	_ =	swait.ge [sflag:s20], $0x780  }
0x41: {  	[sflag:s20] =	ssyncset.done $0x0  }
0x42: {  	[sflag:s20] =	ssyncadd.s32 $0xFFFFF880  }
0x43: {  	_ =	swait.ge [sflag:s20], $0x780  }
0x44: {  	[sflag:s20] =	ssyncset.done $0x0  }
0x45: {  	[sflag:s20] =	ssyncadd.s32 $0xFFFFF880  }
0x46: {  	_ =	swait.ge [sflag:s20], $0x780  }
0x47: {  	[sflag:s20] =	ssyncset.done $0x0  }
0x48: {  	[sflag:s20] =	ssyncadd.s32 $0xFFFFF880  }
0x49: {  	_ =	swait.ge [sflag:s20], $0x780  }
0x4a: {  	[sflag:s20] =	ssyncset.done $0x0  }
0x4b: {  	[sflag:s20] =	ssyncadd.s32 $0xFFFFF880  }
0x4c: {  	_ =	swait.ge [sflag:s20], $0x780  }
0x4d: {  	[sflag:s20] =	ssyncset.done $0x0  }
0x4e: {  	[sflag:s20] =	ssyncadd.s32 $0xFFFFF880  }
0x4f: {  	_ =	swait.ge [sflag:s20], $0x780  }
0x50: {  	[sflag:s20] =	ssyncset.done $0x0  }
0x51: {  	[sflag:s20] =	ssyncadd.s32 $0xFFFFF880  }
0x52: {  	_ =	swait.ge [sflag:s20], $0x780  }
0x53: {  	[sflag:s20] =	ssyncset.done $0x0  }
0x54: {  	[sflag:s20] =	ssyncadd.s32 $0xFFFFF880  }
0x55: {  	_ =	swait.ge [sflag:s20], $0x780  }
0x56: {  	[sflag:s20] =	ssyncset.done $0x0  }
0x57: {  	[sflag:s20] =	ssyncadd.s32 $0xFFFFF880  }
0x58: {  	_ =	swait.ge [sflag:s20], $0x780  }
0x59: {  	[sflag:s20] =	ssyncset.done $0x0  }
0x5a: {  	[sflag:s20] =	ssyncadd.s32 $0xFFFFF880  }
0x5b: {  	_ =	swait.ge [sflag:s20], $0x780  }
0x5c: {  	s26 =	rddreg [dreg:$0x2];
	[sflag:s20] =	ssyncset.done $0x0  }
0x5d: {  	[sflag:s20] =	ssyncadd.s32 $0xFFFFF880;
	s0 =	sadd.s32 $0x0, s26  }
0x5e: {  	[hbm4b:s0+s21] =	stream.strided.scatter [tilespmem:s12], [sflag:$0x2], $0x12C0, s22, s21, $0x38;
	[tilespmem:$0x4E20] =	vst v63  }
0x5f: {  	_ =	swait.ge [sflag:s9], $0x12C0  }
0x60: {  	[sflag:s9] =	ssyncset.done $0x0  }
0x61: {  	s6 =	sadd.s32 $0x3, s0;
	[sflag:s9] =	ssyncadd.s32 $0xFFFFED40  }
0x62: {  	[hbm4b:s6+s21] =	stream.strided.scatter [tilespmem:s23], [sflag:$0x2], $0x12C0, s22, s21, $0x38;
	[tilespmem:$0x4E20] =	vst v63  }
0x63: {  	_ =	swait.ge [sflag:s9], $0x12C0  }
0x64: {  	[sflag:s9] =	ssyncset.done $0x0  }
0x65: {  	s7 =	sadd.s32 $0x6, s0;
	[sflag:s9] =	ssyncadd.s32 $0xFFFFED40  }
0x66: {  	[hbm4b:s7+s21] =	stream.strided.scatter [tilespmem:s13], [sflag:$0x2], $0x12C0, s22, s21, $0x38;
	[tilespmem:$0x4E20] =	vst v63  }
0x67: {  	s31 =	sadd.s32 $0x19, s4;
	s29 =	sadd.s32 $0x19, s5;
	_ =	swait.ge [sflag:s9], $0x12C0  }
0x68: {  	s30 =	sadd.s32 $0x19, s1;
	s28 =	sadd.s32 $0x19, s8;
	[sflag:s9] =	ssyncset.done $0x0  }
0x69: {  	s26 =	simm.s32 $0x960;
	s0 =	sadd.s32 $0x9, s0;
	[sflag:s9] =	ssyncadd.s32 $0xFFFFED40  }
.LBB2_2:
0x6a: {  	[hbm4b:s0+s21] =	stream.strided.scatter [tilespmem:s24], [sflag:$0x2], $0x12C0, s22, s21, $0x38;
	[tilespmem:$0x4E20] =	vst v63  }
0x6b: {  	_ =	swait.ge [sflag:s9], $0x12C0  }
0x6c: {  	[sflag:s9] =	ssyncset.done $0x0  }
0x6d: {  	[sflag:s9] =	ssyncadd.s32 $0xFFFFED40  }
0x6e: {  	[tilespmem:s2], [sflag:$0x2] =	stream.linear.gather [hbm4b:s30+s2], $0xC8, $0x38;
	[tilespmem:$0x4E20] =	vst v63  }
0x6f: {  	_ =	swait.ge [sflag:s9], $0xC8  }
0x70: {  	[sflag:s9] =	ssyncset.done $0x0  }
0x71: {  	s1 =	rddreg [dreg:$0x3];
	[sflag:s9] =	ssyncadd.s32 $0xFFFFFF38  }
0x72: {  	[tilespmem:s1], [sflag:$0x2] =	stream.linear.gather [hbm4b:s28+s2], $0xC8, $0x38;
	[tilespmem:$0x4E20] =	vst v63  }
0x73: {  	_ =	swait.ge [sflag:s9], $0xC8  }
0x74: {  	[sflag:s9] =	ssyncset.done $0x0  }
0x75: {  	[sflag:s9] =	ssyncadd.s32 $0xFFFFFF38  }
0x76: {  	[tilespmem:s10], [sflag:$0x2] =	stream.linear.gather [hbm4b:s29+s2], $0xC8, $0x38;
	[tilespmem:$0x4E20] =	vst v63  }
0x77: {  	_ =	swait.ge [sflag:s9], $0xC8  }
0x78: {  	[sflag:s9] =	ssyncset.done $0x0  }
0x79: {  	s5 =	rddreg [dreg:$0x4];
	[sflag:s9] =	ssyncadd.s32 $0xFFFFFF38  }
0x7a: {  	[tilespmem:s5], [sflag:$0x2] =	stream.linear.gather [hbm4b:s31+s2], $0xC8, $0x38;
	[tilespmem:$0x4E20] =	vst v63  }
0x7b: {  	_ =	swait.ge [sflag:s9], $0xC8  }
0x7c: {  	s1 =	rddreg [dreg:$0xb]  }
0x7d: {  	s4 =	rddreg [dreg:$0x6];
	[sflag:s9] =	ssyncset.done $0x0  }
0x7e: {  	s5 =	rddreg [dreg:$0x5];
	[sflag:s9] =	ssyncadd.s32 $0xFFFFFF38  }
0x7f: {  	[tilespmem:s12], [sflag:$0x1] =	stream.indirect.gather [hbm4b:s3+s11], $0x18, s2, s11, $0xb8;
	[tilespmem:$0x4E20] =	vst v63  }
0x80: {  	s6 =	rddreg [dreg:$0x7]  }
0x81: {  	[tilespmem:s5], [sflag:$0x1] =	stream.indirect.gather [hbm4b:s3+s11], $0x18, s11, s11, $0xb8;
	[tilespmem:$0x4E20] =	vst v63  }
0x82: {  	s7 =	rddreg [dreg:$0x9]  }
0x83: {  	[tilespmem:s6], [sflag:$0x1] =	stream.indirect.gather [hbm4b:s3+s11], $0x18, s4, s11, $0xb8;
	[tilespmem:$0x4E20] =	vst v63  }
0x84: {  	s5 =	rddreg [dreg:$0x8]  }
0x85: {  	[tilespmem:s7], [sflag:$0x1] =	stream.indirect.gather [hbm4b:s3+s11], $0x18, s5, s11, $0xb8;
	[tilespmem:$0x4E20] =	vst v63  }
0x86: {  	s6 =	rddreg [dreg:$0xa]  }
0x87: {  	[tilespmem:s1], [sflag:$0x1] =	stream.indirect.gather [hbm4b:s3+s11], $0x18, s6, s11, $0xb8;
	[tilespmem:$0x4E20] =	vst v63  }
0x88: {  	s4 =	rddreg [dreg:$0xc]  }
0x89: {  	[tilespmem:s13], [sflag:$0x1] =	stream.indirect.gather [hbm4b:s3+s11], $0x18, s10, s11, $0xb8;
	[tilespmem:$0x4E20] =	vst v63  }
0x8a: {  	s7 =	rddreg [dreg:$0xd]  }
0x8b: {  	[tilespmem:s7], [sflag:$0x1] =	stream.indirect.gather [hbm4b:s3+s11], $0x18, s4, s11, $0xb8;
	[tilespmem:$0x4E20] =	vst v63  }
0x8c: {  	_ = 	snop  }
0x8d: {  	[tilespmem:s15], [sflag:$0x1] =	stream.indirect.gather [hbm4b:s3+s11], $0x18, s14, s11, $0xb8;
	[tilespmem:$0x4E20] =	vst v63  }
0x8e: {  	_ = 	snop  }
0x8f: {  	[tilespmem:s17], [sflag:$0x1] =	stream.indirect.gather [hbm4b:s3+s11], $0x18, s16, s11, $0xb8;
	[tilespmem:$0x4E20] =	vst v63  }
0x90: {  	_ = 	snop  }
0x91: {  	[tilespmem:s19], [sflag:$0x1] =	stream.indirect.gather [hbm4b:s3+s11], $0x18, s18, s11, $0xb8;
	[tilespmem:$0x4E20] =	vst v63  }
0x92: {  	_ =	swait.ge [sflag:s20], $0x780  }
0x93: {  	[sflag:s20] =	ssyncset.done $0x0  }
0x94: {  	[sflag:s20] =	ssyncadd.s32 $0xFFFFF880  }
0x95: {  	_ =	swait.ge [sflag:s20], $0x780  }
0x96: {  	[sflag:s20] =	ssyncset.done $0x0  }
0x97: {  	[sflag:s20] =	ssyncadd.s32 $0xFFFFF880  }
0x98: {  	_ =	swait.ge [sflag:s20], $0x780  }
0x99: {  	[sflag:s20] =	ssyncset.done $0x0  }
0x9a: {  	[sflag:s20] =	ssyncadd.s32 $0xFFFFF880  }
0x9b: {  	_ =	swait.ge [sflag:s20], $0x780  }
0x9c: {  	[sflag:s20] =	ssyncset.done $0x0  }
0x9d: {  	[sflag:s20] =	ssyncadd.s32 $0xFFFFF880  }
0x9e: {  	_ =	swait.ge [sflag:s20], $0x780  }
0x9f: {  	[sflag:s20] =	ssyncset.done $0x0  }
0xa0: {  	[sflag:s20] =	ssyncadd.s32 $0xFFFFF880  }
0xa1: {  	_ =	swait.ge [sflag:s20], $0x780  }
0xa2: {  	[sflag:s20] =	ssyncset.done $0x0  }
0xa3: {  	[sflag:s20] =	ssyncadd.s32 $0xFFFFF880  }
0xa4: {  	_ =	swait.ge [sflag:s20], $0x780  }
0xa5: {  	[sflag:s20] =	ssyncset.done $0x0  }
0xa6: {  	[sflag:s20] =	ssyncadd.s32 $0xFFFFF880  }
0xa7: {  	_ =	swait.ge [sflag:s20], $0x780  }
0xa8: {  	[sflag:s20] =	ssyncset.done $0x0  }
0xa9: {  	[sflag:s20] =	ssyncadd.s32 $0xFFFFF880  }
0xaa: {  	_ =	swait.ge [sflag:s20], $0x780  }
0xab: {  	[sflag:s20] =	ssyncset.done $0x0  }
0xac: {  	[sflag:s20] =	ssyncadd.s32 $0xFFFFF880  }
0xad: {  	_ =	swait.ge [sflag:s20], $0x780  }
0xae: {  	s0 =	smov.u32 s26;
	s6 =	rddreg [dreg:$0x2];
	[sflag:s20] =	ssyncset.done $0x0  }
0xaf: {  	[sflag:s20] =	ssyncadd.s32 $0xFFFFF880;
	s0 =	sadd.s32 s0, s6  }
0xb0: {  	[hbm4b:s0+s21] =	stream.strided.scatter [tilespmem:s12], [sflag:$0x2], $0x12C0, s22, s21, $0x38;
	[tilespmem:$0x4E20] =	vst v63  }
0xb1: {  	_ =	swait.ge [sflag:s9], $0x12C0  }
0xb2: {  	[sflag:s9] =	ssyncset.done $0x0  }
0xb3: {  	s1 =	sadd.s32 $0x3, s0;
	[sflag:s9] =	ssyncadd.s32 $0xFFFFED40  }
0xb4: {  	[hbm4b:s1+s21] =	stream.strided.scatter [tilespmem:s23], [sflag:$0x2], $0x12C0, s22, s21, $0x38;
	[tilespmem:$0x4E20] =	vst v63  }
0xb5: {  	_ =	swait.ge [sflag:s9], $0x12C0  }
0xb6: {  	p0 =	sne.s32 s26, $0x48A80;
	[sflag:s9] =	ssyncset.done $0x0  }
.Ltmp0:
0xb7: {  	s7 =	sadd.s32 $0x6, s0;
	[sflag:s9] =	ssyncadd.s32 $0xFFFFED40;
	(pc) =	sbr.rel @p0 .LBB2_2-.Ltmp0, $4  }
0xb8: {  	[hbm4b:s7+s21] =	stream.strided.scatter [tilespmem:s13], [sflag:$0x2], $0x12C0, s22, s21, $0x38;
	[tilespmem:$0x4E20] =	vst v63  }
0xb9: {  	s26 =	sadd.s32 $0x960, s26;
	s30 =	sadd.s32 $0x19, s30;
	_ =	swait.ge [sflag:s9], $0x12C0  }
0xba: {  	s28 =	sadd.s32 $0x19, s28;
	s29 =	sadd.s32 $0x19, s29;
	[sflag:s9] =	ssyncset.done $0x0  }
0xbb: {  	s31 =	sadd.s32 $0x19, s31;
	s0 =	sadd.s32 $0x9, s0;
	[sflag:s9] =	ssyncadd.s32 $0xFFFFED40  }
0xbc: {  	[hbm4b:s0+s21] =	stream.strided.scatter [tilespmem:s24], [sflag:$0x2], $0x12C0, s22, s21, $0x38;
	[tilespmem:$0x4E20] =	vst v63  }
0xbd: {  	_ =	swait.ge [sflag:s9], $0x12C0  }
0xbe: {  	s25 =	sadd.s32 $0x1, s25;
	s31 =	rddreg [dreg:$0xe]  }
0xbf: {  	p0 =	sne.s32 s25, s31  }
.Ltmp1:
0xc0: {  	_ = 	snop;
	(pc) =	sbr.rel @p0 .LBB2_1-.Ltmp1, $3  }
0xc1: {  	_ =	sdelay $0x1  }
0xc2: {  	[sflag:s9] =	ssyncset.done $0x0  }
0xc3: {  	[sflag:s9] =	ssyncadd.s32 $0xFFFFED40  }
0xc4: {  	_ =	sfence.sel $0x180000  }
0xc5: {  	[bflag:$0x0] =	sbarrier.arrive $0xFFFF  }
0xc6: {  	_ =	strace $0x90000047  }
0xc7: {  	s0 =	stileid.u32;
	[bflag:$0x2] =	sbarrier.arrive $0xFFFF  }
0xc8: {  	p0 =	sne.s32 s0, $0x0;
	s0 =	rddreg [dreg:$0x1]  }
0xc9: {  	s0 =	sadd.s32 @!p0 $0x100000, s0  }
0xca: {  	[sflag:s0] =	ssyncadd.tile.s32 @!p0 $0x1;
	_ =	shalt  }
.Lfunc_end2:
_tile_overlayer_lowered:
.L_overlay_start_2:
0xcb: {  	(tag) =	ssettag $0x2  }
0xcc: {  	s0 =	rddreg [dreg:$0x0];
	s2 =	stileid.u32  }
0xcd: {  	s1 =	rddreg [dreg:$0x1];
	p0 =	sne.s32 s2, $0x0  }
0xce: {  	s3 =	rddreg [dreg:$0x2];
	[bflag:$0x3] =	sbarrier.arrive $0xFFFF;
	s2 =	simm.s32 @!p0 $0x1C02  }
0xcf: {  	[timem:s3], [sflag:s2] =	dma.local @!p0 [hbm:s0], s1  }
0xd0: {  	s0 =	simm.s32 @!p0 $0x2  }
0xd1: {  	_ =	swait.ge @!p0 [sflag:s0], s1  }
0xd2: {  	s1 =	ssub.s32 @!p0 $0x0, s1;
	[sflag:s0] =	ssyncset.done @!p0 $0x0  }
0xd3: {  	[sflag:s0] =	ssyncadd.s32 @!p0 s1  }
0xd4: {  	[bflag:$0x3] =	sbarrier.arrive $0xFFFF  }
0xd5: {  	_ =	shalt  }

// kernel: kernel.8.cloned.1.call-start
scs
__scs_entry_jumppad:
0x0: {  	(pc) =	sbr.rel $0x88, $3  }
0x1: {  	(tag) =	ssettag $0x0;
	lr =	simm.s32 $0x1  }
0x2: {  	[smem:$0x3F98] =	sst lr;
	_ =	strace $0xD0000000  }
0x3: {  	_ = 	snop  }
0x4: {  	_ = 	snop  }
0x5: {  	_ = 	snop  }
0x6: {  	_ = 	snop  }
0x7: {  	_ = 	snop  }
__scs_overlays_trampoline_lowered:
0x8: {  	[smem:$0x3FA7] =	sst s0  }
0x9: {  	[smem:$0x3FA8] =	sst s1  }
0xa: {  	[smem:$0x3FA9] =	sst s2  }
0xb: {  	[smem:$0x3FAA] =	sst s3  }
0xc: {  	[smem:$0x3FAB] =	sst s4  }
0xd: {  	[smem:$0x3FAC] =	sst s5  }
0xe: {  	[smem:$0x3FAD] =	sst s6  }
0xf: {  	[smem:$0x3FAE] =	sst s7  }
0x10: {  	[smem:$0x3FAF] =	sst s8  }
0x11: {  	[smem:$0x3FB0] =	sst s9;
	s0 =	simm.s32 @!p0 $0x0  }
0x12: {  	s1 =	sld [smem:$0x3F96];
	s0 =	simm.s32 @p0 $0x1  }
0x13: {  	[smem:$0x3FB1] =	sst s0;
	s0 =	simm.s32 @!p1 $0x0  }
0x14: {  	s2 =	sld [smem:$0x3F95];
	s0 =	simm.s32 @p1 $0x1  }
0x15: {  	[smem:$0x3FB2] =	sst s0;
	s0 =	simm.s32 @!p2 $0x0  }
0x16: {  	s3 =	sld [smem:$0x3FDB];
	s0 =	simm.s32 @p2 $0x1  }
0x17: {  	s4 =	simm.s32 $0x1BF5;
	[smem:$0x3FB4] =	sst s0  }
0x18: {  	s0 =	sld [smem:$0x3F97];
	_ =	swait.ge [sflag:s4], $0x0  }
0x19: {  	s7 =	sld [smem:$0x3F98]  }
0x1a: {  	s8 =	sadd.s32 $0xFFFFE003, lr  }
0x1b: {  	s9 =	sadd.s32 $0xFFFFFEF7, lr;
	s5 =	simm.s32 $0xFFFFFFFF;
	p2 =	slt.u32 s8, $0xFFFFF086  }
0x1c: {  	p1 =	slt.u32 s9, $0xF7A;
	s5 =	simm.s32 @!p2 $0x0  }
0x1d: {  	s5 =	simm.s32 @p1 $0x1;
	p0 =	seq.s32 s7, s2  }
0x1e: {  	s7 =	smul.u32 @!p0 $0xF7A, s2;
	p2 =	seq.s32 @!p0 s5, $0x0  }
0x1f: {  	s9 =	smul.u32 $0xF7A, s1;
	s8 =	simm.s32 @!p0 $0x1BF5;
	p2 =	por !p2, p0  }
0x20: {  	[sflag:s8] =	ssyncset.s32 @!p0 $0xFFFFF086;
	s6 =	sadd.s32 @!p0 s3, s7;
	s7 =	simm.s32 @!p0 $0x108  }
0x21: {  	s3 =	sadd.s32 s3, s9;
	s6 =	sadd.s32 @!p0 $0x88, s6;
	s7 =	simm.s32 @p2 $0x1082  }
0x22: {  	[simem:s7], [sflag:s8] =	dma.local @!p0 [hbm:s6], $0xF7A  }
0x23: {  	s9 =	sor.u32 $0xD0000000, s2;
	s6 =	simm.s32 $0x108;
	_ =	swait.ge @!p0 [sflag:s8], $0x0  }
0x24: {  	s3 =	sadd.s32 $0x88, s3;
	s6 =	simm.s32 @!p1 $0x1082;
	[sflag:s4] =	ssyncset.s32 $0xFFFFF086  }
0x25: {  	[simem:s6], [sflag:s4] =	dma.local [hbm:s3], $0xF7A  }
0x26: {  	[smem:$0x3F98] =	sst s1;
	(tag) =	ssettag s2;
	_ =	strace s9  }
0x27: {  	s1 =	sld [smem:$0x3FA8]  }
0x28: {  	s2 =	sld [smem:$0x3FA9]  }
0x29: {  	s4 =	sld [smem:$0x3FAB]  }
0x2a: {  	p0 =	seq.s32 s5, $0x0;
	s5 =	sld [smem:$0x3FAC]  }
0x2b: {  	s6 =	sld [smem:$0x3FAD]  }
0x2c: {  	s7 =	sld [smem:$0x3FAE]  }
0x2d: {  	s3 =	simm.s32 $0x108;
	s8 =	sld [smem:$0x3FAF]  }
0x2e: {  	s3 =	simm.s32 @!p0 $0x1082;
	s9 =	sld [smem:$0x3FB0]  }
0x2f: {  	lr =	sadd.s32 s0, s3;
	s0 =	sld [smem:$0x3FA7]  }
0x30: {  	s3 =	sld [smem:$0x3FAA]  }
0x31: {  	[smem:$0x3FB3] =	sst s10  }
0x32: {  	s10 =	sld [smem:$0x3FB1];
	_ =	sdelay $0x3  }
0x33: {  	p0 =	seq.s32 s10, $0x1;
	s10 =	sld [smem:$0x3FB3];
	_ =	sdelay $0x3  }
0x34: {  	[smem:$0x3FB3] =	sst s10  }
0x35: {  	s10 =	sld [smem:$0x3FB2];
	_ =	sdelay $0x3  }
0x36: {  	p1 =	seq.s32 s10, $0x1;
	s10 =	sld [smem:$0x3FB3];
	_ =	sdelay $0x3  }
0x37: {  	[smem:$0x3FB3] =	sst s10  }
0x38: {  	s10 =	sld [smem:$0x3FB4]  }
0x39: {  	_ = 	snop;
	(pc) =	sbr.ind lr, $3  }
0x3a: {  	_ = 	snop  }
0x3b: {  	_ = 	snop  }
0x3c: {  	p2 =	seq.s32 s10, $0x1;
	s10 =	sld [smem:$0x3FB3]  }
0x3d: {  	_ =	shalt  }
0x3e: {  	_ =	shalt  }
0x3f: {  	_ =	shalt  }
0x40: {  	_ =	shalt  }
0x41: {  	_ =	shalt  }
0x42: {  	_ =	shalt  }
0x43: {  	_ =	shalt  }
0x44: {  	_ =	shalt  }
0x45: {  	_ =	shalt  }
0x46: {  	_ =	shalt  }
0x47: {  	_ =	shalt  }
0x48: {  	_ =	shalt  }
0x49: {  	_ =	shalt  }
0x4a: {  	_ =	shalt  }
0x4b: {  	_ =	shalt  }
0x4c: {  	_ =	shalt  }
0x4d: {  	_ =	shalt  }
0x4e: {  	_ =	shalt  }
0x4f: {  	_ =	shalt  }
0x50: {  	_ =	shalt  }
0x51: {  	_ =	shalt  }
0x52: {  	_ =	shalt  }
0x53: {  	_ =	shalt  }
0x54: {  	_ =	shalt  }
0x55: {  	_ =	shalt  }
0x56: {  	_ =	shalt  }
0x57: {  	_ =	shalt  }
0x58: {  	_ =	shalt  }
0x59: {  	_ =	shalt  }
0x5a: {  	_ =	shalt  }
0x5b: {  	_ =	shalt  }
0x5c: {  	_ =	shalt  }
0x5d: {  	_ =	shalt  }
0x5e: {  	_ =	shalt  }
0x5f: {  	_ =	shalt  }
0x60: {  	_ =	shalt  }
0x61: {  	_ =	shalt  }
0x62: {  	_ =	shalt  }
0x63: {  	_ =	shalt  }
0x64: {  	_ =	shalt  }
0x65: {  	_ =	shalt  }
0x66: {  	_ =	shalt  }
0x67: {  	_ =	shalt  }
0x68: {  	_ =	shalt  }
0x69: {  	_ =	shalt  }
0x6a: {  	_ =	shalt  }
0x6b: {  	_ =	shalt  }
0x6c: {  	_ =	shalt  }
0x6d: {  	_ =	shalt  }
0x6e: {  	_ =	shalt  }
0x6f: {  	_ =	shalt  }
0x70: {  	_ =	shalt  }
0x71: {  	_ =	shalt  }
0x72: {  	_ =	shalt  }
0x73: {  	_ =	shalt  }
0x74: {  	_ =	shalt  }
0x75: {  	_ =	shalt  }
0x76: {  	_ =	shalt  }
0x77: {  	_ =	shalt  }
0x78: {  	_ =	shalt  }
0x79: {  	_ =	shalt  }
0x7a: {  	_ =	shalt  }
0x7b: {  	_ =	shalt  }
0x7c: {  	_ =	shalt  }
0x7d: {  	_ =	shalt  }
0x7e: {  	_ =	shalt  }
0x7f: {  	_ =	shalt  }
0x80: {  	_ =	shalt  }
0x81: {  	_ =	shalt  }
0x82: {  	_ =	shalt  }
0x83: {  	_ =	shalt  }
0x84: {  	_ =	shalt  }
0x85: {  	_ =	shalt  }
0x86: {  	_ =	shalt  }
0x87: {  	_ =	shalt  }
.Lfunc_end0:
.L_simem_size_0:
called_computation.1_lowered:
.L_overlay_start_0:
0x88: {  	s2 =	sld [smem:$0x3FD9]  }
0x89: {  	s3 =	sld [smem:$0x3FFE];
	_ =	sdelay $0x1  }
0x8a: {  	s1 =	srdreg.scid  }
0x8b: {  	s0 =	sand.u32 $0x1, s1  }
0x8c: {  	s16 =	sshll.u32 s0, $0xA;
	s2 =	sadd.s32 s3, s2  }
0x8d: {  	s2 =	sadd.s32 s2, s16  }
0x8e: {  	[smem:$0x3FBF] =	sst s2  }
0x8f: {  	_ = 	snop  }
0x90: {  	(tm) =	ssettm $0x1  }
0x91: {  	s17 =	sld [smem:$0x3FFB];
	_ =	sdelay $0x3  }
0x92: {  	_ =	strace s17  }
0x93: {  	s2 =	sld [smem:$0x3FFC];
	_ =	sdelay $0x3  }
0x94: {  	_ =	strace s2  }
0x95: {  	s2 =	sld [smem:$0x3FFD];
	_ =	sdelay $0x3  }
0x96: {  	_ =	strace s2  }
0x97: {  	_ =	strace $0x8FFFFFFF  }
0x98: {  	s18 =	sld [smem:$0x3FDB];
	_ =	sdelay $0x1  }
0x99: {  	s19 =	simm.s32 $_scs_section_size  }
0x9a: {  	s4 =	simm.s32 $_size__tile_overlayer_lowered;
	s5 =	simm.s32 $_tile_overlayer_lowered  }
0x9b: {  	s22 =	simm.s32 $0x1BFF;
	s21 =	sshll.u32 s5, $0x1;
	s2 =	sadd.s32 s19, s18  }
0x9c: {  	s6 =	simm.s32 $0x0;
	s20 =	sshll.u32 s4, $0x1;
	s4 =	sadd.s32 s21, s2  }
0x9d: {  	[timem:s6], [sflag:s22] =	dma.local [hbm:s4], s20  }
0x9e: {  	_ =	swait.ge [sflag:s22], s20  }
0x9f: {  	s3 =	ssub.s32 $0x0, s20;
	[sflag:s22] =	ssyncset.done $0x0  }
0xa0: {  	[sflag:s22] =	ssyncadd.s32 s3;
	_ =	sdelay $0x1  }
0xa1: {  	s23 =	simm.s32 $0x1B8B  }
0xa2: {  	_ =	swait.ge [sflag:s23], $0x1  }
0xa3: {  	[sflag:s23] =	ssyncset.done $0x0  }
0xa4: {  	s25 =	simm.s32 $0x1B8E;
	s24 =	sld [smem:$0x3FFE];
	[sflag:s23] =	ssyncadd.s32 $0xFFFFFFFF  }
0xa5: {  	s26 =	simm.s32 $execute0_lowered;
	[smem:$0x3FD2] =	sst s25  }
0xa6: {  	s4 =	sshll.u32 s26, $0x1;
	_ =	strace $0x80000049;
	[dreg:$0x1] =	wrdreg $0xFFFFFFFF  }
0xa7: {  	s28 =	simm.s32 $_size_execute0_lowered;
	s2 =	sadd.s32 s2, s4;
	[dreg:$0x0] =	wrdreg $0x0  }
0xa8: {  	s4 =	sshll.u32 s28, $0x1;
	[dreg:$0x2] =	wrdreg s2  }
0xa9: {  	[dreg:$0x3] =	wrdreg s4  }
0xaa: {  	[dreg:$0x4] =	wrdreg $0xC0  }
0xab: {  	_ =	task [dreg:s6], $0x5FFFF  }
0xac: {  	[dreg:$0x1] =	wrdreg $0xFFFFFFFF  }
0xad: {  	[dreg:$0x0] =	wrdreg $0x60  }
0xae: {  	[dreg:$0x2] =	wrdreg s24  }
0xaf: {  	[dreg:$0x3] =	wrdreg $0x9F600  }
0xb0: {  	[dreg:$0x4] =	wrdreg $0x9  }
0xb1: {  	_ =	task.clear_ibuf [dreg:s6], $0x5FFFF;
	_ =	strace $0x90000049  }
0xb2: {  	s29 =	simm.s32 $0x9;
	_ =	strace $0x8000004B  }
0xb3: {  	_ =	swait.ge [sflag:s29], $0x1  }
0xb4: {  	[sflag:s29] =	ssyncadd.s32 $0xFFFFFFFF  }
0xb5: {  	_ =	strace $0x9000004B  }
0xb6: {  	_ =	sfence  }
0xb7: {  	s30 =	sld [smem:$0x0];
	_ =	sdelay $0x2  }
0xb8: {  	s31 =	sshll.u32 s1, $0xD;
	s1 =	sshrl.u32 s1, $0x2  }
0xb9: {  	s3 =	sand.u32 $0x4000, s31;
	s1 =	sadd.s32 s1, s30  }
0xba: {  	s0 =	sor.u32 s3, s0;
	s1 =	sshll.u32 s1, $0x11  }
0xbb: {  	s0 =	sor.u32 s1, s0  }
0xbc: {  	s0 =	sadd.s32 $0x8F2B, s0  }
0xbd: {  	[sflag:s0] =	ssyncadd.remote.s32 $0x1  }
0xbe: {  	_ =	sfence.sel $0xFFFF  }
0xbf: {  	[dreg:$0x0] =	wrdreg $0xFFFFFFFF;
	(pc) =	sbr.abs _section_cstart, $3  }
0xc0: {  	[dreg:$0x1] =	wrdreg $0xFFFFFFFF  }
0xc1: {  	_ =	task.clear_ibuf [dreg:s6], $0x2FFFF;
	_ =	strace $0x9FFFFFFF  }
0xc2: {  	(tm) =	ssettm $0x7FFFFFFF  }
0xc3: {  	_ =	shalt  }
tec
execute0_lowered:
.L_overlay_start_1:
0x0: {  	(tag) =	ssettag $0x1  }
0x1: {  	s1 =	rddreg [dreg:$0x0]  }
0x2: {  	s2 =	rddreg [dreg:$0x1];
	s3 =	simm.s32 $0x0;
	s11 =	stileid.u32  }
0x3: {  	s4 =	srdreg.scid;
	s13 =	simm.s32 $0x320;
	s14 =	simm.s32 $0x3E8  }
0x4: {  	s17 =	simm.s32 $0x6720;
	s18 =	simm.s32 $0x4B0;
	s20 =	simm.s32 $0x578  }
0x5: {  	s21 =	simm.s32 $0x8CA0;
	s30 =	simm.s32 $0x2EE0;
	[smem:$0x7FF] =	sst s3  }
0x6: {  	s28 =	simm.s32 $0x5460;
	_ =	strace $0x8000004A;
	[dreg:$0x3] =	wrdreg s13  }
0x7: {  	s29 =	simm.s32 $0x79E0;
	s0 =	smul.u32 $0x927C0, s11;
	[dreg:$0x4] =	wrdreg s14  }
0x8: {  	s31 =	simm.s32 $0x50;
	s6 =	smul.u32 $0x4B000, s11;
	[dreg:$0x5] =	wrdreg s17  }
0x9: {  	s4 =	sand.u32 $0x1, s4;
	s9 =	smul.u32 $0xC350, s11;
	[dreg:$0x6] =	wrdreg s18  }
0xa: {  	s7 =	sadd.s32 $0x4600, s1;
	s19 =	smul.u32 $0xC38, s11;
	[dreg:$0x7] =	wrdreg s20  }
0xb: {  	p0 =	seq.s32 s11, $0xF;
	[dreg:$0x8] =	wrdreg s21;
	s13 =	simm.s32 $0x3660  }
0xc: {  	s22 =	ssub.s32 $0x2, s4;
	s14 =	simm.s32 $0x3DE0;
	[dreg:$0xd] =	wrdreg s13  }
0xd: {  	s15 =	smul.u32 $0xC350, s4;
	s17 =	simm.s32 $0x4CE0;
	[dreg:$0xe] =	wrdreg s14  }
0xe: {  	s18 =	simm.s32 $0x5BE0;
	s20 =	simm.s32 $0x6AE0;
	[dreg:$0x10] =	wrdreg s17  }
0xf: {  	s5 =	sadd.s32 s0, s1;
	s6 =	sshrl.u32 s6, $0x2;
	[dreg:$0x11] =	wrdreg s18  }
0x10: {  	s0 =	sadd.s32 $0x66200, s1;
	[dreg:$0x13] =	wrdreg s20;
	s23 =	sadd.s32 s6, s2  }
0x11: {  	s8 =	sshrl.u32 s22, $0x1;
	s12 =	sadd.s32 $0xC7E03, s5;
	[dreg:$0x19] =	wrdreg s23  }
0x12: {  	s25 =	sshrl.u32 s9, $0x3;
	s16 =	sadd.s32 $0xC7E06, s5;
	[dreg:$0x1f] =	wrdreg s12  }
0x13: {  	s1 =	ssub.s32 s22, s8;
	s26 =	sadd.s32 s0, s25;
	[smem:$0x7F5] =	sst s16  }
0x14: {  	s9 =	sadd.s32 $0xC7E00, s5;
	s5 =	sadd.s32 $0xC7E09, s5;
	[dreg:$0x1d] =	wrdreg s26  }
0x15: {  	s22 =	sadd.s32 s19, s15;
	s19 =	simm.s32 $0x6360;
	[smem:$0x7F7] =	sst s5  }
0x16: {  	s4 =	smul.u32 $0x124F80, s4;
	s6 =	sadd.s32 $0x4B00, s23;
	[dreg:$0x12] =	wrdreg s19  }
0x17: {  	s21 =	smul.u32 $0x186A, s11;
	s24 =	sadd.s32 $0x9600, s23;
	[dreg:$0x1a] =	wrdreg s6  }
0x18: {  	s20 =	simm.s32 $0x960;
	s8 =	sadd.s32 $0xE100, s23;
	[dreg:$0x1b] =	wrdreg s24  }
0x19: {  	s13 =	simm.s32 $0x8C0;
	s10 =	sadd.s32 $0x30D40, s26;
	[dreg:$0x1c] =	wrdreg s8  }
0x1a: {  	s14 =	simm.s32 $0x910;
	s23 =	simm.s32 $0x10E0;
	[smem:$0x7F4] =	sst s10  }
0x1b: {  	s17 =	simm.s32 $0x0;
	s16 =	simm.s32 $0x4560;
	[dreg:$0x9] =	wrdreg s23  }
0x1c: {  	s0 =	sadd.s32 s21, s0;
	s1 =	smax.u32 s1, $0x1;
	[dreg:$0xf] =	wrdreg s16  }
0x1d: {  	s25 =	smul.u32 $0x49500, s11;
	s0 =	sadd.s32 $0x49412, s0;
	[smem:$0x7FA] =	sst s1  }
0x1e: {  	s4 =	sshrl.u32 s4, $0x3;
	s6 =	sadd.s32 $0x186A0, s26;
	[smem:$0x7FB] =	sst s0  }
0x1f: {  	s11 =	simm.s32 $0x820;
	s8 =	sadd.s32 $0x493E0, s26;
	[dreg:$0x1e] =	wrdreg s6  }
0x20: {  	v0 =	vmov s15;
	s15 =	simm.s32 $0x3;
	s24 =	simm.s32 $0x1860;
	[smem:$0x7F6] =	sst s8  }
0x21: {  	s4 =	sadd.s32 s7, s4;
	s26 =	simm.s32 $0x1FE0;
	[dreg:$0xa] =	wrdreg s24  }
0x22: {  	s5 =	sadd.s32 $0x112EC0, s2;
	s4 =	sadd.s32 $0x225D8, s4;
	[dreg:$0xb] =	wrdreg s26  }
0x23: {  	s12 =	sshrl.u32 s25, $0x2;
	s23 =	simm.s32 $0x8160;
	[smem:$0x7F9] =	sst s4  }
0x24: {  	s25 =	simm.s32 $0x9060;
	s0 =	sshrl.u32 @p0 s5, $0x3;
	[dreg:$0x15] =	wrdreg s23  }
0x25: {  	s1 =	simm.s32 $0x690;
	s5 =	simm.s32 $0x6E0;
	[dreg:$0x17] =	wrdreg s25  }
0x26: {  	s10 =	simm.s32 $0x7D0;
	s8 =	simm.s32 $0x2760;
	[smem:$0x7FC] =	sst s0  }
0x27: {  	s6 =	smul.u32 $0x3, s22;
	s22 =	simm.s32 $0x7260;
	[dreg:$0xc] =	wrdreg s8  }
0x28: {  	s16 =	simm.s32 $0x2;
	s24 =	simm.s32 $0x88E0;
	[dreg:$0x14] =	wrdreg s22  }
0x29: {  	s26 =	simm.s32 $0x97E0;
	s25 =	simm.s32 $0x60;
	[dreg:$0x16] =	wrdreg s24  }
0x2a: {  	[dreg:$0x18] =	wrdreg s26;
	s22 =	simm.s32 $0x18;
	s6 =	sadd.s32 s7, s6  }
0x2b: {  	s26 =	simm.s32 $0x1;
	[smem:$0x7F8] =	sst s6;
	s6 =	sadd.s32 s12, s2  }
0x2c: {  	s7 =	simm.s32 $0x780;
	s12 =	simm.s32 $0x870;
	s0 =	sshrl.u32 @!p0 s6, $0x3  }
0x2d: {  	v1 =	vimm.f32 $0.0e+00;
	s6 =	simm.s32 $0x730;
	[smem:$0x7FD] =	sst s0;
	s0 =	simm.s32 $0x640  }
.LBB2_1:
0x2e: {  	s18 =	simm.s32 $0x0  }
0x2f: {  	s18 =	smul.u32 $0x60, s18;
	_ =	sdelay $0x1  }
0x30: {  	s19 =	sand.u32 $0x8, s3;
	s18 =	sshra.s32 s18, $0x2  }
0x31: {  	s19 =	sadd.s32 s19, s18  }
0x32: {  	s18 =	simm.s32 $0x1;
	[tilespmem:s19+$0x960] =	vst v1;
	s19 =	simm.s32 $0x0  }
.LBB2_2:
0x33: {  	s8 =	sshrl.u32 s18, $0x1  }
0x34: {  	p1 =	sne.s32 s18, $0x63F;
	s18 =	sadd.s32 $0x1, s18;
	s8 =	smul.u32 $0x60, s8  }
.Ltmp0:
0x35: {  	(pc) =	sbr.rel @p1 .LBB2_2-.Ltmp0, $4  }
0x36: {  	s19 =	sadd.s32 $0x8, s19  }
0x37: {  	s4 =	sand.u32 $0x8, s19;
	s8 =	sshra.s32 s8, $0x2  }
0x38: {  	s4 =	sadd.s32 s4, s8  }
0x39: {  	[tilespmem:s4+$0x960] =	vst v1  }
0x3a: {  	[smem:$0x7F3] =	sst s17  }
0x3b: {  	s4 =	rddreg [dreg:$0x19];
	s8 =	simm.s32 $0x4  }
0x3c: {  	[spmem:s4] =	stream.linear.scatter [tilespmem:s20], [sflag:$0x4], $0x4B00, $0x38;
	[tilespmem:$0x1CB60] =	vst v63  }
0x3d: {  	_ =	swait.ge [sflag:s8], $0x4B00  }
0x3e: {  	[sflag:s8] =	ssyncset.done $0x0  }
0x3f: {  	s19 =	rddreg [dreg:$0x1a];
	[sflag:s8] =	ssyncadd.s32 $0xFFFFB500  }
0x40: {  	[spmem:s19] =	stream.linear.scatter [tilespmem:s20], [sflag:$0x4], $0x4B00, $0x38;
	[tilespmem:$0x1CB60] =	vst v63  }
0x41: {  	_ =	swait.ge [sflag:s8], $0x4B00  }
0x42: {  	[sflag:s8] =	ssyncset.done $0x0  }
0x43: {  	s21 =	rddreg [dreg:$0x1b];
	[sflag:s8] =	ssyncadd.s32 $0xFFFFB500  }
0x44: {  	[spmem:s21] =	stream.linear.scatter [tilespmem:s20], [sflag:$0x4], $0x4B00, $0x38;
	[tilespmem:$0x1CB60] =	vst v63  }
0x45: {  	_ =	swait.ge [sflag:s8], $0x4B00  }
0x46: {  	[sflag:s8] =	ssyncset.done $0x0  }
0x47: {  	s23 =	rddreg [dreg:$0x1c];
	[sflag:s8] =	ssyncadd.s32 $0xFFFFB500  }
0x48: {  	[spmem:s23] =	stream.linear.scatter [tilespmem:s20], [sflag:$0x4], $0x4B00, $0x38;
	[tilespmem:$0x1CB60] =	vst v63  }
0x49: {  	_ =	swait.ge [sflag:s8], $0x4B00  }
0x4a: {  	[sflag:s8] =	ssyncset.done $0x0  }
0x4b: {  	[sflag:s8] =	ssyncadd.s32 $0xFFFFB500  }
0x4c: {  	[bflag:$0x0] =	sbarrier.arrive $0xFFFF  }
0x4d: {  	s18 =	simm.s32 $0x0;
	s24 =	rddreg [dreg:$0x1d]  }
0x4e: {  	[tilespmem:s18], [sflag:$0x1] =	stream.linear.gather [hbm4b:s24+s18], $0xC8, $0x38;
	[tilespmem:$0x1CB60] =	vst v63  }
0x4f: {  	s8 =	rddreg [dreg:$0x1e]  }
0x50: {  	[tilespmem:s20], [sflag:$0x1] =	stream.strided.gather [hbm4b:s9+s22], $0x12C0, s25, s22, $0x38;
	[tilespmem:$0x1CB60] =	vst v63  }
0x51: {  	s17 =	simm.s32 $0xC8;
	s19 =	rddreg [dreg:$0x1f]  }
0x52: {  	[tilespmem:s17], [sflag:$0x1] =	stream.linear.gather [hbm4b:s8+s18], $0xC8, $0x38;
	[tilespmem:$0x1CB60] =	vst v63  }
0x53: {  	s21 =	simm.s32 $0x1C20;
	s23 =	sld [smem:$0x7F4]  }
0x54: {  	[tilespmem:s21], [sflag:$0x1] =	stream.strided.gather [hbm4b:s19+s22], $0x12C0, s25, s22, $0x38;
	[tilespmem:$0x1CB60] =	vst v63  }
0x55: {  	s24 =	simm.s32 $0x190;
	s17 =	sld [smem:$0x7F5]  }
0x56: {  	[tilespmem:s24], [sflag:$0x1] =	stream.linear.gather [hbm4b:s23+s18], $0xC8, $0x38;
	[tilespmem:$0x1CB60] =	vst v63  }
0x57: {  	s19 =	sld [smem:$0x7F6]  }
0x58: {  	[tilespmem:s30], [sflag:$0x1] =	stream.strided.gather [hbm4b:s17+s22], $0x12C0, s25, s22, $0x38;
	[tilespmem:$0x1CB60] =	vst v63  }
0x59: {  	s21 =	simm.s32 $0x258;
	s23 =	sld [smem:$0x7F7]  }
0x5a: {  	[tilespmem:s21], [sflag:$0x1] =	stream.linear.gather [hbm4b:s19+s18], $0xC8, $0x38;
	[tilespmem:$0x1CB60] =	vst v63  }
0x5b: {  	s24 =	simm.s32 $0x41A0;
	s19 =	sld [smem:$0x7FB]  }
0x5c: {  	[tilespmem:s24], [sflag:$0x1] =	stream.strided.gather [hbm4b:s23+s22], $0x12C0, s25, s22, $0x38;
	[tilespmem:$0x1CB60] =	vst v63  }
.LBB2_4:
0x5d: {  	_ =	swait.ge [sflag:s26], $0xC8  }
0x5e: {  	[sflag:s26] =	ssyncset.done $0x0  }
0x5f: {  	[sflag:s26] =	ssyncadd.s32 $0xFFFFFF38  }
0x60: {  	_ =	swait.ge [sflag:s26], $0x12C0  }
0x61: {  	[sflag:s26] =	ssyncset.done $0x0  }
0x62: {  	[sflag:s26] =	ssyncadd.s32 $0xFFFFED40  }
0x63: {  	_ =	swait.ge [sflag:s26], $0xC8  }
0x64: {  	[sflag:s26] =	ssyncset.done $0x0  }
0x65: {  	[sflag:s26] =	ssyncadd.s32 $0xFFFFFF38  }
0x66: {  	_ =	swait.ge [sflag:s26], $0x12C0  }
0x67: {  	[sflag:s26] =	ssyncset.done $0x0  }
0x68: {  	[sflag:s26] =	ssyncadd.s32 $0xFFFFED40  }
0x69: {  	_ =	swait.ge [sflag:s26], $0xC8  }
0x6a: {  	[sflag:s26] =	ssyncset.done $0x0  }
0x6b: {  	[sflag:s26] =	ssyncadd.s32 $0xFFFFFF38  }
0x6c: {  	_ =	swait.ge [sflag:s26], $0x12C0  }
0x6d: {  	[sflag:s26] =	ssyncset.done $0x0  }
0x6e: {  	[sflag:s26] =	ssyncadd.s32 $0xFFFFED40  }
0x6f: {  	_ =	swait.ge [sflag:s26], $0xC8  }
0x70: {  	[sflag:s26] =	ssyncset.done $0x0  }
0x71: {  	[sflag:s26] =	ssyncadd.s32 $0xFFFFFF38  }
0x72: {  	_ =	swait.ge [sflag:s26], $0x12C0  }
0x73: {  	[sflag:s26] =	ssyncset.done $0x0  }
0x74: {  	s8 =	sadd.s32 $0xFFFB6C07, s19;
	s4 =	rddreg [dreg:$0x3];
	[sflag:s26] =	ssyncadd.s32 $0xFFFFED40  }
0x75: {  	[tilespmem:s4], [sflag:$0x2] =	stream.linear.gather [hbm4b:s8+s3], $0xC8, $0x38;
	[tilespmem:$0x1CB60] =	vst v63  }
0x76: {  	s4 =	sadd.s32 s18, s9  }
0x77: {  	s17 =	sadd.s32 $0x960, s4  }
0x78: {  	[tilespmem:s28], [sflag:$0x2] =	stream.strided.gather [hbm4b:s17+s22], $0x12C0, s25, s22, $0x38;
	[tilespmem:$0x1CB60] =	vst v63  }
0x79: {  	s21 =	sadd.s32 $0xFFFCF2A7, s19;
	s23 =	rddreg [dreg:$0x4]  }
0x7a: {  	[tilespmem:s23], [sflag:$0x2] =	stream.linear.gather [hbm4b:s21+s3], $0xC8, $0x38;
	[tilespmem:$0x1CB60] =	vst v63  }
0x7b: {  	s24 =	rddreg [dreg:$0x5];
	s23 =	sadd.s32 $0x963, s4  }
0x7c: {  	[tilespmem:s24], [sflag:$0x2] =	stream.strided.gather [hbm4b:s23+s22], $0x12C0, s25, s22, $0x38;
	[tilespmem:$0x1CB60] =	vst v63  }
0x7d: {  	s17 =	rddreg [dreg:$0x6];
	s21 =	sadd.s32 $0xFFFE7947, s19  }
0x7e: {  	[tilespmem:s17], [sflag:$0x2] =	stream.linear.gather [hbm4b:s21+s3], $0xC8, $0x38;
	[tilespmem:$0x1CB60] =	vst v63  }
0x7f: {  	s23 =	sadd.s32 $0x966, s4  }
0x80: {  	[tilespmem:s29], [sflag:$0x2] =	stream.strided.gather [hbm4b:s23+s22], $0x12C0, s25, s22, $0x38;
	[tilespmem:$0x1CB60] =	vst v63  }
0x81: {  	s24 =	rddreg [dreg:$0x7];
	s17 =	sadd.s32 $0xFFFFFFE7, s19  }
0x82: {  	[tilespmem:s24], [sflag:$0x2] =	stream.linear.gather [hbm4b:s17+s3], $0xC8, $0x38;
	[tilespmem:$0x1CB60] =	vst v63  }
0x83: {  	s4 =	sadd.s32 $0x969, s4;
	s21 =	rddreg [dreg:$0x8]  }
0x84: {  	[tilespmem:s21], [sflag:$0x2] =	stream.strided.gather [hbm4b:s4+s22], $0x12C0, s25, s22, $0x38;
	[tilespmem:$0x1CB60] =	vst v63  }
0x85: {  	v2 =	vld [tilespmem:$0x0]  }
0x86: {  	v3 =	vld [tilespmem:$0x10]  }
0x87: {  	v4 =	vld [tilespmem:$0x20]  }
0x88: {  	v5 =	vld [tilespmem:$0x30]  }
0x89: {  	v6 =	vld [tilespmem:$0x40]  }
0x8a: {  	v7 =	vld [tilespmem:$0x50];
	v2 =	vsub.s32 v2, v0  }
0x8b: {  	v8 =	vld [tilespmem:$0x60];
	v3 =	vsub.s32 v3, v0;
	v2 =	vmin.u32 v2, $0xC350  }
0x8c: {  	v25 =	vld [tilespmem:$0x70];
	[tilespmem:$0x640] =	vst v2;
	v2 =	vmin.u32 v3, $0xC350;
	v3 =	vsub.s32 v4, v0  }
0x8d: {  	v26 =	vld [tilespmem:$0x80];
	[tilespmem:$0x650] =	vst v2;
	v2 =	vmin.u32 v3, $0xC350;
	v3 =	vsub.s32 v5, v0  }
0x8e: {  	v27 =	vld [tilespmem:$0x90];
	[tilespmem:$0x660] =	vst v2;
	v2 =	vmin.u32 v3, $0xC350;
	v3 =	vsub.s32 v6, v0  }
0x8f: {  	v28 =	vld [tilespmem:$0xA0];
	[tilespmem:$0x670] =	vst v2;
	v2 =	vmin.u32 v3, $0xC350;
	v3 =	vsub.s32 v7, v0  }
0x90: {  	v29 =	vld [tilespmem:$0xB0];
	[tilespmem:$0x680] =	vst v2;
	v2 =	vmin.u32 v3, $0xC350;
	v3 =	vsub.s32 v8, v0  }
0x91: {  	v30 =	vld [tilespmem:$0xC0];
	[tilespmem:$0x690] =	vst v2;
	v2 =	vmin.u32 v3, $0xC350;
	v3 =	vsub.s32 v25, v0  }
0x92: {  	v31 =	vld [tilespmem:$0xD0];
	[tilespmem:$0x6A0] =	vst v2;
	v2 =	vmin.u32 v3, $0xC350;
	v3 =	vsub.s32 v26, v0  }
0x93: {  	v32 =	vld [tilespmem:$0xE0];
	[tilespmem:$0x6B0] =	vst v2;
	v2 =	vmin.u32 v3, $0xC350;
	v3 =	vsub.s32 v27, v0  }
0x94: {  	v33 =	vld [tilespmem:$0xF0];
	[tilespmem:$0x6C0] =	vst v2;
	v2 =	vmin.u32 v3, $0xC350;
	v3 =	vsub.s32 v28, v0  }
0x95: {  	v34 =	vld [tilespmem:$0x100];
	[tilespmem:$0x6D0] =	vst v2;
	v2 =	vmin.u32 v3, $0xC350;
	v3 =	vsub.s32 v29, v0  }
0x96: {  	v35 =	vld [tilespmem:$0x110];
	[tilespmem:$0x6E0] =	vst v2;
	v2 =	vmin.u32 v3, $0xC350;
	v3 =	vsub.s32 v30, v0  }
0x97: {  	v36 =	vld [tilespmem:$0x120];
	[tilespmem:$0x6F0] =	vst v2;
	v2 =	vmin.u32 v3, $0xC350;
	v3 =	vsub.s32 v31, v0  }
0x98: {  	v37 =	vld [tilespmem:$0x130];
	[tilespmem:$0x700] =	vst v2;
	v2 =	vmin.u32 v3, $0xC350;
	v3 =	vsub.s32 v32, v0  }
0x99: {  	v38 =	vld [tilespmem:$0x140];
	[tilespmem:$0x710] =	vst v2;
	v2 =	vmin.u32 v3, $0xC350;
	v3 =	vsub.s32 v33, v0  }
0x9a: {  	v39 =	vld [tilespmem:$0x150];
	[tilespmem:$0x720] =	vst v2;
	v2 =	vmin.u32 v3, $0xC350;
	v3 =	vsub.s32 v34, v0  }
0x9b: {  	v40 =	vld [tilespmem:$0x160];
	[tilespmem:$0x730] =	vst v2;
	v2 =	vmin.u32 v3, $0xC350;
	v3 =	vsub.s32 v35, v0  }
0x9c: {  	v41 =	vld [tilespmem:$0x170];
	[tilespmem:$0x740] =	vst v2;
	v2 =	vmin.u32 v3, $0xC350;
	v3 =	vsub.s32 v36, v0  }
0x9d: {  	v42 =	vld [tilespmem:$0x180];
	[tilespmem:$0x750] =	vst v2;
	v2 =	vmin.u32 v3, $0xC350;
	v3 =	vsub.s32 v37, v0  }
0x9e: {  	v43 =	vld [tilespmem:$0x190];
	[tilespmem:$0x760] =	vst v2;
	v2 =	vmin.u32 v3, $0xC350;
	v3 =	vsub.s32 v38, v0  }
0x9f: {  	v44 =	vld [tilespmem:$0x1A0];
	[tilespmem:$0x770] =	vst v2;
	v2 =	vmin.u32 v3, $0xC350;
	v3 =	vsub.s32 v39, v0  }
0xa0: {  	v45 =	vld [tilespmem:$0x1B0];
	[tilespmem:$0x780] =	vst v2;
	v2 =	vmin.u32 v3, $0xC350;
	v3 =	vsub.s32 v40, v0  }
0xa1: {  	v46 =	vld [tilespmem:$0x1C0];
	[tilespmem:$0x790] =	vst v2;
	v2 =	vmin.u32 v3, $0xC350;
	v3 =	vsub.s32 v41, v0  }
0xa2: {  	v47 =	vld [tilespmem:$0x1D0];
	[tilespmem:$0x7A0] =	vst v2;
	v2 =	vmin.u32 v3, $0xC350;
	v3 =	vsub.s32 v42, v0  }
0xa3: {  	v48 =	vld [tilespmem:$0x1E0];
	[tilespmem:$0x7B0] =	vst v2;
	v2 =	vmin.u32 v3, $0xC350;
	v3 =	vsub.s32 v43, v0  }
0xa4: {  	v49 =	vld [tilespmem:$0x1F0];
	[tilespmem:$0x7C0] =	vst v2;
	v2 =	vmin.u32 v3, $0xC350;
	v3 =	vsub.s32 v44, v0  }
0xa5: {  	v50 =	vld [tilespmem:$0x200];
	[tilespmem:$0x7D0] =	vst v2;
	v2 =	vmin.u32 v3, $0xC350;
	v3 =	vsub.s32 v45, v0  }
0xa6: {  	v51 =	vld [tilespmem:$0x210];
	[tilespmem:$0x7E0] =	vst v2;
	v2 =	vmin.u32 v3, $0xC350;
	v3 =	vsub.s32 v46, v0  }
0xa7: {  	v52 =	vld [tilespmem:$0x220];
	[tilespmem:$0x7F0] =	vst v2;
	v2 =	vmin.u32 v3, $0xC350;
	v3 =	vsub.s32 v47, v0  }
0xa8: {  	v53 =	vld [tilespmem:$0x230];
	[tilespmem:$0x800] =	vst v2;
	v2 =	vmin.u32 v3, $0xC350;
	v3 =	vsub.s32 v48, v0  }
0xa9: {  	v54 =	vld [tilespmem:$0x240];
	[tilespmem:$0x810] =	vst v2;
	v2 =	vmin.u32 v3, $0xC350;
	v3 =	vsub.s32 v49, v0  }
0xaa: {  	v55 =	vld [tilespmem:$0x250];
	[tilespmem:$0x820] =	vst v2;
	v2 =	vmin.u32 v3, $0xC350;
	v3 =	vsub.s32 v50, v0  }
0xab: {  	v56 =	vld [tilespmem:$0x260];
	[tilespmem:$0x830] =	vst v2;
	v2 =	vmin.u32 v3, $0xC350;
	v3 =	vsub.s32 v51, v0  }
0xac: {  	v57 =	vld [tilespmem:$0x270];
	[tilespmem:$0x840] =	vst v2;
	v2 =	vmin.u32 v3, $0xC350;
	v3 =	vsub.s32 v52, v0  }
0xad: {  	v58 =	vld [tilespmem:$0x280];
	[tilespmem:$0x850] =	vst v2;
	v2 =	vmin.u32 v3, $0xC350;
	v3 =	vsub.s32 v53, v0  }
0xae: {  	v59 =	vld [tilespmem:$0x290];
	[tilespmem:$0x860] =	vst v2;
	v2 =	vmin.u32 v3, $0xC350;
	v3 =	vsub.s32 v54, v0  }
0xaf: {  	v60 =	vld [tilespmem:$0x2A0];
	[tilespmem:$0x870] =	vst v2;
	v2 =	vmin.u32 v3, $0xC350;
	v3 =	vsub.s32 v55, v0  }
0xb0: {  	v61 =	vld [tilespmem:$0x2B0];
	[tilespmem:$0x880] =	vst v2;
	v2 =	vmin.u32 v3, $0xC350;
	v3 =	vsub.s32 v56, v0  }
0xb1: {  	v62 =	vld [tilespmem:$0x2C0];
	[tilespmem:$0x890] =	vst v2;
	v2 =	vmin.u32 v3, $0xC350;
	v3 =	vsub.s32 v57, v0  }
0xb2: {  	v63 =	vld [tilespmem:$0x2D0];
	[tilespmem:$0x8A0] =	vst v2;
	v2 =	vmin.u32 v3, $0xC350;
	v3 =	vsub.s32 v58, v0  }
0xb3: {  	v12 =	vld [tilespmem:$0x2E0];
	[tilespmem:$0x8B0] =	vst v2;
	v2 =	vmin.u32 v3, $0xC350;
	v3 =	vsub.s32 v59, v0  }
0xb4: {  	v13 =	vld [tilespmem:$0x2F0];
	[tilespmem:$0x8C0] =	vst v2;
	v2 =	vmin.u32 v3, $0xC350;
	v3 =	vsub.s32 v60, v0  }
0xb5: {  	v14 =	vld [tilespmem:$0x300];
	[tilespmem:$0x8D0] =	vst v2;
	v2 =	vmin.u32 v3, $0xC350;
	v3 =	vsub.s32 v61, v0  }
0xb6: {  	v15 =	vld [tilespmem:$0x310];
	[tilespmem:$0x8E0] =	vst v2;
	v2 =	vmin.u32 v3, $0xC350;
	v3 =	vsub.s32 v62, v0  }
0xb7: {  	[tilespmem:$0x8F0] =	vst v2;
	v2 =	vmin.u32 v3, $0xC350;
	v3 =	vsub.s32 v63, v0  }
0xb8: {  	[tilespmem:$0x900] =	vst v2;
	v2 =	vmin.u32 v3, $0xC350;
	v3 =	vsub.s32 v12, v0  }
0xb9: {  	[tilespmem:$0x910] =	vst v2;
	v2 =	vmin.u32 v3, $0xC350;
	v3 =	vsub.s32 v13, v0  }
0xba: {  	[tilespmem:$0x920] =	vst v2;
	v2 =	vmin.u32 v3, $0xC350;
	v3 =	vsub.s32 v14, v0  }
0xbb: {  	[tilespmem:$0x930] =	vst v2;
	v2 =	vmin.u32 v3, $0xC350;
	v3 =	vsub.s32 v15, v0  }
0xbc: {  	[tilespmem:$0x940] =	vst v2;
	v2 =	vmin.u32 v3, $0xC350  }
0xbd: {  	[tilespmem:$0x950] =	vst v2  }
0xbe: {  	[spmem:s2] =	stream.indirect.scatter.add.f32 [tilespmem:s20], [sflag:$0x3], $0x18, s0, s31, $0xb8;
	[tilespmem:$0x1CB60] =	vst v63  }
0xbf: {  	s17 =	rddreg [dreg:$0x9]  }
0xc0: {  	[spmem:s2] =	stream.indirect.scatter.add.f32 [tilespmem:s17], [sflag:$0x3], $0x18, s1, s31, $0xb8;
	[tilespmem:$0x1CB60] =	vst v63  }
0xc1: {  	s21 =	rddreg [dreg:$0xa]  }
0xc2: {  	[spmem:s2] =	stream.indirect.scatter.add.f32 [tilespmem:s21], [sflag:$0x3], $0x18, s5, s31, $0xb8;
	[tilespmem:$0x1CB60] =	vst v63  }
0xc3: {  	s23 =	rddreg [dreg:$0xb]  }
0xc4: {  	[spmem:s2] =	stream.indirect.scatter.add.f32 [tilespmem:s23], [sflag:$0x3], $0x18, s6, s31, $0xb8;
	[tilespmem:$0x1CB60] =	vst v63  }
0xc5: {  	s24 =	rddreg [dreg:$0xc]  }
0xc6: {  	[spmem:s2] =	stream.indirect.scatter.add.f32 [tilespmem:s24], [sflag:$0x3], $0x18, s7, s31, $0xb8;
	[tilespmem:$0x1CB60] =	vst v63  }
0xc7: {  	_ = 	snop  }
0xc8: {  	[spmem:s2] =	stream.indirect.scatter.add.f32 [tilespmem:s30], [sflag:$0x3], $0x18, s10, s31, $0xb8;
	[tilespmem:$0x1CB60] =	vst v63  }
0xc9: {  	s17 =	rddreg [dreg:$0xd]  }
0xca: {  	[spmem:s2] =	stream.indirect.scatter.add.f32 [tilespmem:s17], [sflag:$0x3], $0x18, s11, s31, $0xb8;
	[tilespmem:$0x1CB60] =	vst v63  }
0xcb: {  	s21 =	rddreg [dreg:$0xe]  }
0xcc: {  	[spmem:s2] =	stream.indirect.scatter.add.f32 [tilespmem:s21], [sflag:$0x3], $0x18, s12, s31, $0xb8;
	[tilespmem:$0x1CB60] =	vst v63  }
0xcd: {  	s23 =	rddreg [dreg:$0xf]  }
0xce: {  	[spmem:s2] =	stream.indirect.scatter.add.f32 [tilespmem:s23], [sflag:$0x3], $0x18, s13, s31, $0xb8;
	[tilespmem:$0x1CB60] =	vst v63  }
0xcf: {  	s24 =	rddreg [dreg:$0x10]  }
0xd0: {  	[spmem:s2] =	stream.indirect.scatter.add.f32 [tilespmem:s24], [sflag:$0x3], $0x18, s14, s31, $0xb8;
	[tilespmem:$0x1CB60] =	vst v63  }
0xd1: {  	_ =	swait.ge [sflag:s15], $0x780  }
0xd2: {  	[sflag:s15] =	ssyncset.done $0x0  }
0xd3: {  	[sflag:s15] =	ssyncadd.s32 $0xFFFFF880  }
0xd4: {  	_ =	swait.ge [sflag:s15], $0x780  }
0xd5: {  	[sflag:s15] =	ssyncset.done $0x0  }
0xd6: {  	[sflag:s15] =	ssyncadd.s32 $0xFFFFF880  }
0xd7: {  	_ =	swait.ge [sflag:s15], $0x780  }
0xd8: {  	[sflag:s15] =	ssyncset.done $0x0  }
0xd9: {  	[sflag:s15] =	ssyncadd.s32 $0xFFFFF880  }
0xda: {  	_ =	swait.ge [sflag:s15], $0x780  }
0xdb: {  	[sflag:s15] =	ssyncset.done $0x0  }
0xdc: {  	[sflag:s15] =	ssyncadd.s32 $0xFFFFF880  }
0xdd: {  	_ =	swait.ge [sflag:s15], $0x780  }
0xde: {  	[sflag:s15] =	ssyncset.done $0x0  }
0xdf: {  	[sflag:s15] =	ssyncadd.s32 $0xFFFFF880  }
0xe0: {  	_ =	swait.ge [sflag:s15], $0x780  }
0xe1: {  	[sflag:s15] =	ssyncset.done $0x0  }
0xe2: {  	[sflag:s15] =	ssyncadd.s32 $0xFFFFF880  }
0xe3: {  	_ =	swait.ge [sflag:s15], $0x780  }
0xe4: {  	[sflag:s15] =	ssyncset.done $0x0  }
0xe5: {  	[sflag:s15] =	ssyncadd.s32 $0xFFFFF880  }
0xe6: {  	_ =	swait.ge [sflag:s15], $0x780  }
0xe7: {  	[sflag:s15] =	ssyncset.done $0x0  }
0xe8: {  	[sflag:s15] =	ssyncadd.s32 $0xFFFFF880  }
0xe9: {  	_ =	swait.ge [sflag:s15], $0x780  }
0xea: {  	[sflag:s15] =	ssyncset.done $0x0  }
0xeb: {  	[sflag:s15] =	ssyncadd.s32 $0xFFFFF880  }
0xec: {  	_ =	swait.ge [sflag:s15], $0x780  }
0xed: {  	[sflag:s15] =	ssyncset.done $0x0  }
0xee: {  	[sflag:s15] =	ssyncadd.s32 $0xFFFFF880  }
0xef: {  	_ =	swait.ge [sflag:s16], $0xC8  }
0xf0: {  	[sflag:s16] =	ssyncset.done $0x0  }
0xf1: {  	[sflag:s16] =	ssyncadd.s32 $0xFFFFFF38  }
0xf2: {  	_ =	swait.ge [sflag:s16], $0x12C0  }
0xf3: {  	[sflag:s16] =	ssyncset.done $0x0  }
0xf4: {  	[sflag:s16] =	ssyncadd.s32 $0xFFFFED40  }
0xf5: {  	_ =	swait.ge [sflag:s16], $0xC8  }
0xf6: {  	[sflag:s16] =	ssyncset.done $0x0  }
0xf7: {  	[sflag:s16] =	ssyncadd.s32 $0xFFFFFF38  }
0xf8: {  	_ =	swait.ge [sflag:s16], $0x12C0  }
0xf9: {  	[sflag:s16] =	ssyncset.done $0x0  }
0xfa: {  	[sflag:s16] =	ssyncadd.s32 $0xFFFFED40  }
0xfb: {  	_ =	swait.ge [sflag:s16], $0xC8  }
0xfc: {  	[sflag:s16] =	ssyncset.done $0x0  }
0xfd: {  	[sflag:s16] =	ssyncadd.s32 $0xFFFFFF38  }
0xfe: {  	_ =	swait.ge [sflag:s16], $0x12C0  }
0xff: {  	[sflag:s16] =	ssyncset.done $0x0  }
0x100: {  	[sflag:s16] =	ssyncadd.s32 $0xFFFFED40  }
0x101: {  	_ =	swait.ge [sflag:s16], $0xC8  }
0x102: {  	[sflag:s16] =	ssyncset.done $0x0  }
0x103: {  	[sflag:s16] =	ssyncadd.s32 $0xFFFFFF38  }
0x104: {  	_ =	swait.ge [sflag:s16], $0x12C0  }
0x105: {  	p1 =	seq.s32 s18, $0x91500;
	[sflag:s16] =	ssyncset.done $0x0  }
0x106: {  	s8 =	simm.s32 @!p1 $0x0;
	s4 =	sadd.s32 @!p1 $0xFFFB6C20, s19;
	[sflag:s16] =	ssyncadd.s32 $0xFFFFED40  }
0x107: {  	[tilespmem:s8], [sflag:$0x1] =	stream.linear.gather @!p1 [hbm4b:s4+s8], $0xC8, $0x38;
	[tilespmem:$0x1CB60] =	vst v63  }
0x108: {  	s17 =	simm.s32 @!p1 $0x960;
	s4 =	sadd.s32 @!p1 s18, s9  }
0x109: {  	s21 =	simm.s32 @!p1 $0x60;
	s24 =	simm.s32 @!p1 $0x18;
	s23 =	sadd.s32 @!p1 $0x12C0, s4  }
0x10a: {  	[tilespmem:s17], [sflag:$0x1] =	stream.strided.gather @!p1 [hbm4b:s23+s24], $0x12C0, s21, s24, $0x38;
	[tilespmem:$0x1CB60] =	vst v63  }
0x10b: {  	s17 =	sadd.s32 @!p1 $0xFFFCF2C0, s19;
	s23 =	simm.s32 @!p1 $0xC8  }
0x10c: {  	[tilespmem:s23], [sflag:$0x1] =	stream.linear.gather @!p1 [hbm4b:s17+s8], $0xC8, $0x38;
	[tilespmem:$0x1CB60] =	vst v63  }
0x10d: {  	s17 =	sadd.s32 @!p1 $0x12C3, s4;
	s23 =	simm.s32 @!p1 $0x1C20  }
0x10e: {  	[tilespmem:s23], [sflag:$0x1] =	stream.strided.gather @!p1 [hbm4b:s17+s24], $0x12C0, s21, s24, $0x38;
	[tilespmem:$0x1CB60] =	vst v63  }
0x10f: {  	s17 =	sadd.s32 @!p1 $0xFFFE7960, s19;
	s23 =	simm.s32 @!p1 $0x190  }
0x110: {  	[tilespmem:s23], [sflag:$0x1] =	stream.linear.gather @!p1 [hbm4b:s17+s8], $0xC8, $0x38;
	[tilespmem:$0x1CB60] =	vst v63  }
0x111: {  	s17 =	sadd.s32 @!p1 $0x12C6, s4;
	s23 =	simm.s32 @!p1 $0x2EE0  }
0x112: {  	[tilespmem:s23], [sflag:$0x1] =	stream.strided.gather @!p1 [hbm4b:s17+s24], $0x12C0, s21, s24, $0x38;
	[tilespmem:$0x1CB60] =	vst v63  }
0x113: {  	s17 =	simm.s32 @!p1 $0x258  }
0x114: {  	[tilespmem:s17], [sflag:$0x1] =	stream.linear.gather @!p1 [hbm4b:s19+s8], $0xC8, $0x38;
	[tilespmem:$0x1CB60] =	vst v63  }
0x115: {  	s4 =	sadd.s32 @!p1 $0x12C9, s4;
	s8 =	simm.s32 @!p1 $0x41A0  }
0x116: {  	[tilespmem:s8], [sflag:$0x1] =	stream.strided.gather @!p1 [hbm4b:s4+s24], $0x12C0, s21, s24, $0x38;
	[tilespmem:$0x1CB60] =	vst v63  }
0x117: {  	v2 =	vld [tilespmem:$0x320]  }
0x118: {  	v3 =	vld [tilespmem:$0x330]  }
0x119: {  	v16 =	vld [tilespmem:$0x340]  }
0x11a: {  	v17 =	vld [tilespmem:$0x350]  }
0x11b: {  	v18 =	vld [tilespmem:$0x360]  }
0x11c: {  	v19 =	vld [tilespmem:$0x370];
	v2 =	vsub.s32 v2, v0  }
0x11d: {  	v20 =	vld [tilespmem:$0x380];
	v3 =	vsub.s32 v3, v0;
	v2 =	vmin.u32 v2, $0xC350  }
0x11e: {  	v21 =	vld [tilespmem:$0x390];
	[tilespmem:$0x640] =	vst v2;
	v2 =	vmin.u32 v3, $0xC350;
	v3 =	vsub.s32 v16, v0  }
0x11f: {  	v22 =	vld [tilespmem:$0x3A0];
	[tilespmem:$0x650] =	vst v2;
	v2 =	vmin.u32 v3, $0xC350;
	v3 =	vsub.s32 v17, v0  }
0x120: {  	v23 =	vld [tilespmem:$0x3B0];
	[tilespmem:$0x660] =	vst v2;
	v2 =	vmin.u32 v3, $0xC350;
	v3 =	vsub.s32 v18, v0  }
0x121: {  	v24 =	vld [tilespmem:$0x3C0];
	[tilespmem:$0x670] =	vst v2;
	v2 =	vmin.u32 v3, $0xC350;
	v3 =	vsub.s32 v19, v0  }
0x122: {  	v25 =	vld [tilespmem:$0x3D0];
	[tilespmem:$0x680] =	vst v2;
	v2 =	vmin.u32 v3, $0xC350;
	v3 =	vsub.s32 v20, v0  }
0x123: {  	v26 =	vld [tilespmem:$0x3E0];
	[tilespmem:$0x690] =	vst v2;
	v2 =	vmin.u32 v3, $0xC350;
	v3 =	vsub.s32 v21, v0  }
0x124: {  	v27 =	vld [tilespmem:$0x3F0];
	[tilespmem:$0x6A0] =	vst v2;
	v2 =	vmin.u32 v3, $0xC350;
	v3 =	vsub.s32 v22, v0  }
0x125: {  	v28 =	vld [tilespmem:$0x400];
	[tilespmem:$0x6B0] =	vst v2;
	v2 =	vmin.u32 v3, $0xC350;
	v3 =	vsub.s32 v23, v0  }
0x126: {  	v29 =	vld [tilespmem:$0x410];
	[tilespmem:$0x6C0] =	vst v2;
	v2 =	vmin.u32 v3, $0xC350;
	v3 =	vsub.s32 v24, v0  }
0x127: {  	v30 =	vld [tilespmem:$0x420];
	[tilespmem:$0x6D0] =	vst v2;
	v2 =	vmin.u32 v3, $0xC350;
	v3 =	vsub.s32 v25, v0  }
0x128: {  	v31 =	vld [tilespmem:$0x430];
	[tilespmem:$0x6E0] =	vst v2;
	v2 =	vmin.u32 v3, $0xC350;
	v3 =	vsub.s32 v26, v0  }
0x129: {  	v32 =	vld [tilespmem:$0x440];
	[tilespmem:$0x6F0] =	vst v2;
	v2 =	vmin.u32 v3, $0xC350;
	v3 =	vsub.s32 v27, v0  }
0x12a: {  	v33 =	vld [tilespmem:$0x450];
	[tilespmem:$0x700] =	vst v2;
	v2 =	vmin.u32 v3, $0xC350;
	v3 =	vsub.s32 v28, v0  }
0x12b: {  	v34 =	vld [tilespmem:$0x460];
	[tilespmem:$0x710] =	vst v2;
	v2 =	vmin.u32 v3, $0xC350;
	v3 =	vsub.s32 v29, v0  }
0x12c: {  	v35 =	vld [tilespmem:$0x470];
	[tilespmem:$0x720] =	vst v2;
	v2 =	vmin.u32 v3, $0xC350;
	v3 =	vsub.s32 v30, v0  }
0x12d: {  	v36 =	vld [tilespmem:$0x480];
	[tilespmem:$0x730] =	vst v2;
	v2 =	vmin.u32 v3, $0xC350;
	v3 =	vsub.s32 v31, v0  }
0x12e: {  	v37 =	vld [tilespmem:$0x490];
	[tilespmem:$0x740] =	vst v2;
	v2 =	vmin.u32 v3, $0xC350;
	v3 =	vsub.s32 v32, v0  }
0x12f: {  	v38 =	vld [tilespmem:$0x4A0];
	[tilespmem:$0x750] =	vst v2;
	v2 =	vmin.u32 v3, $0xC350;
	v3 =	vsub.s32 v33, v0  }
0x130: {  	v39 =	vld [tilespmem:$0x4B0];
	[tilespmem:$0x760] =	vst v2;
	v2 =	vmin.u32 v3, $0xC350;
	v3 =	vsub.s32 v34, v0  }
0x131: {  	v40 =	vld [tilespmem:$0x4C0];
	[tilespmem:$0x770] =	vst v2;
	v2 =	vmin.u32 v3, $0xC350;
	v3 =	vsub.s32 v35, v0  }
0x132: {  	v41 =	vld [tilespmem:$0x4D0];
	[tilespmem:$0x780] =	vst v2;
	v2 =	vmin.u32 v3, $0xC350;
	v3 =	vsub.s32 v36, v0  }
0x133: {  	v42 =	vld [tilespmem:$0x4E0];
	[tilespmem:$0x790] =	vst v2;
	v2 =	vmin.u32 v3, $0xC350;
	v3 =	vsub.s32 v37, v0  }
0x134: {  	v43 =	vld [tilespmem:$0x4F0];
	[tilespmem:$0x7A0] =	vst v2;
	v2 =	vmin.u32 v3, $0xC350;
	v3 =	vsub.s32 v38, v0  }
0x135: {  	v44 =	vld [tilespmem:$0x500];
	[tilespmem:$0x7B0] =	vst v2;
	v2 =	vmin.u32 v3, $0xC350;
	v3 =	vsub.s32 v39, v0  }
0x136: {  	v45 =	vld [tilespmem:$0x510];
	[tilespmem:$0x7C0] =	vst v2;
	v2 =	vmin.u32 v3, $0xC350;
	v3 =	vsub.s32 v40, v0  }
0x137: {  	v46 =	vld [tilespmem:$0x520];
	[tilespmem:$0x7D0] =	vst v2;
	v2 =	vmin.u32 v3, $0xC350;
	v3 =	vsub.s32 v41, v0  }
0x138: {  	v47 =	vld [tilespmem:$0x530];
	[tilespmem:$0x7E0] =	vst v2;
	v2 =	vmin.u32 v3, $0xC350;
	v3 =	vsub.s32 v42, v0  }
0x139: {  	v48 =	vld [tilespmem:$0x540];
	[tilespmem:$0x7F0] =	vst v2;
	v2 =	vmin.u32 v3, $0xC350;
	v3 =	vsub.s32 v43, v0  }
0x13a: {  	v49 =	vld [tilespmem:$0x550];
	[tilespmem:$0x800] =	vst v2;
	v2 =	vmin.u32 v3, $0xC350;
	v3 =	vsub.s32 v44, v0  }
0x13b: {  	v50 =	vld [tilespmem:$0x560];
	[tilespmem:$0x810] =	vst v2;
	v2 =	vmin.u32 v3, $0xC350;
	v3 =	vsub.s32 v45, v0  }
0x13c: {  	v51 =	vld [tilespmem:$0x570];
	[tilespmem:$0x820] =	vst v2;
	v2 =	vmin.u32 v3, $0xC350;
	v3 =	vsub.s32 v46, v0  }
0x13d: {  	v52 =	vld [tilespmem:$0x580];
	[tilespmem:$0x830] =	vst v2;
	v2 =	vmin.u32 v3, $0xC350;
	v3 =	vsub.s32 v47, v0  }
0x13e: {  	v53 =	vld [tilespmem:$0x590];
	[tilespmem:$0x840] =	vst v2;
	v2 =	vmin.u32 v3, $0xC350;
	v3 =	vsub.s32 v48, v0  }
0x13f: {  	v54 =	vld [tilespmem:$0x5A0];
	[tilespmem:$0x850] =	vst v2;
	v2 =	vmin.u32 v3, $0xC350;
	v3 =	vsub.s32 v49, v0  }
0x140: {  	v55 =	vld [tilespmem:$0x5B0];
	[tilespmem:$0x860] =	vst v2;
	v2 =	vmin.u32 v3, $0xC350;
	v3 =	vsub.s32 v50, v0  }
0x141: {  	v56 =	vld [tilespmem:$0x5C0];
	[tilespmem:$0x870] =	vst v2;
	v2 =	vmin.u32 v3, $0xC350;
	v3 =	vsub.s32 v51, v0  }
0x142: {  	v57 =	vld [tilespmem:$0x5D0];
	[tilespmem:$0x880] =	vst v2;
	v2 =	vmin.u32 v3, $0xC350;
	v3 =	vsub.s32 v52, v0  }
0x143: {  	v58 =	vld [tilespmem:$0x5E0];
	[tilespmem:$0x890] =	vst v2;
	v2 =	vmin.u32 v3, $0xC350;
	v3 =	vsub.s32 v53, v0  }
0x144: {  	v59 =	vld [tilespmem:$0x5F0];
	[tilespmem:$0x8A0] =	vst v2;
	v2 =	vmin.u32 v3, $0xC350;
	v3 =	vsub.s32 v54, v0  }
0x145: {  	v60 =	vld [tilespmem:$0x600];
	[tilespmem:$0x8B0] =	vst v2;
	v2 =	vmin.u32 v3, $0xC350;
	v3 =	vsub.s32 v55, v0  }
0x146: {  	v61 =	vld [tilespmem:$0x610];
	[tilespmem:$0x8C0] =	vst v2;
	v2 =	vmin.u32 v3, $0xC350;
	v3 =	vsub.s32 v56, v0  }
0x147: {  	v62 =	vld [tilespmem:$0x620];
	[tilespmem:$0x8D0] =	vst v2;
	v2 =	vmin.u32 v3, $0xC350;
	v3 =	vsub.s32 v57, v0  }
0x148: {  	v63 =	vld [tilespmem:$0x630];
	[tilespmem:$0x8E0] =	vst v2;
	v2 =	vmin.u32 v3, $0xC350;
	v3 =	vsub.s32 v58, v0  }
0x149: {  	[tilespmem:$0x8F0] =	vst v2;
	v2 =	vmin.u32 v3, $0xC350;
	v3 =	vsub.s32 v59, v0  }
0x14a: {  	[tilespmem:$0x900] =	vst v2;
	v2 =	vmin.u32 v3, $0xC350;
	v3 =	vsub.s32 v60, v0  }
0x14b: {  	[tilespmem:$0x910] =	vst v2;
	v2 =	vmin.u32 v3, $0xC350;
	v3 =	vsub.s32 v61, v0  }
0x14c: {  	[tilespmem:$0x920] =	vst v2;
	v2 =	vmin.u32 v3, $0xC350;
	v3 =	vsub.s32 v62, v0  }
0x14d: {  	[tilespmem:$0x930] =	vst v2;
	v2 =	vmin.u32 v3, $0xC350;
	v3 =	vsub.s32 v63, v0  }
0x14e: {  	[tilespmem:$0x940] =	vst v2;
	v2 =	vmin.u32 v3, $0xC350  }
0x14f: {  	[tilespmem:$0x950] =	vst v2  }
0x150: {  	[spmem:s2] =	stream.indirect.scatter.add.f32 [tilespmem:s28], [sflag:$0x3], $0x18, s0, s31, $0xb8;
	[tilespmem:$0x1CB60] =	vst v63  }
0x151: {  	s17 =	rddreg [dreg:$0x11]  }
0x152: {  	[spmem:s2] =	stream.indirect.scatter.add.f32 [tilespmem:s17], [sflag:$0x3], $0x18, s1, s31, $0xb8;
	[tilespmem:$0x1CB60] =	vst v63  }
0x153: {  	s21 =	rddreg [dreg:$0x12]  }
0x154: {  	[spmem:s2] =	stream.indirect.scatter.add.f32 [tilespmem:s21], [sflag:$0x3], $0x18, s5, s31, $0xb8;
	[tilespmem:$0x1CB60] =	vst v63  }
0x155: {  	s23 =	rddreg [dreg:$0x13]  }
0x156: {  	[spmem:s2] =	stream.indirect.scatter.add.f32 [tilespmem:s23], [sflag:$0x3], $0x18, s6, s31, $0xb8;
	[tilespmem:$0x1CB60] =	vst v63  }
0x157: {  	s24 =	rddreg [dreg:$0x14]  }
0x158: {  	[spmem:s2] =	stream.indirect.scatter.add.f32 [tilespmem:s24], [sflag:$0x3], $0x18, s7, s31, $0xb8;
	[tilespmem:$0x1CB60] =	vst v63  }
0x159: {  	_ = 	snop  }
0x15a: {  	[spmem:s2] =	stream.indirect.scatter.add.f32 [tilespmem:s29], [sflag:$0x3], $0x18, s10, s31, $0xb8;
	[tilespmem:$0x1CB60] =	vst v63  }
0x15b: {  	s17 =	rddreg [dreg:$0x15]  }
0x15c: {  	[spmem:s2] =	stream.indirect.scatter.add.f32 [tilespmem:s17], [sflag:$0x3], $0x18, s11, s31, $0xb8;
	[tilespmem:$0x1CB60] =	vst v63  }
0x15d: {  	s21 =	rddreg [dreg:$0x16]  }
0x15e: {  	[spmem:s2] =	stream.indirect.scatter.add.f32 [tilespmem:s21], [sflag:$0x3], $0x18, s12, s31, $0xb8;
	[tilespmem:$0x1CB60] =	vst v63  }
0x15f: {  	s23 =	rddreg [dreg:$0x17]  }
0x160: {  	[spmem:s2] =	stream.indirect.scatter.add.f32 [tilespmem:s23], [sflag:$0x3], $0x18, s13, s31, $0xb8;
	[tilespmem:$0x1CB60] =	vst v63  }
0x161: {  	s24 =	rddreg [dreg:$0x18]  }
0x162: {  	[spmem:s2] =	stream.indirect.scatter.add.f32 [tilespmem:s24], [sflag:$0x3], $0x18, s14, s31, $0xb8;
	[tilespmem:$0x1CB60] =	vst v63  }
0x163: {  	_ =	swait.ge [sflag:s15], $0x780  }
0x164: {  	[sflag:s15] =	ssyncset.done $0x0  }
0x165: {  	[sflag:s15] =	ssyncadd.s32 $0xFFFFF880  }
0x166: {  	_ =	swait.ge [sflag:s15], $0x780  }
0x167: {  	[sflag:s15] =	ssyncset.done $0x0  }
0x168: {  	[sflag:s15] =	ssyncadd.s32 $0xFFFFF880  }
0x169: {  	_ =	swait.ge [sflag:s15], $0x780  }
0x16a: {  	[sflag:s15] =	ssyncset.done $0x0  }
0x16b: {  	[sflag:s15] =	ssyncadd.s32 $0xFFFFF880  }
0x16c: {  	_ =	swait.ge [sflag:s15], $0x780  }
0x16d: {  	[sflag:s15] =	ssyncset.done $0x0  }
0x16e: {  	[sflag:s15] =	ssyncadd.s32 $0xFFFFF880  }
0x16f: {  	_ =	swait.ge [sflag:s15], $0x780  }
0x170: {  	[sflag:s15] =	ssyncset.done $0x0  }
0x171: {  	[sflag:s15] =	ssyncadd.s32 $0xFFFFF880  }
0x172: {  	_ =	swait.ge [sflag:s15], $0x780  }
0x173: {  	[sflag:s15] =	ssyncset.done $0x0  }
0x174: {  	[sflag:s15] =	ssyncadd.s32 $0xFFFFF880  }
0x175: {  	_ =	swait.ge [sflag:s15], $0x780  }
0x176: {  	[sflag:s15] =	ssyncset.done $0x0  }
0x177: {  	[sflag:s15] =	ssyncadd.s32 $0xFFFFF880  }
0x178: {  	_ =	swait.ge [sflag:s15], $0x780  }
0x179: {  	[sflag:s15] =	ssyncset.done $0x0  }
0x17a: {  	s18 =	sadd.s32 $0x12C0, s18;
	[sflag:s15] =	ssyncadd.s32 $0xFFFFF880  }
0x17b: {  	p1 =	sne.s32 s18, $0x927C0;
	_ =	swait.ge [sflag:s15], $0x780  }
.Ltmp1:
0x17c: {  	[sflag:s15] =	ssyncset.done $0x0;
	(pc) =	sbr.rel @p1 .LBB2_4-.Ltmp1, $4  }
0x17d: {  	[sflag:s15] =	ssyncadd.s32 $0xFFFFF880  }
0x17e: {  	_ =	swait.ge [sflag:s15], $0x780  }
0x17f: {  	[sflag:s15] =	ssyncset.done $0x0  }
0x180: {  	s19 =	sadd.s32 $0x32, s19;
	[sflag:s15] =	ssyncadd.s32 $0xFFFFF880  }
0x181: {  	[bflag:$0x0] =	sbarrier.arrive $0xFFFF  }
0x182: {  	s8 =	sld [smem:$0x7F9]  }
0x183: {  	s17 =	sld [smem:$0x7FC];
	_ =	sdelay $0x1  }
0x184: {  	s4 =	simm.s32 @p0 $0x1FC4  }
0x185: {  	[hbm:s8], [sflag:s4] =	dma.local @p0 [spmem:s17], $0x2418  }
0x186: {  	s4 =	simm.s32 @p0 $0x4  }
0x187: {  	s8 =	stileid.u32;
	_ =	swait.ge @p0 [sflag:s4], $0x2418  }
0x188: {  	s8 =	sshll.u32 @!p0 s8, $0x6;
	[sflag:s4] =	ssyncset.done @p0 $0x0;
	s17 =	sld [smem:$0x7FD]  }
0x189: {  	[sflag:s4] =	ssyncadd.s32 @p0 $0xFFFFDBE8;
	s4 =	sor.u32 @!p0 $0x1C04, s8;
	s8 =	sld [smem:$0x7F8]  }
0x18a: {  	_ =	sdelay $0x1  }
0x18b: {  	[hbm:s8], [sflag:s4] =	dma.local @!p0 [spmem:s17], $0x24A8  }
0x18c: {  	s4 =	simm.s32 @!p0 $0x4  }
0x18d: {  	_ =	swait.ge @!p0 [sflag:s4], $0x24A8  }
0x18e: {  	s23 =	sld [smem:$0x7F3]  }
0x18f: {  	s24 =	sld [smem:$0x7FA];
	_ =	sdelay $0x1  }
0x190: {  	s17 =	sadd.s32 $0x1, s23  }
0x191: {  	p1 =	sne.s32 s17, s24  }
.Ltmp2:
0x192: {  	_ = 	snop;
	(pc) =	sbr.rel @p1 .LBB2_1-.Ltmp2, $3  }
0x193: {  	_ =	sdelay $0x1  }
0x194: {  	[sflag:s4] =	ssyncset.done @!p0 $0x0  }
0x195: {  	[sflag:s4] =	ssyncadd.s32 @!p0 $0xFFFFDB58  }
0x196: {  	_ =	sfence.sel $0x180000  }
0x197: {  	[bflag:$0x0] =	sbarrier.arrive $0xFFFF  }
0x198: {  	_ =	strace $0x9000004A  }
0x199: {  	s0 =	stileid.u32;
	[bflag:$0x2] =	sbarrier.arrive $0xFFFF  }
0x19a: {  	p0 =	sne.s32 s0, $0x0;
	s0 =	rddreg [dreg:$0x2]  }
0x19b: {  	s0 =	sadd.s32 @!p0 $0x100000, s0  }
0x19c: {  	[sflag:s0] =	ssyncadd.tile.s32 @!p0 $0x1;
	_ =	shalt  }
.Lfunc_end2:
_tile_overlayer_lowered:
.L_overlay_start_2:
0x19d: {  	(tag) =	ssettag $0x2  }
0x19e: {  	s0 =	rddreg [dreg:$0x0];
	s2 =	stileid.u32  }
0x19f: {  	s1 =	rddreg [dreg:$0x1];
	p0 =	sne.s32 s2, $0x0  }
0x1a0: {  	s3 =	rddreg [dreg:$0x2];
	[bflag:$0x3] =	sbarrier.arrive $0xFFFF;
	s2 =	simm.s32 @!p0 $0x1C04  }
0x1a1: {  	[timem:s3], [sflag:s2] =	dma.local @!p0 [hbm:s0], s1  }
0x1a2: {  	s0 =	simm.s32 @!p0 $0x4  }
0x1a3: {  	_ =	swait.ge @!p0 [sflag:s0], s1  }
0x1a4: {  	s1 =	ssub.s32 @!p0 $0x0, s1;
	[sflag:s0] =	ssyncset.done @!p0 $0x0  }
0x1a5: {  	[sflag:s0] =	ssyncadd.s32 @!p0 s1  }
0x1a6: {  	[bflag:$0x3] =	sbarrier.arrive $0xFFFF  }
0x1a7: {  	_ =	shalt  }

</sc_bundles>
